<compile_context>
chip_gen: v7x
topology: tpu7x:2x2x1
jax: 0.10.2.dev20260603
libtpu: 0.0.44.dev20260713+nightly
codegen_flags: <defaults>
</compile_context>

<pallas_src>
import jax
import jax.numpy as jnp
from jax import lax
from jax.experimental import pallas as pl
from jax.experimental.pallas import tpu as pltpu
from jax.experimental.pallas import tpu_sc as plsc

N_NODES = 10000
N_EDGES = 320000
D_IN = 128
D_HID = 16
D_OUT = 64

NC = 2
NS = 16
NW = NC * NS

NP = 10240
NPF = NP * D_HID
RPT = NP // NS
EPT = N_EDGES // NW
CH = 2000
NCHUNK = EPT // CH

_MESH = plsc.VectorSubcoreMesh(
    core_axis_name="c", subcore_axis_name="s", num_cores=NC, num_subcores=NS
)


def _sc_deg_body(dst_hbm, outd, didx, ones_v, zb, sdeg, sem):
    c = lax.axis_index("c")
    s = lax.axis_index("s")
    w = c * NS + s

    idx_cp = pltpu.async_copy(dst_hbm.at[pl.ds(w * NCHUNK, NCHUNK)], didx, sem)

    def fill(i, _):
        ones_v[pl.ds(i * 16, 16)] = jnp.full((16,), 1.0, jnp.float32)
        return 0

    lax.fori_loop(0, CH // 16, fill, 0)

    def zfill(i, _):
        zb[pl.ds(i * 16, 16)] = jnp.zeros((16,), jnp.float32)
        return 0

    lax.fori_loop(0, RPT // 16, zfill, 0)
    pltpu.sync_copy(zb, sdeg.at[pl.ds(s * RPT, RPT)])
    idx_cp.wait()
    plsc.subcore_barrier()

    scats = []
    for k in range(NCHUNK):
        scats.append(pltpu.async_copy(ones_v, sdeg.at[didx.at[k]], sem, add=True))
    for cp in scats:
        cp.wait()
    plsc.subcore_barrier()
    pltpu.sync_copy(sdeg.at[pl.ds(s * RPT, RPT)], outd.at[c, pl.ds(s * RPT, RPT)])


def _sc_dinv_body(hist_hbm, outd, h0v, h1v, dinvv, dbv):
    c = lax.axis_index("c")
    s = lax.axis_index("s")
    base = s * RPT

    pltpu.sync_copy(hist_hbm.at[0, pl.ds(base, RPT)], h0v)
    pltpu.sync_copy(hist_hbm.at[1, pl.ds(base, RPT)], h1v)

    def newt(g, _):
        d = h0v[pl.ds(g * 16, 16)] + h1v[pl.ds(g * 16, 16)] + 1.0
        i = plsc.bitcast(d, jnp.int32)
        i = jnp.int32(0x5F3759DF) - lax.shift_right_logical(i, 1)
        y = plsc.bitcast(i, jnp.float32)
        for _ in range(3):
            y = y * (1.5 - 0.5 * d * y * y)
        dinvv[pl.ds(g * 16, 16)] = y
        return 0

    lax.fori_loop(0, RPT // 16, newt, 0)

    def splat(i, _):
        dbv[pl.ds(i * 16, 16)] = plsc.load_gather(
            dinvv, [jnp.full((16,), i, jnp.int32)]
        )
        return 0

    lax.fori_loop(0, RPT, splat, 0)
    pltpu.sync_copy(dbv, outd.at[c, pl.ds(base * D_HID, RPT * D_HID)])


def _edge_pipeline(src_hbm, dst_hbm, zc, sacc, sidx, didx, rows, gsem, ssem, c, w):
    si_cp = pltpu.async_copy(src_hbm.at[pl.ds(w * NCHUNK, NCHUNK)], sidx, gsem.at[0])
    di_cp = pltpu.async_copy(dst_hbm.at[pl.ds(w * NCHUNK, NCHUNK)], didx, gsem.at[1])
    return si_cp, di_cp


def _edge_chunks(zc_core, sacc, sidx, didx, rows, gsem, ssem):
    nbuf = len(rows)
    gathers = [None] * nbuf
    scats = [None] * nbuf
    gathers[0] = pltpu.async_copy(zc_core.at[sidx.at[0]], rows[0], gsem.at[0])
    for k in range(NCHUNK):
        cur = k % nbuf
        gathers[cur].wait()
        if k + 1 < NCHUNK:
            nxt = (k + 1) % nbuf
            if scats[nxt] is not None:
                scats[nxt].wait()
            gathers[nxt] = pltpu.async_copy(
                zc_core.at[sidx.at[k + 1]], rows[nxt], gsem.at[nxt]
            )
        scats[cur] = pltpu.async_copy(
            rows[cur], sacc.at[didx.at[k]], ssem.at[cur], add=True
        )
    for cp in scats:
        if cp is not None:
            cp.wait()


def _edge1_body(
    src_hbm, dst_hbm, dinvb_hbm, y_hbm, zc, pout,
    sidx, didx, rows_a, rows_b, dv, zv, sacc, gsem, ssem,
):
    c = lax.axis_index("c")
    s = lax.axis_index("s")
    w = c * NS + s
    base = s * RPT

    si_cp, di_cp = _edge_pipeline(
        src_hbm, dst_hbm, zc, sacc, sidx, didx, None, gsem, ssem, c, w
    )
    dv_cp = pltpu.async_copy(dinvb_hbm.at[c, pl.ds(base, RPT)], dv, ssem.at[0])
    ya_cp = pltpu.async_copy(
        y_hbm.at[pl.ds(base, RPT)], rows_a.at[pl.ds(0, RPT)], ssem.at[1]
    )
    sel = jnp.where(c == 0, 1.0, 0.0).astype(jnp.float32)
    dv_cp.wait()
    ya_cp.wait()

    def prow(g, _):
        for j in range(8):
            i = g * 8 + j
            z = rows_a[i, :] * dv[i, :]
            zv[i, :] = z
            rows_b[i, :] = z * sel
        return 0

    lax.fori_loop(0, RPT // 8, prow, 0)
    pltpu.sync_copy(zv, zc.at[c, pl.ds(base, RPT)])
    pltpu.sync_copy(rows_b.at[pl.ds(0, RPT)], sacc.at[pl.ds(base, RPT)])
    si_cp.wait()
    di_cp.wait()
    plsc.subcore_barrier()

    _edge_chunks(zc.at[c], sacc, sidx, didx, (rows_a, rows_b), gsem, ssem)
    plsc.subcore_barrier()
    pltpu.sync_copy(sacc.at[pl.ds(base, RPT)], pout.at[c, pl.ds(base, RPT)])


def _edge2_body(
    src_hbm, dst_hbm, dinvb_hbm, p1_hbm, b1_hbm, zc, tout,
    sidx, didx, rows_a, rows_b, dv, zv, b1v, sacc, gsem, ssem,
):
    c = lax.axis_index("c")
    s = lax.axis_index("s")
    w = c * NS + s
    base = s * RPT

    si_cp, di_cp = _edge_pipeline(
        src_hbm, dst_hbm, zc, sacc, sidx, didx, None, gsem, ssem, c, w
    )
    dv_cp = pltpu.async_copy(dinvb_hbm.at[c, pl.ds(base, RPT)], dv, ssem.at[0])
    p0_cp = pltpu.async_copy(
        p1_hbm.at[0, pl.ds(base, RPT)], rows_a.at[pl.ds(0, RPT)], ssem.at[1]
    )
    pltpu.sync_copy(p1_hbm.at[1, pl.ds(base, RPT)], rows_b.at[pl.ds(0, RPT)])
    pltpu.sync_copy(b1_hbm, b1v)
    sel = jnp.where(c == 0, 1.0, 0.0).astype(jnp.float32)
    bvec = b1v[...]
    dv_cp.wait()
    p0_cp.wait()

    def prow(g, _):
        for j in range(8):
            i = g * 8 + j
            pre = dv[i, :] * (rows_a[i, :] + rows_b[i, :]) + bvec
            z = dv[i, :] * jnp.maximum(pre, 0.0)
            zv[i, :] = z
            rows_b[i, :] = z * sel
        return 0

    lax.fori_loop(0, RPT // 8, prow, 0)
    pltpu.sync_copy(zv, zc.at[c, pl.ds(base, RPT)])
    pltpu.sync_copy(rows_b.at[pl.ds(0, RPT)], sacc.at[pl.ds(base, RPT)])
    si_cp.wait()
    di_cp.wait()
    plsc.subcore_barrier()

    _edge_chunks(zc.at[c], sacc, sidx, didx, (rows_a, rows_b), gsem, ssem)
    plsc.subcore_barrier()

    pltpu.sync_copy(sacc.at[pl.ds(base, RPT)], rows_a.at[pl.ds(0, RPT)])

    def erow(g, _):
        for j in range(8):
            i = g * 8 + j
            rows_b[i, :] = rows_a[i, :] * dv[i, :]
        return 0

    lax.fori_loop(0, RPT // 8, erow, 0)
    pltpu.sync_copy(rows_b.at[pl.ds(0, RPT)], tout.at[c, pl.ds(base, RPT)])


_SC_PARAMS = pltpu.CompilerParams(use_tc_tiling_on_sc=False)

_sc_deg = pl.kernel(
    _sc_deg_body,
    out_type=jax.ShapeDtypeStruct((NC, NP), jnp.float32),
    mesh=_MESH,
    scratch_types=[
        pltpu.VMEM((NCHUNK, CH), jnp.int32),
        pltpu.VMEM((CH,), jnp.float32),
        pltpu.VMEM((RPT,), jnp.float32),
        pltpu.VMEM_SHARED((NP,), jnp.float32),
        pltpu.SemaphoreType.DMA,
    ],
    compiler_params=_SC_PARAMS,
)

_sc_dinv = pl.kernel(
    _sc_dinv_body,
    out_type=jax.ShapeDtypeStruct((NC, NPF), jnp.float32),
    mesh=_MESH,
    scratch_types=[
        pltpu.VMEM((RPT,), jnp.float32),
        pltpu.VMEM((RPT,), jnp.float32),
        pltpu.VMEM((RPT,), jnp.float32),
        pltpu.VMEM((RPT * D_HID,), jnp.float32),
    ],
    compiler_params=pltpu.CompilerParams(
        use_tc_tiling_on_sc=False, needs_layout_passes=False
    ),
)

_edge_scratch = [
    pltpu.VMEM((NCHUNK, CH), jnp.int32),
    pltpu.VMEM((NCHUNK, CH), jnp.int32),
    pltpu.VMEM((CH, D_HID), jnp.float32),
    pltpu.VMEM((CH, D_HID), jnp.float32),
    pltpu.VMEM((RPT, D_HID), jnp.float32),
    pltpu.VMEM((RPT, D_HID), jnp.float32),
]

_sc_edge1 = pl.kernel(
    _edge1_body,
    out_type=[
        jax.ShapeDtypeStruct((NC, NP, D_HID), jnp.float32),
        jax.ShapeDtypeStruct((NC, NP, D_HID), jnp.float32),
    ],
    mesh=_MESH,
    scratch_types=_edge_scratch
    + [
        pltpu.VMEM_SHARED((NP, D_HID), jnp.float32),
        pltpu.SemaphoreType.DMA((2,)),
        pltpu.SemaphoreType.DMA((2,)),
    ],
    compiler_params=_SC_PARAMS,
)

_sc_edge2 = pl.kernel(
    _edge2_body,
    out_type=[
        jax.ShapeDtypeStruct((NC, NP, D_HID), jnp.float32),
        jax.ShapeDtypeStruct((NC, NP, D_HID), jnp.float32),
    ],
    mesh=_MESH,
    scratch_types=_edge_scratch
    + [
        pltpu.VMEM((D_HID,), jnp.float32),
        pltpu.VMEM_SHARED((NP, D_HID), jnp.float32),
        pltpu.SemaphoreType.DMA((2,)),
        pltpu.SemaphoreType.DMA((2,)),
    ],
    compiler_params=_SC_PARAMS,
)


def _tc_mm1_body(x_ref, w_ref, y_ref):
    y_ref[:N_NODES, :] = jnp.dot(
        x_ref[...], w_ref[...], preferred_element_type=jnp.float32
    )
    y_ref[N_NODES:, :] = jnp.zeros((NP - N_NODES, D_HID), jnp.float32)


def _tc_out_body(t_ref, w2_ref, b2_ref, o_ref):
    a2 = t_ref[0, :N_NODES, :] + t_ref[1, :N_NODES, :]
    o_ref[...] = (
        jnp.dot(a2, w2_ref[...], preferred_element_type=jnp.float32) + b2_ref[...]
    )


_tc_mm1 = pl.pallas_call(
    _tc_mm1_body, out_shape=jax.ShapeDtypeStruct((NP, D_HID), jnp.float32)
)
_tc_out = pl.pallas_call(
    _tc_out_body, out_shape=jax.ShapeDtypeStruct((N_NODES, D_OUT), jnp.float32)
)


@jax.jit
def kernel(V, E, X, W1, b1, W2, b2):
    Eflat = lax.optimization_barrier(E.reshape(2 * N_EDGES))
    src2 = lax.slice(Eflat, (0,), (N_EDGES,)).reshape(NW * NCHUNK, CH)
    dst2 = lax.slice(Eflat, (N_EDGES,), (2 * N_EDGES,)).reshape(NW * NCHUNK, CH)

    hist = _sc_deg(dst2)
    dinvb = _sc_dinv(hist).reshape(NC, NP, D_HID)
    Yp = _tc_mm1(X, W1)
    _Z1c, P1 = _sc_edge1(src2, dst2, dinvb, Yp)
    _Z2c, T = _sc_edge2(src2, dst2, dinvb, P1, b1)
    return _tc_out(T, W2, b2.reshape(1, D_OUT))

# --- scband reference (transcript-rebuilt; emitter-appended) ---
"""Pipeline reference for scband-gcn-1-paper-52810917871877 (READ-ONLY COPY).

The authoritative reference and input builder live on the scoring server;
editing this copy changes nothing except your own understanding.
"""

import jax, jax.numpy as jnp
import numpy as np

N_NODES = 10000
N_EDGES = 320000
D_IN = 128
D_HID = 16
D_OUT = 64


def setup_inputs(seed: int = 0) -> dict:
    key = jax.random.key(seed)
    k1, k2, k3, k4, k5, k6 = jax.random.split(key, 6)
    V = jnp.arange(N_NODES, dtype=jnp.int64) if jax.config.jax_enable_x64 else jnp.arange(N_NODES, dtype=jnp.int32)
    E = jax.random.randint(k1, (2, N_EDGES), 0, N_NODES, dtype=jnp.int32)
    X = jax.random.normal(k2, (N_NODES, D_IN), dtype=jnp.float32)
    W1 = jax.random.normal(k3, (D_IN, D_HID), dtype=jnp.float32) * (1.0 / np.sqrt(D_IN))
    b1 = jnp.zeros((D_HID,), dtype=jnp.float32)
    W2 = jax.random.normal(k4, (D_HID, D_OUT), dtype=jnp.float32) * (1.0 / np.sqrt(D_HID))
    b2 = jnp.zeros((D_OUT,), dtype=jnp.float32)
    return {"V": V, "E": E, "X": X, "W1": W1, "b1": b1, "W2": W2, "b2": b2}


def _gcn_layer(V, E, X, W, b):
    # GCN layer (MPNN form): add self-loops, symmetric degree normalization,
    # scatter-add aggregation of neighbor features, then linear transform.
    N = X.shape[0]
    self_loops = jnp.stack([V, V], axis=0)
    E2 = jnp.concatenate([E, self_loops], axis=1)
    src, dst = E2[0], E2[1]
    deg = jnp.zeros((N,), dtype=X.dtype).at[dst].add(1.0)
    dinv = jax.lax.rsqrt(jnp.maximum(deg, 1e-12))
    norm = dinv[src] * dinv[dst]
    msgs = jnp.take(X, src, axis=0) * norm[:, None]
    agg = jnp.zeros((N, X.shape[1]), dtype=X.dtype).at[dst].add(msgs)
    return agg @ W + b


def reference(V, E, X, W1, b1, W2, b2):
    H = jax.nn.relu(_gcn_layer(V, E, X, W1, b1))
    # dropout in eval mode (training=False) is identity
    H = _gcn_layer(V, E, H, W2, b2)
    return H

if __name__ == "__main__":
    import jax
    _d = setup_inputs()
    print(jax.jit(kernel)(*tuple(_d.values())))

</pallas_src>

<mosaic_0001>
#map = affine_map<(d0, d1) -> (0, 0)>
module attributes {stable_mosaic.version = 14 : i64} {
  func.func @_sc_deg_body(%arg0: i32, %arg1: i32, %arg2: memref<160x2000xi32, #tpu.memory_space<hbm>>, %arg3: memref<2x10240xf32, #tpu.memory_space<hbm>>, %arg4: memref<5x2000xi32, #tpu.memory_space<vmem>>, %arg5: memref<2000xf32, #tpu.memory_space<vmem>>, %arg6: memref<640xf32, #tpu.memory_space<vmem>>, %arg7: memref<10240xf32, #tpu.memory_space<vmem_shared>>, %arg8: memref<!tpu.dma_semaphore, #tpu.memory_space<semaphore_mem>>) attributes {dimension_semantics = [#tpu.dimension_semantics<core_parallel>, #tpu.dimension_semantics<subcore_parallel>], iteration_bounds = array<i64: 2, 16>, scalar_prefetch = 0 : i64, scratch_operands = 5 : i64, tpu.core_type = #tpu.core_type<sc_vector_subcore>, window_params = [{transform_indices = #map}, {transform_indices = #map}]} {
    %mul3A = arith.constant 16 : i32
    %mul3A_0 = arith.muli %arg0, %mul3A : i32
    %add3A = arith.addi %mul3A_0, %arg1 : i32
    %mul3A_1 = arith.constant 5 : i32
    %mul3A_2 = arith.muli %add3A, %mul3A_1 : i32
    %dma_start3A = arith.constant 0 : i32
    %dma_start3A_3 = tpu.memref_slice %arg2[%mul3A_2, %dma_start3A] : memref<160x2000xi32, #tpu.memory_space<hbm>> -> memref<5x2000xi32, #tpu.memory_space<hbm>>
    %dma_start3A_4 = arith.constant 0 : i32
    %dma_start3A_5 = tpu.memref_slice %arg2[%mul3A_2, %dma_start3A_4] : memref<160x2000xi32, #tpu.memory_space<hbm>> -> memref<5x2000xi32, #tpu.memory_space<hbm>>
    tpu.enqueue_dma source(%dma_start3A_5 : memref<5x2000xi32, #tpu.memory_space<hbm>>) target(%arg4 : memref<5x2000xi32, #tpu.memory_space<vmem>>) target_semaphore(%arg8 : memref<!tpu.dma_semaphore, #tpu.memory_space<semaphore_mem>>)
    %scan3A = arith.constant 0 : i32
    %scan3A_6 = arith.constant 0 : i32
    %scan3A_7 = arith.constant 125 : i32
    %scan3A_8 = arith.addi %scan3A_6, %scan3A_7 : i32
    %scan3A_9 = arith.constant 1 : i32
    %scan3A_10 = scf.for %scan3A_89 = %scan3A_6 to %scan3A_8 step %scan3A_9 iter_args(%scan3A_90 = %scan3A) -> (i32)  : i32 {
      %broadcast_in_dim3A = arith.constant 1.000000e+00 : f32
      %broadcast_in_dim3A_91 = vector.broadcast %broadcast_in_dim3A : f32 to vector<16xf32>
      %mul3A_92 = arith.constant 16 : i32
      %mul3A_93 = arith.muli %scan3A_89, %mul3A_92 : i32
      %swap3A = arith.index_cast %mul3A_93 : i32 to index
      %swap3A_94 = tpu.vector_load %arg5[%swap3A] {strides = array<i32>} : memref<2000xf32, #tpu.memory_space<vmem>>, vector<16xf32>,
      %swap3A_95 = vector.shape_cast %swap3A_94 : vector<16xf32> to vector<16xf32>
      %swap3A_96 = vector.shape_cast %broadcast_in_dim3A_91 : vector<16xf32> to vector<16xf32>
      tpu.vector_store %arg5[%swap3A], %swap3A_96 {strides = array<i32>} : memref<2000xf32, #tpu.memory_space<vmem>>, vector<16xf32>,
      %scan3A_97 = arith.constant 0 : i32
      scf.yield %scan3A_97 : i32
    }
    %scan3A_11 = arith.constant 125 : i32
    %scan3A_12 = arith.constant 0 : i32
    %scan3A_13 = arith.constant 0 : i32
    %scan3A_14 = arith.constant 40 : i32
    %scan3A_15 = arith.addi %scan3A_13, %scan3A_14 : i32
    %scan3A_16 = arith.constant 1 : i32
    %scan3A_17 = scf.for %scan3A_89 = %scan3A_13 to %scan3A_15 step %scan3A_16 iter_args(%scan3A_90 = %scan3A_12) -> (i32)  : i32 {
      %broadcast_in_dim3A = arith.constant 0.000000e+00 : f32
      %broadcast_in_dim3A_91 = vector.broadcast %broadcast_in_dim3A : f32 to vector<16xf32>
      %mul3A_92 = arith.constant 16 : i32
      %mul3A_93 = arith.muli %scan3A_89, %mul3A_92 : i32
      %swap3A = arith.index_cast %mul3A_93 : i32 to index
      %swap3A_94 = tpu.vector_load %arg6[%swap3A] {strides = array<i32>} : memref<640xf32, #tpu.memory_space<vmem>>, vector<16xf32>,
      %swap3A_95 = vector.shape_cast %swap3A_94 : vector<16xf32> to vector<16xf32>
      %swap3A_96 = vector.shape_cast %broadcast_in_dim3A_91 : vector<16xf32> to vector<16xf32>
      tpu.vector_store %arg6[%swap3A], %swap3A_96 {strides = array<i32>} : memref<640xf32, #tpu.memory_space<vmem>>, vector<16xf32>,
      %scan3A_97 = arith.constant 0 : i32
      scf.yield %scan3A_97 : i32
    }
    %scan3A_18 = arith.constant 40 : i32
    %mul3A_19 = arith.constant 640 : i32
    %mul3A_20 = arith.muli %arg1, %mul3A_19 : i32
    "tpu.region"() ({
      %run_scoped3A = tpu.sem_alloc : memref<!tpu.dma_semaphore, #tpu.memory_space<semaphore_mem>>
      %dma_start3A_89 = tpu.memref_slice %arg7[%mul3A_20] : memref<10240xf32, #tpu.memory_space<vmem_shared>> -> memref<640xf32, #tpu.memory_space<vmem_shared>>
      %dma_start3A_90 = tpu.memref_slice %arg7[%mul3A_20] : memref<10240xf32, #tpu.memory_space<vmem_shared>> -> memref<640xf32, #tpu.memory_space<vmem_shared>>
      tpu.enqueue_dma source(%arg6 : memref<640xf32, #tpu.memory_space<vmem>>) target(%dma_start3A_90 : memref<640xf32, #tpu.memory_space<vmem_shared>>) target_semaphore(%run_scoped3A : memref<!tpu.dma_semaphore, #tpu.memory_space<semaphore_mem>>)
      %dma_wait3A_91 = tpu.memref_slice %arg7[%mul3A_20] : memref<10240xf32, #tpu.memory_space<vmem_shared>> -> memref<640xf32, #tpu.memory_space<vmem_shared>>
      %dma_wait3A_92 = tpu.memref_slice %arg7[%mul3A_20] : memref<10240xf32, #tpu.memory_space<vmem_shared>> -> memref<640xf32, #tpu.memory_space<vmem_shared>>
      tpu.wait_dma2 semaphore(%run_scoped3A : memref<!tpu.dma_semaphore, #tpu.memory_space<semaphore_mem>>) src(%arg6 : memref<640xf32, #tpu.memory_space<vmem>>) dst(%dma_wait3A_92 : memref<640xf32, #tpu.memory_space<vmem_shared>>)
      tpu.yield
    }) : () -> ()
    %dma_wait3A = arith.constant 0 : i32
    %dma_wait3A_21 = tpu.memref_slice %arg2[%mul3A_2, %dma_wait3A] : memref<160x2000xi32, #tpu.memory_space<hbm>> -> memref<5x2000xi32, #tpu.memory_space<hbm>>
    %dma_wait3A_22 = arith.constant 0 : i32
    %dma_wait3A_23 = tpu.memref_slice %arg2[%mul3A_2, %dma_wait3A_22] : memref<160x2000xi32, #tpu.memory_space<hbm>> -> memref<5x2000xi32, #tpu.memory_space<hbm>>
    tpu.wait_dma2 semaphore(%arg8 : memref<!tpu.dma_semaphore, #tpu.memory_space<semaphore_mem>>) src(%dma_wait3A_23 : memref<5x2000xi32, #tpu.memory_space<hbm>>) dst(%arg4 : memref<5x2000xi32, #tpu.memory_space<vmem>>)
    %barrier3A = arith.constant 0 : index
    tpu.barrier barrier_id(%barrier3A)
    %dma_start3A_24 = arith.constant 0 : i32
    %dma_start3A_25 = arith.constant 0 : i32
    %dma_start3A_26 = tpu.memref_slice %arg4[%dma_start3A_24, %dma_start3A_25] : memref<5x2000xi32, #tpu.memory_space<vmem>> -> memref<1x2000xi32, #tpu.memory_space<vmem>>
    %dma_start3A_27 = tpu.memref_squeeze %dma_start3A_26 : memref<1x2000xi32, #tpu.memory_space<vmem>> -> memref<2000xi32, #tpu.memory_space<vmem>>
    %dma_start3A_28 = arith.constant 0 : i32
    %dma_start3A_29 = tpu.memref_slice %arg7[%dma_start3A_28] : memref<10240xf32, #tpu.memory_space<vmem_shared>> -> memref<10240xf32, #tpu.memory_space<vmem_shared>>
    tpu.enqueue_indirect_dma source(%arg5 : memref<2000xf32, #tpu.memory_space<vmem>>) target(%dma_start3A_29 : memref<10240xf32, #tpu.memory_space<vmem_shared>>) offsets(%dma_start3A_27 : memref<2000xi32, #tpu.memory_space<vmem>>) semaphore(%arg8 : memref<!tpu.dma_semaphore, #tpu.memory_space<semaphore_mem>>) {add = true}
    %dma_start3A_30 = arith.constant 1 : i32
    %dma_start3A_31 = arith.constant 0 : i32
    %dma_start3A_32 = tpu.memref_slice %arg4[%dma_start3A_30, %dma_start3A_31] : memref<5x2000xi32, #tpu.memory_space<vmem>> -> memref<1x2000xi32, #tpu.memory_space<vmem>>
    %dma_start3A_33 = tpu.memref_squeeze %dma_start3A_32 : memref<1x2000xi32, #tpu.memory_space<vmem>> -> memref<2000xi32, #tpu.memory_space<vmem>>
    %dma_start3A_34 = arith.constant 0 : i32
    %dma_start3A_35 = tpu.memref_slice %arg7[%dma_start3A_34] : memref<10240xf32, #tpu.memory_space<vmem_shared>> -> memref<10240xf32, #tpu.memory_space<vmem_shared>>
    tpu.enqueue_indirect_dma source(%arg5 : memref<2000xf32, #tpu.memory_space<vmem>>) target(%dma_start3A_35 : memref<10240xf32, #tpu.memory_space<vmem_shared>>) offsets(%dma_start3A_33 : memref<2000xi32, #tpu.memory_space<vmem>>) semaphore(%arg8 : memref<!tpu.dma_semaphore, #tpu.memory_space<semaphore_mem>>) {add = true}
    %dma_start3A_36 = arith.constant 2 : i32
    %dma_start3A_37 = arith.constant 0 : i32
    %dma_start3A_38 = tpu.memref_slice %arg4[%dma_start3A_36, %dma_start3A_37] : memref<5x2000xi32, #tpu.memory_space<vmem>> -> memref<1x2000xi32, #tpu.memory_space<vmem>>
    %dma_start3A_39 = tpu.memref_squeeze %dma_start3A_38 : memref<1x2000xi32, #tpu.memory_space<vmem>> -> memref<2000xi32, #tpu.memory_space<vmem>>
    %dma_start3A_40 = arith.constant 0 : i32
    %dma_start3A_41 = tpu.memref_slice %arg7[%dma_start3A_40] : memref<10240xf32, #tpu.memory_space<vmem_shared>> -> memref<10240xf32, #tpu.memory_space<vmem_shared>>
    tpu.enqueue_indirect_dma source(%arg5 : memref<2000xf32, #tpu.memory_space<vmem>>) target(%dma_start3A_41 : memref<10240xf32, #tpu.memory_space<vmem_shared>>) offsets(%dma_start3A_39 : memref<2000xi32, #tpu.memory_space<vmem>>) semaphore(%arg8 : memref<!tpu.dma_semaphore, #tpu.memory_space<semaphore_mem>>) {add = true}
    %dma_start3A_42 = arith.constant 3 : i32
    %dma_start3A_43 = arith.constant 0 : i32
    %dma_start3A_44 = tpu.memref_slice %arg4[%dma_start3A_42, %dma_start3A_43] : memref<5x2000xi32, #tpu.memory_space<vmem>> -> memref<1x2000xi32, #tpu.memory_space<vmem>>
    %dma_start3A_45 = tpu.memref_squeeze %dma_start3A_44 : memref<1x2000xi32, #tpu.memory_space<vmem>> -> memref<2000xi32, #tpu.memory_space<vmem>>
    %dma_start3A_46 = arith.constant 0 : i32
    %dma_start3A_47 = tpu.memref_slice %arg7[%dma_start3A_46] : memref<10240xf32, #tpu.memory_space<vmem_shared>> -> memref<10240xf32, #tpu.memory_space<vmem_shared>>
    tpu.enqueue_indirect_dma source(%arg5 : memref<2000xf32, #tpu.memory_space<vmem>>) target(%dma_start3A_47 : memref<10240xf32, #tpu.memory_space<vmem_shared>>) offsets(%dma_start3A_45 : memref<2000xi32, #tpu.memory_space<vmem>>) semaphore(%arg8 : memref<!tpu.dma_semaphore, #tpu.memory_space<semaphore_mem>>) {add = true}
    %dma_start3A_48 = arith.constant 4 : i32
    %dma_start3A_49 = arith.constant 0 : i32
    %dma_start3A_50 = tpu.memref_slice %arg4[%dma_start3A_48, %dma_start3A_49] : memref<5x2000xi32, #tpu.memory_space<vmem>> -> memref<1x2000xi32, #tpu.memory_space<vmem>>
    %dma_start3A_51 = tpu.memref_squeeze %dma_start3A_50 : memref<1x2000xi32, #tpu.memory_space<vmem>> -> memref<2000xi32, #tpu.memory_space<vmem>>
    %dma_start3A_52 = arith.constant 0 : i32
    %dma_start3A_53 = tpu.memref_slice %arg7[%dma_start3A_52] : memref<10240xf32, #tpu.memory_space<vmem_shared>> -> memref<10240xf32, #tpu.memory_space<vmem_shared>>
    tpu.enqueue_indirect_dma source(%arg5 : memref<2000xf32, #tpu.memory_space<vmem>>) target(%dma_start3A_53 : memref<10240xf32, #tpu.memory_space<vmem_shared>>) offsets(%dma_start3A_51 : memref<2000xi32, #tpu.memory_space<vmem>>) semaphore(%arg8 : memref<!tpu.dma_semaphore, #tpu.memory_space<semaphore_mem>>) {add = true}
    %dma_wait3A_54 = arith.constant 0 : i32
    %dma_wait3A_55 = arith.constant 0 : i32
    %dma_wait3A_56 = tpu.memref_slice %arg4[%dma_wait3A_54, %dma_wait3A_55] : memref<5x2000xi32, #tpu.memory_space<vmem>> -> memref<1x2000xi32, #tpu.memory_space<vmem>>
    %dma_wait3A_57 = tpu.memref_squeeze %dma_wait3A_56 : memref<1x2000xi32, #tpu.memory_space<vmem>> -> memref<2000xi32, #tpu.memory_space<vmem>>
    %dma_wait3A_58 = arith.constant 0 : i32
    %dma_wait3A_59 = tpu.memref_slice %arg7[%dma_wait3A_58] : memref<10240xf32, #tpu.memory_space<vmem_shared>> -> memref<10240xf32, #tpu.memory_space<vmem_shared>>
    tpu.wait_indirect_dma semaphore(%arg8 : memref<!tpu.dma_semaphore, #tpu.memory_space<semaphore_mem>>) src(%arg5 : memref<2000xf32, #tpu.memory_space<vmem>>) dst(%dma_wait3A_59 : memref<10240xf32, #tpu.memory_space<vmem_shared>>)
    %dma_wait3A_60 = arith.constant 1 : i32
    %dma_wait3A_61 = arith.constant 0 : i32
    %dma_wait3A_62 = tpu.memref_slice %arg4[%dma_wait3A_60, %dma_wait3A_61] : memref<5x2000xi32, #tpu.memory_space<vmem>> -> memref<1x2000xi32, #tpu.memory_space<vmem>>
    %dma_wait3A_63 = tpu.memref_squeeze %dma_wait3A_62 : memref<1x2000xi32, #tpu.memory_space<vmem>> -> memref<2000xi32, #tpu.memory_space<vmem>>
    %dma_wait3A_64 = arith.constant 0 : i32
    %dma_wait3A_65 = tpu.memref_slice %arg7[%dma_wait3A_64] : memref<10240xf32, #tpu.memory_space<vmem_shared>> -> memref<10240xf32, #tpu.memory_space<vmem_shared>>
    tpu.wait_indirect_dma semaphore(%arg8 : memref<!tpu.dma_semaphore, #tpu.memory_space<semaphore_mem>>) src(%arg5 : memref<2000xf32, #tpu.memory_space<vmem>>) dst(%dma_wait3A_65 : memref<10240xf32, #tpu.memory_space<vmem_shared>>)
    %dma_wait3A_66 = arith.constant 2 : i32
    %dma_wait3A_67 = arith.constant 0 : i32
    %dma_wait3A_68 = tpu.memref_slice %arg4[%dma_wait3A_66, %dma_wait3A_67] : memref<5x2000xi32, #tpu.memory_space<vmem>> -> memref<1x2000xi32, #tpu.memory_space<vmem>>
    %dma_wait3A_69 = tpu.memref_squeeze %dma_wait3A_68 : memref<1x2000xi32, #tpu.memory_space<vmem>> -> memref<2000xi32, #tpu.memory_space<vmem>>
    %dma_wait3A_70 = arith.constant 0 : i32
    %dma_wait3A_71 = tpu.memref_slice %arg7[%dma_wait3A_70] : memref<10240xf32, #tpu.memory_space<vmem_shared>> -> memref<10240xf32, #tpu.memory_space<vmem_shared>>
    tpu.wait_indirect_dma semaphore(%arg8 : memref<!tpu.dma_semaphore, #tpu.memory_space<semaphore_mem>>) src(%arg5 : memref<2000xf32, #tpu.memory_space<vmem>>) dst(%dma_wait3A_71 : memref<10240xf32, #tpu.memory_space<vmem_shared>>)
    %dma_wait3A_72 = arith.constant 3 : i32
    %dma_wait3A_73 = arith.constant 0 : i32
    %dma_wait3A_74 = tpu.memref_slice %arg4[%dma_wait3A_72, %dma_wait3A_73] : memref<5x2000xi32, #tpu.memory_space<vmem>> -> memref<1x2000xi32, #tpu.memory_space<vmem>>
    %dma_wait3A_75 = tpu.memref_squeeze %dma_wait3A_74 : memref<1x2000xi32, #tpu.memory_space<vmem>> -> memref<2000xi32, #tpu.memory_space<vmem>>
    %dma_wait3A_76 = arith.constant 0 : i32
    %dma_wait3A_77 = tpu.memref_slice %arg7[%dma_wait3A_76] : memref<10240xf32, #tpu.memory_space<vmem_shared>> -> memref<10240xf32, #tpu.memory_space<vmem_shared>>
    tpu.wait_indirect_dma semaphore(%arg8 : memref<!tpu.dma_semaphore, #tpu.memory_space<semaphore_mem>>) src(%arg5 : memref<2000xf32, #tpu.memory_space<vmem>>) dst(%dma_wait3A_77 : memref<10240xf32, #tpu.memory_space<vmem_shared>>)
    %dma_wait3A_78 = arith.constant 4 : i32
    %dma_wait3A_79 = arith.constant 0 : i32
    %dma_wait3A_80 = tpu.memref_slice %arg4[%dma_wait3A_78, %dma_wait3A_79] : memref<5x2000xi32, #tpu.memory_space<vmem>> -> memref<1x2000xi32, #tpu.memory_space<vmem>>
    %dma_wait3A_81 = tpu.memref_squeeze %dma_wait3A_80 : memref<1x2000xi32, #tpu.memory_space<vmem>> -> memref<2000xi32, #tpu.memory_space<vmem>>
    %dma_wait3A_82 = arith.constant 0 : i32
    %dma_wait3A_83 = tpu.memref_slice %arg7[%dma_wait3A_82] : memref<10240xf32, #tpu.memory_space<vmem_shared>> -> memref<10240xf32, #tpu.memory_space<vmem_shared>>
    tpu.wait_indirect_dma semaphore(%arg8 : memref<!tpu.dma_semaphore, #tpu.memory_space<semaphore_mem>>) src(%arg5 : memref<2000xf32, #tpu.memory_space<vmem>>) dst(%dma_wait3A_83 : memref<10240xf32, #tpu.memory_space<vmem_shared>>)
    %barrier3A_84 = arith.constant 0 : index
    tpu.barrier barrier_id(%barrier3A_84)
    %mul3A_85 = arith.constant 640 : i32
    %mul3A_86 = arith.muli %arg1, %mul3A_85 : i32
    %mul3A_87 = arith.constant 640 : i32
    %mul3A_88 = arith.muli %arg1, %mul3A_87 : i32
    "tpu.region"() ({
      %run_scoped3A = tpu.sem_alloc : memref<!tpu.dma_semaphore, #tpu.memory_space<semaphore_mem>>
      %dma_start3A_89 = tpu.memref_slice %arg3[%arg0, %mul3A_88] : memref<2x10240xf32, #tpu.memory_space<hbm>> -> memref<1x640xf32, #tpu.memory_space<hbm>>
      %dma_start3A_90 = tpu.memref_squeeze %dma_start3A_89 : memref<1x640xf32, #tpu.memory_space<hbm>> -> memref<640xf32, #tpu.memory_space<hbm>>
      %dma_start3A_91 = tpu.memref_slice %arg7[%mul3A_86] : memref<10240xf32, #tpu.memory_space<vmem_shared>> -> memref<640xf32, #tpu.memory_space<vmem_shared>>
      tpu.enqueue_dma source(%dma_start3A_91 : memref<640xf32, #tpu.memory_space<vmem_shared>>) target(%dma_start3A_90 : memref<640xf32, #tpu.memory_space<hbm>>) target_semaphore(%run_scoped3A : memref<!tpu.dma_semaphore, #tpu.memory_space<semaphore_mem>>)
      %dma_wait3A_92 = tpu.memref_slice %arg3[%arg0, %mul3A_88] : memref<2x10240xf32, #tpu.memory_space<hbm>> -> memref<1x640xf32, #tpu.memory_space<hbm>>
      %dma_wait3A_93 = tpu.memref_squeeze %dma_wait3A_92 : memref<1x640xf32, #tpu.memory_space<hbm>> -> memref<640xf32, #tpu.memory_space<hbm>>
      %dma_wait3A_94 = tpu.memref_slice %arg7[%mul3A_86] : memref<10240xf32, #tpu.memory_space<vmem_shared>> -> memref<640xf32, #tpu.memory_space<vmem_shared>>
      tpu.wait_dma2 semaphore(%run_scoped3A : memref<!tpu.dma_semaphore, #tpu.memory_space<semaphore_mem>>) src(%dma_wait3A_94 : memref<640xf32, #tpu.memory_space<vmem_shared>>) dst(%dma_wait3A_93 : memref<640xf32, #tpu.memory_space<hbm>>)
      tpu.yield
    }) : () -> ()
    return
  }
}

#map = affine_map<(d0, d1) -> (0, 0)>
module attributes {stable_mosaic.version = 14 : i64} {
  func.func @_sc_dinv_body(%arg0: i32, %arg1: i32, %arg2: memref<2x10240xf32, #tpu.memory_space<hbm>>, %arg3: memref<2x163840xf32, #tpu.memory_space<hbm>>, %arg4: memref<640xf32, #tpu.memory_space<vmem>>, %arg5: memref<640xf32, #tpu.memory_space<vmem>>, %arg6: memref<640xf32, #tpu.memory_space<vmem>>, %arg7: memref<10240xf32, #tpu.memory_space<vmem>>) attributes {dimension_semantics = [#tpu.dimension_semantics<core_parallel>, #tpu.dimension_semantics<subcore_parallel>], iteration_bounds = array<i64: 2, 16>, scalar_prefetch = 0 : i64, scratch_operands = 4 : i64, tpu.core_type = #tpu.core_type<sc_vector_subcore>, window_params = [{transform_indices = #map}, {transform_indices = #map}]} {
    %mul3A = arith.constant 640 : i32
    %mul3A_0 = arith.muli %arg1, %mul3A : i32
    %run_scoped3A = arith.constant 0 : i32
    "tpu.region"() ({
      %run_scoped3A_17 = tpu.sem_alloc : memref<!tpu.dma_semaphore, #tpu.memory_space<semaphore_mem>>
      %dma_start3A = tpu.memref_slice %arg2[%run_scoped3A, %mul3A_0] : memref<2x10240xf32, #tpu.memory_space<hbm>> -> memref<1x640xf32, #tpu.memory_space<hbm>>
      %dma_start3A_18 = tpu.memref_squeeze %dma_start3A : memref<1x640xf32, #tpu.memory_space<hbm>> -> memref<640xf32, #tpu.memory_space<hbm>>
      %dma_start3A_19 = tpu.memref_slice %arg2[%run_scoped3A, %mul3A_0] : memref<2x10240xf32, #tpu.memory_space<hbm>> -> memref<1x640xf32, #tpu.memory_space<hbm>>
      %dma_start3A_20 = tpu.memref_squeeze %dma_start3A_19 : memref<1x640xf32, #tpu.memory_space<hbm>> -> memref<640xf32, #tpu.memory_space<hbm>>
      tpu.enqueue_dma source(%dma_start3A_20 : memref<640xf32, #tpu.memory_space<hbm>>) target(%arg4 : memref<640xf32, #tpu.memory_space<vmem>>) target_semaphore(%run_scoped3A_17 : memref<!tpu.dma_semaphore, #tpu.memory_space<semaphore_mem>>)
      %dma_wait3A = tpu.memref_slice %arg2[%run_scoped3A, %mul3A_0] : memref<2x10240xf32, #tpu.memory_space<hbm>> -> memref<1x640xf32, #tpu.memory_space<hbm>>
      %dma_wait3A_21 = tpu.memref_squeeze %dma_wait3A : memref<1x640xf32, #tpu.memory_space<hbm>> -> memref<640xf32, #tpu.memory_space<hbm>>
      %dma_wait3A_22 = tpu.memref_slice %arg2[%run_scoped3A, %mul3A_0] : memref<2x10240xf32, #tpu.memory_space<hbm>> -> memref<1x640xf32, #tpu.memory_space<hbm>>
      %dma_wait3A_23 = tpu.memref_squeeze %dma_wait3A_22 : memref<1x640xf32, #tpu.memory_space<hbm>> -> memref<640xf32, #tpu.memory_space<hbm>>
      tpu.wait_dma2 semaphore(%run_scoped3A_17 : memref<!tpu.dma_semaphore, #tpu.memory_space<semaphore_mem>>) src(%dma_wait3A_23 : memref<640xf32, #tpu.memory_space<hbm>>) dst(%arg4 : memref<640xf32, #tpu.memory_space<vmem>>)
      tpu.yield
    }) : () -> ()
    %run_scoped3A_1 = arith.constant 1 : i32
    "tpu.region"() ({
      %run_scoped3A_17 = tpu.sem_alloc : memref<!tpu.dma_semaphore, #tpu.memory_space<semaphore_mem>>
      %dma_start3A = tpu.memref_slice %arg2[%run_scoped3A_1, %mul3A_0] : memref<2x10240xf32, #tpu.memory_space<hbm>> -> memref<1x640xf32, #tpu.memory_space<hbm>>
      %dma_start3A_18 = tpu.memref_squeeze %dma_start3A : memref<1x640xf32, #tpu.memory_space<hbm>> -> memref<640xf32, #tpu.memory_space<hbm>>
      %dma_start3A_19 = tpu.memref_slice %arg2[%run_scoped3A_1, %mul3A_0] : memref<2x10240xf32, #tpu.memory_space<hbm>> -> memref<1x640xf32, #tpu.memory_space<hbm>>
      %dma_start3A_20 = tpu.memref_squeeze %dma_start3A_19 : memref<1x640xf32, #tpu.memory_space<hbm>> -> memref<640xf32, #tpu.memory_space<hbm>>
      tpu.enqueue_dma source(%dma_start3A_20 : memref<640xf32, #tpu.memory_space<hbm>>) target(%arg5 : memref<640xf32, #tpu.memory_space<vmem>>) target_semaphore(%run_scoped3A_17 : memref<!tpu.dma_semaphore, #tpu.memory_space<semaphore_mem>>)
      %dma_wait3A = tpu.memref_slice %arg2[%run_scoped3A_1, %mul3A_0] : memref<2x10240xf32, #tpu.memory_space<hbm>> -> memref<1x640xf32, #tpu.memory_space<hbm>>
      %dma_wait3A_21 = tpu.memref_squeeze %dma_wait3A : memref<1x640xf32, #tpu.memory_space<hbm>> -> memref<640xf32, #tpu.memory_space<hbm>>
      %dma_wait3A_22 = tpu.memref_slice %arg2[%run_scoped3A_1, %mul3A_0] : memref<2x10240xf32, #tpu.memory_space<hbm>> -> memref<1x640xf32, #tpu.memory_space<hbm>>
      %dma_wait3A_23 = tpu.memref_squeeze %dma_wait3A_22 : memref<1x640xf32, #tpu.memory_space<hbm>> -> memref<640xf32, #tpu.memory_space<hbm>>
      tpu.wait_dma2 semaphore(%run_scoped3A_17 : memref<!tpu.dma_semaphore, #tpu.memory_space<semaphore_mem>>) src(%dma_wait3A_23 : memref<640xf32, #tpu.memory_space<hbm>>) dst(%arg5 : memref<640xf32, #tpu.memory_space<vmem>>)
      tpu.yield
    }) : () -> ()
    %scan3A = arith.constant 0 : i32
    %scan3A_2 = arith.constant 0 : i32
    %scan3A_3 = arith.constant 40 : i32
    %scan3A_4 = arith.addi %scan3A_2, %scan3A_3 : i32
    %scan3A_5 = arith.constant 1 : i32
    %scan3A_6 = scf.for %scan3A_17 = %scan3A_2 to %scan3A_4 step %scan3A_5 iter_args(%scan3A_18 = %scan3A) -> (i32)  : i32 {
      %mul3A_19 = arith.constant 16 : i32
      %mul3A_20 = arith.muli %scan3A_17, %mul3A_19 : i32
      %get3A = arith.index_cast %mul3A_20 : i32 to index
      %get3A_21 = tpu.vector_load %arg4[%get3A] {strides = array<i32>} : memref<640xf32, #tpu.memory_space<vmem>>, vector<16xf32>,
      %mul3A_22 = arith.constant 16 : i32
      %mul3A_23 = arith.muli %scan3A_17, %mul3A_22 : i32
      %get3A_24 = arith.index_cast %mul3A_23 : i32 to index
      %get3A_25 = tpu.vector_load %arg5[%get3A_24] {strides = array<i32>} : memref<640xf32, #tpu.memory_space<vmem>>, vector<16xf32>,
      %add3A = arith.addf %get3A_21, %get3A_25 : vector<16xf32>
      %add3A_26 = arith.constant 1.000000e+00 : f32
      %add3A_27 = vector.broadcast %add3A_26 : f32 to vector<16xf32>
      %add3A_28 = arith.addf %add3A, %add3A_27 : vector<16xf32>
      %bitcast3A = vector.bitcast %add3A_28 : vector<16xf32> to vector<16xi32>
      %shift_right_logical3A = arith.constant 1 : i32
      %shift_right_logical3A_29 = vector.broadcast %shift_right_logical3A : i32 to vector<16xi32>
      %shift_right_logical3A_30 = arith.shrui %bitcast3A, %shift_right_logical3A_29 : vector<16xi32>
      %sub3A = arith.constant 1597463007 : i32
      %sub3A_31 = vector.broadcast %sub3A : i32 to vector<16xi32>
      %sub3A_32 = arith.subi %sub3A_31, %shift_right_logical3A_30 : vector<16xi32>
      %bitcast3A_33 = vector.bitcast %sub3A_32 : vector<16xi32> to vector<16xf32>
      %mul3A_34 = arith.constant 5.000000e-01 : f32
      %mul3A_35 = vector.broadcast %mul3A_34 : f32 to vector<16xf32>
      %mul3A_36 = arith.mulf %mul3A_35, %add3A_28 : vector<16xf32>
      %mul3A_37 = arith.mulf %mul3A_36, %bitcast3A_33 : vector<16xf32>
      %mul3A_38 = arith.mulf %mul3A_37, %bitcast3A_33 : vector<16xf32>
      %sub3A_39 = arith.constant 1.500000e+00 : f32
      %sub3A_40 = vector.broadcast %sub3A_39 : f32 to vector<16xf32>
      %sub3A_41 = arith.subf %sub3A_40, %mul3A_38 : vector<16xf32>
      %mul3A_42 = arith.mulf %bitcast3A_33, %sub3A_41 : vector<16xf32>
      %mul3A_43 = arith.constant 5.000000e-01 : f32
      %mul3A_44 = vector.broadcast %mul3A_43 : f32 to vector<16xf32>
      %mul3A_45 = arith.mulf %mul3A_44, %add3A_28 : vector<16xf32>
      %mul3A_46 = arith.mulf %mul3A_45, %mul3A_42 : vector<16xf32>
      %mul3A_47 = arith.mulf %mul3A_46, %mul3A_42 : vector<16xf32>
      %sub3A_48 = arith.constant 1.500000e+00 : f32
      %sub3A_49 = vector.broadcast %sub3A_48 : f32 to vector<16xf32>
      %sub3A_50 = arith.subf %sub3A_49, %mul3A_47 : vector<16xf32>
      %mul3A_51 = arith.mulf %mul3A_42, %sub3A_50 : vector<16xf32>
      %mul3A_52 = arith.constant 5.000000e-01 : f32
      %mul3A_53 = vector.broadcast %mul3A_52 : f32 to vector<16xf32>
      %mul3A_54 = arith.mulf %mul3A_53, %add3A_28 : vector<16xf32>
      %mul3A_55 = arith.mulf %mul3A_54, %mul3A_51 : vector<16xf32>
      %mul3A_56 = arith.mulf %mul3A_55, %mul3A_51 : vector<16xf32>
      %sub3A_57 = arith.constant 1.500000e+00 : f32
      %sub3A_58 = vector.broadcast %sub3A_57 : f32 to vector<16xf32>
      %sub3A_59 = arith.subf %sub3A_58, %mul3A_56 : vector<16xf32>
      %mul3A_60 = arith.mulf %mul3A_51, %sub3A_59 : vector<16xf32>
      %mul3A_61 = arith.constant 16 : i32
      %mul3A_62 = arith.muli %scan3A_17, %mul3A_61 : i32
      %swap3A = arith.index_cast %mul3A_62 : i32 to index
      %swap3A_63 = tpu.vector_load %arg6[%swap3A] {strides = array<i32>} : memref<640xf32, #tpu.memory_space<vmem>>, vector<16xf32>,
      %swap3A_64 = vector.shape_cast %swap3A_63 : vector<16xf32> to vector<16xf32>
      %swap3A_65 = vector.shape_cast %mul3A_60 : vector<16xf32> to vector<16xf32>
      tpu.vector_store %arg6[%swap3A], %swap3A_65 {strides = array<i32>} : memref<640xf32, #tpu.memory_space<vmem>>, vector<16xf32>,
      %scan3A_66 = arith.constant 0 : i32
      scf.yield %scan3A_66 : i32
    }
    %scan3A_7 = arith.constant 40 : i32
    %scan3A_8 = arith.constant 0 : i32
    %scan3A_9 = arith.constant 0 : i32
    %scan3A_10 = arith.constant 640 : i32
    %scan3A_11 = arith.addi %scan3A_9, %scan3A_10 : i32
    %scan3A_12 = arith.constant 1 : i32
    %scan3A_13 = scf.for %scan3A_17 = %scan3A_9 to %scan3A_11 step %scan3A_12 iter_args(%scan3A_18 = %scan3A_8) -> (i32)  : i32 {
      %broadcast_in_dim3A = vector.broadcast %scan3A_17 : i32 to vector<16xi32>
      %gather3A = tpu.vector_load_idx %arg6[%broadcast_in_dim3A] : memref<640xf32, #tpu.memory_space<vmem>>[vector<16xi32>], vector<16xf32>,
      %mul3A_19 = arith.constant 16 : i32
      %mul3A_20 = arith.muli %scan3A_17, %mul3A_19 : i32
      %swap3A = arith.index_cast %mul3A_20 : i32 to index
      %swap3A_21 = tpu.vector_load %arg7[%swap3A] {strides = array<i32>} : memref<10240xf32, #tpu.memory_space<vmem>>, vector<16xf32>,
      tpu.vector_store %arg7[%swap3A], %gather3A {strides = array<i32>} : memref<10240xf32, #tpu.memory_space<vmem>>, vector<16xf32>,
      %scan3A_22 = arith.constant 0 : i32
      scf.yield %scan3A_22 : i32
    }
    %scan3A_14 = arith.constant 640 : i32
    %mul3A_15 = arith.constant 16 : i32
    %mul3A_16 = arith.muli %mul3A_0, %mul3A_15 : i32
    "tpu.region"() ({
      %run_scoped3A_17 = tpu.sem_alloc : memref<!tpu.dma_semaphore, #tpu.memory_space<semaphore_mem>>
      %dma_start3A = tpu.memref_slice %arg3[%arg0, %mul3A_16] : memref<2x163840xf32, #tpu.memory_space<hbm>> -> memref<1x10240xf32, #tpu.memory_space<hbm>>
      %dma_start3A_18 = tpu.memref_squeeze %dma_start3A : memref<1x10240xf32, #tpu.memory_space<hbm>> -> memref<10240xf32, #tpu.memory_space<hbm>>
      %dma_start3A_19 = tpu.memref_slice %arg3[%arg0, %mul3A_16] : memref<2x163840xf32, #tpu.memory_space<hbm>> -> memref<1x10240xf32, #tpu.memory_space<hbm>>
      %dma_start3A_20 = tpu.memref_squeeze %dma_start3A_19 : memref<1x10240xf32, #tpu.memory_space<hbm>> -> memref<10240xf32, #tpu.memory_space<hbm>>
      tpu.enqueue_dma source(%arg7 : memref<10240xf32, #tpu.memory_space<vmem>>) target(%dma_start3A_20 : memref<10240xf32, #tpu.memory_space<hbm>>) target_semaphore(%run_scoped3A_17 : memref<!tpu.dma_semaphore, #tpu.memory_space<semaphore_mem>>)
      %dma_wait3A = tpu.memref_slice %arg3[%arg0, %mul3A_16] : memref<2x163840xf32, #tpu.memory_space<hbm>> -> memref<1x10240xf32, #tpu.memory_space<hbm>>
      %dma_wait3A_21 = tpu.memref_squeeze %dma_wait3A : memref<1x10240xf32, #tpu.memory_space<hbm>> -> memref<10240xf32, #tpu.memory_space<hbm>>
      %dma_wait3A_22 = tpu.memref_slice %arg3[%arg0, %mul3A_16] : memref<2x163840xf32, #tpu.memory_space<hbm>> -> memref<1x10240xf32, #tpu.memory_space<hbm>>
      %dma_wait3A_23 = tpu.memref_squeeze %dma_wait3A_22 : memref<1x10240xf32, #tpu.memory_space<hbm>> -> memref<10240xf32, #tpu.memory_space<hbm>>
      tpu.wait_dma2 semaphore(%run_scoped3A_17 : memref<!tpu.dma_semaphore, #tpu.memory_space<semaphore_mem>>) src(%arg7 : memref<10240xf32, #tpu.memory_space<vmem>>) dst(%dma_wait3A_23 : memref<10240xf32, #tpu.memory_space<hbm>>)
      tpu.yield
    }) : () -> ()
    return
  }
}

#map = affine_map<(d0, d1) -> (0, 0)>
#map1 = affine_map<(d0, d1) -> (0, 0, 0)>
#map2 = affine_map<(d0, d1) -> (0)>
module attributes {stable_mosaic.version = 14 : i64} {
  func.func @_edge2_body(%arg0: i32, %arg1: i32, %arg2: memref<160x2000xi32, #tpu.memory_space<hbm>>, %arg3: memref<160x2000xi32, #tpu.memory_space<hbm>>, %arg4: memref<2x10240x16xf32, #tpu.memory_space<hbm>>, %arg5: memref<2x10240x16xf32, #tpu.memory_space<hbm>>, %arg6: memref<16xf32, #tpu.memory_space<hbm>>, %arg7: memref<2x10240x16xf32, #tpu.memory_space<hbm>>, %arg8: memref<2x10240x16xf32, #tpu.memory_space<hbm>>, %arg9: memref<5x2000xi32, #tpu.memory_space<vmem>>, %arg10: memref<5x2000xi32, #tpu.memory_space<vmem>>, %arg11: memref<2000x16xf32, #tpu.memory_space<vmem>>, %arg12: memref<2000x16xf32, #tpu.memory_space<vmem>>, %arg13: memref<640x16xf32, #tpu.memory_space<vmem>>, %arg14: memref<640x16xf32, #tpu.memory_space<vmem>>, %arg15: memref<16xf32, #tpu.memory_space<vmem>>, %arg16: memref<10240x16xf32, #tpu.memory_space<vmem_shared>>, %arg17: memref<2x!tpu.dma_semaphore, #tpu.memory_space<semaphore_mem>>, %arg18: memref<2x!tpu.dma_semaphore, #tpu.memory_space<semaphore_mem>>) attributes {dimension_semantics = [#tpu.dimension_semantics<core_parallel>, #tpu.dimension_semantics<subcore_parallel>], iteration_bounds = array<i64: 2, 16>, scalar_prefetch = 0 : i64, scratch_operands = 10 : i64, tpu.core_type = #tpu.core_type<sc_vector_subcore>, window_params = [{transform_indices = #map}, {transform_indices = #map}, {transform_indices = #map1}, {transform_indices = #map1}, {transform_indices = #map2}, {transform_indices = #map1}, {transform_indices = #map1}]} {
    %mul3A = arith.constant 16 : i32
    %mul3A_0 = arith.muli %arg0, %mul3A : i32
    %add3A = arith.addi %mul3A_0, %arg1 : i32
    %mul3A_1 = arith.constant 640 : i32
    %mul3A_2 = arith.muli %arg1, %mul3A_1 : i32
    %mul3A_3 = arith.constant 5 : i32
    %mul3A_4 = arith.muli %add3A, %mul3A_3 : i32
    %dma_start3A = arith.constant 0 : i32
    %dma_start3A_5 = arith.constant 0 : i32
    %dma_start3A_6 = tpu.memref_slice %arg2[%mul3A_4, %dma_start3A_5] : memref<160x2000xi32, #tpu.memory_space<hbm>> -> memref<5x2000xi32, #tpu.memory_space<hbm>>
    %dma_start3A_7 = tpu.memref_slice %arg17[%dma_start3A] : memref<2x!tpu.dma_semaphore, #tpu.memory_space<semaphore_mem>> -> memref<1x!tpu.dma_semaphore, #tpu.memory_space<semaphore_mem>>
    %dma_start3A_8 = tpu.memref_squeeze %dma_start3A_7 : memref<1x!tpu.dma_semaphore, #tpu.memory_space<semaphore_mem>> -> memref<!tpu.dma_semaphore, #tpu.memory_space<semaphore_mem>>
    %dma_start3A_9 = arith.constant 0 : i32
    %dma_start3A_10 = tpu.memref_slice %arg2[%mul3A_4, %dma_start3A_9] : memref<160x2000xi32, #tpu.memory_space<hbm>> -> memref<5x2000xi32, #tpu.memory_space<hbm>>
    tpu.enqueue_dma source(%dma_start3A_10 : memref<5x2000xi32, #tpu.memory_space<hbm>>) target(%arg9 : memref<5x2000xi32, #tpu.memory_space<vmem>>) target_semaphore(%dma_start3A_8 : memref<!tpu.dma_semaphore, #tpu.memory_space<semaphore_mem>>)
    %mul3A_11 = arith.constant 5 : i32
    %mul3A_12 = arith.muli %add3A, %mul3A_11 : i32
    %dma_start3A_13 = arith.constant 1 : i32
    %dma_start3A_14 = arith.constant 0 : i32
    %dma_start3A_15 = tpu.memref_slice %arg3[%mul3A_12, %dma_start3A_14] : memref<160x2000xi32, #tpu.memory_space<hbm>> -> memref<5x2000xi32, #tpu.memory_space<hbm>>
    %dma_start3A_16 = tpu.memref_slice %arg17[%dma_start3A_13] : memref<2x!tpu.dma_semaphore, #tpu.memory_space<semaphore_mem>> -> memref<1x!tpu.dma_semaphore, #tpu.memory_space<semaphore_mem>>
    %dma_start3A_17 = tpu.memref_squeeze %dma_start3A_16 : memref<1x!tpu.dma_semaphore, #tpu.memory_space<semaphore_mem>> -> memref<!tpu.dma_semaphore, #tpu.memory_space<semaphore_mem>>
    %dma_start3A_18 = arith.constant 0 : i32
    %dma_start3A_19 = tpu.memref_slice %arg3[%mul3A_12, %dma_start3A_18] : memref<160x2000xi32, #tpu.memory_space<hbm>> -> memref<5x2000xi32, #tpu.memory_space<hbm>>
    tpu.enqueue_dma source(%dma_start3A_19 : memref<5x2000xi32, #tpu.memory_space<hbm>>) target(%arg10 : memref<5x2000xi32, #tpu.memory_space<vmem>>) target_semaphore(%dma_start3A_17 : memref<!tpu.dma_semaphore, #tpu.memory_space<semaphore_mem>>)
    %dma_start3A_20 = arith.constant 0 : i32
    %dma_start3A_21 = arith.constant 0 : i32
    %dma_start3A_22 = tpu.memref_slice %arg4[%arg0, %mul3A_2, %dma_start3A_21] : memref<2x10240x16xf32, #tpu.memory_space<hbm>> -> memref<1x640x16xf32, #tpu.memory_space<hbm>>
    %dma_start3A_23 = tpu.memref_squeeze %dma_start3A_22 : memref<1x640x16xf32, #tpu.memory_space<hbm>> -> memref<640x16xf32, #tpu.memory_space<hbm>>
    %dma_start3A_24 = tpu.memref_slice %arg18[%dma_start3A_20] : memref<2x!tpu.dma_semaphore, #tpu.memory_space<semaphore_mem>> -> memref<1x!tpu.dma_semaphore, #tpu.memory_space<semaphore_mem>>
    %dma_start3A_25 = tpu.memref_squeeze %dma_start3A_24 : memref<1x!tpu.dma_semaphore, #tpu.memory_space<semaphore_mem>> -> memref<!tpu.dma_semaphore, #tpu.memory_space<semaphore_mem>>
    %dma_start3A_26 = arith.constant 0 : i32
    %dma_start3A_27 = tpu.memref_slice %arg4[%arg0, %mul3A_2, %dma_start3A_26] : memref<2x10240x16xf32, #tpu.memory_space<hbm>> -> memref<1x640x16xf32, #tpu.memory_space<hbm>>
    %dma_start3A_28 = tpu.memref_squeeze %dma_start3A_27 : memref<1x640x16xf32, #tpu.memory_space<hbm>> -> memref<640x16xf32, #tpu.memory_space<hbm>>
    tpu.enqueue_dma source(%dma_start3A_28 : memref<640x16xf32, #tpu.memory_space<hbm>>) target(%arg13 : memref<640x16xf32, #tpu.memory_space<vmem>>) target_semaphore(%dma_start3A_25 : memref<!tpu.dma_semaphore, #tpu.memory_space<semaphore_mem>>)
    %dma_start3A_29 = arith.constant 0 : i32
    %dma_start3A_30 = arith.constant 1 : i32
    %dma_start3A_31 = arith.constant 0 : i32
    %dma_start3A_32 = arith.constant 0 : i32
    %dma_start3A_33 = tpu.memref_slice %arg11[%dma_start3A_31, %dma_start3A_32] : memref<2000x16xf32, #tpu.memory_space<vmem>> -> memref<640x16xf32, #tpu.memory_space<vmem>>
    %dma_start3A_34 = arith.constant 0 : i32
    %dma_start3A_35 = tpu.memref_slice %arg5[%dma_start3A_29, %mul3A_2, %dma_start3A_34] : memref<2x10240x16xf32, #tpu.memory_space<hbm>> -> memref<1x640x16xf32, #tpu.memory_space<hbm>>
    %dma_start3A_36 = tpu.memref_squeeze %dma_start3A_35 : memref<1x640x16xf32, #tpu.memory_space<hbm>> -> memref<640x16xf32, #tpu.memory_space<hbm>>
    %dma_start3A_37 = tpu.memref_slice %arg18[%dma_start3A_30] : memref<2x!tpu.dma_semaphore, #tpu.memory_space<semaphore_mem>> -> memref<1x!tpu.dma_semaphore, #tpu.memory_space<semaphore_mem>>
    %dma_start3A_38 = tpu.memref_squeeze %dma_start3A_37 : memref<1x!tpu.dma_semaphore, #tpu.memory_space<semaphore_mem>> -> memref<!tpu.dma_semaphore, #tpu.memory_space<semaphore_mem>>
    %dma_start3A_39 = arith.constant 0 : i32
    %dma_start3A_40 = arith.constant 0 : i32
    %dma_start3A_41 = tpu.memref_slice %arg11[%dma_start3A_39, %dma_start3A_40] : memref<2000x16xf32, #tpu.memory_space<vmem>> -> memref<640x16xf32, #tpu.memory_space<vmem>>
    %dma_start3A_42 = arith.constant 0 : i32
    %dma_start3A_43 = tpu.memref_slice %arg5[%dma_start3A_29, %mul3A_2, %dma_start3A_42] : memref<2x10240x16xf32, #tpu.memory_space<hbm>> -> memref<1x640x16xf32, #tpu.memory_space<hbm>>
    %dma_start3A_44 = tpu.memref_squeeze %dma_start3A_43 : memref<1x640x16xf32, #tpu.memory_space<hbm>> -> memref<640x16xf32, #tpu.memory_space<hbm>>
    tpu.enqueue_dma source(%dma_start3A_44 : memref<640x16xf32, #tpu.memory_space<hbm>>) target(%dma_start3A_41 : memref<640x16xf32, #tpu.memory_space<vmem>>) target_semaphore(%dma_start3A_38 : memref<!tpu.dma_semaphore, #tpu.memory_space<semaphore_mem>>)
    %run_scoped3A = arith.constant 1 : i32
    "tpu.region"() ({
      %run_scoped3A_341 = tpu.sem_alloc : memref<!tpu.dma_semaphore, #tpu.memory_space<semaphore_mem>>
      %dma_start3A_342 = arith.constant 0 : i32
      %dma_start3A_343 = arith.constant 0 : i32
      %dma_start3A_344 = tpu.memref_slice %arg12[%dma_start3A_342, %dma_start3A_343] : memref<2000x16xf32, #tpu.memory_space<vmem>> -> memref<640x16xf32, #tpu.memory_space<vmem>>
      %dma_start3A_345 = arith.constant 0 : i32
      %dma_start3A_346 = tpu.memref_slice %arg5[%run_scoped3A, %mul3A_2, %dma_start3A_345] : memref<2x10240x16xf32, #tpu.memory_space<hbm>> -> memref<1x640x16xf32, #tpu.memory_space<hbm>>
      %dma_start3A_347 = tpu.memref_squeeze %dma_start3A_346 : memref<1x640x16xf32, #tpu.memory_space<hbm>> -> memref<640x16xf32, #tpu.memory_space<hbm>>
      %dma_start3A_348 = arith.constant 0 : i32
      %dma_start3A_349 = arith.constant 0 : i32
      %dma_start3A_350 = tpu.memref_slice %arg12[%dma_start3A_348, %dma_start3A_349] : memref<2000x16xf32, #tpu.memory_space<vmem>> -> memref<640x16xf32, #tpu.memory_space<vmem>>
      %dma_start3A_351 = arith.constant 0 : i32
      %dma_start3A_352 = tpu.memref_slice %arg5[%run_scoped3A, %mul3A_2, %dma_start3A_351] : memref<2x10240x16xf32, #tpu.memory_space<hbm>> -> memref<1x640x16xf32, #tpu.memory_space<hbm>>
      %dma_start3A_353 = tpu.memref_squeeze %dma_start3A_352 : memref<1x640x16xf32, #tpu.memory_space<hbm>> -> memref<640x16xf32, #tpu.memory_space<hbm>>
      tpu.enqueue_dma source(%dma_start3A_353 : memref<640x16xf32, #tpu.memory_space<hbm>>) target(%dma_start3A_350 : memref<640x16xf32, #tpu.memory_space<vmem>>) target_semaphore(%run_scoped3A_341 : memref<!tpu.dma_semaphore, #tpu.memory_space<semaphore_mem>>)
      %dma_wait3A_354 = arith.constant 0 : i32
      %dma_wait3A_355 = arith.constant 0 : i32
      %dma_wait3A_356 = tpu.memref_slice %arg12[%dma_wait3A_354, %dma_wait3A_355] : memref<2000x16xf32, #tpu.memory_space<vmem>> -> memref<640x16xf32, #tpu.memory_space<vmem>>
      %dma_wait3A_357 = arith.constant 0 : i32
      %dma_wait3A_358 = tpu.memref_slice %arg5[%run_scoped3A, %mul3A_2, %dma_wait3A_357] : memref<2x10240x16xf32, #tpu.memory_space<hbm>> -> memref<1x640x16xf32, #tpu.memory_space<hbm>>
      %dma_wait3A_359 = tpu.memref_squeeze %dma_wait3A_358 : memref<1x640x16xf32, #tpu.memory_space<hbm>> -> memref<640x16xf32, #tpu.memory_space<hbm>>
      %dma_wait3A_360 = arith.constant 0 : i32
      %dma_wait3A_361 = arith.constant 0 : i32
      %dma_wait3A_362 = tpu.memref_slice %arg12[%dma_wait3A_360, %dma_wait3A_361] : memref<2000x16xf32, #tpu.memory_space<vmem>> -> memref<640x16xf32, #tpu.memory_space<vmem>>
      %dma_wait3A_363 = arith.constant 0 : i32
      %dma_wait3A_364 = tpu.memref_slice %arg5[%run_scoped3A, %mul3A_2, %dma_wait3A_363] : memref<2x10240x16xf32, #tpu.memory_space<hbm>> -> memref<1x640x16xf32, #tpu.memory_space<hbm>>
      %dma_wait3A_365 = tpu.memref_squeeze %dma_wait3A_364 : memref<1x640x16xf32, #tpu.memory_space<hbm>> -> memref<640x16xf32, #tpu.memory_space<hbm>>
      tpu.wait_dma2 semaphore(%run_scoped3A_341 : memref<!tpu.dma_semaphore, #tpu.memory_space<semaphore_mem>>) src(%dma_wait3A_365 : memref<640x16xf32, #tpu.memory_space<hbm>>) dst(%dma_wait3A_362 : memref<640x16xf32, #tpu.memory_space<vmem>>)
      tpu.yield
    }) : () -> ()
    "tpu.region"() ({
      %run_scoped3A_341 = tpu.sem_alloc : memref<!tpu.dma_semaphore, #tpu.memory_space<semaphore_mem>>
      tpu.enqueue_dma source(%arg6 : memref<16xf32, #tpu.memory_space<hbm>>) target(%arg15 : memref<16xf32, #tpu.memory_space<vmem>>) target_semaphore(%run_scoped3A_341 : memref<!tpu.dma_semaphore, #tpu.memory_space<semaphore_mem>>)
      tpu.wait_dma2 semaphore(%run_scoped3A_341 : memref<!tpu.dma_semaphore, #tpu.memory_space<semaphore_mem>>) src(%arg6 : memref<16xf32, #tpu.memory_space<hbm>>) dst(%arg15 : memref<16xf32, #tpu.memory_space<vmem>>)
      tpu.yield
    }) : () -> ()
    %eq3A = arith.constant 0 : i32
    %eq3A_45 = arith.cmpi eq, %arg0, %eq3A : i32
    %jit3A = arith.constant 1.000000e+00 : f32
    %jit3A_46 = arith.constant 0.000000e+00 : f32
    %select_n3A = arith.select %eq3A_45, %jit3A, %jit3A_46 : f32
    %get3A = arith.constant 0 : index
    %get3A_47 = tpu.vector_load %arg15[%get3A] {strides = array<i32>} : memref<16xf32, #tpu.memory_space<vmem>>, vector<16xf32>,
    %get3A_48 = vector.shape_cast %get3A_47 : vector<16xf32> to vector<16xf32>
    %dma_wait3A = arith.constant 0 : i32
    %dma_wait3A_49 = arith.constant 0 : i32
    %dma_wait3A_50 = tpu.memref_slice %arg4[%arg0, %mul3A_2, %dma_wait3A_49] : memref<2x10240x16xf32, #tpu.memory_space<hbm>> -> memref<1x640x16xf32, #tpu.memory_space<hbm>>
    %dma_wait3A_51 = tpu.memref_squeeze %dma_wait3A_50 : memref<1x640x16xf32, #tpu.memory_space<hbm>> -> memref<640x16xf32, #tpu.memory_space<hbm>>
    %dma_wait3A_52 = tpu.memref_slice %arg18[%dma_wait3A] : memref<2x!tpu.dma_semaphore, #tpu.memory_space<semaphore_mem>> -> memref<1x!tpu.dma_semaphore, #tpu.memory_space<semaphore_mem>>
    %dma_wait3A_53 = tpu.memref_squeeze %dma_wait3A_52 : memref<1x!tpu.dma_semaphore, #tpu.memory_space<semaphore_mem>> -> memref<!tpu.dma_semaphore, #tpu.memory_space<semaphore_mem>>
    %dma_wait3A_54 = arith.constant 0 : i32
    %dma_wait3A_55 = tpu.memref_slice %arg4[%arg0, %mul3A_2, %dma_wait3A_54] : memref<2x10240x16xf32, #tpu.memory_space<hbm>> -> memref<1x640x16xf32, #tpu.memory_space<hbm>>
    %dma_wait3A_56 = tpu.memref_squeeze %dma_wait3A_55 : memref<1x640x16xf32, #tpu.memory_space<hbm>> -> memref<640x16xf32, #tpu.memory_space<hbm>>
    tpu.wait_dma2 semaphore(%dma_wait3A_53 : memref<!tpu.dma_semaphore, #tpu.memory_space<semaphore_mem>>) src(%dma_wait3A_56 : memref<640x16xf32, #tpu.memory_space<hbm>>) dst(%arg13 : memref<640x16xf32, #tpu.memory_space<vmem>>)
    %dma_wait3A_57 = arith.constant 0 : i32
    %dma_wait3A_58 = arith.constant 1 : i32
    %dma_wait3A_59 = arith.constant 0 : i32
    %dma_wait3A_60 = arith.constant 0 : i32
    %dma_wait3A_61 = tpu.memref_slice %arg11[%dma_wait3A_59, %dma_wait3A_60] : memref<2000x16xf32, #tpu.memory_space<vmem>> -> memref<640x16xf32, #tpu.memory_space<vmem>>
    %dma_wait3A_62 = arith.constant 0 : i32
    %dma_wait3A_63 = tpu.memref_slice %arg5[%dma_wait3A_57, %mul3A_2, %dma_wait3A_62] : memref<2x10240x16xf32, #tpu.memory_space<hbm>> -> memref<1x640x16xf32, #tpu.memory_space<hbm>>
    %dma_wait3A_64 = tpu.memref_squeeze %dma_wait3A_63 : memref<1x640x16xf32, #tpu.memory_space<hbm>> -> memref<640x16xf32, #tpu.memory_space<hbm>>
    %dma_wait3A_65 = tpu.memref_slice %arg18[%dma_wait3A_58] : memref<2x!tpu.dma_semaphore, #tpu.memory_space<semaphore_mem>> -> memref<1x!tpu.dma_semaphore, #tpu.memory_space<semaphore_mem>>
    %dma_wait3A_66 = tpu.memref_squeeze %dma_wait3A_65 : memref<1x!tpu.dma_semaphore, #tpu.memory_space<semaphore_mem>> -> memref<!tpu.dma_semaphore, #tpu.memory_space<semaphore_mem>>
    %dma_wait3A_67 = arith.constant 0 : i32
    %dma_wait3A_68 = arith.constant 0 : i32
    %dma_wait3A_69 = tpu.memref_slice %arg11[%dma_wait3A_67, %dma_wait3A_68] : memref<2000x16xf32, #tpu.memory_space<vmem>> -> memref<640x16xf32, #tpu.memory_space<vmem>>
    %dma_wait3A_70 = arith.constant 0 : i32
    %dma_wait3A_71 = tpu.memref_slice %arg5[%dma_wait3A_57, %mul3A_2, %dma_wait3A_70] : memref<2x10240x16xf32, #tpu.memory_space<hbm>> -> memref<1x640x16xf32, #tpu.memory_space<hbm>>
    %dma_wait3A_72 = tpu.memref_squeeze %dma_wait3A_71 : memref<1x640x16xf32, #tpu.memory_space<hbm>> -> memref<640x16xf32, #tpu.memory_space<hbm>>
    tpu.wait_dma2 semaphore(%dma_wait3A_66 : memref<!tpu.dma_semaphore, #tpu.memory_space<semaphore_mem>>) src(%dma_wait3A_72 : memref<640x16xf32, #tpu.memory_space<hbm>>) dst(%dma_wait3A_69 : memref<640x16xf32, #tpu.memory_space<vmem>>)
    %scan3A = arith.constant 0 : i32
    %scan3A_73 = arith.constant 0 : i32
    %scan3A_74 = arith.constant 80 : i32
    %scan3A_75 = arith.addi %scan3A_73, %scan3A_74 : i32
    %scan3A_76 = arith.constant 1 : i32
    %scan3A_77 = scf.for %scan3A_341 = %scan3A_73 to %scan3A_75 step %scan3A_76 iter_args(%scan3A_342 = %scan3A) -> (i32)  : i32 {
      %mul3A_343 = arith.constant 8 : i32
      %mul3A_344 = arith.muli %scan3A_341, %mul3A_343 : i32
      %add3A_345 = arith.constant 0 : i32
      %add3A_346 = arith.addi %mul3A_344, %add3A_345 : i32
      %get3A_347 = arith.index_cast %add3A_346 : i32 to index
      %get3A_348 = arith.constant 0 : index
      %get3A_349 = tpu.vector_load %arg13[%get3A_347, %get3A_348] {strides = array<i32>} : memref<640x16xf32, #tpu.memory_space<vmem>>, vector<1x16xf32>,
      %get3A_350 = vector.shape_cast %get3A_349 : vector<1x16xf32> to vector<16xf32>
      %get3A_351 = arith.index_cast %add3A_346 : i32 to index
      %get3A_352 = arith.constant 0 : index
      %get3A_353 = tpu.vector_load %arg11[%get3A_351, %get3A_352] {strides = array<i32>} : memref<2000x16xf32, #tpu.memory_space<vmem>>, vector<1x16xf32>,
      %get3A_354 = vector.shape_cast %get3A_353 : vector<1x16xf32> to vector<16xf32>
      %get3A_355 = arith.index_cast %add3A_346 : i32 to index
      %get3A_356 = arith.constant 0 : index
      %get3A_357 = tpu.vector_load %arg12[%get3A_355, %get3A_356] {strides = array<i32>} : memref<2000x16xf32, #tpu.memory_space<vmem>>, vector<1x16xf32>,
      %get3A_358 = vector.shape_cast %get3A_357 : vector<1x16xf32> to vector<16xf32>
      %add3A_359 = arith.addf %get3A_354, %get3A_358 : vector<16xf32>
      %mul3A_360 = arith.mulf %get3A_350, %add3A_359 : vector<16xf32>
      %add3A_361 = arith.addf %mul3A_360, %get3A_48 : vector<16xf32>
      %get3A_362 = arith.index_cast %add3A_346 : i32 to index
      %get3A_363 = arith.constant 0 : index
      %get3A_364 = tpu.vector_load %arg13[%get3A_362, %get3A_363] {strides = array<i32>} : memref<640x16xf32, #tpu.memory_space<vmem>>, vector<1x16xf32>,
      %get3A_365 = vector.shape_cast %get3A_364 : vector<1x16xf32> to vector<16xf32>
      %max3A = arith.constant 0.000000e+00 : f32
      %max3A_366 = vector.broadcast %max3A : f32 to vector<16xf32>
      %max3A_367 = arith.maximumf %add3A_361, %max3A_366 : vector<16xf32>
      %mul3A_368 = arith.mulf %get3A_365, %max3A_367 : vector<16xf32>
      %swap3A = arith.index_cast %add3A_346 : i32 to index
      %swap3A_369 = arith.constant 0 : index
      %swap3A_370 = tpu.vector_load %arg14[%swap3A, %swap3A_369] {strides = array<i32>} : memref<640x16xf32, #tpu.memory_space<vmem>>, vector<1x16xf32>,
      %swap3A_371 = vector.shape_cast %swap3A_370 : vector<1x16xf32> to vector<16xf32>
      %swap3A_372 = vector.shape_cast %mul3A_368 : vector<16xf32> to vector<1x16xf32>
      tpu.vector_store %arg14[%swap3A, %swap3A_369], %swap3A_372 {strides = array<i32>} : memref<640x16xf32, #tpu.memory_space<vmem>>, vector<1x16xf32>,
      %mul3A_373 = vector.broadcast %select_n3A : f32 to vector<16xf32>
      %mul3A_374 = arith.mulf %mul3A_368, %mul3A_373 : vector<16xf32>
      %swap3A_375 = arith.index_cast %add3A_346 : i32 to index
      %swap3A_376 = arith.constant 0 : index
      %swap3A_377 = tpu.vector_load %arg12[%swap3A_375, %swap3A_376] {strides = array<i32>} : memref<2000x16xf32, #tpu.memory_space<vmem>>, vector<1x16xf32>,
      %swap3A_378 = vector.shape_cast %swap3A_377 : vector<1x16xf32> to vector<16xf32>
      %swap3A_379 = vector.shape_cast %mul3A_374 : vector<16xf32> to vector<1x16xf32>
      tpu.vector_store %arg12[%swap3A_375, %swap3A_376], %swap3A_379 {strides = array<i32>} : memref<2000x16xf32, #tpu.memory_space<vmem>>, vector<1x16xf32>,
      %mul3A_380 = arith.constant 8 : i32
      %mul3A_381 = arith.muli %scan3A_341, %mul3A_380 : i32
      %add3A_382 = arith.constant 1 : i32
      %add3A_383 = arith.addi %mul3A_381, %add3A_382 : i32
      %get3A_384 = arith.index_cast %add3A_383 : i32 to index
      %get3A_385 = arith.constant 0 : index
      %get3A_386 = tpu.vector_load %arg13[%get3A_384, %get3A_385] {strides = array<i32>} : memref<640x16xf32, #tpu.memory_space<vmem>>, vector<1x16xf32>,
      %get3A_387 = vector.shape_cast %get3A_386 : vector<1x16xf32> to vector<16xf32>
      %get3A_388 = arith.index_cast %add3A_383 : i32 to index
      %get3A_389 = arith.constant 0 : index
      %get3A_390 = tpu.vector_load %arg11[%get3A_388, %get3A_389] {strides = array<i32>} : memref<2000x16xf32, #tpu.memory_space<vmem>>, vector<1x16xf32>,
      %get3A_391 = vector.shape_cast %get3A_390 : vector<1x16xf32> to vector<16xf32>
      %get3A_392 = arith.index_cast %add3A_383 : i32 to index
      %get3A_393 = arith.constant 0 : index
      %get3A_394 = tpu.vector_load %arg12[%get3A_392, %get3A_393] {strides = array<i32>} : memref<2000x16xf32, #tpu.memory_space<vmem>>, vector<1x16xf32>,
      %get3A_395 = vector.shape_cast %get3A_394 : vector<1x16xf32> to vector<16xf32>
      %add3A_396 = arith.addf %get3A_391, %get3A_395 : vector<16xf32>
      %mul3A_397 = arith.mulf %get3A_387, %add3A_396 : vector<16xf32>
      %add3A_398 = arith.addf %mul3A_397, %get3A_48 : vector<16xf32>
      %get3A_399 = arith.index_cast %add3A_383 : i32 to index
      %get3A_400 = arith.constant 0 : index
      %get3A_401 = tpu.vector_load %arg13[%get3A_399, %get3A_400] {strides = array<i32>} : memref<640x16xf32, #tpu.memory_space<vmem>>, vector<1x16xf32>,
      %get3A_402 = vector.shape_cast %get3A_401 : vector<1x16xf32> to vector<16xf32>
      %max3A_403 = arith.constant 0.000000e+00 : f32
      %max3A_404 = vector.broadcast %max3A_403 : f32 to vector<16xf32>
      %max3A_405 = arith.maximumf %add3A_398, %max3A_404 : vector<16xf32>
      %mul3A_406 = arith.mulf %get3A_402, %max3A_405 : vector<16xf32>
      %swap3A_407 = arith.index_cast %add3A_383 : i32 to index
      %swap3A_408 = arith.constant 0 : index
      %swap3A_409 = tpu.vector_load %arg14[%swap3A_407, %swap3A_408] {strides = array<i32>} : memref<640x16xf32, #tpu.memory_space<vmem>>, vector<1x16xf32>,
      %swap3A_410 = vector.shape_cast %swap3A_409 : vector<1x16xf32> to vector<16xf32>
      %swap3A_411 = vector.shape_cast %mul3A_406 : vector<16xf32> to vector<1x16xf32>
      tpu.vector_store %arg14[%swap3A_407, %swap3A_408], %swap3A_411 {strides = array<i32>} : memref<640x16xf32, #tpu.memory_space<vmem>>, vector<1x16xf32>,
      %mul3A_412 = vector.broadcast %select_n3A : f32 to vector<16xf32>
      %mul3A_413 = arith.mulf %mul3A_406, %mul3A_412 : vector<16xf32>
      %swap3A_414 = arith.index_cast %add3A_383 : i32 to index
      %swap3A_415 = arith.constant 0 : index
      %swap3A_416 = tpu.vector_load %arg12[%swap3A_414, %swap3A_415] {strides = array<i32>} : memref<2000x16xf32, #tpu.memory_space<vmem>>, vector<1x16xf32>,
      %swap3A_417 = vector.shape_cast %swap3A_416 : vector<1x16xf32> to vector<16xf32>
      %swap3A_418 = vector.shape_cast %mul3A_413 : vector<16xf32> to vector<1x16xf32>
      tpu.vector_store %arg12[%swap3A_414, %swap3A_415], %swap3A_418 {strides = array<i32>} : memref<2000x16xf32, #tpu.memory_space<vmem>>, vector<1x16xf32>,
      %mul3A_419 = arith.constant 8 : i32
      %mul3A_420 = arith.muli %scan3A_341, %mul3A_419 : i32
      %add3A_421 = arith.constant 2 : i32
      %add3A_422 = arith.addi %mul3A_420, %add3A_421 : i32
      %get3A_423 = arith.index_cast %add3A_422 : i32 to index
      %get3A_424 = arith.constant 0 : index
      %get3A_425 = tpu.vector_load %arg13[%get3A_423, %get3A_424] {strides = array<i32>} : memref<640x16xf32, #tpu.memory_space<vmem>>, vector<1x16xf32>,
      %get3A_426 = vector.shape_cast %get3A_425 : vector<1x16xf32> to vector<16xf32>
      %get3A_427 = arith.index_cast %add3A_422 : i32 to index
      %get3A_428 = arith.constant 0 : index
      %get3A_429 = tpu.vector_load %arg11[%get3A_427, %get3A_428] {strides = array<i32>} : memref<2000x16xf32, #tpu.memory_space<vmem>>, vector<1x16xf32>,
      %get3A_430 = vector.shape_cast %get3A_429 : vector<1x16xf32> to vector<16xf32>
      %get3A_431 = arith.index_cast %add3A_422 : i32 to index
      %get3A_432 = arith.constant 0 : index
      %get3A_433 = tpu.vector_load %arg12[%get3A_431, %get3A_432] {strides = array<i32>} : memref<2000x16xf32, #tpu.memory_space<vmem>>, vector<1x16xf32>,
      %get3A_434 = vector.shape_cast %get3A_433 : vector<1x16xf32> to vector<16xf32>
      %add3A_435 = arith.addf %get3A_430, %get3A_434 : vector<16xf32>
      %mul3A_436 = arith.mulf %get3A_426, %add3A_435 : vector<16xf32>
      %add3A_437 = arith.addf %mul3A_436, %get3A_48 : vector<16xf32>
      %get3A_438 = arith.index_cast %add3A_422 : i32 to index
      %get3A_439 = arith.constant 0 : index
      %get3A_440 = tpu.vector_load %arg13[%get3A_438, %get3A_439] {strides = array<i32>} : memref<640x16xf32, #tpu.memory_space<vmem>>, vector<1x16xf32>,
      %get3A_441 = vector.shape_cast %get3A_440 : vector<1x16xf32> to vector<16xf32>
      %max3A_442 = arith.constant 0.000000e+00 : f32
      %max3A_443 = vector.broadcast %max3A_442 : f32 to vector<16xf32>
      %max3A_444 = arith.maximumf %add3A_437, %max3A_443 : vector<16xf32>
      %mul3A_445 = arith.mulf %get3A_441, %max3A_444 : vector<16xf32>
      %swap3A_446 = arith.index_cast %add3A_422 : i32 to index
      %swap3A_447 = arith.constant 0 : index
      %swap3A_448 = tpu.vector_load %arg14[%swap3A_446, %swap3A_447] {strides = array<i32>} : memref<640x16xf32, #tpu.memory_space<vmem>>, vector<1x16xf32>,
      %swap3A_449 = vector.shape_cast %swap3A_448 : vector<1x16xf32> to vector<16xf32>
      %swap3A_450 = vector.shape_cast %mul3A_445 : vector<16xf32> to vector<1x16xf32>
      tpu.vector_store %arg14[%swap3A_446, %swap3A_447], %swap3A_450 {strides = array<i32>} : memref<640x16xf32, #tpu.memory_space<vmem>>, vector<1x16xf32>,
      %mul3A_451 = vector.broadcast %select_n3A : f32 to vector<16xf32>
      %mul3A_452 = arith.mulf %mul3A_445, %mul3A_451 : vector<16xf32>
      %swap3A_453 = arith.index_cast %add3A_422 : i32 to index
      %swap3A_454 = arith.constant 0 : index
      %swap3A_455 = tpu.vector_load %arg12[%swap3A_453, %swap3A_454] {strides = array<i32>} : memref<2000x16xf32, #tpu.memory_space<vmem>>, vector<1x16xf32>,
      %swap3A_456 = vector.shape_cast %swap3A_455 : vector<1x16xf32> to vector<16xf32>
      %swap3A_457 = vector.shape_cast %mul3A_452 : vector<16xf32> to vector<1x16xf32>
      tpu.vector_store %arg12[%swap3A_453, %swap3A_454], %swap3A_457 {strides = array<i32>} : memref<2000x16xf32, #tpu.memory_space<vmem>>, vector<1x16xf32>,
      %mul3A_458 = arith.constant 8 : i32
      %mul3A_459 = arith.muli %scan3A_341, %mul3A_458 : i32
      %add3A_460 = arith.constant 3 : i32
      %add3A_461 = arith.addi %mul3A_459, %add3A_460 : i32
      %get3A_462 = arith.index_cast %add3A_461 : i32 to index
      %get3A_463 = arith.constant 0 : index
      %get3A_464 = tpu.vector_load %arg13[%get3A_462, %get3A_463] {strides = array<i32>} : memref<640x16xf32, #tpu.memory_space<vmem>>, vector<1x16xf32>,
      %get3A_465 = vector.shape_cast %get3A_464 : vector<1x16xf32> to vector<16xf32>
      %get3A_466 = arith.index_cast %add3A_461 : i32 to index
      %get3A_467 = arith.constant 0 : index
      %get3A_468 = tpu.vector_load %arg11[%get3A_466, %get3A_467] {strides = array<i32>} : memref<2000x16xf32, #tpu.memory_space<vmem>>, vector<1x16xf32>,
      %get3A_469 = vector.shape_cast %get3A_468 : vector<1x16xf32> to vector<16xf32>
      %get3A_470 = arith.index_cast %add3A_461 : i32 to index
      %get3A_471 = arith.constant 0 : index
      %get3A_472 = tpu.vector_load %arg12[%get3A_470, %get3A_471] {strides = array<i32>} : memref<2000x16xf32, #tpu.memory_space<vmem>>, vector<1x16xf32>,
      %get3A_473 = vector.shape_cast %get3A_472 : vector<1x16xf32> to vector<16xf32>
      %add3A_474 = arith.addf %get3A_469, %get3A_473 : vector<16xf32>
      %mul3A_475 = arith.mulf %get3A_465, %add3A_474 : vector<16xf32>
      %add3A_476 = arith.addf %mul3A_475, %get3A_48 : vector<16xf32>
      %get3A_477 = arith.index_cast %add3A_461 : i32 to index
      %get3A_478 = arith.constant 0 : index
      %get3A_479 = tpu.vector_load %arg13[%get3A_477, %get3A_478] {strides = array<i32>} : memref<640x16xf32, #tpu.memory_space<vmem>>, vector<1x16xf32>,
      %get3A_480 = vector.shape_cast %get3A_479 : vector<1x16xf32> to vector<16xf32>
      %max3A_481 = arith.constant 0.000000e+00 : f32
      %max3A_482 = vector.broadcast %max3A_481 : f32 to vector<16xf32>
      %max3A_483 = arith.maximumf %add3A_476, %max3A_482 : vector<16xf32>
      %mul3A_484 = arith.mulf %get3A_480, %max3A_483 : vector<16xf32>
      %swap3A_485 = arith.index_cast %add3A_461 : i32 to index
      %swap3A_486 = arith.constant 0 : index
      %swap3A_487 = tpu.vector_load %arg14[%swap3A_485, %swap3A_486] {strides = array<i32>} : memref<640x16xf32, #tpu.memory_space<vmem>>, vector<1x16xf32>,
      %swap3A_488 = vector.shape_cast %swap3A_487 : vector<1x16xf32> to vector<16xf32>
      %swap3A_489 = vector.shape_cast %mul3A_484 : vector<16xf32> to vector<1x16xf32>
      tpu.vector_store %arg14[%swap3A_485, %swap3A_486], %swap3A_489 {strides = array<i32>} : memref<640x16xf32, #tpu.memory_space<vmem>>, vector<1x16xf32>,
      %mul3A_490 = vector.broadcast %select_n3A : f32 to vector<16xf32>
      %mul3A_491 = arith.mulf %mul3A_484, %mul3A_490 : vector<16xf32>
      %swap3A_492 = arith.index_cast %add3A_461 : i32 to index
      %swap3A_493 = arith.constant 0 : index
      %swap3A_494 = tpu.vector_load %arg12[%swap3A_492, %swap3A_493] {strides = array<i32>} : memref<2000x16xf32, #tpu.memory_space<vmem>>, vector<1x16xf32>,
      %swap3A_495 = vector.shape_cast %swap3A_494 : vector<1x16xf32> to vector<16xf32>
      %swap3A_496 = vector.shape_cast %mul3A_491 : vector<16xf32> to vector<1x16xf32>
      tpu.vector_store %arg12[%swap3A_492, %swap3A_493], %swap3A_496 {strides = array<i32>} : memref<2000x16xf32, #tpu.memory_space<vmem>>, vector<1x16xf32>,
      %mul3A_497 = arith.constant 8 : i32
      %mul3A_498 = arith.muli %scan3A_341, %mul3A_497 : i32
      %add3A_499 = arith.constant 4 : i32
      %add3A_500 = arith.addi %mul3A_498, %add3A_499 : i32
      %get3A_501 = arith.index_cast %add3A_500 : i32 to index
      %get3A_502 = arith.constant 0 : index
      %get3A_503 = tpu.vector_load %arg13[%get3A_501, %get3A_502] {strides = array<i32>} : memref<640x16xf32, #tpu.memory_space<vmem>>, vector<1x16xf32>,
      %get3A_504 = vector.shape_cast %get3A_503 : vector<1x16xf32> to vector<16xf32>
      %get3A_505 = arith.index_cast %add3A_500 : i32 to index
      %get3A_506 = arith.constant 0 : index
      %get3A_507 = tpu.vector_load %arg11[%get3A_505, %get3A_506] {strides = array<i32>} : memref<2000x16xf32, #tpu.memory_space<vmem>>, vector<1x16xf32>,
      %get3A_508 = vector.shape_cast %get3A_507 : vector<1x16xf32> to vector<16xf32>
      %get3A_509 = arith.index_cast %add3A_500 : i32 to index
      %get3A_510 = arith.constant 0 : index
      %get3A_511 = tpu.vector_load %arg12[%get3A_509, %get3A_510] {strides = array<i32>} : memref<2000x16xf32, #tpu.memory_space<vmem>>, vector<1x16xf32>,
      %get3A_512 = vector.shape_cast %get3A_511 : vector<1x16xf32> to vector<16xf32>
      %add3A_513 = arith.addf %get3A_508, %get3A_512 : vector<16xf32>
      %mul3A_514 = arith.mulf %get3A_504, %add3A_513 : vector<16xf32>
      %add3A_515 = arith.addf %mul3A_514, %get3A_48 : vector<16xf32>
      %get3A_516 = arith.index_cast %add3A_500 : i32 to index
      %get3A_517 = arith.constant 0 : index
      %get3A_518 = tpu.vector_load %arg13[%get3A_516, %get3A_517] {strides = array<i32>} : memref<640x16xf32, #tpu.memory_space<vmem>>, vector<1x16xf32>,
      %get3A_519 = vector.shape_cast %get3A_518 : vector<1x16xf32> to vector<16xf32>
      %max3A_520 = arith.constant 0.000000e+00 : f32
      %max3A_521 = vector.broadcast %max3A_520 : f32 to vector<16xf32>
      %max3A_522 = arith.maximumf %add3A_515, %max3A_521 : vector<16xf32>
      %mul3A_523 = arith.mulf %get3A_519, %max3A_522 : vector<16xf32>
      %swap3A_524 = arith.index_cast %add3A_500 : i32 to index
      %swap3A_525 = arith.constant 0 : index
      %swap3A_526 = tpu.vector_load %arg14[%swap3A_524, %swap3A_525] {strides = array<i32>} : memref<640x16xf32, #tpu.memory_space<vmem>>, vector<1x16xf32>,
      %swap3A_527 = vector.shape_cast %swap3A_526 : vector<1x16xf32> to vector<16xf32>
      %swap3A_528 = vector.shape_cast %mul3A_523 : vector<16xf32> to vector<1x16xf32>
      tpu.vector_store %arg14[%swap3A_524, %swap3A_525], %swap3A_528 {strides = array<i32>} : memref<640x16xf32, #tpu.memory_space<vmem>>, vector<1x16xf32>,
      %mul3A_529 = vector.broadcast %select_n3A : f32 to vector<16xf32>
      %mul3A_530 = arith.mulf %mul3A_523, %mul3A_529 : vector<16xf32>
      %swap3A_531 = arith.index_cast %add3A_500 : i32 to index
      %swap3A_532 = arith.constant 0 : index
      %swap3A_533 = tpu.vector_load %arg12[%swap3A_531, %swap3A_532] {strides = array<i32>} : memref<2000x16xf32, #tpu.memory_space<vmem>>, vector<1x16xf32>,
      %swap3A_534 = vector.shape_cast %swap3A_533 : vector<1x16xf32> to vector<16xf32>
      %swap3A_535 = vector.shape_cast %mul3A_530 : vector<16xf32> to vector<1x16xf32>
      tpu.vector_store %arg12[%swap3A_531, %swap3A_532], %swap3A_535 {strides = array<i32>} : memref<2000x16xf32, #tpu.memory_space<vmem>>, vector<1x16xf32>,
      %mul3A_536 = arith.constant 8 : i32
      %mul3A_537 = arith.muli %scan3A_341, %mul3A_536 : i32
      %add3A_538 = arith.constant 5 : i32
      %add3A_539 = arith.addi %mul3A_537, %add3A_538 : i32
      %get3A_540 = arith.index_cast %add3A_539 : i32 to index
      %get3A_541 = arith.constant 0 : index
      %get3A_542 = tpu.vector_load %arg13[%get3A_540, %get3A_541] {strides = array<i32>} : memref<640x16xf32, #tpu.memory_space<vmem>>, vector<1x16xf32>,
      %get3A_543 = vector.shape_cast %get3A_542 : vector<1x16xf32> to vector<16xf32>
      %get3A_544 = arith.index_cast %add3A_539 : i32 to index
      %get3A_545 = arith.constant 0 : index
      %get3A_546 = tpu.vector_load %arg11[%get3A_544, %get3A_545] {strides = array<i32>} : memref<2000x16xf32, #tpu.memory_space<vmem>>, vector<1x16xf32>,
      %get3A_547 = vector.shape_cast %get3A_546 : vector<1x16xf32> to vector<16xf32>
      %get3A_548 = arith.index_cast %add3A_539 : i32 to index
      %get3A_549 = arith.constant 0 : index
      %get3A_550 = tpu.vector_load %arg12[%get3A_548, %get3A_549] {strides = array<i32>} : memref<2000x16xf32, #tpu.memory_space<vmem>>, vector<1x16xf32>,
      %get3A_551 = vector.shape_cast %get3A_550 : vector<1x16xf32> to vector<16xf32>
      %add3A_552 = arith.addf %get3A_547, %get3A_551 : vector<16xf32>
      %mul3A_553 = arith.mulf %get3A_543, %add3A_552 : vector<16xf32>
      %add3A_554 = arith.addf %mul3A_553, %get3A_48 : vector<16xf32>
      %get3A_555 = arith.index_cast %add3A_539 : i32 to index
      %get3A_556 = arith.constant 0 : index
      %get3A_557 = tpu.vector_load %arg13[%get3A_555, %get3A_556] {strides = array<i32>} : memref<640x16xf32, #tpu.memory_space<vmem>>, vector<1x16xf32>,
      %get3A_558 = vector.shape_cast %get3A_557 : vector<1x16xf32> to vector<16xf32>
      %max3A_559 = arith.constant 0.000000e+00 : f32
      %max3A_560 = vector.broadcast %max3A_559 : f32 to vector<16xf32>
      %max3A_561 = arith.maximumf %add3A_554, %max3A_560 : vector<16xf32>
      %mul3A_562 = arith.mulf %get3A_558, %max3A_561 : vector<16xf32>
      %swap3A_563 = arith.index_cast %add3A_539 : i32 to index
      %swap3A_564 = arith.constant 0 : index
      %swap3A_565 = tpu.vector_load %arg14[%swap3A_563, %swap3A_564] {strides = array<i32>} : memref<640x16xf32, #tpu.memory_space<vmem>>, vector<1x16xf32>,
      %swap3A_566 = vector.shape_cast %swap3A_565 : vector<1x16xf32> to vector<16xf32>
      %swap3A_567 = vector.shape_cast %mul3A_562 : vector<16xf32> to vector<1x16xf32>
      tpu.vector_store %arg14[%swap3A_563, %swap3A_564], %swap3A_567 {strides = array<i32>} : memref<640x16xf32, #tpu.memory_space<vmem>>, vector<1x16xf32>,
      %mul3A_568 = vector.broadcast %select_n3A : f32 to vector<16xf32>
      %mul3A_569 = arith.mulf %mul3A_562, %mul3A_568 : vector<16xf32>
      %swap3A_570 = arith.index_cast %add3A_539 : i32 to index
      %swap3A_571 = arith.constant 0 : index
      %swap3A_572 = tpu.vector_load %arg12[%swap3A_570, %swap3A_571] {strides = array<i32>} : memref<2000x16xf32, #tpu.memory_space<vmem>>, vector<1x16xf32>,
      %swap3A_573 = vector.shape_cast %swap3A_572 : vector<1x16xf32> to vector<16xf32>
      %swap3A_574 = vector.shape_cast %mul3A_569 : vector<16xf32> to vector<1x16xf32>
      tpu.vector_store %arg12[%swap3A_570, %swap3A_571], %swap3A_574 {strides = array<i32>} : memref<2000x16xf32, #tpu.memory_space<vmem>>, vector<1x16xf32>,
      %mul3A_575 = arith.constant 8 : i32
      %mul3A_576 = arith.muli %scan3A_341, %mul3A_575 : i32
      %add3A_577 = arith.constant 6 : i32
      %add3A_578 = arith.addi %mul3A_576, %add3A_577 : i32
      %get3A_579 = arith.index_cast %add3A_578 : i32 to index
      %get3A_580 = arith.constant 0 : index
      %get3A_581 = tpu.vector_load %arg13[%get3A_579, %get3A_580] {strides = array<i32>} : memref<640x16xf32, #tpu.memory_space<vmem>>, vector<1x16xf32>,
      %get3A_582 = vector.shape_cast %get3A_581 : vector<1x16xf32> to vector<16xf32>
      %get3A_583 = arith.index_cast %add3A_578 : i32 to index
      %get3A_584 = arith.constant 0 : index
      %get3A_585 = tpu.vector_load %arg11[%get3A_583, %get3A_584] {strides = array<i32>} : memref<2000x16xf32, #tpu.memory_space<vmem>>, vector<1x16xf32>,
      %get3A_586 = vector.shape_cast %get3A_585 : vector<1x16xf32> to vector<16xf32>
      %get3A_587 = arith.index_cast %add3A_578 : i32 to index
      %get3A_588 = arith.constant 0 : index
      %get3A_589 = tpu.vector_load %arg12[%get3A_587, %get3A_588] {strides = array<i32>} : memref<2000x16xf32, #tpu.memory_space<vmem>>, vector<1x16xf32>,
      %get3A_590 = vector.shape_cast %get3A_589 : vector<1x16xf32> to vector<16xf32>
      %add3A_591 = arith.addf %get3A_586, %get3A_590 : vector<16xf32>
      %mul3A_592 = arith.mulf %get3A_582, %add3A_591 : vector<16xf32>
      %add3A_593 = arith.addf %mul3A_592, %get3A_48 : vector<16xf32>
      %get3A_594 = arith.index_cast %add3A_578 : i32 to index
      %get3A_595 = arith.constant 0 : index
      %get3A_596 = tpu.vector_load %arg13[%get3A_594, %get3A_595] {strides = array<i32>} : memref<640x16xf32, #tpu.memory_space<vmem>>, vector<1x16xf32>,
      %get3A_597 = vector.shape_cast %get3A_596 : vector<1x16xf32> to vector<16xf32>
      %max3A_598 = arith.constant 0.000000e+00 : f32
      %max3A_599 = vector.broadcast %max3A_598 : f32 to vector<16xf32>
      %max3A_600 = arith.maximumf %add3A_593, %max3A_599 : vector<16xf32>
      %mul3A_601 = arith.mulf %get3A_597, %max3A_600 : vector<16xf32>
      %swap3A_602 = arith.index_cast %add3A_578 : i32 to index
      %swap3A_603 = arith.constant 0 : index
      %swap3A_604 = tpu.vector_load %arg14[%swap3A_602, %swap3A_603] {strides = array<i32>} : memref<640x16xf32, #tpu.memory_space<vmem>>, vector<1x16xf32>,
      %swap3A_605 = vector.shape_cast %swap3A_604 : vector<1x16xf32> to vector<16xf32>
      %swap3A_606 = vector.shape_cast %mul3A_601 : vector<16xf32> to vector<1x16xf32>
      tpu.vector_store %arg14[%swap3A_602, %swap3A_603], %swap3A_606 {strides = array<i32>} : memref<640x16xf32, #tpu.memory_space<vmem>>, vector<1x16xf32>,
      %mul3A_607 = vector.broadcast %select_n3A : f32 to vector<16xf32>
      %mul3A_608 = arith.mulf %mul3A_601, %mul3A_607 : vector<16xf32>
      %swap3A_609 = arith.index_cast %add3A_578 : i32 to index
      %swap3A_610 = arith.constant 0 : index
      %swap3A_611 = tpu.vector_load %arg12[%swap3A_609, %swap3A_610] {strides = array<i32>} : memref<2000x16xf32, #tpu.memory_space<vmem>>, vector<1x16xf32>,
      %swap3A_612 = vector.shape_cast %swap3A_611 : vector<1x16xf32> to vector<16xf32>
      %swap3A_613 = vector.shape_cast %mul3A_608 : vector<16xf32> to vector<1x16xf32>
      tpu.vector_store %arg12[%swap3A_609, %swap3A_610], %swap3A_613 {strides = array<i32>} : memref<2000x16xf32, #tpu.memory_space<vmem>>, vector<1x16xf32>,
      %mul3A_614 = arith.constant 8 : i32
      %mul3A_615 = arith.muli %scan3A_341, %mul3A_614 : i32
      %add3A_616 = arith.constant 7 : i32
      %add3A_617 = arith.addi %mul3A_615, %add3A_616 : i32
      %get3A_618 = arith.index_cast %add3A_617 : i32 to index
      %get3A_619 = arith.constant 0 : index
      %get3A_620 = tpu.vector_load %arg13[%get3A_618, %get3A_619] {strides = array<i32>} : memref<640x16xf32, #tpu.memory_space<vmem>>, vector<1x16xf32>,
      %get3A_621 = vector.shape_cast %get3A_620 : vector<1x16xf32> to vector<16xf32>
      %get3A_622 = arith.index_cast %add3A_617 : i32 to index
      %get3A_623 = arith.constant 0 : index
      %get3A_624 = tpu.vector_load %arg11[%get3A_622, %get3A_623] {strides = array<i32>} : memref<2000x16xf32, #tpu.memory_space<vmem>>, vector<1x16xf32>,
      %get3A_625 = vector.shape_cast %get3A_624 : vector<1x16xf32> to vector<16xf32>
      %get3A_626 = arith.index_cast %add3A_617 : i32 to index
      %get3A_627 = arith.constant 0 : index
      %get3A_628 = tpu.vector_load %arg12[%get3A_626, %get3A_627] {strides = array<i32>} : memref<2000x16xf32, #tpu.memory_space<vmem>>, vector<1x16xf32>,
      %get3A_629 = vector.shape_cast %get3A_628 : vector<1x16xf32> to vector<16xf32>
      %add3A_630 = arith.addf %get3A_625, %get3A_629 : vector<16xf32>
      %mul3A_631 = arith.mulf %get3A_621, %add3A_630 : vector<16xf32>
      %add3A_632 = arith.addf %mul3A_631, %get3A_48 : vector<16xf32>
      %get3A_633 = arith.index_cast %add3A_617 : i32 to index
      %get3A_634 = arith.constant 0 : index
      %get3A_635 = tpu.vector_load %arg13[%get3A_633, %get3A_634] {strides = array<i32>} : memref<640x16xf32, #tpu.memory_space<vmem>>, vector<1x16xf32>,
      %get3A_636 = vector.shape_cast %get3A_635 : vector<1x16xf32> to vector<16xf32>
      %max3A_637 = arith.constant 0.000000e+00 : f32
      %max3A_638 = vector.broadcast %max3A_637 : f32 to vector<16xf32>
      %max3A_639 = arith.maximumf %add3A_632, %max3A_638 : vector<16xf32>
      %mul3A_640 = arith.mulf %get3A_636, %max3A_639 : vector<16xf32>
      %swap3A_641 = arith.index_cast %add3A_617 : i32 to index
      %swap3A_642 = arith.constant 0 : index
      %swap3A_643 = tpu.vector_load %arg14[%swap3A_641, %swap3A_642] {strides = array<i32>} : memref<640x16xf32, #tpu.memory_space<vmem>>, vector<1x16xf32>,
      %swap3A_644 = vector.shape_cast %swap3A_643 : vector<1x16xf32> to vector<16xf32>
      %swap3A_645 = vector.shape_cast %mul3A_640 : vector<16xf32> to vector<1x16xf32>
      tpu.vector_store %arg14[%swap3A_641, %swap3A_642], %swap3A_645 {strides = array<i32>} : memref<640x16xf32, #tpu.memory_space<vmem>>, vector<1x16xf32>,
      %mul3A_646 = vector.broadcast %select_n3A : f32 to vector<16xf32>
      %mul3A_647 = arith.mulf %mul3A_640, %mul3A_646 : vector<16xf32>
      %swap3A_648 = arith.index_cast %add3A_617 : i32 to index
      %swap3A_649 = arith.constant 0 : index
      %swap3A_650 = tpu.vector_load %arg12[%swap3A_648, %swap3A_649] {strides = array<i32>} : memref<2000x16xf32, #tpu.memory_space<vmem>>, vector<1x16xf32>,
      %swap3A_651 = vector.shape_cast %swap3A_650 : vector<1x16xf32> to vector<16xf32>
      %swap3A_652 = vector.shape_cast %mul3A_647 : vector<16xf32> to vector<1x16xf32>
      tpu.vector_store %arg12[%swap3A_648, %swap3A_649], %swap3A_652 {strides = array<i32>} : memref<2000x16xf32, #tpu.memory_space<vmem>>, vector<1x16xf32>,
      %scan3A_653 = arith.constant 0 : i32
      scf.yield %scan3A_653 : i32
    }
    %scan3A_78 = arith.constant 80 : i32
    "tpu.region"() ({
      %run_scoped3A_341 = tpu.sem_alloc : memref<!tpu.dma_semaphore, #tpu.memory_space<semaphore_mem>>
      %dma_start3A_342 = arith.constant 0 : i32
      %dma_start3A_343 = tpu.memref_slice %arg7[%arg0, %mul3A_2, %dma_start3A_342] : memref<2x10240x16xf32, #tpu.memory_space<hbm>> -> memref<1x640x16xf32, #tpu.memory_space<hbm>>
      %dma_start3A_344 = tpu.memref_squeeze %dma_start3A_343 : memref<1x640x16xf32, #tpu.memory_space<hbm>> -> memref<640x16xf32, #tpu.memory_space<hbm>>
      %dma_start3A_345 = arith.constant 0 : i32
      %dma_start3A_346 = tpu.memref_slice %arg7[%arg0, %mul3A_2, %dma_start3A_345] : memref<2x10240x16xf32, #tpu.memory_space<hbm>> -> memref<1x640x16xf32, #tpu.memory_space<hbm>>
      %dma_start3A_347 = tpu.memref_squeeze %dma_start3A_346 : memref<1x640x16xf32, #tpu.memory_space<hbm>> -> memref<640x16xf32, #tpu.memory_space<hbm>>
      tpu.enqueue_dma source(%arg14 : memref<640x16xf32, #tpu.memory_space<vmem>>) target(%dma_start3A_347 : memref<640x16xf32, #tpu.memory_space<hbm>>) target_semaphore(%run_scoped3A_341 : memref<!tpu.dma_semaphore, #tpu.memory_space<semaphore_mem>>)
      %dma_wait3A_348 = arith.constant 0 : i32
      %dma_wait3A_349 = tpu.memref_slice %arg7[%arg0, %mul3A_2, %dma_wait3A_348] : memref<2x10240x16xf32, #tpu.memory_space<hbm>> -> memref<1x640x16xf32, #tpu.memory_space<hbm>>
      %dma_wait3A_350 = tpu.memref_squeeze %dma_wait3A_349 : memref<1x640x16xf32, #tpu.memory_space<hbm>> -> memref<640x16xf32, #tpu.memory_space<hbm>>
      %dma_wait3A_351 = arith.constant 0 : i32
      %dma_wait3A_352 = tpu.memref_slice %arg7[%arg0, %mul3A_2, %dma_wait3A_351] : memref<2x10240x16xf32, #tpu.memory_space<hbm>> -> memref<1x640x16xf32, #tpu.memory_space<hbm>>
      %dma_wait3A_353 = tpu.memref_squeeze %dma_wait3A_352 : memref<1x640x16xf32, #tpu.memory_space<hbm>> -> memref<640x16xf32, #tpu.memory_space<hbm>>
      tpu.wait_dma2 semaphore(%run_scoped3A_341 : memref<!tpu.dma_semaphore, #tpu.memory_space<semaphore_mem>>) src(%arg14 : memref<640x16xf32, #tpu.memory_space<vmem>>) dst(%dma_wait3A_353 : memref<640x16xf32, #tpu.memory_space<hbm>>)
      tpu.yield
    }) : () -> ()
    "tpu.region"() ({
      %run_scoped3A_341 = tpu.sem_alloc : memref<!tpu.dma_semaphore, #tpu.memory_space<semaphore_mem>>
      %dma_start3A_342 = arith.constant 0 : i32
      %dma_start3A_343 = arith.constant 0 : i32
      %dma_start3A_344 = tpu.memref_slice %arg12[%dma_start3A_342, %dma_start3A_343] : memref<2000x16xf32, #tpu.memory_space<vmem>> -> memref<640x16xf32, #tpu.memory_space<vmem>>
      %dma_start3A_345 = arith.constant 0 : i32
      %dma_start3A_346 = tpu.memref_slice %arg16[%mul3A_2, %dma_start3A_345] : memref<10240x16xf32, #tpu.memory_space<vmem_shared>> -> memref<640x16xf32, #tpu.memory_space<vmem_shared>>
      %dma_start3A_347 = arith.constant 0 : i32
      %dma_start3A_348 = tpu.memref_slice %arg16[%mul3A_2, %dma_start3A_347] : memref<10240x16xf32, #tpu.memory_space<vmem_shared>> -> memref<640x16xf32, #tpu.memory_space<vmem_shared>>
      %dma_start3A_349 = arith.constant 0 : i32
      %dma_start3A_350 = arith.constant 0 : i32
      %dma_start3A_351 = tpu.memref_slice %arg12[%dma_start3A_349, %dma_start3A_350] : memref<2000x16xf32, #tpu.memory_space<vmem>> -> memref<640x16xf32, #tpu.memory_space<vmem>>
      tpu.enqueue_dma source(%dma_start3A_351 : memref<640x16xf32, #tpu.memory_space<vmem>>) target(%dma_start3A_348 : memref<640x16xf32, #tpu.memory_space<vmem_shared>>) target_semaphore(%run_scoped3A_341 : memref<!tpu.dma_semaphore, #tpu.memory_space<semaphore_mem>>)
      %dma_wait3A_352 = arith.constant 0 : i32
      %dma_wait3A_353 = arith.constant 0 : i32
      %dma_wait3A_354 = tpu.memref_slice %arg12[%dma_wait3A_352, %dma_wait3A_353] : memref<2000x16xf32, #tpu.memory_space<vmem>> -> memref<640x16xf32, #tpu.memory_space<vmem>>
      %dma_wait3A_355 = arith.constant 0 : i32
      %dma_wait3A_356 = tpu.memref_slice %arg16[%mul3A_2, %dma_wait3A_355] : memref<10240x16xf32, #tpu.memory_space<vmem_shared>> -> memref<640x16xf32, #tpu.memory_space<vmem_shared>>
      %dma_wait3A_357 = arith.constant 0 : i32
      %dma_wait3A_358 = tpu.memref_slice %arg16[%mul3A_2, %dma_wait3A_357] : memref<10240x16xf32, #tpu.memory_space<vmem_shared>> -> memref<640x16xf32, #tpu.memory_space<vmem_shared>>
      %dma_wait3A_359 = arith.constant 0 : i32
      %dma_wait3A_360 = arith.constant 0 : i32
      %dma_wait3A_361 = tpu.memref_slice %arg12[%dma_wait3A_359, %dma_wait3A_360] : memref<2000x16xf32, #tpu.memory_space<vmem>> -> memref<640x16xf32, #tpu.memory_space<vmem>>
      tpu.wait_dma2 semaphore(%run_scoped3A_341 : memref<!tpu.dma_semaphore, #tpu.memory_space<semaphore_mem>>) src(%dma_wait3A_361 : memref<640x16xf32, #tpu.memory_space<vmem>>) dst(%dma_wait3A_358 : memref<640x16xf32, #tpu.memory_space<vmem_shared>>)
      tpu.yield
    }) : () -> ()
    %dma_wait3A_79 = arith.constant 0 : i32
    %dma_wait3A_80 = arith.constant 0 : i32
    %dma_wait3A_81 = tpu.memref_slice %arg2[%mul3A_4, %dma_wait3A_80] : memref<160x2000xi32, #tpu.memory_space<hbm>> -> memref<5x2000xi32, #tpu.memory_space<hbm>>
    %dma_wait3A_82 = tpu.memref_slice %arg17[%dma_wait3A_79] : memref<2x!tpu.dma_semaphore, #tpu.memory_space<semaphore_mem>> -> memref<1x!tpu.dma_semaphore, #tpu.memory_space<semaphore_mem>>
    %dma_wait3A_83 = tpu.memref_squeeze %dma_wait3A_82 : memref<1x!tpu.dma_semaphore, #tpu.memory_space<semaphore_mem>> -> memref<!tpu.dma_semaphore, #tpu.memory_space<semaphore_mem>>
    %dma_wait3A_84 = arith.constant 0 : i32
    %dma_wait3A_85 = tpu.memref_slice %arg2[%mul3A_4, %dma_wait3A_84] : memref<160x2000xi32, #tpu.memory_space<hbm>> -> memref<5x2000xi32, #tpu.memory_space<hbm>>
    tpu.wait_dma2 semaphore(%dma_wait3A_83 : memref<!tpu.dma_semaphore, #tpu.memory_space<semaphore_mem>>) src(%dma_wait3A_85 : memref<5x2000xi32, #tpu.memory_space<hbm>>) dst(%arg9 : memref<5x2000xi32, #tpu.memory_space<vmem>>)
    %dma_wait3A_86 = arith.constant 1 : i32
    %dma_wait3A_87 = arith.constant 0 : i32
    %dma_wait3A_88 = tpu.memref_slice %arg3[%mul3A_12, %dma_wait3A_87] : memref<160x2000xi32, #tpu.memory_space<hbm>> -> memref<5x2000xi32, #tpu.memory_space<hbm>>
    %dma_wait3A_89 = tpu.memref_slice %arg17[%dma_wait3A_86] : memref<2x!tpu.dma_semaphore, #tpu.memory_space<semaphore_mem>> -> memref<1x!tpu.dma_semaphore, #tpu.memory_space<semaphore_mem>>
    %dma_wait3A_90 = tpu.memref_squeeze %dma_wait3A_89 : memref<1x!tpu.dma_semaphore, #tpu.memory_space<semaphore_mem>> -> memref<!tpu.dma_semaphore, #tpu.memory_space<semaphore_mem>>
    %dma_wait3A_91 = arith.constant 0 : i32
    %dma_wait3A_92 = tpu.memref_slice %arg3[%mul3A_12, %dma_wait3A_91] : memref<160x2000xi32, #tpu.memory_space<hbm>> -> memref<5x2000xi32, #tpu.memory_space<hbm>>
    tpu.wait_dma2 semaphore(%dma_wait3A_90 : memref<!tpu.dma_semaphore, #tpu.memory_space<semaphore_mem>>) src(%dma_wait3A_92 : memref<5x2000xi32, #tpu.memory_space<hbm>>) dst(%arg10 : memref<5x2000xi32, #tpu.memory_space<vmem>>)
    %barrier3A = arith.constant 0 : index
    tpu.barrier barrier_id(%barrier3A)
    %dma_start3A_93 = arith.constant 0 : i32
    %dma_start3A_94 = arith.constant 0 : i32
    %dma_start3A_95 = arith.constant 0 : i32
    %dma_start3A_96 = tpu.memref_slice %arg9[%dma_start3A_93, %dma_start3A_95] : memref<5x2000xi32, #tpu.memory_space<vmem>> -> memref<1x2000xi32, #tpu.memory_space<vmem>>
    %dma_start3A_97 = tpu.memref_squeeze %dma_start3A_96 : memref<1x2000xi32, #tpu.memory_space<vmem>> -> memref<2000xi32, #tpu.memory_space<vmem>>
    %dma_start3A_98 = arith.constant 0 : i32
    %dma_start3A_99 = arith.constant 0 : i32
    %dma_start3A_100 = tpu.memref_slice %arg7[%arg0, %dma_start3A_98, %dma_start3A_99] : memref<2x10240x16xf32, #tpu.memory_space<hbm>> -> memref<1x10240x16xf32, #tpu.memory_space<hbm>>
    %dma_start3A_101 = tpu.memref_squeeze %dma_start3A_100 : memref<1x10240x16xf32, #tpu.memory_space<hbm>> -> memref<10240x16xf32, #tpu.memory_space<hbm>>
    %dma_start3A_102 = arith.constant 0 : i32
    %dma_start3A_103 = arith.constant 0 : i32
    %dma_start3A_104 = tpu.memref_slice %dma_start3A_101[%dma_start3A_102, %dma_start3A_103] : memref<10240x16xf32, #tpu.memory_space<hbm>> -> memref<10240x16xf32, #tpu.memory_space<hbm>>
    %dma_start3A_105 = tpu.memref_slice %arg17[%dma_start3A_94] : memref<2x!tpu.dma_semaphore, #tpu.memory_space<semaphore_mem>> -> memref<1x!tpu.dma_semaphore, #tpu.memory_space<semaphore_mem>>
    %dma_start3A_106 = tpu.memref_squeeze %dma_start3A_105 : memref<1x!tpu.dma_semaphore, #tpu.memory_space<semaphore_mem>> -> memref<!tpu.dma_semaphore, #tpu.memory_space<semaphore_mem>>
    tpu.enqueue_indirect_dma source(%dma_start3A_104 : memref<10240x16xf32, #tpu.memory_space<hbm>>) target(%arg11 : memref<2000x16xf32, #tpu.memory_space<vmem>>) offsets(%dma_start3A_97 : memref<2000xi32, #tpu.memory_space<vmem>>) semaphore(%dma_start3A_106 : memref<!tpu.dma_semaphore, #tpu.memory_space<semaphore_mem>>)
    %dma_wait3A_107 = arith.constant 0 : i32
    %dma_wait3A_108 = arith.constant 0 : i32
    %dma_wait3A_109 = arith.constant 0 : i32
    %dma_wait3A_110 = tpu.memref_slice %arg9[%dma_wait3A_107, %dma_wait3A_109] : memref<5x2000xi32, #tpu.memory_space<vmem>> -> memref<1x2000xi32, #tpu.memory_space<vmem>>
    %dma_wait3A_111 = tpu.memref_squeeze %dma_wait3A_110 : memref<1x2000xi32, #tpu.memory_space<vmem>> -> memref<2000xi32, #tpu.memory_space<vmem>>
    %dma_wait3A_112 = arith.constant 0 : i32
    %dma_wait3A_113 = arith.constant 0 : i32
    %dma_wait3A_114 = tpu.memref_slice %arg7[%arg0, %dma_wait3A_112, %dma_wait3A_113] : memref<2x10240x16xf32, #tpu.memory_space<hbm>> -> memref<1x10240x16xf32, #tpu.memory_space<hbm>>
    %dma_wait3A_115 = tpu.memref_squeeze %dma_wait3A_114 : memref<1x10240x16xf32, #tpu.memory_space<hbm>> -> memref<10240x16xf32, #tpu.memory_space<hbm>>
    %dma_wait3A_116 = arith.constant 0 : i32
    %dma_wait3A_117 = arith.constant 0 : i32
    %dma_wait3A_118 = tpu.memref_slice %dma_wait3A_115[%dma_wait3A_116, %dma_wait3A_117] : memref<10240x16xf32, #tpu.memory_space<hbm>> -> memref<10240x16xf32, #tpu.memory_space<hbm>>
    %dma_wait3A_119 = tpu.memref_slice %arg17[%dma_wait3A_108] : memref<2x!tpu.dma_semaphore, #tpu.memory_space<semaphore_mem>> -> memref<1x!tpu.dma_semaphore, #tpu.memory_space<semaphore_mem>>
    %dma_wait3A_120 = tpu.memref_squeeze %dma_wait3A_119 : memref<1x!tpu.dma_semaphore, #tpu.memory_space<semaphore_mem>> -> memref<!tpu.dma_semaphore, #tpu.memory_space<semaphore_mem>>
    tpu.wait_indirect_dma semaphore(%dma_wait3A_120 : memref<!tpu.dma_semaphore, #tpu.memory_space<semaphore_mem>>) src(%dma_wait3A_118 : memref<10240x16xf32, #tpu.memory_space<hbm>>) dst(%arg11 : memref<2000x16xf32, #tpu.memory_space<vmem>>)
    %dma_start3A_121 = arith.constant 1 : i32
    %dma_start3A_122 = arith.constant 1 : i32
    %dma_start3A_123 = arith.constant 0 : i32
    %dma_start3A_124 = tpu.memref_slice %arg9[%dma_start3A_121, %dma_start3A_123] : memref<5x2000xi32, #tpu.memory_space<vmem>> -> memref<1x2000xi32, #tpu.memory_space<vmem>>
    %dma_start3A_125 = tpu.memref_squeeze %dma_start3A_124 : memref<1x2000xi32, #tpu.memory_space<vmem>> -> memref<2000xi32, #tpu.memory_space<vmem>>
    %dma_start3A_126 = arith.constant 0 : i32
    %dma_start3A_127 = arith.constant 0 : i32
    %dma_start3A_128 = tpu.memref_slice %arg7[%arg0, %dma_start3A_126, %dma_start3A_127] : memref<2x10240x16xf32, #tpu.memory_space<hbm>> -> memref<1x10240x16xf32, #tpu.memory_space<hbm>>
    %dma_start3A_129 = tpu.memref_squeeze %dma_start3A_128 : memref<1x10240x16xf32, #tpu.memory_space<hbm>> -> memref<10240x16xf32, #tpu.memory_space<hbm>>
    %dma_start3A_130 = arith.constant 0 : i32
    %dma_start3A_131 = arith.constant 0 : i32
    %dma_start3A_132 = tpu.memref_slice %dma_start3A_129[%dma_start3A_130, %dma_start3A_131] : memref<10240x16xf32, #tpu.memory_space<hbm>> -> memref<10240x16xf32, #tpu.memory_space<hbm>>
    %dma_start3A_133 = tpu.memref_slice %arg17[%dma_start3A_122] : memref<2x!tpu.dma_semaphore, #tpu.memory_space<semaphore_mem>> -> memref<1x!tpu.dma_semaphore, #tpu.memory_space<semaphore_mem>>
    %dma_start3A_134 = tpu.memref_squeeze %dma_start3A_133 : memref<1x!tpu.dma_semaphore, #tpu.memory_space<semaphore_mem>> -> memref<!tpu.dma_semaphore, #tpu.memory_space<semaphore_mem>>
    tpu.enqueue_indirect_dma source(%dma_start3A_132 : memref<10240x16xf32, #tpu.memory_space<hbm>>) target(%arg12 : memref<2000x16xf32, #tpu.memory_space<vmem>>) offsets(%dma_start3A_125 : memref<2000xi32, #tpu.memory_space<vmem>>) semaphore(%dma_start3A_134 : memref<!tpu.dma_semaphore, #tpu.memory_space<semaphore_mem>>)
    %dma_start3A_135 = arith.constant 0 : i32
    %dma_start3A_136 = arith.constant 0 : i32
    %dma_start3A_137 = arith.constant 0 : i32
    %dma_start3A_138 = tpu.memref_slice %arg10[%dma_start3A_135, %dma_start3A_137] : memref<5x2000xi32, #tpu.memory_space<vmem>> -> memref<1x2000xi32, #tpu.memory_space<vmem>>
    %dma_start3A_139 = tpu.memref_squeeze %dma_start3A_138 : memref<1x2000xi32, #tpu.memory_space<vmem>> -> memref<2000xi32, #tpu.memory_space<vmem>>
    %dma_start3A_140 = arith.constant 0 : i32
    %dma_start3A_141 = arith.constant 0 : i32
    %dma_start3A_142 = tpu.memref_slice %arg16[%dma_start3A_140, %dma_start3A_141] : memref<10240x16xf32, #tpu.memory_space<vmem_shared>> -> memref<10240x16xf32, #tpu.memory_space<vmem_shared>>
    %dma_start3A_143 = tpu.memref_slice %arg18[%dma_start3A_136] : memref<2x!tpu.dma_semaphore, #tpu.memory_space<semaphore_mem>> -> memref<1x!tpu.dma_semaphore, #tpu.memory_space<semaphore_mem>>
    %dma_start3A_144 = tpu.memref_squeeze %dma_start3A_143 : memref<1x!tpu.dma_semaphore, #tpu.memory_space<semaphore_mem>> -> memref<!tpu.dma_semaphore, #tpu.memory_space<semaphore_mem>>
    tpu.enqueue_indirect_dma source(%arg11 : memref<2000x16xf32, #tpu.memory_space<vmem>>) target(%dma_start3A_142 : memref<10240x16xf32, #tpu.memory_space<vmem_shared>>) offsets(%dma_start3A_139 : memref<2000xi32, #tpu.memory_space<vmem>>) semaphore(%dma_start3A_144 : memref<!tpu.dma_semaphore, #tpu.memory_space<semaphore_mem>>) {add = true}
    %dma_wait3A_145 = arith.constant 1 : i32
    %dma_wait3A_146 = arith.constant 1 : i32
    %dma_wait3A_147 = arith.constant 0 : i32
    %dma_wait3A_148 = tpu.memref_slice %arg9[%dma_wait3A_145, %dma_wait3A_147] : memref<5x2000xi32, #tpu.memory_space<vmem>> -> memref<1x2000xi32, #tpu.memory_space<vmem>>
    %dma_wait3A_149 = tpu.memref_squeeze %dma_wait3A_148 : memref<1x2000xi32, #tpu.memory_space<vmem>> -> memref<2000xi32, #tpu.memory_space<vmem>>
    %dma_wait3A_150 = arith.constant 0 : i32
    %dma_wait3A_151 = arith.constant 0 : i32
    %dma_wait3A_152 = tpu.memref_slice %arg7[%arg0, %dma_wait3A_150, %dma_wait3A_151] : memref<2x10240x16xf32, #tpu.memory_space<hbm>> -> memref<1x10240x16xf32, #tpu.memory_space<hbm>>
    %dma_wait3A_153 = tpu.memref_squeeze %dma_wait3A_152 : memref<1x10240x16xf32, #tpu.memory_space<hbm>> -> memref<10240x16xf32, #tpu.memory_space<hbm>>
    %dma_wait3A_154 = arith.constant 0 : i32
    %dma_wait3A_155 = arith.constant 0 : i32
    %dma_wait3A_156 = tpu.memref_slice %dma_wait3A_153[%dma_wait3A_154, %dma_wait3A_155] : memref<10240x16xf32, #tpu.memory_space<hbm>> -> memref<10240x16xf32, #tpu.memory_space<hbm>>
    %dma_wait3A_157 = tpu.memref_slice %arg17[%dma_wait3A_146] : memref<2x!tpu.dma_semaphore, #tpu.memory_space<semaphore_mem>> -> memref<1x!tpu.dma_semaphore, #tpu.memory_space<semaphore_mem>>
    %dma_wait3A_158 = tpu.memref_squeeze %dma_wait3A_157 : memref<1x!tpu.dma_semaphore, #tpu.memory_space<semaphore_mem>> -> memref<!tpu.dma_semaphore, #tpu.memory_space<semaphore_mem>>
    tpu.wait_indirect_dma semaphore(%dma_wait3A_158 : memref<!tpu.dma_semaphore, #tpu.memory_space<semaphore_mem>>) src(%dma_wait3A_156 : memref<10240x16xf32, #tpu.memory_space<hbm>>) dst(%arg12 : memref<2000x16xf32, #tpu.memory_space<vmem>>)
    %dma_wait3A_159 = arith.constant 0 : i32
    %dma_wait3A_160 = arith.constant 0 : i32
    %dma_wait3A_161 = arith.constant 0 : i32
    %dma_wait3A_162 = tpu.memref_slice %arg10[%dma_wait3A_159, %dma_wait3A_161] : memref<5x2000xi32, #tpu.memory_space<vmem>> -> memref<1x2000xi32, #tpu.memory_space<vmem>>
    %dma_wait3A_163 = tpu.memref_squeeze %dma_wait3A_162 : memref<1x2000xi32, #tpu.memory_space<vmem>> -> memref<2000xi32, #tpu.memory_space<vmem>>
    %dma_wait3A_164 = arith.constant 0 : i32
    %dma_wait3A_165 = arith.constant 0 : i32
    %dma_wait3A_166 = tpu.memref_slice %arg16[%dma_wait3A_164, %dma_wait3A_165] : memref<10240x16xf32, #tpu.memory_space<vmem_shared>> -> memref<10240x16xf32, #tpu.memory_space<vmem_shared>>
    %dma_wait3A_167 = tpu.memref_slice %arg18[%dma_wait3A_160] : memref<2x!tpu.dma_semaphore, #tpu.memory_space<semaphore_mem>> -> memref<1x!tpu.dma_semaphore, #tpu.memory_space<semaphore_mem>>
    %dma_wait3A_168 = tpu.memref_squeeze %dma_wait3A_167 : memref<1x!tpu.dma_semaphore, #tpu.memory_space<semaphore_mem>> -> memref<!tpu.dma_semaphore, #tpu.memory_space<semaphore_mem>>
    tpu.wait_indirect_dma semaphore(%dma_wait3A_168 : memref<!tpu.dma_semaphore, #tpu.memory_space<semaphore_mem>>) src(%arg11 : memref<2000x16xf32, #tpu.memory_space<vmem>>) dst(%dma_wait3A_166 : memref<10240x16xf32, #tpu.memory_space<vmem_shared>>)
    %dma_start3A_169 = arith.constant 2 : i32
    %dma_start3A_170 = arith.constant 0 : i32
    %dma_start3A_171 = arith.constant 0 : i32
    %dma_start3A_172 = tpu.memref_slice %arg9[%dma_start3A_169, %dma_start3A_171] : memref<5x2000xi32, #tpu.memory_space<vmem>> -> memref<1x2000xi32, #tpu.memory_space<vmem>>
    %dma_start3A_173 = tpu.memref_squeeze %dma_start3A_172 : memref<1x2000xi32, #tpu.memory_space<vmem>> -> memref<2000xi32, #tpu.memory_space<vmem>>
    %dma_start3A_174 = arith.constant 0 : i32
    %dma_start3A_175 = arith.constant 0 : i32
    %dma_start3A_176 = tpu.memref_slice %arg7[%arg0, %dma_start3A_174, %dma_start3A_175] : memref<2x10240x16xf32, #tpu.memory_space<hbm>> -> memref<1x10240x16xf32, #tpu.memory_space<hbm>>
    %dma_start3A_177 = tpu.memref_squeeze %dma_start3A_176 : memref<1x10240x16xf32, #tpu.memory_space<hbm>> -> memref<10240x16xf32, #tpu.memory_space<hbm>>
    %dma_start3A_178 = arith.constant 0 : i32
    %dma_start3A_179 = arith.constant 0 : i32
    %dma_start3A_180 = tpu.memref_slice %dma_start3A_177[%dma_start3A_178, %dma_start3A_179] : memref<10240x16xf32, #tpu.memory_space<hbm>> -> memref<10240x16xf32, #tpu.memory_space<hbm>>
    %dma_start3A_181 = tpu.memref_slice %arg17[%dma_start3A_170] : memref<2x!tpu.dma_semaphore, #tpu.memory_space<semaphore_mem>> -> memref<1x!tpu.dma_semaphore, #tpu.memory_space<semaphore_mem>>
    %dma_start3A_182 = tpu.memref_squeeze %dma_start3A_181 : memref<1x!tpu.dma_semaphore, #tpu.memory_space<semaphore_mem>> -> memref<!tpu.dma_semaphore, #tpu.memory_space<semaphore_mem>>
    tpu.enqueue_indirect_dma source(%dma_start3A_180 : memref<10240x16xf32, #tpu.memory_space<hbm>>) target(%arg11 : memref<2000x16xf32, #tpu.memory_space<vmem>>) offsets(%dma_start3A_173 : memref<2000xi32, #tpu.memory_space<vmem>>) semaphore(%dma_start3A_182 : memref<!tpu.dma_semaphore, #tpu.memory_space<semaphore_mem>>)
    %dma_start3A_183 = arith.constant 1 : i32
    %dma_start3A_184 = arith.constant 1 : i32
    %dma_start3A_185 = arith.constant 0 : i32
    %dma_start3A_186 = tpu.memref_slice %arg10[%dma_start3A_183, %dma_start3A_185] : memref<5x2000xi32, #tpu.memory_space<vmem>> -> memref<1x2000xi32, #tpu.memory_space<vmem>>
    %dma_start3A_187 = tpu.memref_squeeze %dma_start3A_186 : memref<1x2000xi32, #tpu.memory_space<vmem>> -> memref<2000xi32, #tpu.memory_space<vmem>>
    %dma_start3A_188 = arith.constant 0 : i32
    %dma_start3A_189 = arith.constant 0 : i32
    %dma_start3A_190 = tpu.memref_slice %arg16[%dma_start3A_188, %dma_start3A_189] : memref<10240x16xf32, #tpu.memory_space<vmem_shared>> -> memref<10240x16xf32, #tpu.memory_space<vmem_shared>>
    %dma_start3A_191 = tpu.memref_slice %arg18[%dma_start3A_184] : memref<2x!tpu.dma_semaphore, #tpu.memory_space<semaphore_mem>> -> memref<1x!tpu.dma_semaphore, #tpu.memory_space<semaphore_mem>>
    %dma_start3A_192 = tpu.memref_squeeze %dma_start3A_191 : memref<1x!tpu.dma_semaphore, #tpu.memory_space<semaphore_mem>> -> memref<!tpu.dma_semaphore, #tpu.memory_space<semaphore_mem>>
    tpu.enqueue_indirect_dma source(%arg12 : memref<2000x16xf32, #tpu.memory_space<vmem>>) target(%dma_start3A_190 : memref<10240x16xf32, #tpu.memory_space<vmem_shared>>) offsets(%dma_start3A_187 : memref<2000xi32, #tpu.memory_space<vmem>>) semaphore(%dma_start3A_192 : memref<!tpu.dma_semaphore, #tpu.memory_space<semaphore_mem>>) {add = true}
    %dma_wait3A_193 = arith.constant 2 : i32
    %dma_wait3A_194 = arith.constant 0 : i32
    %dma_wait3A_195 = arith.constant 0 : i32
    %dma_wait3A_196 = tpu.memref_slice %arg9[%dma_wait3A_193, %dma_wait3A_195] : memref<5x2000xi32, #tpu.memory_space<vmem>> -> memref<1x2000xi32, #tpu.memory_space<vmem>>
    %dma_wait3A_197 = tpu.memref_squeeze %dma_wait3A_196 : memref<1x2000xi32, #tpu.memory_space<vmem>> -> memref<2000xi32, #tpu.memory_space<vmem>>
    %dma_wait3A_198 = arith.constant 0 : i32
    %dma_wait3A_199 = arith.constant 0 : i32
    %dma_wait3A_200 = tpu.memref_slice %arg7[%arg0, %dma_wait3A_198, %dma_wait3A_199] : memref<2x10240x16xf32, #tpu.memory_space<hbm>> -> memref<1x10240x16xf32, #tpu.memory_space<hbm>>
    %dma_wait3A_201 = tpu.memref_squeeze %dma_wait3A_200 : memref<1x10240x16xf32, #tpu.memory_space<hbm>> -> memref<10240x16xf32, #tpu.memory_space<hbm>>
    %dma_wait3A_202 = arith.constant 0 : i32
    %dma_wait3A_203 = arith.constant 0 : i32
    %dma_wait3A_204 = tpu.memref_slice %dma_wait3A_201[%dma_wait3A_202, %dma_wait3A_203] : memref<10240x16xf32, #tpu.memory_space<hbm>> -> memref<10240x16xf32, #tpu.memory_space<hbm>>
    %dma_wait3A_205 = tpu.memref_slice %arg17[%dma_wait3A_194] : memref<2x!tpu.dma_semaphore, #tpu.memory_space<semaphore_mem>> -> memref<1x!tpu.dma_semaphore, #tpu.memory_space<semaphore_mem>>
    %dma_wait3A_206 = tpu.memref_squeeze %dma_wait3A_205 : memref<1x!tpu.dma_semaphore, #tpu.memory_space<semaphore_mem>> -> memref<!tpu.dma_semaphore, #tpu.memory_space<semaphore_mem>>
    tpu.wait_indirect_dma semaphore(%dma_wait3A_206 : memref<!tpu.dma_semaphore, #tpu.memory_space<semaphore_mem>>) src(%dma_wait3A_204 : memref<10240x16xf32, #tpu.memory_space<hbm>>) dst(%arg11 : memref<2000x16xf32, #tpu.memory_space<vmem>>)
    %dma_wait3A_207 = arith.constant 1 : i32
    %dma_wait3A_208 = arith.constant 1 : i32
    %dma_wait3A_209 = arith.constant 0 : i32
    %dma_wait3A_210 = tpu.memref_slice %arg10[%dma_wait3A_207, %dma_wait3A_209] : memref<5x2000xi32, #tpu.memory_space<vmem>> -> memref<1x2000xi32, #tpu.memory_space<vmem>>
    %dma_wait3A_211 = tpu.memref_squeeze %dma_wait3A_210 : memref<1x2000xi32, #tpu.memory_space<vmem>> -> memref<2000xi32, #tpu.memory_space<vmem>>
    %dma_wait3A_212 = arith.constant 0 : i32
    %dma_wait3A_213 = arith.constant 0 : i32
    %dma_wait3A_214 = tpu.memref_slice %arg16[%dma_wait3A_212, %dma_wait3A_213] : memref<10240x16xf32, #tpu.memory_space<vmem_shared>> -> memref<10240x16xf32, #tpu.memory_space<vmem_shared>>
    %dma_wait3A_215 = tpu.memref_slice %arg18[%dma_wait3A_208] : memref<2x!tpu.dma_semaphore, #tpu.memory_space<semaphore_mem>> -> memref<1x!tpu.dma_semaphore, #tpu.memory_space<semaphore_mem>>
    %dma_wait3A_216 = tpu.memref_squeeze %dma_wait3A_215 : memref<1x!tpu.dma_semaphore, #tpu.memory_space<semaphore_mem>> -> memref<!tpu.dma_semaphore, #tpu.memory_space<semaphore_mem>>
    tpu.wait_indirect_dma semaphore(%dma_wait3A_216 : memref<!tpu.dma_semaphore, #tpu.memory_space<semaphore_mem>>) src(%arg12 : memref<2000x16xf32, #tpu.memory_space<vmem>>) dst(%dma_wait3A_214 : memref<10240x16xf32, #tpu.memory_space<vmem_shared>>)
    %dma_start3A_217 = arith.constant 3 : i32
    %dma_start3A_218 = arith.constant 1 : i32
    %dma_start3A_219 = arith.constant 0 : i32
    %dma_start3A_220 = tpu.memref_slice %arg9[%dma_start3A_217, %dma_start3A_219] : memref<5x2000xi32, #tpu.memory_space<vmem>> -> memref<1x2000xi32, #tpu.memory_space<vmem>>
    %dma_start3A_221 = tpu.memref_squeeze %dma_start3A_220 : memref<1x2000xi32, #tpu.memory_space<vmem>> -> memref<2000xi32, #tpu.memory_space<vmem>>
    %dma_start3A_222 = arith.constant 0 : i32
    %dma_start3A_223 = arith.constant 0 : i32
    %dma_start3A_224 = tpu.memref_slice %arg7[%arg0, %dma_start3A_222, %dma_start3A_223] : memref<2x10240x16xf32, #tpu.memory_space<hbm>> -> memref<1x10240x16xf32, #tpu.memory_space<hbm>>
    %dma_start3A_225 = tpu.memref_squeeze %dma_start3A_224 : memref<1x10240x16xf32, #tpu.memory_space<hbm>> -> memref<10240x16xf32, #tpu.memory_space<hbm>>
    %dma_start3A_226 = arith.constant 0 : i32
    %dma_start3A_227 = arith.constant 0 : i32
    %dma_start3A_228 = tpu.memref_slice %dma_start3A_225[%dma_start3A_226, %dma_start3A_227] : memref<10240x16xf32, #tpu.memory_space<hbm>> -> memref<10240x16xf32, #tpu.memory_space<hbm>>
    %dma_start3A_229 = tpu.memref_slice %arg17[%dma_start3A_218] : memref<2x!tpu.dma_semaphore, #tpu.memory_space<semaphore_mem>> -> memref<1x!tpu.dma_semaphore, #tpu.memory_space<semaphore_mem>>
    %dma_start3A_230 = tpu.memref_squeeze %dma_start3A_229 : memref<1x!tpu.dma_semaphore, #tpu.memory_space<semaphore_mem>> -> memref<!tpu.dma_semaphore, #tpu.memory_space<semaphore_mem>>
    tpu.enqueue_indirect_dma source(%dma_start3A_228 : memref<10240x16xf32, #tpu.memory_space<hbm>>) target(%arg12 : memref<2000x16xf32, #tpu.memory_space<vmem>>) offsets(%dma_start3A_221 : memref<2000xi32, #tpu.memory_space<vmem>>) semaphore(%dma_start3A_230 : memref<!tpu.dma_semaphore, #tpu.memory_space<semaphore_mem>>)
    %dma_start3A_231 = arith.constant 2 : i32
    %dma_start3A_232 = arith.constant 0 : i32
    %dma_start3A_233 = arith.constant 0 : i32
    %dma_start3A_234 = tpu.memref_slice %arg10[%dma_start3A_231, %dma_start3A_233] : memref<5x2000xi32, #tpu.memory_space<vmem>> -> memref<1x2000xi32, #tpu.memory_space<vmem>>
    %dma_start3A_235 = tpu.memref_squeeze %dma_start3A_234 : memref<1x2000xi32, #tpu.memory_space<vmem>> -> memref<2000xi32, #tpu.memory_space<vmem>>
    %dma_start3A_236 = arith.constant 0 : i32
    %dma_start3A_237 = arith.constant 0 : i32
    %dma_start3A_238 = tpu.memref_slice %arg16[%dma_start3A_236, %dma_start3A_237] : memref<10240x16xf32, #tpu.memory_space<vmem_shared>> -> memref<10240x16xf32, #tpu.memory_space<vmem_shared>>
    %dma_start3A_239 = tpu.memref_slice %arg18[%dma_start3A_232] : memref<2x!tpu.dma_semaphore, #tpu.memory_space<semaphore_mem>> -> memref<1x!tpu.dma_semaphore, #tpu.memory_space<semaphore_mem>>
    %dma_start3A_240 = tpu.memref_squeeze %dma_start3A_239 : memref<1x!tpu.dma_semaphore, #tpu.memory_space<semaphore_mem>> -> memref<!tpu.dma_semaphore, #tpu.memory_space<semaphore_mem>>
    tpu.enqueue_indirect_dma source(%arg11 : memref<2000x16xf32, #tpu.memory_space<vmem>>) target(%dma_start3A_238 : memref<10240x16xf32, #tpu.memory_space<vmem_shared>>) offsets(%dma_start3A_235 : memref<2000xi32, #tpu.memory_space<vmem>>) semaphore(%dma_start3A_240 : memref<!tpu.dma_semaphore, #tpu.memory_space<semaphore_mem>>) {add = true}
    %dma_wait3A_241 = arith.constant 3 : i32
    %dma_wait3A_242 = arith.constant 1 : i32
    %dma_wait3A_243 = arith.constant 0 : i32
    %dma_wait3A_244 = tpu.memref_slice %arg9[%dma_wait3A_241, %dma_wait3A_243] : memref<5x2000xi32, #tpu.memory_space<vmem>> -> memref<1x2000xi32, #tpu.memory_space<vmem>>
    %dma_wait3A_245 = tpu.memref_squeeze %dma_wait3A_244 : memref<1x2000xi32, #tpu.memory_space<vmem>> -> memref<2000xi32, #tpu.memory_space<vmem>>
    %dma_wait3A_246 = arith.constant 0 : i32
    %dma_wait3A_247 = arith.constant 0 : i32
    %dma_wait3A_248 = tpu.memref_slice %arg7[%arg0, %dma_wait3A_246, %dma_wait3A_247] : memref<2x10240x16xf32, #tpu.memory_space<hbm>> -> memref<1x10240x16xf32, #tpu.memory_space<hbm>>
    %dma_wait3A_249 = tpu.memref_squeeze %dma_wait3A_248 : memref<1x10240x16xf32, #tpu.memory_space<hbm>> -> memref<10240x16xf32, #tpu.memory_space<hbm>>
    %dma_wait3A_250 = arith.constant 0 : i32
    %dma_wait3A_251 = arith.constant 0 : i32
    %dma_wait3A_252 = tpu.memref_slice %dma_wait3A_249[%dma_wait3A_250, %dma_wait3A_251] : memref<10240x16xf32, #tpu.memory_space<hbm>> -> memref<10240x16xf32, #tpu.memory_space<hbm>>
    %dma_wait3A_253 = tpu.memref_slice %arg17[%dma_wait3A_242] : memref<2x!tpu.dma_semaphore, #tpu.memory_space<semaphore_mem>> -> memref<1x!tpu.dma_semaphore, #tpu.memory_space<semaphore_mem>>
    %dma_wait3A_254 = tpu.memref_squeeze %dma_wait3A_253 : memref<1x!tpu.dma_semaphore, #tpu.memory_space<semaphore_mem>> -> memref<!tpu.dma_semaphore, #tpu.memory_space<semaphore_mem>>
    tpu.wait_indirect_dma semaphore(%dma_wait3A_254 : memref<!tpu.dma_semaphore, #tpu.memory_space<semaphore_mem>>) src(%dma_wait3A_252 : memref<10240x16xf32, #tpu.memory_space<hbm>>) dst(%arg12 : memref<2000x16xf32, #tpu.memory_space<vmem>>)
    %dma_wait3A_255 = arith.constant 2 : i32
    %dma_wait3A_256 = arith.constant 0 : i32
    %dma_wait3A_257 = arith.constant 0 : i32
    %dma_wait3A_258 = tpu.memref_slice %arg10[%dma_wait3A_255, %dma_wait3A_257] : memref<5x2000xi32, #tpu.memory_space<vmem>> -> memref<1x2000xi32, #tpu.memory_space<vmem>>
    %dma_wait3A_259 = tpu.memref_squeeze %dma_wait3A_258 : memref<1x2000xi32, #tpu.memory_space<vmem>> -> memref<2000xi32, #tpu.memory_space<vmem>>
    %dma_wait3A_260 = arith.constant 0 : i32
    %dma_wait3A_261 = arith.constant 0 : i32
    %dma_wait3A_262 = tpu.memref_slice %arg16[%dma_wait3A_260, %dma_wait3A_261] : memref<10240x16xf32, #tpu.memory_space<vmem_shared>> -> memref<10240x16xf32, #tpu.memory_space<vmem_shared>>
    %dma_wait3A_263 = tpu.memref_slice %arg18[%dma_wait3A_256] : memref<2x!tpu.dma_semaphore, #tpu.memory_space<semaphore_mem>> -> memref<1x!tpu.dma_semaphore, #tpu.memory_space<semaphore_mem>>
    %dma_wait3A_264 = tpu.memref_squeeze %dma_wait3A_263 : memref<1x!tpu.dma_semaphore, #tpu.memory_space<semaphore_mem>> -> memref<!tpu.dma_semaphore, #tpu.memory_space<semaphore_mem>>
    tpu.wait_indirect_dma semaphore(%dma_wait3A_264 : memref<!tpu.dma_semaphore, #tpu.memory_space<semaphore_mem>>) src(%arg11 : memref<2000x16xf32, #tpu.memory_space<vmem>>) dst(%dma_wait3A_262 : memref<10240x16xf32, #tpu.memory_space<vmem_shared>>)
    %dma_start3A_265 = arith.constant 4 : i32
    %dma_start3A_266 = arith.constant 0 : i32
    %dma_start3A_267 = arith.constant 0 : i32
    %dma_start3A_268 = tpu.memref_slice %arg9[%dma_start3A_265, %dma_start3A_267] : memref<5x2000xi32, #tpu.memory_space<vmem>> -> memref<1x2000xi32, #tpu.memory_space<vmem>>
    %dma_start3A_269 = tpu.memref_squeeze %dma_start3A_268 : memref<1x2000xi32, #tpu.memory_space<vmem>> -> memref<2000xi32, #tpu.memory_space<vmem>>
    %dma_start3A_270 = arith.constant 0 : i32
    %dma_start3A_271 = arith.constant 0 : i32
    %dma_start3A_272 = tpu.memref_slice %arg7[%arg0, %dma_start3A_270, %dma_start3A_271] : memref<2x10240x16xf32, #tpu.memory_space<hbm>> -> memref<1x10240x16xf32, #tpu.memory_space<hbm>>
    %dma_start3A_273 = tpu.memref_squeeze %dma_start3A_272 : memref<1x10240x16xf32, #tpu.memory_space<hbm>> -> memref<10240x16xf32, #tpu.memory_space<hbm>>
    %dma_start3A_274 = arith.constant 0 : i32
    %dma_start3A_275 = arith.constant 0 : i32
    %dma_start3A_276 = tpu.memref_slice %dma_start3A_273[%dma_start3A_274, %dma_start3A_275] : memref<10240x16xf32, #tpu.memory_space<hbm>> -> memref<10240x16xf32, #tpu.memory_space<hbm>>
    %dma_start3A_277 = tpu.memref_slice %arg17[%dma_start3A_266] : memref<2x!tpu.dma_semaphore, #tpu.memory_space<semaphore_mem>> -> memref<1x!tpu.dma_semaphore, #tpu.memory_space<semaphore_mem>>
    %dma_start3A_278 = tpu.memref_squeeze %dma_start3A_277 : memref<1x!tpu.dma_semaphore, #tpu.memory_space<semaphore_mem>> -> memref<!tpu.dma_semaphore, #tpu.memory_space<semaphore_mem>>
    tpu.enqueue_indirect_dma source(%dma_start3A_276 : memref<10240x16xf32, #tpu.memory_space<hbm>>) target(%arg11 : memref<2000x16xf32, #tpu.memory_space<vmem>>) offsets(%dma_start3A_269 : memref<2000xi32, #tpu.memory_space<vmem>>) semaphore(%dma_start3A_278 : memref<!tpu.dma_semaphore, #tpu.memory_space<semaphore_mem>>)
    %dma_start3A_279 = arith.constant 3 : i32
    %dma_start3A_280 = arith.constant 1 : i32
    %dma_start3A_281 = arith.constant 0 : i32
    %dma_start3A_282 = tpu.memref_slice %arg10[%dma_start3A_279, %dma_start3A_281] : memref<5x2000xi32, #tpu.memory_space<vmem>> -> memref<1x2000xi32, #tpu.memory_space<vmem>>
    %dma_start3A_283 = tpu.memref_squeeze %dma_start3A_282 : memref<1x2000xi32, #tpu.memory_space<vmem>> -> memref<2000xi32, #tpu.memory_space<vmem>>
    %dma_start3A_284 = arith.constant 0 : i32
    %dma_start3A_285 = arith.constant 0 : i32
    %dma_start3A_286 = tpu.memref_slice %arg16[%dma_start3A_284, %dma_start3A_285] : memref<10240x16xf32, #tpu.memory_space<vmem_shared>> -> memref<10240x16xf32, #tpu.memory_space<vmem_shared>>
    %dma_start3A_287 = tpu.memref_slice %arg18[%dma_start3A_280] : memref<2x!tpu.dma_semaphore, #tpu.memory_space<semaphore_mem>> -> memref<1x!tpu.dma_semaphore, #tpu.memory_space<semaphore_mem>>
    %dma_start3A_288 = tpu.memref_squeeze %dma_start3A_287 : memref<1x!tpu.dma_semaphore, #tpu.memory_space<semaphore_mem>> -> memref<!tpu.dma_semaphore, #tpu.memory_space<semaphore_mem>>
    tpu.enqueue_indirect_dma source(%arg12 : memref<2000x16xf32, #tpu.memory_space<vmem>>) target(%dma_start3A_286 : memref<10240x16xf32, #tpu.memory_space<vmem_shared>>) offsets(%dma_start3A_283 : memref<2000xi32, #tpu.memory_space<vmem>>) semaphore(%dma_start3A_288 : memref<!tpu.dma_semaphore, #tpu.memory_space<semaphore_mem>>) {add = true}
    %dma_wait3A_289 = arith.constant 4 : i32
    %dma_wait3A_290 = arith.constant 0 : i32
    %dma_wait3A_291 = arith.constant 0 : i32
    %dma_wait3A_292 = tpu.memref_slice %arg9[%dma_wait3A_289, %dma_wait3A_291] : memref<5x2000xi32, #tpu.memory_space<vmem>> -> memref<1x2000xi32, #tpu.memory_space<vmem>>
    %dma_wait3A_293 = tpu.memref_squeeze %dma_wait3A_292 : memref<1x2000xi32, #tpu.memory_space<vmem>> -> memref<2000xi32, #tpu.memory_space<vmem>>
    %dma_wait3A_294 = arith.constant 0 : i32
    %dma_wait3A_295 = arith.constant 0 : i32
    %dma_wait3A_296 = tpu.memref_slice %arg7[%arg0, %dma_wait3A_294, %dma_wait3A_295] : memref<2x10240x16xf32, #tpu.memory_space<hbm>> -> memref<1x10240x16xf32, #tpu.memory_space<hbm>>
    %dma_wait3A_297 = tpu.memref_squeeze %dma_wait3A_296 : memref<1x10240x16xf32, #tpu.memory_space<hbm>> -> memref<10240x16xf32, #tpu.memory_space<hbm>>
    %dma_wait3A_298 = arith.constant 0 : i32
    %dma_wait3A_299 = arith.constant 0 : i32
    %dma_wait3A_300 = tpu.memref_slice %dma_wait3A_297[%dma_wait3A_298, %dma_wait3A_299] : memref<10240x16xf32, #tpu.memory_space<hbm>> -> memref<10240x16xf32, #tpu.memory_space<hbm>>
    %dma_wait3A_301 = tpu.memref_slice %arg17[%dma_wait3A_290] : memref<2x!tpu.dma_semaphore, #tpu.memory_space<semaphore_mem>> -> memref<1x!tpu.dma_semaphore, #tpu.memory_space<semaphore_mem>>
    %dma_wait3A_302 = tpu.memref_squeeze %dma_wait3A_301 : memref<1x!tpu.dma_semaphore, #tpu.memory_space<semaphore_mem>> -> memref<!tpu.dma_semaphore, #tpu.memory_space<semaphore_mem>>
    tpu.wait_indirect_dma semaphore(%dma_wait3A_302 : memref<!tpu.dma_semaphore, #tpu.memory_space<semaphore_mem>>) src(%dma_wait3A_300 : memref<10240x16xf32, #tpu.memory_space<hbm>>) dst(%arg11 : memref<2000x16xf32, #tpu.memory_space<vmem>>)
    %dma_start3A_303 = arith.constant 4 : i32
    %dma_start3A_304 = arith.constant 0 : i32
    %dma_start3A_305 = arith.constant 0 : i32
    %dma_start3A_306 = tpu.memref_slice %arg10[%dma_start3A_303, %dma_start3A_305] : memref<5x2000xi32, #tpu.memory_space<vmem>> -> memref<1x2000xi32, #tpu.memory_space<vmem>>
    %dma_start3A_307 = tpu.memref_squeeze %dma_start3A_306 : memref<1x2000xi32, #tpu.memory_space<vmem>> -> memref<2000xi32, #tpu.memory_space<vmem>>
    %dma_start3A_308 = arith.constant 0 : i32
    %dma_start3A_309 = arith.constant 0 : i32
    %dma_start3A_310 = tpu.memref_slice %arg16[%dma_start3A_308, %dma_start3A_309] : memref<10240x16xf32, #tpu.memory_space<vmem_shared>> -> memref<10240x16xf32, #tpu.memory_space<vmem_shared>>
    %dma_start3A_311 = tpu.memref_slice %arg18[%dma_start3A_304] : memref<2x!tpu.dma_semaphore, #tpu.memory_space<semaphore_mem>> -> memref<1x!tpu.dma_semaphore, #tpu.memory_space<semaphore_mem>>
    %dma_start3A_312 = tpu.memref_squeeze %dma_start3A_311 : memref<1x!tpu.dma_semaphore, #tpu.memory_space<semaphore_mem>> -> memref<!tpu.dma_semaphore, #tpu.memory_space<semaphore_mem>>
    tpu.enqueue_indirect_dma source(%arg11 : memref<2000x16xf32, #tpu.memory_space<vmem>>) target(%dma_start3A_310 : memref<10240x16xf32, #tpu.memory_space<vmem_shared>>) offsets(%dma_start3A_307 : memref<2000xi32, #tpu.memory_space<vmem>>) semaphore(%dma_start3A_312 : memref<!tpu.dma_semaphore, #tpu.memory_space<semaphore_mem>>) {add = true}
    %dma_wait3A_313 = arith.constant 4 : i32
    %dma_wait3A_314 = arith.constant 0 : i32
    %dma_wait3A_315 = arith.constant 0 : i32
    %dma_wait3A_316 = tpu.memref_slice %arg10[%dma_wait3A_313, %dma_wait3A_315] : memref<5x2000xi32, #tpu.memory_space<vmem>> -> memref<1x2000xi32, #tpu.memory_space<vmem>>
    %dma_wait3A_317 = tpu.memref_squeeze %dma_wait3A_316 : memref<1x2000xi32, #tpu.memory_space<vmem>> -> memref<2000xi32, #tpu.memory_space<vmem>>
    %dma_wait3A_318 = arith.constant 0 : i32
    %dma_wait3A_319 = arith.constant 0 : i32
    %dma_wait3A_320 = tpu.memref_slice %arg16[%dma_wait3A_318, %dma_wait3A_319] : memref<10240x16xf32, #tpu.memory_space<vmem_shared>> -> memref<10240x16xf32, #tpu.memory_space<vmem_shared>>
    %dma_wait3A_321 = tpu.memref_slice %arg18[%dma_wait3A_314] : memref<2x!tpu.dma_semaphore, #tpu.memory_space<semaphore_mem>> -> memref<1x!tpu.dma_semaphore, #tpu.memory_space<semaphore_mem>>
    %dma_wait3A_322 = tpu.memref_squeeze %dma_wait3A_321 : memref<1x!tpu.dma_semaphore, #tpu.memory_space<semaphore_mem>> -> memref<!tpu.dma_semaphore, #tpu.memory_space<semaphore_mem>>
    tpu.wait_indirect_dma semaphore(%dma_wait3A_322 : memref<!tpu.dma_semaphore, #tpu.memory_space<semaphore_mem>>) src(%arg11 : memref<2000x16xf32, #tpu.memory_space<vmem>>) dst(%dma_wait3A_320 : memref<10240x16xf32, #tpu.memory_space<vmem_shared>>)
    %dma_wait3A_323 = arith.constant 3 : i32
    %dma_wait3A_324 = arith.constant 1 : i32
    %dma_wait3A_325 = arith.constant 0 : i32
    %dma_wait3A_326 = tpu.memref_slice %arg10[%dma_wait3A_323, %dma_wait3A_325] : memref<5x2000xi32, #tpu.memory_space<vmem>> -> memref<1x2000xi32, #tpu.memory_space<vmem>>
    %dma_wait3A_327 = tpu.memref_squeeze %dma_wait3A_326 : memref<1x2000xi32, #tpu.memory_space<vmem>> -> memref<2000xi32, #tpu.memory_space<vmem>>
    %dma_wait3A_328 = arith.constant 0 : i32
    %dma_wait3A_329 = arith.constant 0 : i32
    %dma_wait3A_330 = tpu.memref_slice %arg16[%dma_wait3A_328, %dma_wait3A_329] : memref<10240x16xf32, #tpu.memory_space<vmem_shared>> -> memref<10240x16xf32, #tpu.memory_space<vmem_shared>>
    %dma_wait3A_331 = tpu.memref_slice %arg18[%dma_wait3A_324] : memref<2x!tpu.dma_semaphore, #tpu.memory_space<semaphore_mem>> -> memref<1x!tpu.dma_semaphore, #tpu.memory_space<semaphore_mem>>
    %dma_wait3A_332 = tpu.memref_squeeze %dma_wait3A_331 : memref<1x!tpu.dma_semaphore, #tpu.memory_space<semaphore_mem>> -> memref<!tpu.dma_semaphore, #tpu.memory_space<semaphore_mem>>
    tpu.wait_indirect_dma semaphore(%dma_wait3A_332 : memref<!tpu.dma_semaphore, #tpu.memory_space<semaphore_mem>>) src(%arg12 : memref<2000x16xf32, #tpu.memory_space<vmem>>) dst(%dma_wait3A_330 : memref<10240x16xf32, #tpu.memory_space<vmem_shared>>)
    %barrier3A_333 = arith.constant 0 : index
    tpu.barrier barrier_id(%barrier3A_333)
    "tpu.region"() ({
      %run_scoped3A_341 = tpu.sem_alloc : memref<!tpu.dma_semaphore, #tpu.memory_space<semaphore_mem>>
      %dma_start3A_342 = arith.constant 0 : i32
      %dma_start3A_343 = arith.constant 0 : i32
      %dma_start3A_344 = tpu.memref_slice %arg11[%dma_start3A_342, %dma_start3A_343] : memref<2000x16xf32, #tpu.memory_space<vmem>> -> memref<640x16xf32, #tpu.memory_space<vmem>>
      %dma_start3A_345 = arith.constant 0 : i32
      %dma_start3A_346 = tpu.memref_slice %arg16[%mul3A_2, %dma_start3A_345] : memref<10240x16xf32, #tpu.memory_space<vmem_shared>> -> memref<640x16xf32, #tpu.memory_space<vmem_shared>>
      %dma_start3A_347 = arith.constant 0 : i32
      %dma_start3A_348 = arith.constant 0 : i32
      %dma_start3A_349 = tpu.memref_slice %arg11[%dma_start3A_347, %dma_start3A_348] : memref<2000x16xf32, #tpu.memory_space<vmem>> -> memref<640x16xf32, #tpu.memory_space<vmem>>
      %dma_start3A_350 = arith.constant 0 : i32
      %dma_start3A_351 = tpu.memref_slice %arg16[%mul3A_2, %dma_start3A_350] : memref<10240x16xf32, #tpu.memory_space<vmem_shared>> -> memref<640x16xf32, #tpu.memory_space<vmem_shared>>
      tpu.enqueue_dma source(%dma_start3A_351 : memref<640x16xf32, #tpu.memory_space<vmem_shared>>) target(%dma_start3A_349 : memref<640x16xf32, #tpu.memory_space<vmem>>) target_semaphore(%run_scoped3A_341 : memref<!tpu.dma_semaphore, #tpu.memory_space<semaphore_mem>>)
      %dma_wait3A_352 = arith.constant 0 : i32
      %dma_wait3A_353 = arith.constant 0 : i32
      %dma_wait3A_354 = tpu.memref_slice %arg11[%dma_wait3A_352, %dma_wait3A_353] : memref<2000x16xf32, #tpu.memory_space<vmem>> -> memref<640x16xf32, #tpu.memory_space<vmem>>
      %dma_wait3A_355 = arith.constant 0 : i32
      %dma_wait3A_356 = tpu.memref_slice %arg16[%mul3A_2, %dma_wait3A_355] : memref<10240x16xf32, #tpu.memory_space<vmem_shared>> -> memref<640x16xf32, #tpu.memory_space<vmem_shared>>
      %dma_wait3A_357 = arith.constant 0 : i32
      %dma_wait3A_358 = arith.constant 0 : i32
      %dma_wait3A_359 = tpu.memref_slice %arg11[%dma_wait3A_357, %dma_wait3A_358] : memref<2000x16xf32, #tpu.memory_space<vmem>> -> memref<640x16xf32, #tpu.memory_space<vmem>>
      %dma_wait3A_360 = arith.constant 0 : i32
      %dma_wait3A_361 = tpu.memref_slice %arg16[%mul3A_2, %dma_wait3A_360] : memref<10240x16xf32, #tpu.memory_space<vmem_shared>> -> memref<640x16xf32, #tpu.memory_space<vmem_shared>>
      tpu.wait_dma2 semaphore(%run_scoped3A_341 : memref<!tpu.dma_semaphore, #tpu.memory_space<semaphore_mem>>) src(%dma_wait3A_361 : memref<640x16xf32, #tpu.memory_space<vmem_shared>>) dst(%dma_wait3A_359 : memref<640x16xf32, #tpu.memory_space<vmem>>)
      tpu.yield
    }) : () -> ()
    %scan3A_334 = arith.constant 0 : i32
    %scan3A_335 = arith.constant 0 : i32
    %scan3A_336 = arith.constant 80 : i32
    %scan3A_337 = arith.addi %scan3A_335, %scan3A_336 : i32
    %scan3A_338 = arith.constant 1 : i32
    %scan3A_339 = scf.for %scan3A_341 = %scan3A_335 to %scan3A_337 step %scan3A_338 iter_args(%scan3A_342 = %scan3A_334) -> (i32)  : i32 {
      %mul3A_343 = arith.constant 8 : i32
      %mul3A_344 = arith.muli %scan3A_341, %mul3A_343 : i32
      %add3A_345 = arith.constant 0 : i32
      %add3A_346 = arith.addi %mul3A_344, %add3A_345 : i32
      %get3A_347 = arith.index_cast %add3A_346 : i32 to index
      %get3A_348 = arith.constant 0 : index
      %get3A_349 = tpu.vector_load %arg11[%get3A_347, %get3A_348] {strides = array<i32>} : memref<2000x16xf32, #tpu.memory_space<vmem>>, vector<1x16xf32>,
      %get3A_350 = vector.shape_cast %get3A_349 : vector<1x16xf32> to vector<16xf32>
      %get3A_351 = arith.index_cast %add3A_346 : i32 to index
      %get3A_352 = arith.constant 0 : index
      %get3A_353 = tpu.vector_load %arg13[%get3A_351, %get3A_352] {strides = array<i32>} : memref<640x16xf32, #tpu.memory_space<vmem>>, vector<1x16xf32>,
      %get3A_354 = vector.shape_cast %get3A_353 : vector<1x16xf32> to vector<16xf32>
      %mul3A_355 = arith.mulf %get3A_350, %get3A_354 : vector<16xf32>
      %swap3A = arith.index_cast %add3A_346 : i32 to index
      %swap3A_356 = arith.constant 0 : index
      %swap3A_357 = tpu.vector_load %arg12[%swap3A, %swap3A_356] {strides = array<i32>} : memref<2000x16xf32, #tpu.memory_space<vmem>>, vector<1x16xf32>,
      %swap3A_358 = vector.shape_cast %swap3A_357 : vector<1x16xf32> to vector<16xf32>
      %swap3A_359 = vector.shape_cast %mul3A_355 : vector<16xf32> to vector<1x16xf32>
      tpu.vector_store %arg12[%swap3A, %swap3A_356], %swap3A_359 {strides = array<i32>} : memref<2000x16xf32, #tpu.memory_space<vmem>>, vector<1x16xf32>,
      %mul3A_360 = arith.constant 8 : i32
      %mul3A_361 = arith.muli %scan3A_341, %mul3A_360 : i32
      %add3A_362 = arith.constant 1 : i32
      %add3A_363 = arith.addi %mul3A_361, %add3A_362 : i32
      %get3A_364 = arith.index_cast %add3A_363 : i32 to index
      %get3A_365 = arith.constant 0 : index
      %get3A_366 = tpu.vector_load %arg11[%get3A_364, %get3A_365] {strides = array<i32>} : memref<2000x16xf32, #tpu.memory_space<vmem>>, vector<1x16xf32>,
      %get3A_367 = vector.shape_cast %get3A_366 : vector<1x16xf32> to vector<16xf32>
      %get3A_368 = arith.index_cast %add3A_363 : i32 to index
      %get3A_369 = arith.constant 0 : index
      %get3A_370 = tpu.vector_load %arg13[%get3A_368, %get3A_369] {strides = array<i32>} : memref<640x16xf32, #tpu.memory_space<vmem>>, vector<1x16xf32>,
      %get3A_371 = vector.shape_cast %get3A_370 : vector<1x16xf32> to vector<16xf32>
      %mul3A_372 = arith.mulf %get3A_367, %get3A_371 : vector<16xf32>
      %swap3A_373 = arith.index_cast %add3A_363 : i32 to index
      %swap3A_374 = arith.constant 0 : index
      %swap3A_375 = tpu.vector_load %arg12[%swap3A_373, %swap3A_374] {strides = array<i32>} : memref<2000x16xf32, #tpu.memory_space<vmem>>, vector<1x16xf32>,
      %swap3A_376 = vector.shape_cast %swap3A_375 : vector<1x16xf32> to vector<16xf32>
      %swap3A_377 = vector.shape_cast %mul3A_372 : vector<16xf32> to vector<1x16xf32>
      tpu.vector_store %arg12[%swap3A_373, %swap3A_374], %swap3A_377 {strides = array<i32>} : memref<2000x16xf32, #tpu.memory_space<vmem>>, vector<1x16xf32>,
      %mul3A_378 = arith.constant 8 : i32
      %mul3A_379 = arith.muli %scan3A_341, %mul3A_378 : i32
      %add3A_380 = arith.constant 2 : i32
      %add3A_381 = arith.addi %mul3A_379, %add3A_380 : i32
      %get3A_382 = arith.index_cast %add3A_381 : i32 to index
      %get3A_383 = arith.constant 0 : index
      %get3A_384 = tpu.vector_load %arg11[%get3A_382, %get3A_383] {strides = array<i32>} : memref<2000x16xf32, #tpu.memory_space<vmem>>, vector<1x16xf32>,
      %get3A_385 = vector.shape_cast %get3A_384 : vector<1x16xf32> to vector<16xf32>
      %get3A_386 = arith.index_cast %add3A_381 : i32 to index
      %get3A_387 = arith.constant 0 : index
      %get3A_388 = tpu.vector_load %arg13[%get3A_386, %get3A_387] {strides = array<i32>} : memref<640x16xf32, #tpu.memory_space<vmem>>, vector<1x16xf32>,
      %get3A_389 = vector.shape_cast %get3A_388 : vector<1x16xf32> to vector<16xf32>
      %mul3A_390 = arith.mulf %get3A_385, %get3A_389 : vector<16xf32>
      %swap3A_391 = arith.index_cast %add3A_381 : i32 to index
      %swap3A_392 = arith.constant 0 : index
      %swap3A_393 = tpu.vector_load %arg12[%swap3A_391, %swap3A_392] {strides = array<i32>} : memref<2000x16xf32, #tpu.memory_space<vmem>>, vector<1x16xf32>,
      %swap3A_394 = vector.shape_cast %swap3A_393 : vector<1x16xf32> to vector<16xf32>
      %swap3A_395 = vector.shape_cast %mul3A_390 : vector<16xf32> to vector<1x16xf32>
      tpu.vector_store %arg12[%swap3A_391, %swap3A_392], %swap3A_395 {strides = array<i32>} : memref<2000x16xf32, #tpu.memory_space<vmem>>, vector<1x16xf32>,
      %mul3A_396 = arith.constant 8 : i32
      %mul3A_397 = arith.muli %scan3A_341, %mul3A_396 : i32
      %add3A_398 = arith.constant 3 : i32
      %add3A_399 = arith.addi %mul3A_397, %add3A_398 : i32
      %get3A_400 = arith.index_cast %add3A_399 : i32 to index
      %get3A_401 = arith.constant 0 : index
      %get3A_402 = tpu.vector_load %arg11[%get3A_400, %get3A_401] {strides = array<i32>} : memref<2000x16xf32, #tpu.memory_space<vmem>>, vector<1x16xf32>,
      %get3A_403 = vector.shape_cast %get3A_402 : vector<1x16xf32> to vector<16xf32>
      %get3A_404 = arith.index_cast %add3A_399 : i32 to index
      %get3A_405 = arith.constant 0 : index
      %get3A_406 = tpu.vector_load %arg13[%get3A_404, %get3A_405] {strides = array<i32>} : memref<640x16xf32, #tpu.memory_space<vmem>>, vector<1x16xf32>,
      %get3A_407 = vector.shape_cast %get3A_406 : vector<1x16xf32> to vector<16xf32>
      %mul3A_408 = arith.mulf %get3A_403, %get3A_407 : vector<16xf32>
      %swap3A_409 = arith.index_cast %add3A_399 : i32 to index
      %swap3A_410 = arith.constant 0 : index
      %swap3A_411 = tpu.vector_load %arg12[%swap3A_409, %swap3A_410] {strides = array<i32>} : memref<2000x16xf32, #tpu.memory_space<vmem>>, vector<1x16xf32>,
      %swap3A_412 = vector.shape_cast %swap3A_411 : vector<1x16xf32> to vector<16xf32>
      %swap3A_413 = vector.shape_cast %mul3A_408 : vector<16xf32> to vector<1x16xf32>
      tpu.vector_store %arg12[%swap3A_409, %swap3A_410], %swap3A_413 {strides = array<i32>} : memref<2000x16xf32, #tpu.memory_space<vmem>>, vector<1x16xf32>,
      %mul3A_414 = arith.constant 8 : i32
      %mul3A_415 = arith.muli %scan3A_341, %mul3A_414 : i32
      %add3A_416 = arith.constant 4 : i32
      %add3A_417 = arith.addi %mul3A_415, %add3A_416 : i32
      %get3A_418 = arith.index_cast %add3A_417 : i32 to index
      %get3A_419 = arith.constant 0 : index
      %get3A_420 = tpu.vector_load %arg11[%get3A_418, %get3A_419] {strides = array<i32>} : memref<2000x16xf32, #tpu.memory_space<vmem>>, vector<1x16xf32>,
      %get3A_421 = vector.shape_cast %get3A_420 : vector<1x16xf32> to vector<16xf32>
      %get3A_422 = arith.index_cast %add3A_417 : i32 to index
      %get3A_423 = arith.constant 0 : index
      %get3A_424 = tpu.vector_load %arg13[%get3A_422, %get3A_423] {strides = array<i32>} : memref<640x16xf32, #tpu.memory_space<vmem>>, vector<1x16xf32>,
      %get3A_425 = vector.shape_cast %get3A_424 : vector<1x16xf32> to vector<16xf32>
      %mul3A_426 = arith.mulf %get3A_421, %get3A_425 : vector<16xf32>
      %swap3A_427 = arith.index_cast %add3A_417 : i32 to index
      %swap3A_428 = arith.constant 0 : index
      %swap3A_429 = tpu.vector_load %arg12[%swap3A_427, %swap3A_428] {strides = array<i32>} : memref<2000x16xf32, #tpu.memory_space<vmem>>, vector<1x16xf32>,
      %swap3A_430 = vector.shape_cast %swap3A_429 : vector<1x16xf32> to vector<16xf32>
      %swap3A_431 = vector.shape_cast %mul3A_426 : vector<16xf32> to vector<1x16xf32>
      tpu.vector_store %arg12[%swap3A_427, %swap3A_428], %swap3A_431 {strides = array<i32>} : memref<2000x16xf32, #tpu.memory_space<vmem>>, vector<1x16xf32>,
      %mul3A_432 = arith.constant 8 : i32
      %mul3A_433 = arith.muli %scan3A_341, %mul3A_432 : i32
      %add3A_434 = arith.constant 5 : i32
      %add3A_435 = arith.addi %mul3A_433, %add3A_434 : i32
      %get3A_436 = arith.index_cast %add3A_435 : i32 to index
      %get3A_437 = arith.constant 0 : index
      %get3A_438 = tpu.vector_load %arg11[%get3A_436, %get3A_437] {strides = array<i32>} : memref<2000x16xf32, #tpu.memory_space<vmem>>, vector<1x16xf32>,
      %get3A_439 = vector.shape_cast %get3A_438 : vector<1x16xf32> to vector<16xf32>
      %get3A_440 = arith.index_cast %add3A_435 : i32 to index
      %get3A_441 = arith.constant 0 : index
      %get3A_442 = tpu.vector_load %arg13[%get3A_440, %get3A_441] {strides = array<i32>} : memref<640x16xf32, #tpu.memory_space<vmem>>, vector<1x16xf32>,
      %get3A_443 = vector.shape_cast %get3A_442 : vector<1x16xf32> to vector<16xf32>
      %mul3A_444 = arith.mulf %get3A_439, %get3A_443 : vector<16xf32>
      %swap3A_445 = arith.index_cast %add3A_435 : i32 to index
      %swap3A_446 = arith.constant 0 : index
      %swap3A_447 = tpu.vector_load %arg12[%swap3A_445, %swap3A_446] {strides = array<i32>} : memref<2000x16xf32, #tpu.memory_space<vmem>>, vector<1x16xf32>,
      %swap3A_448 = vector.shape_cast %swap3A_447 : vector<1x16xf32> to vector<16xf32>
      %swap3A_449 = vector.shape_cast %mul3A_444 : vector<16xf32> to vector<1x16xf32>
      tpu.vector_store %arg12[%swap3A_445, %swap3A_446], %swap3A_449 {strides = array<i32>} : memref<2000x16xf32, #tpu.memory_space<vmem>>, vector<1x16xf32>,
      %mul3A_450 = arith.constant 8 : i32
      %mul3A_451 = arith.muli %scan3A_341, %mul3A_450 : i32
      %add3A_452 = arith.constant 6 : i32
      %add3A_453 = arith.addi %mul3A_451, %add3A_452 : i32
      %get3A_454 = arith.index_cast %add3A_453 : i32 to index
      %get3A_455 = arith.constant 0 : index
      %get3A_456 = tpu.vector_load %arg11[%get3A_454, %get3A_455] {strides = array<i32>} : memref<2000x16xf32, #tpu.memory_space<vmem>>, vector<1x16xf32>,
      %get3A_457 = vector.shape_cast %get3A_456 : vector<1x16xf32> to vector<16xf32>
      %get3A_458 = arith.index_cast %add3A_453 : i32 to index
      %get3A_459 = arith.constant 0 : index
      %get3A_460 = tpu.vector_load %arg13[%get3A_458, %get3A_459] {strides = array<i32>} : memref<640x16xf32, #tpu.memory_space<vmem>>, vector<1x16xf32>,
      %get3A_461 = vector.shape_cast %get3A_460 : vector<1x16xf32> to vector<16xf32>
      %mul3A_462 = arith.mulf %get3A_457, %get3A_461 : vector<16xf32>
      %swap3A_463 = arith.index_cast %add3A_453 : i32 to index
      %swap3A_464 = arith.constant 0 : index
      %swap3A_465 = tpu.vector_load %arg12[%swap3A_463, %swap3A_464] {strides = array<i32>} : memref<2000x16xf32, #tpu.memory_space<vmem>>, vector<1x16xf32>,
      %swap3A_466 = vector.shape_cast %swap3A_465 : vector<1x16xf32> to vector<16xf32>
      %swap3A_467 = vector.shape_cast %mul3A_462 : vector<16xf32> to vector<1x16xf32>
      tpu.vector_store %arg12[%swap3A_463, %swap3A_464], %swap3A_467 {strides = array<i32>} : memref<2000x16xf32, #tpu.memory_space<vmem>>, vector<1x16xf32>,
      %mul3A_468 = arith.constant 8 : i32
      %mul3A_469 = arith.muli %scan3A_341, %mul3A_468 : i32
      %add3A_470 = arith.constant 7 : i32
      %add3A_471 = arith.addi %mul3A_469, %add3A_470 : i32
      %get3A_472 = arith.index_cast %add3A_471 : i32 to index
      %get3A_473 = arith.constant 0 : index
      %get3A_474 = tpu.vector_load %arg11[%get3A_472, %get3A_473] {strides = array<i32>} : memref<2000x16xf32, #tpu.memory_space<vmem>>, vector<1x16xf32>,
      %get3A_475 = vector.shape_cast %get3A_474 : vector<1x16xf32> to vector<16xf32>
      %get3A_476 = arith.index_cast %add3A_471 : i32 to index
      %get3A_477 = arith.constant 0 : index
      %get3A_478 = tpu.vector_load %arg13[%get3A_476, %get3A_477] {strides = array<i32>} : memref<640x16xf32, #tpu.memory_space<vmem>>, vector<1x16xf32>,
      %get3A_479 = vector.shape_cast %get3A_478 : vector<1x16xf32> to vector<16xf32>
      %mul3A_480 = arith.mulf %get3A_475, %get3A_479 : vector<16xf32>
      %swap3A_481 = arith.index_cast %add3A_471 : i32 to index
      %swap3A_482 = arith.constant 0 : index
      %swap3A_483 = tpu.vector_load %arg12[%swap3A_481, %swap3A_482] {strides = array<i32>} : memref<2000x16xf32, #tpu.memory_space<vmem>>, vector<1x16xf32>,
      %swap3A_484 = vector.shape_cast %swap3A_483 : vector<1x16xf32> to vector<16xf32>
      %swap3A_485 = vector.shape_cast %mul3A_480 : vector<16xf32> to vector<1x16xf32>
      tpu.vector_store %arg12[%swap3A_481, %swap3A_482], %swap3A_485 {strides = array<i32>} : memref<2000x16xf32, #tpu.memory_space<vmem>>, vector<1x16xf32>,
      %scan3A_486 = arith.constant 0 : i32
      scf.yield %scan3A_486 : i32
    }
    %scan3A_340 = arith.constant 80 : i32
    "tpu.region"() ({
      %run_scoped3A_341 = tpu.sem_alloc : memref<!tpu.dma_semaphore, #tpu.memory_space<semaphore_mem>>
      %dma_start3A_342 = arith.constant 0 : i32
      %dma_start3A_343 = arith.constant 0 : i32
      %dma_start3A_344 = tpu.memref_slice %arg12[%dma_start3A_342, %dma_start3A_343] : memref<2000x16xf32, #tpu.memory_space<vmem>> -> memref<640x16xf32, #tpu.memory_space<vmem>>
      %dma_start3A_345 = arith.constant 0 : i32
      %dma_start3A_346 = tpu.memref_slice %arg8[%arg0, %mul3A_2, %dma_start3A_345] : memref<2x10240x16xf32, #tpu.memory_space<hbm>> -> memref<1x640x16xf32, #tpu.memory_space<hbm>>
      %dma_start3A_347 = tpu.memref_squeeze %dma_start3A_346 : memref<1x640x16xf32, #tpu.memory_space<hbm>> -> memref<640x16xf32, #tpu.memory_space<hbm>>
      %dma_start3A_348 = arith.constant 0 : i32
      %dma_start3A_349 = tpu.memref_slice %arg8[%arg0, %mul3A_2, %dma_start3A_348] : memref<2x10240x16xf32, #tpu.memory_space<hbm>> -> memref<1x640x16xf32, #tpu.memory_space<hbm>>
      %dma_start3A_350 = tpu.memref_squeeze %dma_start3A_349 : memref<1x640x16xf32, #tpu.memory_space<hbm>> -> memref<640x16xf32, #tpu.memory_space<hbm>>
      %dma_start3A_351 = arith.constant 0 : i32
      %dma_start3A_352 = arith.constant 0 : i32
      %dma_start3A_353 = tpu.memref_slice %arg12[%dma_start3A_351, %dma_start3A_352] : memref<2000x16xf32, #tpu.memory_space<vmem>> -> memref<640x16xf32, #tpu.memory_space<vmem>>
      tpu.enqueue_dma source(%dma_start3A_353 : memref<640x16xf32, #tpu.memory_space<vmem>>) target(%dma_start3A_350 : memref<640x16xf32, #tpu.memory_space<hbm>>) target_semaphore(%run_scoped3A_341 : memref<!tpu.dma_semaphore, #tpu.memory_space<semaphore_mem>>)
      %dma_wait3A_354 = arith.constant 0 : i32
      %dma_wait3A_355 = arith.constant 0 : i32
      %dma_wait3A_356 = tpu.memref_slice %arg12[%dma_wait3A_354, %dma_wait3A_355] : memref<2000x16xf32, #tpu.memory_space<vmem>> -> memref<640x16xf32, #tpu.memory_space<vmem>>
      %dma_wait3A_357 = arith.constant 0 : i32
      %dma_wait3A_358 = tpu.memref_slice %arg8[%arg0, %mul3A_2, %dma_wait3A_357] : memref<2x10240x16xf32, #tpu.memory_space<hbm>> -> memref<1x640x16xf32, #tpu.memory_space<hbm>>
      %dma_wait3A_359 = tpu.memref_squeeze %dma_wait3A_358 : memref<1x640x16xf32, #tpu.memory_space<hbm>> -> memref<640x16xf32, #tpu.memory_space<hbm>>
      %dma_wait3A_360 = arith.constant 0 : i32
      %dma_wait3A_361 = tpu.memref_slice %arg8[%arg0, %mul3A_2, %dma_wait3A_360] : memref<2x10240x16xf32, #tpu.memory_space<hbm>> -> memref<1x640x16xf32, #tpu.memory_space<hbm>>
      %dma_wait3A_362 = tpu.memref_squeeze %dma_wait3A_361 : memref<1x640x16xf32, #tpu.memory_space<hbm>> -> memref<640x16xf32, #tpu.memory_space<hbm>>
      %dma_wait3A_363 = arith.constant 0 : i32
      %dma_wait3A_364 = arith.constant 0 : i32
      %dma_wait3A_365 = tpu.memref_slice %arg12[%dma_wait3A_363, %dma_wait3A_364] : memref<2000x16xf32, #tpu.memory_space<vmem>> -> memref<640x16xf32, #tpu.memory_space<vmem>>
      tpu.wait_dma2 semaphore(%run_scoped3A_341 : memref<!tpu.dma_semaphore, #tpu.memory_space<semaphore_mem>>) src(%dma_wait3A_365 : memref<640x16xf32, #tpu.memory_space<vmem>>) dst(%dma_wait3A_362 : memref<640x16xf32, #tpu.memory_space<hbm>>)
      tpu.yield
    }) : () -> ()
    return
  }
}

#map = affine_map<(d0, d1) -> (0, 0)>
#map1 = affine_map<(d0, d1) -> (0, 0, 0)>
module attributes {stable_mosaic.version = 14 : i64} {
  func.func @_edge1_body(%arg0: i32, %arg1: i32, %arg2: memref<160x2000xi32, #tpu.memory_space<hbm>>, %arg3: memref<160x2000xi32, #tpu.memory_space<hbm>>, %arg4: memref<2x10240x16xf32, #tpu.memory_space<hbm>>, %arg5: memref<10240x16xf32, #tpu.memory_space<hbm>>, %arg6: memref<2x10240x16xf32, #tpu.memory_space<hbm>>, %arg7: memref<2x10240x16xf32, #tpu.memory_space<hbm>>, %arg8: memref<5x2000xi32, #tpu.memory_space<vmem>>, %arg9: memref<5x2000xi32, #tpu.memory_space<vmem>>, %arg10: memref<2000x16xf32, #tpu.memory_space<vmem>>, %arg11: memref<2000x16xf32, #tpu.memory_space<vmem>>, %arg12: memref<640x16xf32, #tpu.memory_space<vmem>>, %arg13: memref<640x16xf32, #tpu.memory_space<vmem>>, %arg14: memref<10240x16xf32, #tpu.memory_space<vmem_shared>>, %arg15: memref<2x!tpu.dma_semaphore, #tpu.memory_space<semaphore_mem>>, %arg16: memref<2x!tpu.dma_semaphore, #tpu.memory_space<semaphore_mem>>) attributes {dimension_semantics = [#tpu.dimension_semantics<core_parallel>, #tpu.dimension_semantics<subcore_parallel>], iteration_bounds = array<i64: 2, 16>, scalar_prefetch = 0 : i64, scratch_operands = 9 : i64, tpu.core_type = #tpu.core_type<sc_vector_subcore>, window_params = [{transform_indices = #map}, {transform_indices = #map}, {transform_indices = #map1}, {transform_indices = #map}, {transform_indices = #map1}, {transform_indices = #map1}]} {
    %mul3A = arith.constant 16 : i32
    %mul3A_0 = arith.muli %arg0, %mul3A : i32
    %add3A = arith.addi %mul3A_0, %arg1 : i32
    %mul3A_1 = arith.constant 640 : i32
    %mul3A_2 = arith.muli %arg1, %mul3A_1 : i32
    %mul3A_3 = arith.constant 5 : i32
    %mul3A_4 = arith.muli %add3A, %mul3A_3 : i32
    %dma_start3A = arith.constant 0 : i32
    %dma_start3A_5 = arith.constant 0 : i32
    %dma_start3A_6 = tpu.memref_slice %arg2[%mul3A_4, %dma_start3A_5] : memref<160x2000xi32, #tpu.memory_space<hbm>> -> memref<5x2000xi32, #tpu.memory_space<hbm>>
    %dma_start3A_7 = tpu.memref_slice %arg15[%dma_start3A] : memref<2x!tpu.dma_semaphore, #tpu.memory_space<semaphore_mem>> -> memref<1x!tpu.dma_semaphore, #tpu.memory_space<semaphore_mem>>
    %dma_start3A_8 = tpu.memref_squeeze %dma_start3A_7 : memref<1x!tpu.dma_semaphore, #tpu.memory_space<semaphore_mem>> -> memref<!tpu.dma_semaphore, #tpu.memory_space<semaphore_mem>>
    %dma_start3A_9 = arith.constant 0 : i32
    %dma_start3A_10 = tpu.memref_slice %arg2[%mul3A_4, %dma_start3A_9] : memref<160x2000xi32, #tpu.memory_space<hbm>> -> memref<5x2000xi32, #tpu.memory_space<hbm>>
    tpu.enqueue_dma source(%dma_start3A_10 : memref<5x2000xi32, #tpu.memory_space<hbm>>) target(%arg8 : memref<5x2000xi32, #tpu.memory_space<vmem>>) target_semaphore(%dma_start3A_8 : memref<!tpu.dma_semaphore, #tpu.memory_space<semaphore_mem>>)
    %mul3A_11 = arith.constant 5 : i32
    %mul3A_12 = arith.muli %add3A, %mul3A_11 : i32
    %dma_start3A_13 = arith.constant 1 : i32
    %dma_start3A_14 = arith.constant 0 : i32
    %dma_start3A_15 = tpu.memref_slice %arg3[%mul3A_12, %dma_start3A_14] : memref<160x2000xi32, #tpu.memory_space<hbm>> -> memref<5x2000xi32, #tpu.memory_space<hbm>>
    %dma_start3A_16 = tpu.memref_slice %arg15[%dma_start3A_13] : memref<2x!tpu.dma_semaphore, #tpu.memory_space<semaphore_mem>> -> memref<1x!tpu.dma_semaphore, #tpu.memory_space<semaphore_mem>>
    %dma_start3A_17 = tpu.memref_squeeze %dma_start3A_16 : memref<1x!tpu.dma_semaphore, #tpu.memory_space<semaphore_mem>> -> memref<!tpu.dma_semaphore, #tpu.memory_space<semaphore_mem>>
    %dma_start3A_18 = arith.constant 0 : i32
    %dma_start3A_19 = tpu.memref_slice %arg3[%mul3A_12, %dma_start3A_18] : memref<160x2000xi32, #tpu.memory_space<hbm>> -> memref<5x2000xi32, #tpu.memory_space<hbm>>
    tpu.enqueue_dma source(%dma_start3A_19 : memref<5x2000xi32, #tpu.memory_space<hbm>>) target(%arg9 : memref<5x2000xi32, #tpu.memory_space<vmem>>) target_semaphore(%dma_start3A_17 : memref<!tpu.dma_semaphore, #tpu.memory_space<semaphore_mem>>)
    %dma_start3A_20 = arith.constant 0 : i32
    %dma_start3A_21 = arith.constant 0 : i32
    %dma_start3A_22 = tpu.memref_slice %arg4[%arg0, %mul3A_2, %dma_start3A_21] : memref<2x10240x16xf32, #tpu.memory_space<hbm>> -> memref<1x640x16xf32, #tpu.memory_space<hbm>>
    %dma_start3A_23 = tpu.memref_squeeze %dma_start3A_22 : memref<1x640x16xf32, #tpu.memory_space<hbm>> -> memref<640x16xf32, #tpu.memory_space<hbm>>
    %dma_start3A_24 = tpu.memref_slice %arg16[%dma_start3A_20] : memref<2x!tpu.dma_semaphore, #tpu.memory_space<semaphore_mem>> -> memref<1x!tpu.dma_semaphore, #tpu.memory_space<semaphore_mem>>
    %dma_start3A_25 = tpu.memref_squeeze %dma_start3A_24 : memref<1x!tpu.dma_semaphore, #tpu.memory_space<semaphore_mem>> -> memref<!tpu.dma_semaphore, #tpu.memory_space<semaphore_mem>>
    %dma_start3A_26 = arith.constant 0 : i32
    %dma_start3A_27 = tpu.memref_slice %arg4[%arg0, %mul3A_2, %dma_start3A_26] : memref<2x10240x16xf32, #tpu.memory_space<hbm>> -> memref<1x640x16xf32, #tpu.memory_space<hbm>>
    %dma_start3A_28 = tpu.memref_squeeze %dma_start3A_27 : memref<1x640x16xf32, #tpu.memory_space<hbm>> -> memref<640x16xf32, #tpu.memory_space<hbm>>
    tpu.enqueue_dma source(%dma_start3A_28 : memref<640x16xf32, #tpu.memory_space<hbm>>) target(%arg12 : memref<640x16xf32, #tpu.memory_space<vmem>>) target_semaphore(%dma_start3A_25 : memref<!tpu.dma_semaphore, #tpu.memory_space<semaphore_mem>>)
    %dma_start3A_29 = arith.constant 1 : i32
    %dma_start3A_30 = arith.constant 0 : i32
    %dma_start3A_31 = arith.constant 0 : i32
    %dma_start3A_32 = tpu.memref_slice %arg10[%dma_start3A_30, %dma_start3A_31] : memref<2000x16xf32, #tpu.memory_space<vmem>> -> memref<640x16xf32, #tpu.memory_space<vmem>>
    %dma_start3A_33 = arith.constant 0 : i32
    %dma_start3A_34 = tpu.memref_slice %arg5[%mul3A_2, %dma_start3A_33] : memref<10240x16xf32, #tpu.memory_space<hbm>> -> memref<640x16xf32, #tpu.memory_space<hbm>>
    %dma_start3A_35 = tpu.memref_slice %arg16[%dma_start3A_29] : memref<2x!tpu.dma_semaphore, #tpu.memory_space<semaphore_mem>> -> memref<1x!tpu.dma_semaphore, #tpu.memory_space<semaphore_mem>>
    %dma_start3A_36 = tpu.memref_squeeze %dma_start3A_35 : memref<1x!tpu.dma_semaphore, #tpu.memory_space<semaphore_mem>> -> memref<!tpu.dma_semaphore, #tpu.memory_space<semaphore_mem>>
    %dma_start3A_37 = arith.constant 0 : i32
    %dma_start3A_38 = arith.constant 0 : i32
    %dma_start3A_39 = tpu.memref_slice %arg10[%dma_start3A_37, %dma_start3A_38] : memref<2000x16xf32, #tpu.memory_space<vmem>> -> memref<640x16xf32, #tpu.memory_space<vmem>>
    %dma_start3A_40 = arith.constant 0 : i32
    %dma_start3A_41 = tpu.memref_slice %arg5[%mul3A_2, %dma_start3A_40] : memref<10240x16xf32, #tpu.memory_space<hbm>> -> memref<640x16xf32, #tpu.memory_space<hbm>>
    tpu.enqueue_dma source(%dma_start3A_41 : memref<640x16xf32, #tpu.memory_space<hbm>>) target(%dma_start3A_39 : memref<640x16xf32, #tpu.memory_space<vmem>>) target_semaphore(%dma_start3A_36 : memref<!tpu.dma_semaphore, #tpu.memory_space<semaphore_mem>>)
    %eq3A = arith.constant 0 : i32
    %eq3A_42 = arith.cmpi eq, %arg0, %eq3A : i32
    %jit3A = arith.constant 1.000000e+00 : f32
    %jit3A_43 = arith.constant 0.000000e+00 : f32
    %select_n3A = arith.select %eq3A_42, %jit3A, %jit3A_43 : f32
    %dma_wait3A = arith.constant 0 : i32
    %dma_wait3A_44 = arith.constant 0 : i32
    %dma_wait3A_45 = tpu.memref_slice %arg4[%arg0, %mul3A_2, %dma_wait3A_44] : memref<2x10240x16xf32, #tpu.memory_space<hbm>> -> memref<1x640x16xf32, #tpu.memory_space<hbm>>
    %dma_wait3A_46 = tpu.memref_squeeze %dma_wait3A_45 : memref<1x640x16xf32, #tpu.memory_space<hbm>> -> memref<640x16xf32, #tpu.memory_space<hbm>>
    %dma_wait3A_47 = tpu.memref_slice %arg16[%dma_wait3A] : memref<2x!tpu.dma_semaphore, #tpu.memory_space<semaphore_mem>> -> memref<1x!tpu.dma_semaphore, #tpu.memory_space<semaphore_mem>>
    %dma_wait3A_48 = tpu.memref_squeeze %dma_wait3A_47 : memref<1x!tpu.dma_semaphore, #tpu.memory_space<semaphore_mem>> -> memref<!tpu.dma_semaphore, #tpu.memory_space<semaphore_mem>>
    %dma_wait3A_49 = arith.constant 0 : i32
    %dma_wait3A_50 = tpu.memref_slice %arg4[%arg0, %mul3A_2, %dma_wait3A_49] : memref<2x10240x16xf32, #tpu.memory_space<hbm>> -> memref<1x640x16xf32, #tpu.memory_space<hbm>>
    %dma_wait3A_51 = tpu.memref_squeeze %dma_wait3A_50 : memref<1x640x16xf32, #tpu.memory_space<hbm>> -> memref<640x16xf32, #tpu.memory_space<hbm>>
    tpu.wait_dma2 semaphore(%dma_wait3A_48 : memref<!tpu.dma_semaphore, #tpu.memory_space<semaphore_mem>>) src(%dma_wait3A_51 : memref<640x16xf32, #tpu.memory_space<hbm>>) dst(%arg12 : memref<640x16xf32, #tpu.memory_space<vmem>>)
    %dma_wait3A_52 = arith.constant 1 : i32
    %dma_wait3A_53 = arith.constant 0 : i32
    %dma_wait3A_54 = arith.constant 0 : i32
    %dma_wait3A_55 = tpu.memref_slice %arg10[%dma_wait3A_53, %dma_wait3A_54] : memref<2000x16xf32, #tpu.memory_space<vmem>> -> memref<640x16xf32, #tpu.memory_space<vmem>>
    %dma_wait3A_56 = arith.constant 0 : i32
    %dma_wait3A_57 = tpu.memref_slice %arg5[%mul3A_2, %dma_wait3A_56] : memref<10240x16xf32, #tpu.memory_space<hbm>> -> memref<640x16xf32, #tpu.memory_space<hbm>>
    %dma_wait3A_58 = tpu.memref_slice %arg16[%dma_wait3A_52] : memref<2x!tpu.dma_semaphore, #tpu.memory_space<semaphore_mem>> -> memref<1x!tpu.dma_semaphore, #tpu.memory_space<semaphore_mem>>
    %dma_wait3A_59 = tpu.memref_squeeze %dma_wait3A_58 : memref<1x!tpu.dma_semaphore, #tpu.memory_space<semaphore_mem>> -> memref<!tpu.dma_semaphore, #tpu.memory_space<semaphore_mem>>
    %dma_wait3A_60 = arith.constant 0 : i32
    %dma_wait3A_61 = arith.constant 0 : i32
    %dma_wait3A_62 = tpu.memref_slice %arg10[%dma_wait3A_60, %dma_wait3A_61] : memref<2000x16xf32, #tpu.memory_space<vmem>> -> memref<640x16xf32, #tpu.memory_space<vmem>>
    %dma_wait3A_63 = arith.constant 0 : i32
    %dma_wait3A_64 = tpu.memref_slice %arg5[%mul3A_2, %dma_wait3A_63] : memref<10240x16xf32, #tpu.memory_space<hbm>> -> memref<640x16xf32, #tpu.memory_space<hbm>>
    tpu.wait_dma2 semaphore(%dma_wait3A_59 : memref<!tpu.dma_semaphore, #tpu.memory_space<semaphore_mem>>) src(%dma_wait3A_64 : memref<640x16xf32, #tpu.memory_space<hbm>>) dst(%dma_wait3A_62 : memref<640x16xf32, #tpu.memory_space<vmem>>)
    %scan3A = arith.constant 0 : i32
    %scan3A_65 = arith.constant 0 : i32
    %scan3A_66 = arith.constant 80 : i32
    %scan3A_67 = arith.addi %scan3A_65, %scan3A_66 : i32
    %scan3A_68 = arith.constant 1 : i32
    %scan3A_69 = scf.for %scan3A_326 = %scan3A_65 to %scan3A_67 step %scan3A_68 iter_args(%scan3A_327 = %scan3A) -> (i32)  : i32 {
      %mul3A_328 = arith.constant 8 : i32
      %mul3A_329 = arith.muli %scan3A_326, %mul3A_328 : i32
      %add3A_330 = arith.constant 0 : i32
      %add3A_331 = arith.addi %mul3A_329, %add3A_330 : i32
      %get3A = arith.index_cast %add3A_331 : i32 to index
      %get3A_332 = arith.constant 0 : index
      %get3A_333 = tpu.vector_load %arg10[%get3A, %get3A_332] {strides = array<i32>} : memref<2000x16xf32, #tpu.memory_space<vmem>>, vector<1x16xf32>,
      %get3A_334 = vector.shape_cast %get3A_333 : vector<1x16xf32> to vector<16xf32>
      %get3A_335 = arith.index_cast %add3A_331 : i32 to index
      %get3A_336 = arith.constant 0 : index
      %get3A_337 = tpu.vector_load %arg12[%get3A_335, %get3A_336] {strides = array<i32>} : memref<640x16xf32, #tpu.memory_space<vmem>>, vector<1x16xf32>,
      %get3A_338 = vector.shape_cast %get3A_337 : vector<1x16xf32> to vector<16xf32>
      %mul3A_339 = arith.mulf %get3A_334, %get3A_338 : vector<16xf32>
      %swap3A = arith.index_cast %add3A_331 : i32 to index
      %swap3A_340 = arith.constant 0 : index
      %swap3A_341 = tpu.vector_load %arg13[%swap3A, %swap3A_340] {strides = array<i32>} : memref<640x16xf32, #tpu.memory_space<vmem>>, vector<1x16xf32>,
      %swap3A_342 = vector.shape_cast %swap3A_341 : vector<1x16xf32> to vector<16xf32>
      %swap3A_343 = vector.shape_cast %mul3A_339 : vector<16xf32> to vector<1x16xf32>
      tpu.vector_store %arg13[%swap3A, %swap3A_340], %swap3A_343 {strides = array<i32>} : memref<640x16xf32, #tpu.memory_space<vmem>>, vector<1x16xf32>,
      %mul3A_344 = vector.broadcast %select_n3A : f32 to vector<16xf32>
      %mul3A_345 = arith.mulf %mul3A_339, %mul3A_344 : vector<16xf32>
      %swap3A_346 = arith.index_cast %add3A_331 : i32 to index
      %swap3A_347 = arith.constant 0 : index
      %swap3A_348 = tpu.vector_load %arg11[%swap3A_346, %swap3A_347] {strides = array<i32>} : memref<2000x16xf32, #tpu.memory_space<vmem>>, vector<1x16xf32>,
      %swap3A_349 = vector.shape_cast %swap3A_348 : vector<1x16xf32> to vector<16xf32>
      %swap3A_350 = vector.shape_cast %mul3A_345 : vector<16xf32> to vector<1x16xf32>
      tpu.vector_store %arg11[%swap3A_346, %swap3A_347], %swap3A_350 {strides = array<i32>} : memref<2000x16xf32, #tpu.memory_space<vmem>>, vector<1x16xf32>,
      %mul3A_351 = arith.constant 8 : i32
      %mul3A_352 = arith.muli %scan3A_326, %mul3A_351 : i32
      %add3A_353 = arith.constant 1 : i32
      %add3A_354 = arith.addi %mul3A_352, %add3A_353 : i32
      %get3A_355 = arith.index_cast %add3A_354 : i32 to index
      %get3A_356 = arith.constant 0 : index
      %get3A_357 = tpu.vector_load %arg10[%get3A_355, %get3A_356] {strides = array<i32>} : memref<2000x16xf32, #tpu.memory_space<vmem>>, vector<1x16xf32>,
      %get3A_358 = vector.shape_cast %get3A_357 : vector<1x16xf32> to vector<16xf32>
      %get3A_359 = arith.index_cast %add3A_354 : i32 to index
      %get3A_360 = arith.constant 0 : index
      %get3A_361 = tpu.vector_load %arg12[%get3A_359, %get3A_360] {strides = array<i32>} : memref<640x16xf32, #tpu.memory_space<vmem>>, vector<1x16xf32>,
      %get3A_362 = vector.shape_cast %get3A_361 : vector<1x16xf32> to vector<16xf32>
      %mul3A_363 = arith.mulf %get3A_358, %get3A_362 : vector<16xf32>
      %swap3A_364 = arith.index_cast %add3A_354 : i32 to index
      %swap3A_365 = arith.constant 0 : index
      %swap3A_366 = tpu.vector_load %arg13[%swap3A_364, %swap3A_365] {strides = array<i32>} : memref<640x16xf32, #tpu.memory_space<vmem>>, vector<1x16xf32>,
      %swap3A_367 = vector.shape_cast %swap3A_366 : vector<1x16xf32> to vector<16xf32>
      %swap3A_368 = vector.shape_cast %mul3A_363 : vector<16xf32> to vector<1x16xf32>
      tpu.vector_store %arg13[%swap3A_364, %swap3A_365], %swap3A_368 {strides = array<i32>} : memref<640x16xf32, #tpu.memory_space<vmem>>, vector<1x16xf32>,
      %mul3A_369 = vector.broadcast %select_n3A : f32 to vector<16xf32>
      %mul3A_370 = arith.mulf %mul3A_363, %mul3A_369 : vector<16xf32>
      %swap3A_371 = arith.index_cast %add3A_354 : i32 to index
      %swap3A_372 = arith.constant 0 : index
      %swap3A_373 = tpu.vector_load %arg11[%swap3A_371, %swap3A_372] {strides = array<i32>} : memref<2000x16xf32, #tpu.memory_space<vmem>>, vector<1x16xf32>,
      %swap3A_374 = vector.shape_cast %swap3A_373 : vector<1x16xf32> to vector<16xf32>
      %swap3A_375 = vector.shape_cast %mul3A_370 : vector<16xf32> to vector<1x16xf32>
      tpu.vector_store %arg11[%swap3A_371, %swap3A_372], %swap3A_375 {strides = array<i32>} : memref<2000x16xf32, #tpu.memory_space<vmem>>, vector<1x16xf32>,
      %mul3A_376 = arith.constant 8 : i32
      %mul3A_377 = arith.muli %scan3A_326, %mul3A_376 : i32
      %add3A_378 = arith.constant 2 : i32
      %add3A_379 = arith.addi %mul3A_377, %add3A_378 : i32
      %get3A_380 = arith.index_cast %add3A_379 : i32 to index
      %get3A_381 = arith.constant 0 : index
      %get3A_382 = tpu.vector_load %arg10[%get3A_380, %get3A_381] {strides = array<i32>} : memref<2000x16xf32, #tpu.memory_space<vmem>>, vector<1x16xf32>,
      %get3A_383 = vector.shape_cast %get3A_382 : vector<1x16xf32> to vector<16xf32>
      %get3A_384 = arith.index_cast %add3A_379 : i32 to index
      %get3A_385 = arith.constant 0 : index
      %get3A_386 = tpu.vector_load %arg12[%get3A_384, %get3A_385] {strides = array<i32>} : memref<640x16xf32, #tpu.memory_space<vmem>>, vector<1x16xf32>,
      %get3A_387 = vector.shape_cast %get3A_386 : vector<1x16xf32> to vector<16xf32>
      %mul3A_388 = arith.mulf %get3A_383, %get3A_387 : vector<16xf32>
      %swap3A_389 = arith.index_cast %add3A_379 : i32 to index
      %swap3A_390 = arith.constant 0 : index
      %swap3A_391 = tpu.vector_load %arg13[%swap3A_389, %swap3A_390] {strides = array<i32>} : memref<640x16xf32, #tpu.memory_space<vmem>>, vector<1x16xf32>,
      %swap3A_392 = vector.shape_cast %swap3A_391 : vector<1x16xf32> to vector<16xf32>
      %swap3A_393 = vector.shape_cast %mul3A_388 : vector<16xf32> to vector<1x16xf32>
      tpu.vector_store %arg13[%swap3A_389, %swap3A_390], %swap3A_393 {strides = array<i32>} : memref<640x16xf32, #tpu.memory_space<vmem>>, vector<1x16xf32>,
      %mul3A_394 = vector.broadcast %select_n3A : f32 to vector<16xf32>
      %mul3A_395 = arith.mulf %mul3A_388, %mul3A_394 : vector<16xf32>
      %swap3A_396 = arith.index_cast %add3A_379 : i32 to index
      %swap3A_397 = arith.constant 0 : index
      %swap3A_398 = tpu.vector_load %arg11[%swap3A_396, %swap3A_397] {strides = array<i32>} : memref<2000x16xf32, #tpu.memory_space<vmem>>, vector<1x16xf32>,
      %swap3A_399 = vector.shape_cast %swap3A_398 : vector<1x16xf32> to vector<16xf32>
      %swap3A_400 = vector.shape_cast %mul3A_395 : vector<16xf32> to vector<1x16xf32>
      tpu.vector_store %arg11[%swap3A_396, %swap3A_397], %swap3A_400 {strides = array<i32>} : memref<2000x16xf32, #tpu.memory_space<vmem>>, vector<1x16xf32>,
      %mul3A_401 = arith.constant 8 : i32
      %mul3A_402 = arith.muli %scan3A_326, %mul3A_401 : i32
      %add3A_403 = arith.constant 3 : i32
      %add3A_404 = arith.addi %mul3A_402, %add3A_403 : i32
      %get3A_405 = arith.index_cast %add3A_404 : i32 to index
      %get3A_406 = arith.constant 0 : index
      %get3A_407 = tpu.vector_load %arg10[%get3A_405, %get3A_406] {strides = array<i32>} : memref<2000x16xf32, #tpu.memory_space<vmem>>, vector<1x16xf32>,
      %get3A_408 = vector.shape_cast %get3A_407 : vector<1x16xf32> to vector<16xf32>
      %get3A_409 = arith.index_cast %add3A_404 : i32 to index
      %get3A_410 = arith.constant 0 : index
      %get3A_411 = tpu.vector_load %arg12[%get3A_409, %get3A_410] {strides = array<i32>} : memref<640x16xf32, #tpu.memory_space<vmem>>, vector<1x16xf32>,
      %get3A_412 = vector.shape_cast %get3A_411 : vector<1x16xf32> to vector<16xf32>
      %mul3A_413 = arith.mulf %get3A_408, %get3A_412 : vector<16xf32>
      %swap3A_414 = arith.index_cast %add3A_404 : i32 to index
      %swap3A_415 = arith.constant 0 : index
      %swap3A_416 = tpu.vector_load %arg13[%swap3A_414, %swap3A_415] {strides = array<i32>} : memref<640x16xf32, #tpu.memory_space<vmem>>, vector<1x16xf32>,
      %swap3A_417 = vector.shape_cast %swap3A_416 : vector<1x16xf32> to vector<16xf32>
      %swap3A_418 = vector.shape_cast %mul3A_413 : vector<16xf32> to vector<1x16xf32>
      tpu.vector_store %arg13[%swap3A_414, %swap3A_415], %swap3A_418 {strides = array<i32>} : memref<640x16xf32, #tpu.memory_space<vmem>>, vector<1x16xf32>,
      %mul3A_419 = vector.broadcast %select_n3A : f32 to vector<16xf32>
      %mul3A_420 = arith.mulf %mul3A_413, %mul3A_419 : vector<16xf32>
      %swap3A_421 = arith.index_cast %add3A_404 : i32 to index
      %swap3A_422 = arith.constant 0 : index
      %swap3A_423 = tpu.vector_load %arg11[%swap3A_421, %swap3A_422] {strides = array<i32>} : memref<2000x16xf32, #tpu.memory_space<vmem>>, vector<1x16xf32>,
      %swap3A_424 = vector.shape_cast %swap3A_423 : vector<1x16xf32> to vector<16xf32>
      %swap3A_425 = vector.shape_cast %mul3A_420 : vector<16xf32> to vector<1x16xf32>
      tpu.vector_store %arg11[%swap3A_421, %swap3A_422], %swap3A_425 {strides = array<i32>} : memref<2000x16xf32, #tpu.memory_space<vmem>>, vector<1x16xf32>,
      %mul3A_426 = arith.constant 8 : i32
      %mul3A_427 = arith.muli %scan3A_326, %mul3A_426 : i32
      %add3A_428 = arith.constant 4 : i32
      %add3A_429 = arith.addi %mul3A_427, %add3A_428 : i32
      %get3A_430 = arith.index_cast %add3A_429 : i32 to index
      %get3A_431 = arith.constant 0 : index
      %get3A_432 = tpu.vector_load %arg10[%get3A_430, %get3A_431] {strides = array<i32>} : memref<2000x16xf32, #tpu.memory_space<vmem>>, vector<1x16xf32>,
      %get3A_433 = vector.shape_cast %get3A_432 : vector<1x16xf32> to vector<16xf32>
      %get3A_434 = arith.index_cast %add3A_429 : i32 to index
      %get3A_435 = arith.constant 0 : index
      %get3A_436 = tpu.vector_load %arg12[%get3A_434, %get3A_435] {strides = array<i32>} : memref<640x16xf32, #tpu.memory_space<vmem>>, vector<1x16xf32>,
      %get3A_437 = vector.shape_cast %get3A_436 : vector<1x16xf32> to vector<16xf32>
      %mul3A_438 = arith.mulf %get3A_433, %get3A_437 : vector<16xf32>
      %swap3A_439 = arith.index_cast %add3A_429 : i32 to index
      %swap3A_440 = arith.constant 0 : index
      %swap3A_441 = tpu.vector_load %arg13[%swap3A_439, %swap3A_440] {strides = array<i32>} : memref<640x16xf32, #tpu.memory_space<vmem>>, vector<1x16xf32>,
      %swap3A_442 = vector.shape_cast %swap3A_441 : vector<1x16xf32> to vector<16xf32>
      %swap3A_443 = vector.shape_cast %mul3A_438 : vector<16xf32> to vector<1x16xf32>
      tpu.vector_store %arg13[%swap3A_439, %swap3A_440], %swap3A_443 {strides = array<i32>} : memref<640x16xf32, #tpu.memory_space<vmem>>, vector<1x16xf32>,
      %mul3A_444 = vector.broadcast %select_n3A : f32 to vector<16xf32>
      %mul3A_445 = arith.mulf %mul3A_438, %mul3A_444 : vector<16xf32>
      %swap3A_446 = arith.index_cast %add3A_429 : i32 to index
      %swap3A_447 = arith.constant 0 : index
      %swap3A_448 = tpu.vector_load %arg11[%swap3A_446, %swap3A_447] {strides = array<i32>} : memref<2000x16xf32, #tpu.memory_space<vmem>>, vector<1x16xf32>,
      %swap3A_449 = vector.shape_cast %swap3A_448 : vector<1x16xf32> to vector<16xf32>
      %swap3A_450 = vector.shape_cast %mul3A_445 : vector<16xf32> to vector<1x16xf32>
      tpu.vector_store %arg11[%swap3A_446, %swap3A_447], %swap3A_450 {strides = array<i32>} : memref<2000x16xf32, #tpu.memory_space<vmem>>, vector<1x16xf32>,
      %mul3A_451 = arith.constant 8 : i32
      %mul3A_452 = arith.muli %scan3A_326, %mul3A_451 : i32
      %add3A_453 = arith.constant 5 : i32
      %add3A_454 = arith.addi %mul3A_452, %add3A_453 : i32
      %get3A_455 = arith.index_cast %add3A_454 : i32 to index
      %get3A_456 = arith.constant 0 : index
      %get3A_457 = tpu.vector_load %arg10[%get3A_455, %get3A_456] {strides = array<i32>} : memref<2000x16xf32, #tpu.memory_space<vmem>>, vector<1x16xf32>,
      %get3A_458 = vector.shape_cast %get3A_457 : vector<1x16xf32> to vector<16xf32>
      %get3A_459 = arith.index_cast %add3A_454 : i32 to index
      %get3A_460 = arith.constant 0 : index
      %get3A_461 = tpu.vector_load %arg12[%get3A_459, %get3A_460] {strides = array<i32>} : memref<640x16xf32, #tpu.memory_space<vmem>>, vector<1x16xf32>,
      %get3A_462 = vector.shape_cast %get3A_461 : vector<1x16xf32> to vector<16xf32>
      %mul3A_463 = arith.mulf %get3A_458, %get3A_462 : vector<16xf32>
      %swap3A_464 = arith.index_cast %add3A_454 : i32 to index
      %swap3A_465 = arith.constant 0 : index
      %swap3A_466 = tpu.vector_load %arg13[%swap3A_464, %swap3A_465] {strides = array<i32>} : memref<640x16xf32, #tpu.memory_space<vmem>>, vector<1x16xf32>,
      %swap3A_467 = vector.shape_cast %swap3A_466 : vector<1x16xf32> to vector<16xf32>
      %swap3A_468 = vector.shape_cast %mul3A_463 : vector<16xf32> to vector<1x16xf32>
      tpu.vector_store %arg13[%swap3A_464, %swap3A_465], %swap3A_468 {strides = array<i32>} : memref<640x16xf32, #tpu.memory_space<vmem>>, vector<1x16xf32>,
      %mul3A_469 = vector.broadcast %select_n3A : f32 to vector<16xf32>
      %mul3A_470 = arith.mulf %mul3A_463, %mul3A_469 : vector<16xf32>
      %swap3A_471 = arith.index_cast %add3A_454 : i32 to index
      %swap3A_472 = arith.constant 0 : index
      %swap3A_473 = tpu.vector_load %arg11[%swap3A_471, %swap3A_472] {strides = array<i32>} : memref<2000x16xf32, #tpu.memory_space<vmem>>, vector<1x16xf32>,
      %swap3A_474 = vector.shape_cast %swap3A_473 : vector<1x16xf32> to vector<16xf32>
      %swap3A_475 = vector.shape_cast %mul3A_470 : vector<16xf32> to vector<1x16xf32>
      tpu.vector_store %arg11[%swap3A_471, %swap3A_472], %swap3A_475 {strides = array<i32>} : memref<2000x16xf32, #tpu.memory_space<vmem>>, vector<1x16xf32>,
      %mul3A_476 = arith.constant 8 : i32
      %mul3A_477 = arith.muli %scan3A_326, %mul3A_476 : i32
      %add3A_478 = arith.constant 6 : i32
      %add3A_479 = arith.addi %mul3A_477, %add3A_478 : i32
      %get3A_480 = arith.index_cast %add3A_479 : i32 to index
      %get3A_481 = arith.constant 0 : index
      %get3A_482 = tpu.vector_load %arg10[%get3A_480, %get3A_481] {strides = array<i32>} : memref<2000x16xf32, #tpu.memory_space<vmem>>, vector<1x16xf32>,
      %get3A_483 = vector.shape_cast %get3A_482 : vector<1x16xf32> to vector<16xf32>
      %get3A_484 = arith.index_cast %add3A_479 : i32 to index
      %get3A_485 = arith.constant 0 : index
      %get3A_486 = tpu.vector_load %arg12[%get3A_484, %get3A_485] {strides = array<i32>} : memref<640x16xf32, #tpu.memory_space<vmem>>, vector<1x16xf32>,
      %get3A_487 = vector.shape_cast %get3A_486 : vector<1x16xf32> to vector<16xf32>
      %mul3A_488 = arith.mulf %get3A_483, %get3A_487 : vector<16xf32>
      %swap3A_489 = arith.index_cast %add3A_479 : i32 to index
      %swap3A_490 = arith.constant 0 : index
      %swap3A_491 = tpu.vector_load %arg13[%swap3A_489, %swap3A_490] {strides = array<i32>} : memref<640x16xf32, #tpu.memory_space<vmem>>, vector<1x16xf32>,
      %swap3A_492 = vector.shape_cast %swap3A_491 : vector<1x16xf32> to vector<16xf32>
      %swap3A_493 = vector.shape_cast %mul3A_488 : vector<16xf32> to vector<1x16xf32>
      tpu.vector_store %arg13[%swap3A_489, %swap3A_490], %swap3A_493 {strides = array<i32>} : memref<640x16xf32, #tpu.memory_space<vmem>>, vector<1x16xf32>,
      %mul3A_494 = vector.broadcast %select_n3A : f32 to vector<16xf32>
      %mul3A_495 = arith.mulf %mul3A_488, %mul3A_494 : vector<16xf32>
      %swap3A_496 = arith.index_cast %add3A_479 : i32 to index
      %swap3A_497 = arith.constant 0 : index
      %swap3A_498 = tpu.vector_load %arg11[%swap3A_496, %swap3A_497] {strides = array<i32>} : memref<2000x16xf32, #tpu.memory_space<vmem>>, vector<1x16xf32>,
      %swap3A_499 = vector.shape_cast %swap3A_498 : vector<1x16xf32> to vector<16xf32>
      %swap3A_500 = vector.shape_cast %mul3A_495 : vector<16xf32> to vector<1x16xf32>
      tpu.vector_store %arg11[%swap3A_496, %swap3A_497], %swap3A_500 {strides = array<i32>} : memref<2000x16xf32, #tpu.memory_space<vmem>>, vector<1x16xf32>,
      %mul3A_501 = arith.constant 8 : i32
      %mul3A_502 = arith.muli %scan3A_326, %mul3A_501 : i32
      %add3A_503 = arith.constant 7 : i32
      %add3A_504 = arith.addi %mul3A_502, %add3A_503 : i32
      %get3A_505 = arith.index_cast %add3A_504 : i32 to index
      %get3A_506 = arith.constant 0 : index
      %get3A_507 = tpu.vector_load %arg10[%get3A_505, %get3A_506] {strides = array<i32>} : memref<2000x16xf32, #tpu.memory_space<vmem>>, vector<1x16xf32>,
      %get3A_508 = vector.shape_cast %get3A_507 : vector<1x16xf32> to vector<16xf32>
      %get3A_509 = arith.index_cast %add3A_504 : i32 to index
      %get3A_510 = arith.constant 0 : index
      %get3A_511 = tpu.vector_load %arg12[%get3A_509, %get3A_510] {strides = array<i32>} : memref<640x16xf32, #tpu.memory_space<vmem>>, vector<1x16xf32>,
      %get3A_512 = vector.shape_cast %get3A_511 : vector<1x16xf32> to vector<16xf32>
      %mul3A_513 = arith.mulf %get3A_508, %get3A_512 : vector<16xf32>
      %swap3A_514 = arith.index_cast %add3A_504 : i32 to index
      %swap3A_515 = arith.constant 0 : index
      %swap3A_516 = tpu.vector_load %arg13[%swap3A_514, %swap3A_515] {strides = array<i32>} : memref<640x16xf32, #tpu.memory_space<vmem>>, vector<1x16xf32>,
      %swap3A_517 = vector.shape_cast %swap3A_516 : vector<1x16xf32> to vector<16xf32>
      %swap3A_518 = vector.shape_cast %mul3A_513 : vector<16xf32> to vector<1x16xf32>
      tpu.vector_store %arg13[%swap3A_514, %swap3A_515], %swap3A_518 {strides = array<i32>} : memref<640x16xf32, #tpu.memory_space<vmem>>, vector<1x16xf32>,
      %mul3A_519 = vector.broadcast %select_n3A : f32 to vector<16xf32>
      %mul3A_520 = arith.mulf %mul3A_513, %mul3A_519 : vector<16xf32>
      %swap3A_521 = arith.index_cast %add3A_504 : i32 to index
      %swap3A_522 = arith.constant 0 : index
      %swap3A_523 = tpu.vector_load %arg11[%swap3A_521, %swap3A_522] {strides = array<i32>} : memref<2000x16xf32, #tpu.memory_space<vmem>>, vector<1x16xf32>,
      %swap3A_524 = vector.shape_cast %swap3A_523 : vector<1x16xf32> to vector<16xf32>
      %swap3A_525 = vector.shape_cast %mul3A_520 : vector<16xf32> to vector<1x16xf32>
      tpu.vector_store %arg11[%swap3A_521, %swap3A_522], %swap3A_525 {strides = array<i32>} : memref<2000x16xf32, #tpu.memory_space<vmem>>, vector<1x16xf32>,
      %scan3A_526 = arith.constant 0 : i32
      scf.yield %scan3A_526 : i32
    }
    %scan3A_70 = arith.constant 80 : i32
    "tpu.region"() ({
      %run_scoped3A = tpu.sem_alloc : memref<!tpu.dma_semaphore, #tpu.memory_space<semaphore_mem>>
      %dma_start3A_326 = arith.constant 0 : i32
      %dma_start3A_327 = tpu.memref_slice %arg6[%arg0, %mul3A_2, %dma_start3A_326] : memref<2x10240x16xf32, #tpu.memory_space<hbm>> -> memref<1x640x16xf32, #tpu.memory_space<hbm>>
      %dma_start3A_328 = tpu.memref_squeeze %dma_start3A_327 : memref<1x640x16xf32, #tpu.memory_space<hbm>> -> memref<640x16xf32, #tpu.memory_space<hbm>>
      %dma_start3A_329 = arith.constant 0 : i32
      %dma_start3A_330 = tpu.memref_slice %arg6[%arg0, %mul3A_2, %dma_start3A_329] : memref<2x10240x16xf32, #tpu.memory_space<hbm>> -> memref<1x640x16xf32, #tpu.memory_space<hbm>>
      %dma_start3A_331 = tpu.memref_squeeze %dma_start3A_330 : memref<1x640x16xf32, #tpu.memory_space<hbm>> -> memref<640x16xf32, #tpu.memory_space<hbm>>
      tpu.enqueue_dma source(%arg13 : memref<640x16xf32, #tpu.memory_space<vmem>>) target(%dma_start3A_331 : memref<640x16xf32, #tpu.memory_space<hbm>>) target_semaphore(%run_scoped3A : memref<!tpu.dma_semaphore, #tpu.memory_space<semaphore_mem>>)
      %dma_wait3A_332 = arith.constant 0 : i32
      %dma_wait3A_333 = tpu.memref_slice %arg6[%arg0, %mul3A_2, %dma_wait3A_332] : memref<2x10240x16xf32, #tpu.memory_space<hbm>> -> memref<1x640x16xf32, #tpu.memory_space<hbm>>
      %dma_wait3A_334 = tpu.memref_squeeze %dma_wait3A_333 : memref<1x640x16xf32, #tpu.memory_space<hbm>> -> memref<640x16xf32, #tpu.memory_space<hbm>>
      %dma_wait3A_335 = arith.constant 0 : i32
      %dma_wait3A_336 = tpu.memref_slice %arg6[%arg0, %mul3A_2, %dma_wait3A_335] : memref<2x10240x16xf32, #tpu.memory_space<hbm>> -> memref<1x640x16xf32, #tpu.memory_space<hbm>>
      %dma_wait3A_337 = tpu.memref_squeeze %dma_wait3A_336 : memref<1x640x16xf32, #tpu.memory_space<hbm>> -> memref<640x16xf32, #tpu.memory_space<hbm>>
      tpu.wait_dma2 semaphore(%run_scoped3A : memref<!tpu.dma_semaphore, #tpu.memory_space<semaphore_mem>>) src(%arg13 : memref<640x16xf32, #tpu.memory_space<vmem>>) dst(%dma_wait3A_337 : memref<640x16xf32, #tpu.memory_space<hbm>>)
      tpu.yield
    }) : () -> ()
    "tpu.region"() ({
      %run_scoped3A = tpu.sem_alloc : memref<!tpu.dma_semaphore, #tpu.memory_space<semaphore_mem>>
      %dma_start3A_326 = arith.constant 0 : i32
      %dma_start3A_327 = arith.constant 0 : i32
      %dma_start3A_328 = tpu.memref_slice %arg11[%dma_start3A_326, %dma_start3A_327] : memref<2000x16xf32, #tpu.memory_space<vmem>> -> memref<640x16xf32, #tpu.memory_space<vmem>>
      %dma_start3A_329 = arith.constant 0 : i32
      %dma_start3A_330 = tpu.memref_slice %arg14[%mul3A_2, %dma_start3A_329] : memref<10240x16xf32, #tpu.memory_space<vmem_shared>> -> memref<640x16xf32, #tpu.memory_space<vmem_shared>>
      %dma_start3A_331 = arith.constant 0 : i32
      %dma_start3A_332 = tpu.memref_slice %arg14[%mul3A_2, %dma_start3A_331] : memref<10240x16xf32, #tpu.memory_space<vmem_shared>> -> memref<640x16xf32, #tpu.memory_space<vmem_shared>>
      %dma_start3A_333 = arith.constant 0 : i32
      %dma_start3A_334 = arith.constant 0 : i32
      %dma_start3A_335 = tpu.memref_slice %arg11[%dma_start3A_333, %dma_start3A_334] : memref<2000x16xf32, #tpu.memory_space<vmem>> -> memref<640x16xf32, #tpu.memory_space<vmem>>
      tpu.enqueue_dma source(%dma_start3A_335 : memref<640x16xf32, #tpu.memory_space<vmem>>) target(%dma_start3A_332 : memref<640x16xf32, #tpu.memory_space<vmem_shared>>) target_semaphore(%run_scoped3A : memref<!tpu.dma_semaphore, #tpu.memory_space<semaphore_mem>>)
      %dma_wait3A_336 = arith.constant 0 : i32
      %dma_wait3A_337 = arith.constant 0 : i32
      %dma_wait3A_338 = tpu.memref_slice %arg11[%dma_wait3A_336, %dma_wait3A_337] : memref<2000x16xf32, #tpu.memory_space<vmem>> -> memref<640x16xf32, #tpu.memory_space<vmem>>
      %dma_wait3A_339 = arith.constant 0 : i32
      %dma_wait3A_340 = tpu.memref_slice %arg14[%mul3A_2, %dma_wait3A_339] : memref<10240x16xf32, #tpu.memory_space<vmem_shared>> -> memref<640x16xf32, #tpu.memory_space<vmem_shared>>
      %dma_wait3A_341 = arith.constant 0 : i32
      %dma_wait3A_342 = tpu.memref_slice %arg14[%mul3A_2, %dma_wait3A_341] : memref<10240x16xf32, #tpu.memory_space<vmem_shared>> -> memref<640x16xf32, #tpu.memory_space<vmem_shared>>
      %dma_wait3A_343 = arith.constant 0 : i32
      %dma_wait3A_344 = arith.constant 0 : i32
      %dma_wait3A_345 = tpu.memref_slice %arg11[%dma_wait3A_343, %dma_wait3A_344] : memref<2000x16xf32, #tpu.memory_space<vmem>> -> memref<640x16xf32, #tpu.memory_space<vmem>>
      tpu.wait_dma2 semaphore(%run_scoped3A : memref<!tpu.dma_semaphore, #tpu.memory_space<semaphore_mem>>) src(%dma_wait3A_345 : memref<640x16xf32, #tpu.memory_space<vmem>>) dst(%dma_wait3A_342 : memref<640x16xf32, #tpu.memory_space<vmem_shared>>)
      tpu.yield
    }) : () -> ()
    %dma_wait3A_71 = arith.constant 0 : i32
    %dma_wait3A_72 = arith.constant 0 : i32
    %dma_wait3A_73 = tpu.memref_slice %arg2[%mul3A_4, %dma_wait3A_72] : memref<160x2000xi32, #tpu.memory_space<hbm>> -> memref<5x2000xi32, #tpu.memory_space<hbm>>
    %dma_wait3A_74 = tpu.memref_slice %arg15[%dma_wait3A_71] : memref<2x!tpu.dma_semaphore, #tpu.memory_space<semaphore_mem>> -> memref<1x!tpu.dma_semaphore, #tpu.memory_space<semaphore_mem>>
    %dma_wait3A_75 = tpu.memref_squeeze %dma_wait3A_74 : memref<1x!tpu.dma_semaphore, #tpu.memory_space<semaphore_mem>> -> memref<!tpu.dma_semaphore, #tpu.memory_space<semaphore_mem>>
    %dma_wait3A_76 = arith.constant 0 : i32
    %dma_wait3A_77 = tpu.memref_slice %arg2[%mul3A_4, %dma_wait3A_76] : memref<160x2000xi32, #tpu.memory_space<hbm>> -> memref<5x2000xi32, #tpu.memory_space<hbm>>
    tpu.wait_dma2 semaphore(%dma_wait3A_75 : memref<!tpu.dma_semaphore, #tpu.memory_space<semaphore_mem>>) src(%dma_wait3A_77 : memref<5x2000xi32, #tpu.memory_space<hbm>>) dst(%arg8 : memref<5x2000xi32, #tpu.memory_space<vmem>>)
    %dma_wait3A_78 = arith.constant 1 : i32
    %dma_wait3A_79 = arith.constant 0 : i32
    %dma_wait3A_80 = tpu.memref_slice %arg3[%mul3A_12, %dma_wait3A_79] : memref<160x2000xi32, #tpu.memory_space<hbm>> -> memref<5x2000xi32, #tpu.memory_space<hbm>>
    %dma_wait3A_81 = tpu.memref_slice %arg15[%dma_wait3A_78] : memref<2x!tpu.dma_semaphore, #tpu.memory_space<semaphore_mem>> -> memref<1x!tpu.dma_semaphore, #tpu.memory_space<semaphore_mem>>
    %dma_wait3A_82 = tpu.memref_squeeze %dma_wait3A_81 : memref<1x!tpu.dma_semaphore, #tpu.memory_space<semaphore_mem>> -> memref<!tpu.dma_semaphore, #tpu.memory_space<semaphore_mem>>
    %dma_wait3A_83 = arith.constant 0 : i32
    %dma_wait3A_84 = tpu.memref_slice %arg3[%mul3A_12, %dma_wait3A_83] : memref<160x2000xi32, #tpu.memory_space<hbm>> -> memref<5x2000xi32, #tpu.memory_space<hbm>>
    tpu.wait_dma2 semaphore(%dma_wait3A_82 : memref<!tpu.dma_semaphore, #tpu.memory_space<semaphore_mem>>) src(%dma_wait3A_84 : memref<5x2000xi32, #tpu.memory_space<hbm>>) dst(%arg9 : memref<5x2000xi32, #tpu.memory_space<vmem>>)
    %barrier3A = arith.constant 0 : index
    tpu.barrier barrier_id(%barrier3A)
    %dma_start3A_85 = arith.constant 0 : i32
    %dma_start3A_86 = arith.constant 0 : i32
    %dma_start3A_87 = arith.constant 0 : i32
    %dma_start3A_88 = tpu.memref_slice %arg8[%dma_start3A_85, %dma_start3A_87] : memref<5x2000xi32, #tpu.memory_space<vmem>> -> memref<1x2000xi32, #tpu.memory_space<vmem>>
    %dma_start3A_89 = tpu.memref_squeeze %dma_start3A_88 : memref<1x2000xi32, #tpu.memory_space<vmem>> -> memref<2000xi32, #tpu.memory_space<vmem>>
    %dma_start3A_90 = arith.constant 0 : i32
    %dma_start3A_91 = arith.constant 0 : i32
    %dma_start3A_92 = tpu.memref_slice %arg6[%arg0, %dma_start3A_90, %dma_start3A_91] : memref<2x10240x16xf32, #tpu.memory_space<hbm>> -> memref<1x10240x16xf32, #tpu.memory_space<hbm>>
    %dma_start3A_93 = tpu.memref_squeeze %dma_start3A_92 : memref<1x10240x16xf32, #tpu.memory_space<hbm>> -> memref<10240x16xf32, #tpu.memory_space<hbm>>
    %dma_start3A_94 = arith.constant 0 : i32
    %dma_start3A_95 = arith.constant 0 : i32
    %dma_start3A_96 = tpu.memref_slice %dma_start3A_93[%dma_start3A_94, %dma_start3A_95] : memref<10240x16xf32, #tpu.memory_space<hbm>> -> memref<10240x16xf32, #tpu.memory_space<hbm>>
    %dma_start3A_97 = tpu.memref_slice %arg15[%dma_start3A_86] : memref<2x!tpu.dma_semaphore, #tpu.memory_space<semaphore_mem>> -> memref<1x!tpu.dma_semaphore, #tpu.memory_space<semaphore_mem>>
    %dma_start3A_98 = tpu.memref_squeeze %dma_start3A_97 : memref<1x!tpu.dma_semaphore, #tpu.memory_space<semaphore_mem>> -> memref<!tpu.dma_semaphore, #tpu.memory_space<semaphore_mem>>
    tpu.enqueue_indirect_dma source(%dma_start3A_96 : memref<10240x16xf32, #tpu.memory_space<hbm>>) target(%arg10 : memref<2000x16xf32, #tpu.memory_space<vmem>>) offsets(%dma_start3A_89 : memref<2000xi32, #tpu.memory_space<vmem>>) semaphore(%dma_start3A_98 : memref<!tpu.dma_semaphore, #tpu.memory_space<semaphore_mem>>)
    %dma_wait3A_99 = arith.constant 0 : i32
    %dma_wait3A_100 = arith.constant 0 : i32
    %dma_wait3A_101 = arith.constant 0 : i32
    %dma_wait3A_102 = tpu.memref_slice %arg8[%dma_wait3A_99, %dma_wait3A_101] : memref<5x2000xi32, #tpu.memory_space<vmem>> -> memref<1x2000xi32, #tpu.memory_space<vmem>>
    %dma_wait3A_103 = tpu.memref_squeeze %dma_wait3A_102 : memref<1x2000xi32, #tpu.memory_space<vmem>> -> memref<2000xi32, #tpu.memory_space<vmem>>
    %dma_wait3A_104 = arith.constant 0 : i32
    %dma_wait3A_105 = arith.constant 0 : i32
    %dma_wait3A_106 = tpu.memref_slice %arg6[%arg0, %dma_wait3A_104, %dma_wait3A_105] : memref<2x10240x16xf32, #tpu.memory_space<hbm>> -> memref<1x10240x16xf32, #tpu.memory_space<hbm>>
    %dma_wait3A_107 = tpu.memref_squeeze %dma_wait3A_106 : memref<1x10240x16xf32, #tpu.memory_space<hbm>> -> memref<10240x16xf32, #tpu.memory_space<hbm>>
    %dma_wait3A_108 = arith.constant 0 : i32
    %dma_wait3A_109 = arith.constant 0 : i32
    %dma_wait3A_110 = tpu.memref_slice %dma_wait3A_107[%dma_wait3A_108, %dma_wait3A_109] : memref<10240x16xf32, #tpu.memory_space<hbm>> -> memref<10240x16xf32, #tpu.memory_space<hbm>>
    %dma_wait3A_111 = tpu.memref_slice %arg15[%dma_wait3A_100] : memref<2x!tpu.dma_semaphore, #tpu.memory_space<semaphore_mem>> -> memref<1x!tpu.dma_semaphore, #tpu.memory_space<semaphore_mem>>
    %dma_wait3A_112 = tpu.memref_squeeze %dma_wait3A_111 : memref<1x!tpu.dma_semaphore, #tpu.memory_space<semaphore_mem>> -> memref<!tpu.dma_semaphore, #tpu.memory_space<semaphore_mem>>
    tpu.wait_indirect_dma semaphore(%dma_wait3A_112 : memref<!tpu.dma_semaphore, #tpu.memory_space<semaphore_mem>>) src(%dma_wait3A_110 : memref<10240x16xf32, #tpu.memory_space<hbm>>) dst(%arg10 : memref<2000x16xf32, #tpu.memory_space<vmem>>)
    %dma_start3A_113 = arith.constant 1 : i32
    %dma_start3A_114 = arith.constant 1 : i32
    %dma_start3A_115 = arith.constant 0 : i32
    %dma_start3A_116 = tpu.memref_slice %arg8[%dma_start3A_113, %dma_start3A_115] : memref<5x2000xi32, #tpu.memory_space<vmem>> -> memref<1x2000xi32, #tpu.memory_space<vmem>>
    %dma_start3A_117 = tpu.memref_squeeze %dma_start3A_116 : memref<1x2000xi32, #tpu.memory_space<vmem>> -> memref<2000xi32, #tpu.memory_space<vmem>>
    %dma_start3A_118 = arith.constant 0 : i32
    %dma_start3A_119 = arith.constant 0 : i32
    %dma_start3A_120 = tpu.memref_slice %arg6[%arg0, %dma_start3A_118, %dma_start3A_119] : memref<2x10240x16xf32, #tpu.memory_space<hbm>> -> memref<1x10240x16xf32, #tpu.memory_space<hbm>>
    %dma_start3A_121 = tpu.memref_squeeze %dma_start3A_120 : memref<1x10240x16xf32, #tpu.memory_space<hbm>> -> memref<10240x16xf32, #tpu.memory_space<hbm>>
    %dma_start3A_122 = arith.constant 0 : i32
    %dma_start3A_123 = arith.constant 0 : i32
    %dma_start3A_124 = tpu.memref_slice %dma_start3A_121[%dma_start3A_122, %dma_start3A_123] : memref<10240x16xf32, #tpu.memory_space<hbm>> -> memref<10240x16xf32, #tpu.memory_space<hbm>>
    %dma_start3A_125 = tpu.memref_slice %arg15[%dma_start3A_114] : memref<2x!tpu.dma_semaphore, #tpu.memory_space<semaphore_mem>> -> memref<1x!tpu.dma_semaphore, #tpu.memory_space<semaphore_mem>>
    %dma_start3A_126 = tpu.memref_squeeze %dma_start3A_125 : memref<1x!tpu.dma_semaphore, #tpu.memory_space<semaphore_mem>> -> memref<!tpu.dma_semaphore, #tpu.memory_space<semaphore_mem>>
    tpu.enqueue_indirect_dma source(%dma_start3A_124 : memref<10240x16xf32, #tpu.memory_space<hbm>>) target(%arg11 : memref<2000x16xf32, #tpu.memory_space<vmem>>) offsets(%dma_start3A_117 : memref<2000xi32, #tpu.memory_space<vmem>>) semaphore(%dma_start3A_126 : memref<!tpu.dma_semaphore, #tpu.memory_space<semaphore_mem>>)
    %dma_start3A_127 = arith.constant 0 : i32
    %dma_start3A_128 = arith.constant 0 : i32
    %dma_start3A_129 = arith.constant 0 : i32
    %dma_start3A_130 = tpu.memref_slice %arg9[%dma_start3A_127, %dma_start3A_129] : memref<5x2000xi32, #tpu.memory_space<vmem>> -> memref<1x2000xi32, #tpu.memory_space<vmem>>
    %dma_start3A_131 = tpu.memref_squeeze %dma_start3A_130 : memref<1x2000xi32, #tpu.memory_space<vmem>> -> memref<2000xi32, #tpu.memory_space<vmem>>
    %dma_start3A_132 = arith.constant 0 : i32
    %dma_start3A_133 = arith.constant 0 : i32
    %dma_start3A_134 = tpu.memref_slice %arg14[%dma_start3A_132, %dma_start3A_133] : memref<10240x16xf32, #tpu.memory_space<vmem_shared>> -> memref<10240x16xf32, #tpu.memory_space<vmem_shared>>
    %dma_start3A_135 = tpu.memref_slice %arg16[%dma_start3A_128] : memref<2x!tpu.dma_semaphore, #tpu.memory_space<semaphore_mem>> -> memref<1x!tpu.dma_semaphore, #tpu.memory_space<semaphore_mem>>
    %dma_start3A_136 = tpu.memref_squeeze %dma_start3A_135 : memref<1x!tpu.dma_semaphore, #tpu.memory_space<semaphore_mem>> -> memref<!tpu.dma_semaphore, #tpu.memory_space<semaphore_mem>>
    tpu.enqueue_indirect_dma source(%arg10 : memref<2000x16xf32, #tpu.memory_space<vmem>>) target(%dma_start3A_134 : memref<10240x16xf32, #tpu.memory_space<vmem_shared>>) offsets(%dma_start3A_131 : memref<2000xi32, #tpu.memory_space<vmem>>) semaphore(%dma_start3A_136 : memref<!tpu.dma_semaphore, #tpu.memory_space<semaphore_mem>>) {add = true}
    %dma_wait3A_137 = arith.constant 1 : i32
    %dma_wait3A_138 = arith.constant 1 : i32
    %dma_wait3A_139 = arith.constant 0 : i32
    %dma_wait3A_140 = tpu.memref_slice %arg8[%dma_wait3A_137, %dma_wait3A_139] : memref<5x2000xi32, #tpu.memory_space<vmem>> -> memref<1x2000xi32, #tpu.memory_space<vmem>>
    %dma_wait3A_141 = tpu.memref_squeeze %dma_wait3A_140 : memref<1x2000xi32, #tpu.memory_space<vmem>> -> memref<2000xi32, #tpu.memory_space<vmem>>
    %dma_wait3A_142 = arith.constant 0 : i32
    %dma_wait3A_143 = arith.constant 0 : i32
    %dma_wait3A_144 = tpu.memref_slice %arg6[%arg0, %dma_wait3A_142, %dma_wait3A_143] : memref<2x10240x16xf32, #tpu.memory_space<hbm>> -> memref<1x10240x16xf32, #tpu.memory_space<hbm>>
    %dma_wait3A_145 = tpu.memref_squeeze %dma_wait3A_144 : memref<1x10240x16xf32, #tpu.memory_space<hbm>> -> memref<10240x16xf32, #tpu.memory_space<hbm>>
    %dma_wait3A_146 = arith.constant 0 : i32
    %dma_wait3A_147 = arith.constant 0 : i32
    %dma_wait3A_148 = tpu.memref_slice %dma_wait3A_145[%dma_wait3A_146, %dma_wait3A_147] : memref<10240x16xf32, #tpu.memory_space<hbm>> -> memref<10240x16xf32, #tpu.memory_space<hbm>>
    %dma_wait3A_149 = tpu.memref_slice %arg15[%dma_wait3A_138] : memref<2x!tpu.dma_semaphore, #tpu.memory_space<semaphore_mem>> -> memref<1x!tpu.dma_semaphore, #tpu.memory_space<semaphore_mem>>
    %dma_wait3A_150 = tpu.memref_squeeze %dma_wait3A_149 : memref<1x!tpu.dma_semaphore, #tpu.memory_space<semaphore_mem>> -> memref<!tpu.dma_semaphore, #tpu.memory_space<semaphore_mem>>
    tpu.wait_indirect_dma semaphore(%dma_wait3A_150 : memref<!tpu.dma_semaphore, #tpu.memory_space<semaphore_mem>>) src(%dma_wait3A_148 : memref<10240x16xf32, #tpu.memory_space<hbm>>) dst(%arg11 : memref<2000x16xf32, #tpu.memory_space<vmem>>)
    %dma_wait3A_151 = arith.constant 0 : i32
    %dma_wait3A_152 = arith.constant 0 : i32
    %dma_wait3A_153 = arith.constant 0 : i32
    %dma_wait3A_154 = tpu.memref_slice %arg9[%dma_wait3A_151, %dma_wait3A_153] : memref<5x2000xi32, #tpu.memory_space<vmem>> -> memref<1x2000xi32, #tpu.memory_space<vmem>>
    %dma_wait3A_155 = tpu.memref_squeeze %dma_wait3A_154 : memref<1x2000xi32, #tpu.memory_space<vmem>> -> memref<2000xi32, #tpu.memory_space<vmem>>
    %dma_wait3A_156 = arith.constant 0 : i32
    %dma_wait3A_157 = arith.constant 0 : i32
    %dma_wait3A_158 = tpu.memref_slice %arg14[%dma_wait3A_156, %dma_wait3A_157] : memref<10240x16xf32, #tpu.memory_space<vmem_shared>> -> memref<10240x16xf32, #tpu.memory_space<vmem_shared>>
    %dma_wait3A_159 = tpu.memref_slice %arg16[%dma_wait3A_152] : memref<2x!tpu.dma_semaphore, #tpu.memory_space<semaphore_mem>> -> memref<1x!tpu.dma_semaphore, #tpu.memory_space<semaphore_mem>>
    %dma_wait3A_160 = tpu.memref_squeeze %dma_wait3A_159 : memref<1x!tpu.dma_semaphore, #tpu.memory_space<semaphore_mem>> -> memref<!tpu.dma_semaphore, #tpu.memory_space<semaphore_mem>>
    tpu.wait_indirect_dma semaphore(%dma_wait3A_160 : memref<!tpu.dma_semaphore, #tpu.memory_space<semaphore_mem>>) src(%arg10 : memref<2000x16xf32, #tpu.memory_space<vmem>>) dst(%dma_wait3A_158 : memref<10240x16xf32, #tpu.memory_space<vmem_shared>>)
    %dma_start3A_161 = arith.constant 2 : i32
    %dma_start3A_162 = arith.constant 0 : i32
    %dma_start3A_163 = arith.constant 0 : i32
    %dma_start3A_164 = tpu.memref_slice %arg8[%dma_start3A_161, %dma_start3A_163] : memref<5x2000xi32, #tpu.memory_space<vmem>> -> memref<1x2000xi32, #tpu.memory_space<vmem>>
    %dma_start3A_165 = tpu.memref_squeeze %dma_start3A_164 : memref<1x2000xi32, #tpu.memory_space<vmem>> -> memref<2000xi32, #tpu.memory_space<vmem>>
    %dma_start3A_166 = arith.constant 0 : i32
    %dma_start3A_167 = arith.constant 0 : i32
    %dma_start3A_168 = tpu.memref_slice %arg6[%arg0, %dma_start3A_166, %dma_start3A_167] : memref<2x10240x16xf32, #tpu.memory_space<hbm>> -> memref<1x10240x16xf32, #tpu.memory_space<hbm>>
    %dma_start3A_169 = tpu.memref_squeeze %dma_start3A_168 : memref<1x10240x16xf32, #tpu.memory_space<hbm>> -> memref<10240x16xf32, #tpu.memory_space<hbm>>
    %dma_start3A_170 = arith.constant 0 : i32
    %dma_start3A_171 = arith.constant 0 : i32
    %dma_start3A_172 = tpu.memref_slice %dma_start3A_169[%dma_start3A_170, %dma_start3A_171] : memref<10240x16xf32, #tpu.memory_space<hbm>> -> memref<10240x16xf32, #tpu.memory_space<hbm>>
    %dma_start3A_173 = tpu.memref_slice %arg15[%dma_start3A_162] : memref<2x!tpu.dma_semaphore, #tpu.memory_space<semaphore_mem>> -> memref<1x!tpu.dma_semaphore, #tpu.memory_space<semaphore_mem>>
    %dma_start3A_174 = tpu.memref_squeeze %dma_start3A_173 : memref<1x!tpu.dma_semaphore, #tpu.memory_space<semaphore_mem>> -> memref<!tpu.dma_semaphore, #tpu.memory_space<semaphore_mem>>
    tpu.enqueue_indirect_dma source(%dma_start3A_172 : memref<10240x16xf32, #tpu.memory_space<hbm>>) target(%arg10 : memref<2000x16xf32, #tpu.memory_space<vmem>>) offsets(%dma_start3A_165 : memref<2000xi32, #tpu.memory_space<vmem>>) semaphore(%dma_start3A_174 : memref<!tpu.dma_semaphore, #tpu.memory_space<semaphore_mem>>)
    %dma_start3A_175 = arith.constant 1 : i32
    %dma_start3A_176 = arith.constant 1 : i32
    %dma_start3A_177 = arith.constant 0 : i32
    %dma_start3A_178 = tpu.memref_slice %arg9[%dma_start3A_175, %dma_start3A_177] : memref<5x2000xi32, #tpu.memory_space<vmem>> -> memref<1x2000xi32, #tpu.memory_space<vmem>>
    %dma_start3A_179 = tpu.memref_squeeze %dma_start3A_178 : memref<1x2000xi32, #tpu.memory_space<vmem>> -> memref<2000xi32, #tpu.memory_space<vmem>>
    %dma_start3A_180 = arith.constant 0 : i32
    %dma_start3A_181 = arith.constant 0 : i32
    %dma_start3A_182 = tpu.memref_slice %arg14[%dma_start3A_180, %dma_start3A_181] : memref<10240x16xf32, #tpu.memory_space<vmem_shared>> -> memref<10240x16xf32, #tpu.memory_space<vmem_shared>>
    %dma_start3A_183 = tpu.memref_slice %arg16[%dma_start3A_176] : memref<2x!tpu.dma_semaphore, #tpu.memory_space<semaphore_mem>> -> memref<1x!tpu.dma_semaphore, #tpu.memory_space<semaphore_mem>>
    %dma_start3A_184 = tpu.memref_squeeze %dma_start3A_183 : memref<1x!tpu.dma_semaphore, #tpu.memory_space<semaphore_mem>> -> memref<!tpu.dma_semaphore, #tpu.memory_space<semaphore_mem>>
    tpu.enqueue_indirect_dma source(%arg11 : memref<2000x16xf32, #tpu.memory_space<vmem>>) target(%dma_start3A_182 : memref<10240x16xf32, #tpu.memory_space<vmem_shared>>) offsets(%dma_start3A_179 : memref<2000xi32, #tpu.memory_space<vmem>>) semaphore(%dma_start3A_184 : memref<!tpu.dma_semaphore, #tpu.memory_space<semaphore_mem>>) {add = true}
    %dma_wait3A_185 = arith.constant 2 : i32
    %dma_wait3A_186 = arith.constant 0 : i32
    %dma_wait3A_187 = arith.constant 0 : i32
    %dma_wait3A_188 = tpu.memref_slice %arg8[%dma_wait3A_185, %dma_wait3A_187] : memref<5x2000xi32, #tpu.memory_space<vmem>> -> memref<1x2000xi32, #tpu.memory_space<vmem>>
    %dma_wait3A_189 = tpu.memref_squeeze %dma_wait3A_188 : memref<1x2000xi32, #tpu.memory_space<vmem>> -> memref<2000xi32, #tpu.memory_space<vmem>>
    %dma_wait3A_190 = arith.constant 0 : i32
    %dma_wait3A_191 = arith.constant 0 : i32
    %dma_wait3A_192 = tpu.memref_slice %arg6[%arg0, %dma_wait3A_190, %dma_wait3A_191] : memref<2x10240x16xf32, #tpu.memory_space<hbm>> -> memref<1x10240x16xf32, #tpu.memory_space<hbm>>
    %dma_wait3A_193 = tpu.memref_squeeze %dma_wait3A_192 : memref<1x10240x16xf32, #tpu.memory_space<hbm>> -> memref<10240x16xf32, #tpu.memory_space<hbm>>
    %dma_wait3A_194 = arith.constant 0 : i32
    %dma_wait3A_195 = arith.constant 0 : i32
    %dma_wait3A_196 = tpu.memref_slice %dma_wait3A_193[%dma_wait3A_194, %dma_wait3A_195] : memref<10240x16xf32, #tpu.memory_space<hbm>> -> memref<10240x16xf32, #tpu.memory_space<hbm>>
    %dma_wait3A_197 = tpu.memref_slice %arg15[%dma_wait3A_186] : memref<2x!tpu.dma_semaphore, #tpu.memory_space<semaphore_mem>> -> memref<1x!tpu.dma_semaphore, #tpu.memory_space<semaphore_mem>>
    %dma_wait3A_198 = tpu.memref_squeeze %dma_wait3A_197 : memref<1x!tpu.dma_semaphore, #tpu.memory_space<semaphore_mem>> -> memref<!tpu.dma_semaphore, #tpu.memory_space<semaphore_mem>>
    tpu.wait_indirect_dma semaphore(%dma_wait3A_198 : memref<!tpu.dma_semaphore, #tpu.memory_space<semaphore_mem>>) src(%dma_wait3A_196 : memref<10240x16xf32, #tpu.memory_space<hbm>>) dst(%arg10 : memref<2000x16xf32, #tpu.memory_space<vmem>>)
    %dma_wait3A_199 = arith.constant 1 : i32
    %dma_wait3A_200 = arith.constant 1 : i32
    %dma_wait3A_201 = arith.constant 0 : i32
    %dma_wait3A_202 = tpu.memref_slice %arg9[%dma_wait3A_199, %dma_wait3A_201] : memref<5x2000xi32, #tpu.memory_space<vmem>> -> memref<1x2000xi32, #tpu.memory_space<vmem>>
    %dma_wait3A_203 = tpu.memref_squeeze %dma_wait3A_202 : memref<1x2000xi32, #tpu.memory_space<vmem>> -> memref<2000xi32, #tpu.memory_space<vmem>>
    %dma_wait3A_204 = arith.constant 0 : i32
    %dma_wait3A_205 = arith.constant 0 : i32
    %dma_wait3A_206 = tpu.memref_slice %arg14[%dma_wait3A_204, %dma_wait3A_205] : memref<10240x16xf32, #tpu.memory_space<vmem_shared>> -> memref<10240x16xf32, #tpu.memory_space<vmem_shared>>
    %dma_wait3A_207 = tpu.memref_slice %arg16[%dma_wait3A_200] : memref<2x!tpu.dma_semaphore, #tpu.memory_space<semaphore_mem>> -> memref<1x!tpu.dma_semaphore, #tpu.memory_space<semaphore_mem>>
    %dma_wait3A_208 = tpu.memref_squeeze %dma_wait3A_207 : memref<1x!tpu.dma_semaphore, #tpu.memory_space<semaphore_mem>> -> memref<!tpu.dma_semaphore, #tpu.memory_space<semaphore_mem>>
    tpu.wait_indirect_dma semaphore(%dma_wait3A_208 : memref<!tpu.dma_semaphore, #tpu.memory_space<semaphore_mem>>) src(%arg11 : memref<2000x16xf32, #tpu.memory_space<vmem>>) dst(%dma_wait3A_206 : memref<10240x16xf32, #tpu.memory_space<vmem_shared>>)
    %dma_start3A_209 = arith.constant 3 : i32
    %dma_start3A_210 = arith.constant 1 : i32
    %dma_start3A_211 = arith.constant 0 : i32
    %dma_start3A_212 = tpu.memref_slice %arg8[%dma_start3A_209, %dma_start3A_211] : memref<5x2000xi32, #tpu.memory_space<vmem>> -> memref<1x2000xi32, #tpu.memory_space<vmem>>
    %dma_start3A_213 = tpu.memref_squeeze %dma_start3A_212 : memref<1x2000xi32, #tpu.memory_space<vmem>> -> memref<2000xi32, #tpu.memory_space<vmem>>
    %dma_start3A_214 = arith.constant 0 : i32
    %dma_start3A_215 = arith.constant 0 : i32
    %dma_start3A_216 = tpu.memref_slice %arg6[%arg0, %dma_start3A_214, %dma_start3A_215] : memref<2x10240x16xf32, #tpu.memory_space<hbm>> -> memref<1x10240x16xf32, #tpu.memory_space<hbm>>
    %dma_start3A_217 = tpu.memref_squeeze %dma_start3A_216 : memref<1x10240x16xf32, #tpu.memory_space<hbm>> -> memref<10240x16xf32, #tpu.memory_space<hbm>>
    %dma_start3A_218 = arith.constant 0 : i32
    %dma_start3A_219 = arith.constant 0 : i32
    %dma_start3A_220 = tpu.memref_slice %dma_start3A_217[%dma_start3A_218, %dma_start3A_219] : memref<10240x16xf32, #tpu.memory_space<hbm>> -> memref<10240x16xf32, #tpu.memory_space<hbm>>
    %dma_start3A_221 = tpu.memref_slice %arg15[%dma_start3A_210] : memref<2x!tpu.dma_semaphore, #tpu.memory_space<semaphore_mem>> -> memref<1x!tpu.dma_semaphore, #tpu.memory_space<semaphore_mem>>
    %dma_start3A_222 = tpu.memref_squeeze %dma_start3A_221 : memref<1x!tpu.dma_semaphore, #tpu.memory_space<semaphore_mem>> -> memref<!tpu.dma_semaphore, #tpu.memory_space<semaphore_mem>>
    tpu.enqueue_indirect_dma source(%dma_start3A_220 : memref<10240x16xf32, #tpu.memory_space<hbm>>) target(%arg11 : memref<2000x16xf32, #tpu.memory_space<vmem>>) offsets(%dma_start3A_213 : memref<2000xi32, #tpu.memory_space<vmem>>) semaphore(%dma_start3A_222 : memref<!tpu.dma_semaphore, #tpu.memory_space<semaphore_mem>>)
    %dma_start3A_223 = arith.constant 2 : i32
    %dma_start3A_224 = arith.constant 0 : i32
    %dma_start3A_225 = arith.constant 0 : i32
    %dma_start3A_226 = tpu.memref_slice %arg9[%dma_start3A_223, %dma_start3A_225] : memref<5x2000xi32, #tpu.memory_space<vmem>> -> memref<1x2000xi32, #tpu.memory_space<vmem>>
    %dma_start3A_227 = tpu.memref_squeeze %dma_start3A_226 : memref<1x2000xi32, #tpu.memory_space<vmem>> -> memref<2000xi32, #tpu.memory_space<vmem>>
    %dma_start3A_228 = arith.constant 0 : i32
    %dma_start3A_229 = arith.constant 0 : i32
    %dma_start3A_230 = tpu.memref_slice %arg14[%dma_start3A_228, %dma_start3A_229] : memref<10240x16xf32, #tpu.memory_space<vmem_shared>> -> memref<10240x16xf32, #tpu.memory_space<vmem_shared>>
    %dma_start3A_231 = tpu.memref_slice %arg16[%dma_start3A_224] : memref<2x!tpu.dma_semaphore, #tpu.memory_space<semaphore_mem>> -> memref<1x!tpu.dma_semaphore, #tpu.memory_space<semaphore_mem>>
    %dma_start3A_232 = tpu.memref_squeeze %dma_start3A_231 : memref<1x!tpu.dma_semaphore, #tpu.memory_space<semaphore_mem>> -> memref<!tpu.dma_semaphore, #tpu.memory_space<semaphore_mem>>
    tpu.enqueue_indirect_dma source(%arg10 : memref<2000x16xf32, #tpu.memory_space<vmem>>) target(%dma_start3A_230 : memref<10240x16xf32, #tpu.memory_space<vmem_shared>>) offsets(%dma_start3A_227 : memref<2000xi32, #tpu.memory_space<vmem>>) semaphore(%dma_start3A_232 : memref<!tpu.dma_semaphore, #tpu.memory_space<semaphore_mem>>) {add = true}
    %dma_wait3A_233 = arith.constant 3 : i32
    %dma_wait3A_234 = arith.constant 1 : i32
    %dma_wait3A_235 = arith.constant 0 : i32
    %dma_wait3A_236 = tpu.memref_slice %arg8[%dma_wait3A_233, %dma_wait3A_235] : memref<5x2000xi32, #tpu.memory_space<vmem>> -> memref<1x2000xi32, #tpu.memory_space<vmem>>
    %dma_wait3A_237 = tpu.memref_squeeze %dma_wait3A_236 : memref<1x2000xi32, #tpu.memory_space<vmem>> -> memref<2000xi32, #tpu.memory_space<vmem>>
    %dma_wait3A_238 = arith.constant 0 : i32
    %dma_wait3A_239 = arith.constant 0 : i32
    %dma_wait3A_240 = tpu.memref_slice %arg6[%arg0, %dma_wait3A_238, %dma_wait3A_239] : memref<2x10240x16xf32, #tpu.memory_space<hbm>> -> memref<1x10240x16xf32, #tpu.memory_space<hbm>>
    %dma_wait3A_241 = tpu.memref_squeeze %dma_wait3A_240 : memref<1x10240x16xf32, #tpu.memory_space<hbm>> -> memref<10240x16xf32, #tpu.memory_space<hbm>>
    %dma_wait3A_242 = arith.constant 0 : i32
    %dma_wait3A_243 = arith.constant 0 : i32
    %dma_wait3A_244 = tpu.memref_slice %dma_wait3A_241[%dma_wait3A_242, %dma_wait3A_243] : memref<10240x16xf32, #tpu.memory_space<hbm>> -> memref<10240x16xf32, #tpu.memory_space<hbm>>
    %dma_wait3A_245 = tpu.memref_slice %arg15[%dma_wait3A_234] : memref<2x!tpu.dma_semaphore, #tpu.memory_space<semaphore_mem>> -> memref<1x!tpu.dma_semaphore, #tpu.memory_space<semaphore_mem>>
    %dma_wait3A_246 = tpu.memref_squeeze %dma_wait3A_245 : memref<1x!tpu.dma_semaphore, #tpu.memory_space<semaphore_mem>> -> memref<!tpu.dma_semaphore, #tpu.memory_space<semaphore_mem>>
    tpu.wait_indirect_dma semaphore(%dma_wait3A_246 : memref<!tpu.dma_semaphore, #tpu.memory_space<semaphore_mem>>) src(%dma_wait3A_244 : memref<10240x16xf32, #tpu.memory_space<hbm>>) dst(%arg11 : memref<2000x16xf32, #tpu.memory_space<vmem>>)
    %dma_wait3A_247 = arith.constant 2 : i32
    %dma_wait3A_248 = arith.constant 0 : i32
    %dma_wait3A_249 = arith.constant 0 : i32
    %dma_wait3A_250 = tpu.memref_slice %arg9[%dma_wait3A_247, %dma_wait3A_249] : memref<5x2000xi32, #tpu.memory_space<vmem>> -> memref<1x2000xi32, #tpu.memory_space<vmem>>
    %dma_wait3A_251 = tpu.memref_squeeze %dma_wait3A_250 : memref<1x2000xi32, #tpu.memory_space<vmem>> -> memref<2000xi32, #tpu.memory_space<vmem>>
    %dma_wait3A_252 = arith.constant 0 : i32
    %dma_wait3A_253 = arith.constant 0 : i32
    %dma_wait3A_254 = tpu.memref_slice %arg14[%dma_wait3A_252, %dma_wait3A_253] : memref<10240x16xf32, #tpu.memory_space<vmem_shared>> -> memref<10240x16xf32, #tpu.memory_space<vmem_shared>>
    %dma_wait3A_255 = tpu.memref_slice %arg16[%dma_wait3A_248] : memref<2x!tpu.dma_semaphore, #tpu.memory_space<semaphore_mem>> -> memref<1x!tpu.dma_semaphore, #tpu.memory_space<semaphore_mem>>
    %dma_wait3A_256 = tpu.memref_squeeze %dma_wait3A_255 : memref<1x!tpu.dma_semaphore, #tpu.memory_space<semaphore_mem>> -> memref<!tpu.dma_semaphore, #tpu.memory_space<semaphore_mem>>
    tpu.wait_indirect_dma semaphore(%dma_wait3A_256 : memref<!tpu.dma_semaphore, #tpu.memory_space<semaphore_mem>>) src(%arg10 : memref<2000x16xf32, #tpu.memory_space<vmem>>) dst(%dma_wait3A_254 : memref<10240x16xf32, #tpu.memory_space<vmem_shared>>)
    %dma_start3A_257 = arith.constant 4 : i32
    %dma_start3A_258 = arith.constant 0 : i32
    %dma_start3A_259 = arith.constant 0 : i32
    %dma_start3A_260 = tpu.memref_slice %arg8[%dma_start3A_257, %dma_start3A_259] : memref<5x2000xi32, #tpu.memory_space<vmem>> -> memref<1x2000xi32, #tpu.memory_space<vmem>>
    %dma_start3A_261 = tpu.memref_squeeze %dma_start3A_260 : memref<1x2000xi32, #tpu.memory_space<vmem>> -> memref<2000xi32, #tpu.memory_space<vmem>>
    %dma_start3A_262 = arith.constant 0 : i32
    %dma_start3A_263 = arith.constant 0 : i32
    %dma_start3A_264 = tpu.memref_slice %arg6[%arg0, %dma_start3A_262, %dma_start3A_263] : memref<2x10240x16xf32, #tpu.memory_space<hbm>> -> memref<1x10240x16xf32, #tpu.memory_space<hbm>>
    %dma_start3A_265 = tpu.memref_squeeze %dma_start3A_264 : memref<1x10240x16xf32, #tpu.memory_space<hbm>> -> memref<10240x16xf32, #tpu.memory_space<hbm>>
    %dma_start3A_266 = arith.constant 0 : i32
    %dma_start3A_267 = arith.constant 0 : i32
    %dma_start3A_268 = tpu.memref_slice %dma_start3A_265[%dma_start3A_266, %dma_start3A_267] : memref<10240x16xf32, #tpu.memory_space<hbm>> -> memref<10240x16xf32, #tpu.memory_space<hbm>>
    %dma_start3A_269 = tpu.memref_slice %arg15[%dma_start3A_258] : memref<2x!tpu.dma_semaphore, #tpu.memory_space<semaphore_mem>> -> memref<1x!tpu.dma_semaphore, #tpu.memory_space<semaphore_mem>>
    %dma_start3A_270 = tpu.memref_squeeze %dma_start3A_269 : memref<1x!tpu.dma_semaphore, #tpu.memory_space<semaphore_mem>> -> memref<!tpu.dma_semaphore, #tpu.memory_space<semaphore_mem>>
    tpu.enqueue_indirect_dma source(%dma_start3A_268 : memref<10240x16xf32, #tpu.memory_space<hbm>>) target(%arg10 : memref<2000x16xf32, #tpu.memory_space<vmem>>) offsets(%dma_start3A_261 : memref<2000xi32, #tpu.memory_space<vmem>>) semaphore(%dma_start3A_270 : memref<!tpu.dma_semaphore, #tpu.memory_space<semaphore_mem>>)
    %dma_start3A_271 = arith.constant 3 : i32
    %dma_start3A_272 = arith.constant 1 : i32
    %dma_start3A_273 = arith.constant 0 : i32
    %dma_start3A_274 = tpu.memref_slice %arg9[%dma_start3A_271, %dma_start3A_273] : memref<5x2000xi32, #tpu.memory_space<vmem>> -> memref<1x2000xi32, #tpu.memory_space<vmem>>
    %dma_start3A_275 = tpu.memref_squeeze %dma_start3A_274 : memref<1x2000xi32, #tpu.memory_space<vmem>> -> memref<2000xi32, #tpu.memory_space<vmem>>
    %dma_start3A_276 = arith.constant 0 : i32
    %dma_start3A_277 = arith.constant 0 : i32
    %dma_start3A_278 = tpu.memref_slice %arg14[%dma_start3A_276, %dma_start3A_277] : memref<10240x16xf32, #tpu.memory_space<vmem_shared>> -> memref<10240x16xf32, #tpu.memory_space<vmem_shared>>
    %dma_start3A_279 = tpu.memref_slice %arg16[%dma_start3A_272] : memref<2x!tpu.dma_semaphore, #tpu.memory_space<semaphore_mem>> -> memref<1x!tpu.dma_semaphore, #tpu.memory_space<semaphore_mem>>
    %dma_start3A_280 = tpu.memref_squeeze %dma_start3A_279 : memref<1x!tpu.dma_semaphore, #tpu.memory_space<semaphore_mem>> -> memref<!tpu.dma_semaphore, #tpu.memory_space<semaphore_mem>>
    tpu.enqueue_indirect_dma source(%arg11 : memref<2000x16xf32, #tpu.memory_space<vmem>>) target(%dma_start3A_278 : memref<10240x16xf32, #tpu.memory_space<vmem_shared>>) offsets(%dma_start3A_275 : memref<2000xi32, #tpu.memory_space<vmem>>) semaphore(%dma_start3A_280 : memref<!tpu.dma_semaphore, #tpu.memory_space<semaphore_mem>>) {add = true}
    %dma_wait3A_281 = arith.constant 4 : i32
    %dma_wait3A_282 = arith.constant 0 : i32
    %dma_wait3A_283 = arith.constant 0 : i32
    %dma_wait3A_284 = tpu.memref_slice %arg8[%dma_wait3A_281, %dma_wait3A_283] : memref<5x2000xi32, #tpu.memory_space<vmem>> -> memref<1x2000xi32, #tpu.memory_space<vmem>>
    %dma_wait3A_285 = tpu.memref_squeeze %dma_wait3A_284 : memref<1x2000xi32, #tpu.memory_space<vmem>> -> memref<2000xi32, #tpu.memory_space<vmem>>
    %dma_wait3A_286 = arith.constant 0 : i32
    %dma_wait3A_287 = arith.constant 0 : i32
    %dma_wait3A_288 = tpu.memref_slice %arg6[%arg0, %dma_wait3A_286, %dma_wait3A_287] : memref<2x10240x16xf32, #tpu.memory_space<hbm>> -> memref<1x10240x16xf32, #tpu.memory_space<hbm>>
    %dma_wait3A_289 = tpu.memref_squeeze %dma_wait3A_288 : memref<1x10240x16xf32, #tpu.memory_space<hbm>> -> memref<10240x16xf32, #tpu.memory_space<hbm>>
    %dma_wait3A_290 = arith.constant 0 : i32
    %dma_wait3A_291 = arith.constant 0 : i32
    %dma_wait3A_292 = tpu.memref_slice %dma_wait3A_289[%dma_wait3A_290, %dma_wait3A_291] : memref<10240x16xf32, #tpu.memory_space<hbm>> -> memref<10240x16xf32, #tpu.memory_space<hbm>>
    %dma_wait3A_293 = tpu.memref_slice %arg15[%dma_wait3A_282] : memref<2x!tpu.dma_semaphore, #tpu.memory_space<semaphore_mem>> -> memref<1x!tpu.dma_semaphore, #tpu.memory_space<semaphore_mem>>
    %dma_wait3A_294 = tpu.memref_squeeze %dma_wait3A_293 : memref<1x!tpu.dma_semaphore, #tpu.memory_space<semaphore_mem>> -> memref<!tpu.dma_semaphore, #tpu.memory_space<semaphore_mem>>
    tpu.wait_indirect_dma semaphore(%dma_wait3A_294 : memref<!tpu.dma_semaphore, #tpu.memory_space<semaphore_mem>>) src(%dma_wait3A_292 : memref<10240x16xf32, #tpu.memory_space<hbm>>) dst(%arg10 : memref<2000x16xf32, #tpu.memory_space<vmem>>)
    %dma_start3A_295 = arith.constant 4 : i32
    %dma_start3A_296 = arith.constant 0 : i32
    %dma_start3A_297 = arith.constant 0 : i32
    %dma_start3A_298 = tpu.memref_slice %arg9[%dma_start3A_295, %dma_start3A_297] : memref<5x2000xi32, #tpu.memory_space<vmem>> -> memref<1x2000xi32, #tpu.memory_space<vmem>>
    %dma_start3A_299 = tpu.memref_squeeze %dma_start3A_298 : memref<1x2000xi32, #tpu.memory_space<vmem>> -> memref<2000xi32, #tpu.memory_space<vmem>>
    %dma_start3A_300 = arith.constant 0 : i32
    %dma_start3A_301 = arith.constant 0 : i32
    %dma_start3A_302 = tpu.memref_slice %arg14[%dma_start3A_300, %dma_start3A_301] : memref<10240x16xf32, #tpu.memory_space<vmem_shared>> -> memref<10240x16xf32, #tpu.memory_space<vmem_shared>>
    %dma_start3A_303 = tpu.memref_slice %arg16[%dma_start3A_296] : memref<2x!tpu.dma_semaphore, #tpu.memory_space<semaphore_mem>> -> memref<1x!tpu.dma_semaphore, #tpu.memory_space<semaphore_mem>>
    %dma_start3A_304 = tpu.memref_squeeze %dma_start3A_303 : memref<1x!tpu.dma_semaphore, #tpu.memory_space<semaphore_mem>> -> memref<!tpu.dma_semaphore, #tpu.memory_space<semaphore_mem>>
    tpu.enqueue_indirect_dma source(%arg10 : memref<2000x16xf32, #tpu.memory_space<vmem>>) target(%dma_start3A_302 : memref<10240x16xf32, #tpu.memory_space<vmem_shared>>) offsets(%dma_start3A_299 : memref<2000xi32, #tpu.memory_space<vmem>>) semaphore(%dma_start3A_304 : memref<!tpu.dma_semaphore, #tpu.memory_space<semaphore_mem>>) {add = true}
    %dma_wait3A_305 = arith.constant 4 : i32
    %dma_wait3A_306 = arith.constant 0 : i32
    %dma_wait3A_307 = arith.constant 0 : i32
    %dma_wait3A_308 = tpu.memref_slice %arg9[%dma_wait3A_305, %dma_wait3A_307] : memref<5x2000xi32, #tpu.memory_space<vmem>> -> memref<1x2000xi32, #tpu.memory_space<vmem>>
    %dma_wait3A_309 = tpu.memref_squeeze %dma_wait3A_308 : memref<1x2000xi32, #tpu.memory_space<vmem>> -> memref<2000xi32, #tpu.memory_space<vmem>>
    %dma_wait3A_310 = arith.constant 0 : i32
    %dma_wait3A_311 = arith.constant 0 : i32
    %dma_wait3A_312 = tpu.memref_slice %arg14[%dma_wait3A_310, %dma_wait3A_311] : memref<10240x16xf32, #tpu.memory_space<vmem_shared>> -> memref<10240x16xf32, #tpu.memory_space<vmem_shared>>
    %dma_wait3A_313 = tpu.memref_slice %arg16[%dma_wait3A_306] : memref<2x!tpu.dma_semaphore, #tpu.memory_space<semaphore_mem>> -> memref<1x!tpu.dma_semaphore, #tpu.memory_space<semaphore_mem>>
    %dma_wait3A_314 = tpu.memref_squeeze %dma_wait3A_313 : memref<1x!tpu.dma_semaphore, #tpu.memory_space<semaphore_mem>> -> memref<!tpu.dma_semaphore, #tpu.memory_space<semaphore_mem>>
    tpu.wait_indirect_dma semaphore(%dma_wait3A_314 : memref<!tpu.dma_semaphore, #tpu.memory_space<semaphore_mem>>) src(%arg10 : memref<2000x16xf32, #tpu.memory_space<vmem>>) dst(%dma_wait3A_312 : memref<10240x16xf32, #tpu.memory_space<vmem_shared>>)
    %dma_wait3A_315 = arith.constant 3 : i32
    %dma_wait3A_316 = arith.constant 1 : i32
    %dma_wait3A_317 = arith.constant 0 : i32
    %dma_wait3A_318 = tpu.memref_slice %arg9[%dma_wait3A_315, %dma_wait3A_317] : memref<5x2000xi32, #tpu.memory_space<vmem>> -> memref<1x2000xi32, #tpu.memory_space<vmem>>
    %dma_wait3A_319 = tpu.memref_squeeze %dma_wait3A_318 : memref<1x2000xi32, #tpu.memory_space<vmem>> -> memref<2000xi32, #tpu.memory_space<vmem>>
    %dma_wait3A_320 = arith.constant 0 : i32
    %dma_wait3A_321 = arith.constant 0 : i32
    %dma_wait3A_322 = tpu.memref_slice %arg14[%dma_wait3A_320, %dma_wait3A_321] : memref<10240x16xf32, #tpu.memory_space<vmem_shared>> -> memref<10240x16xf32, #tpu.memory_space<vmem_shared>>
    %dma_wait3A_323 = tpu.memref_slice %arg16[%dma_wait3A_316] : memref<2x!tpu.dma_semaphore, #tpu.memory_space<semaphore_mem>> -> memref<1x!tpu.dma_semaphore, #tpu.memory_space<semaphore_mem>>
    %dma_wait3A_324 = tpu.memref_squeeze %dma_wait3A_323 : memref<1x!tpu.dma_semaphore, #tpu.memory_space<semaphore_mem>> -> memref<!tpu.dma_semaphore, #tpu.memory_space<semaphore_mem>>
    tpu.wait_indirect_dma semaphore(%dma_wait3A_324 : memref<!tpu.dma_semaphore, #tpu.memory_space<semaphore_mem>>) src(%arg11 : memref<2000x16xf32, #tpu.memory_space<vmem>>) dst(%dma_wait3A_322 : memref<10240x16xf32, #tpu.memory_space<vmem_shared>>)
    %barrier3A_325 = arith.constant 0 : index
    tpu.barrier barrier_id(%barrier3A_325)
    "tpu.region"() ({
      %run_scoped3A = tpu.sem_alloc : memref<!tpu.dma_semaphore, #tpu.memory_space<semaphore_mem>>
      %dma_start3A_326 = arith.constant 0 : i32
      %dma_start3A_327 = tpu.memref_slice %arg7[%arg0, %mul3A_2, %dma_start3A_326] : memref<2x10240x16xf32, #tpu.memory_space<hbm>> -> memref<1x640x16xf32, #tpu.memory_space<hbm>>
      %dma_start3A_328 = tpu.memref_squeeze %dma_start3A_327 : memref<1x640x16xf32, #tpu.memory_space<hbm>> -> memref<640x16xf32, #tpu.memory_space<hbm>>
      %dma_start3A_329 = arith.constant 0 : i32
      %dma_start3A_330 = tpu.memref_slice %arg14[%mul3A_2, %dma_start3A_329] : memref<10240x16xf32, #tpu.memory_space<vmem_shared>> -> memref<640x16xf32, #tpu.memory_space<vmem_shared>>
      tpu.enqueue_dma source(%dma_start3A_330 : memref<640x16xf32, #tpu.memory_space<vmem_shared>>) target(%dma_start3A_328 : memref<640x16xf32, #tpu.memory_space<hbm>>) target_semaphore(%run_scoped3A : memref<!tpu.dma_semaphore, #tpu.memory_space<semaphore_mem>>)
      %dma_wait3A_331 = arith.constant 0 : i32
      %dma_wait3A_332 = tpu.memref_slice %arg7[%arg0, %mul3A_2, %dma_wait3A_331] : memref<2x10240x16xf32, #tpu.memory_space<hbm>> -> memref<1x640x16xf32, #tpu.memory_space<hbm>>
      %dma_wait3A_333 = tpu.memref_squeeze %dma_wait3A_332 : memref<1x640x16xf32, #tpu.memory_space<hbm>> -> memref<640x16xf32, #tpu.memory_space<hbm>>
      %dma_wait3A_334 = arith.constant 0 : i32
      %dma_wait3A_335 = tpu.memref_slice %arg14[%mul3A_2, %dma_wait3A_334] : memref<10240x16xf32, #tpu.memory_space<vmem_shared>> -> memref<640x16xf32, #tpu.memory_space<vmem_shared>>
      tpu.wait_dma2 semaphore(%run_scoped3A : memref<!tpu.dma_semaphore, #tpu.memory_space<semaphore_mem>>) src(%dma_wait3A_335 : memref<640x16xf32, #tpu.memory_space<vmem_shared>>) dst(%dma_wait3A_333 : memref<640x16xf32, #tpu.memory_space<hbm>>)
      tpu.yield
    }) : () -> ()
    return
  }
}

module attributes {stable_mosaic.version = 14 : i64} {
  func.func @_tc_mm1_body(%arg0: memref<10000x128xf32, #tpu.memory_space<vmem>>, %arg1: memref<128x16xf32, #tpu.memory_space<vmem>>, %arg2: memref<10240x16xf32, #tpu.memory_space<vmem>>) attributes {dimension_semantics = [], scalar_prefetch = 0 : i64, scratch_operands = 0 : i64, tpu.core_type = #tpu.core_type<tc>} {
    %get3A = arith.constant 0 : index
    %get3A_0 = arith.constant 0 : index
    %get3A_1 = vector.load %arg0[%get3A, %get3A_0] : memref<10000x128xf32, #tpu.memory_space<vmem>>, vector<10000x128xf32>
    %get3A_2 = arith.constant 0 : index
    %get3A_3 = arith.constant 0 : index
    %get3A_4 = vector.load %arg1[%get3A_2, %get3A_3] : memref<128x16xf32, #tpu.memory_space<vmem>>, vector<128x16xf32>
    %dot_general3A = arith.constant dense<0.000000e+00> : vector<10000x16xf32>
    %dot_general3A_5 = tpu.matmul %get3A_1, %get3A_4, %dot_general3A {dimension_numbers = #tpu.dot_dimension_numbers<[1], [0], [0], [1], [0, 0, 1, 1], [], []>, transpose_lhs_hint = false} : vector<10000x128xf32>, vector<128x16xf32>, vector<10000x16xf32> -> vector<10000x16xf32>
    %swap3A = arith.constant 0 : index
    %swap3A_6 = arith.constant 0 : index
    %swap3A_7 = vector.load %arg2[%swap3A, %swap3A_6] : memref<10240x16xf32, #tpu.memory_space<vmem>>, vector<10000x16xf32>
    tpu.vector_store %arg2[%swap3A, %swap3A_6], %dot_general3A_5 {strides = array<i32>} : memref<10240x16xf32, #tpu.memory_space<vmem>>, vector<10000x16xf32>,
    %broadcast_in_dim3A = arith.constant 0.000000e+00 : f32
    %broadcast_in_dim3A_8 = vector.broadcast %broadcast_in_dim3A : f32 to vector<240x16xf32>
    %swap3A_9 = arith.constant 10000 : index
    %swap3A_10 = arith.constant 0 : index
    %swap3A_11 = vector.load %arg2[%swap3A_9, %swap3A_10] : memref<10240x16xf32, #tpu.memory_space<vmem>>, vector<240x16xf32>
    tpu.vector_store %arg2[%swap3A_9, %swap3A_10], %broadcast_in_dim3A_8 {strides = array<i32>} : memref<10240x16xf32, #tpu.memory_space<vmem>>, vector<240x16xf32>,
    return
  }
}

module attributes {stable_mosaic.version = 14 : i64} {
  func.func @_tc_out_body(%arg0: memref<2x10240x16xf32, #tpu.memory_space<vmem>>, %arg1: memref<16x64xf32, #tpu.memory_space<vmem>>, %arg2: memref<1x64xf32, #tpu.memory_space<vmem>>, %arg3: memref<10000x64xf32, #tpu.memory_space<vmem>>) attributes {dimension_semantics = [], scalar_prefetch = 0 : i64, scratch_operands = 0 : i64, tpu.core_type = #tpu.core_type<tc>} {
    %get3A = arith.constant 0 : index
    %get3A_0 = arith.constant 0 : index
    %get3A_1 = arith.constant 0 : index
    %get3A_2 = vector.load %arg0[%get3A, %get3A_0, %get3A_1] : memref<2x10240x16xf32, #tpu.memory_space<vmem>>, vector<1x10000x16xf32>
    %get3A_3 = vector.shape_cast %get3A_2 : vector<1x10000x16xf32> to vector<10000x16xf32>
    %get3A_4 = arith.constant 1 : index
    %get3A_5 = arith.constant 0 : index
    %get3A_6 = arith.constant 0 : index
    %get3A_7 = vector.load %arg0[%get3A_4, %get3A_5, %get3A_6] : memref<2x10240x16xf32, #tpu.memory_space<vmem>>, vector<1x10000x16xf32>
    %get3A_8 = vector.shape_cast %get3A_7 : vector<1x10000x16xf32> to vector<10000x16xf32>
    %add3A = arith.addf %get3A_3, %get3A_8 : vector<10000x16xf32>
    %get3A_9 = arith.constant 0 : index
    %get3A_10 = arith.constant 0 : index
    %get3A_11 = vector.load %arg1[%get3A_9, %get3A_10] : memref<16x64xf32, #tpu.memory_space<vmem>>, vector<16x64xf32>
    %dot_general3A = arith.constant dense<0.000000e+00> : vector<10000x64xf32>
    %dot_general3A_12 = tpu.matmul %add3A, %get3A_11, %dot_general3A {dimension_numbers = #tpu.dot_dimension_numbers<[1], [0], [0], [1], [0, 0, 1, 1], [], []>, transpose_lhs_hint = false} : vector<10000x16xf32>, vector<16x64xf32>, vector<10000x64xf32> -> vector<10000x64xf32>
    %get3A_13 = arith.constant 0 : index
    %get3A_14 = arith.constant 0 : index
    %get3A_15 = vector.load %arg2[%get3A_13, %get3A_14] : memref<1x64xf32, #tpu.memory_space<vmem>>, vector<1x64xf32>
    %add3A_16 = vector.broadcast %get3A_15 : vector<1x64xf32> to vector<10000x64xf32>
    %add3A_17 = arith.addf %dot_general3A_12, %add3A_16 : vector<10000x64xf32>
    %swap3A = arith.constant 0 : index
    %swap3A_18 = arith.constant 0 : index
    %swap3A_19 = vector.load %arg3[%swap3A, %swap3A_18] : memref<10000x64xf32, #tpu.memory_space<vmem>>, vector<10000x64xf32>
    tpu.vector_store %arg3[%swap3A, %swap3A_18], %add3A_17 {strides = array<i32>} : memref<10000x64xf32, #tpu.memory_space<vmem>>, vector<10000x64xf32>,
    return
  }
}

</mosaic_0001>

<sc_bundles>
// kernel: kernel.11.cloned.1.call-start
scs
__scs_entry_jumppad:
0x0: {  	(pc) =	sbr.rel $0x88, $3  }
0x1: {  	(tag) =	ssettag $0x0;
	lr =	simm.s32 $0x1  }
0x2: {  	[smem:$0x3F9B] =	sst lr;
	_ =	strace $0xD0000000  }
0x3: {  	_ = 	snop  }
0x4: {  	_ = 	snop  }
0x5: {  	_ = 	snop  }
0x6: {  	_ = 	snop  }
0x7: {  	_ = 	snop  }
__scs_overlays_trampoline_lowered:
0x8: {  	[smem:$0x3FAA] =	sst s0  }
0x9: {  	[smem:$0x3FAB] =	sst s1  }
0xa: {  	[smem:$0x3FAC] =	sst s2  }
0xb: {  	[smem:$0x3FAD] =	sst s3  }
0xc: {  	[smem:$0x3FAE] =	sst s4  }
0xd: {  	[smem:$0x3FAF] =	sst s5  }
0xe: {  	[smem:$0x3FB0] =	sst s6  }
0xf: {  	[smem:$0x3FB1] =	sst s7  }
0x10: {  	[smem:$0x3FB2] =	sst s8  }
0x11: {  	[smem:$0x3FB3] =	sst s9;
	s0 =	simm.s32 @!p0 $0x0  }
0x12: {  	s1 =	sld [smem:$0x3F99];
	s0 =	simm.s32 @p0 $0x1  }
0x13: {  	[smem:$0x3FB4] =	sst s0;
	s0 =	simm.s32 @!p1 $0x0  }
0x14: {  	s2 =	sld [smem:$0x3F98];
	s0 =	simm.s32 @p1 $0x1  }
0x15: {  	[smem:$0x3FB5] =	sst s0;
	s0 =	simm.s32 @!p2 $0x0  }
0x16: {  	s3 =	sld [smem:$0x3FDB];
	s0 =	simm.s32 @p2 $0x1  }
0x17: {  	s4 =	simm.s32 $0x1BF5;
	[smem:$0x3FB7] =	sst s0  }
0x18: {  	s0 =	sld [smem:$0x3F9A];
	_ =	swait.ge [sflag:s4], $0x0  }
0x19: {  	s7 =	sld [smem:$0x3F9B]  }
0x1a: {  	s8 =	sadd.s32 $0xFFFFE003, lr  }
0x1b: {  	s9 =	sadd.s32 $0xFFFFFEF7, lr;
	s5 =	simm.s32 $0xFFFFFFFF;
	p2 =	slt.u32 s8, $0xFFFFF086  }
0x1c: {  	p1 =	slt.u32 s9, $0xF7A;
	s5 =	simm.s32 @!p2 $0x0  }
0x1d: {  	s5 =	simm.s32 @p1 $0x1;
	p0 =	seq.s32 s7, s2  }
0x1e: {  	s7 =	smul.u32 @!p0 $0xF7A, s2;
	p2 =	seq.s32 @!p0 s5, $0x0  }
0x1f: {  	s9 =	smul.u32 $0xF7A, s1;
	s8 =	simm.s32 @!p0 $0x1BF5;
	p2 =	por !p2, p0  }
0x20: {  	[sflag:s8] =	ssyncset.s32 @!p0 $0xFFFFF086;
	s6 =	sadd.s32 @!p0 s3, s7;
	s7 =	simm.s32 @!p0 $0x108  }
0x21: {  	s3 =	sadd.s32 s3, s9;
	s6 =	sadd.s32 @!p0 $0x88, s6;
	s7 =	simm.s32 @p2 $0x1082  }
0x22: {  	[simem:s7], [sflag:s8] =	dma.local @!p0 [hbm:s6], $0xF7A  }
0x23: {  	s9 =	sor.u32 $0xD0000000, s2;
	s6 =	simm.s32 $0x108;
	_ =	swait.ge @!p0 [sflag:s8], $0x0  }
0x24: {  	s3 =	sadd.s32 $0x88, s3;
	s6 =	simm.s32 @!p1 $0x1082;
	[sflag:s4] =	ssyncset.s32 $0xFFFFF086  }
0x25: {  	[simem:s6], [sflag:s4] =	dma.local [hbm:s3], $0xF7A  }
0x26: {  	[smem:$0x3F9B] =	sst s1;
	(tag) =	ssettag s2;
	_ =	strace s9  }
0x27: {  	s1 =	sld [smem:$0x3FAB]  }
0x28: {  	s2 =	sld [smem:$0x3FAC]  }
0x29: {  	s4 =	sld [smem:$0x3FAE]  }
0x2a: {  	p0 =	seq.s32 s5, $0x0;
	s5 =	sld [smem:$0x3FAF]  }
0x2b: {  	s6 =	sld [smem:$0x3FB0]  }
0x2c: {  	s7 =	sld [smem:$0x3FB1]  }
0x2d: {  	s3 =	simm.s32 $0x108;
	s8 =	sld [smem:$0x3FB2]  }
0x2e: {  	s3 =	simm.s32 @!p0 $0x1082;
	s9 =	sld [smem:$0x3FB3]  }
0x2f: {  	lr =	sadd.s32 s0, s3;
	s0 =	sld [smem:$0x3FAA]  }
0x30: {  	s3 =	sld [smem:$0x3FAD]  }
0x31: {  	[smem:$0x3FB6] =	sst s10  }
0x32: {  	s10 =	sld [smem:$0x3FB4];
	_ =	sdelay $0x3  }
0x33: {  	p0 =	seq.s32 s10, $0x1;
	s10 =	sld [smem:$0x3FB6];
	_ =	sdelay $0x3  }
0x34: {  	[smem:$0x3FB6] =	sst s10  }
0x35: {  	s10 =	sld [smem:$0x3FB5];
	_ =	sdelay $0x3  }
0x36: {  	p1 =	seq.s32 s10, $0x1;
	s10 =	sld [smem:$0x3FB6];
	_ =	sdelay $0x3  }
0x37: {  	[smem:$0x3FB6] =	sst s10  }
0x38: {  	s10 =	sld [smem:$0x3FB7]  }
0x39: {  	_ = 	snop;
	(pc) =	sbr.ind lr, $3  }
0x3a: {  	_ = 	snop  }
0x3b: {  	_ = 	snop  }
0x3c: {  	p2 =	seq.s32 s10, $0x1;
	s10 =	sld [smem:$0x3FB6]  }
0x3d: {  	_ =	shalt  }
0x3e: {  	_ =	shalt  }
0x3f: {  	_ =	shalt  }
0x40: {  	_ =	shalt  }
0x41: {  	_ =	shalt  }
0x42: {  	_ =	shalt  }
0x43: {  	_ =	shalt  }
0x44: {  	_ =	shalt  }
0x45: {  	_ =	shalt  }
0x46: {  	_ =	shalt  }
0x47: {  	_ =	shalt  }
0x48: {  	_ =	shalt  }
0x49: {  	_ =	shalt  }
0x4a: {  	_ =	shalt  }
0x4b: {  	_ =	shalt  }
0x4c: {  	_ =	shalt  }
0x4d: {  	_ =	shalt  }
0x4e: {  	_ =	shalt  }
0x4f: {  	_ =	shalt  }
0x50: {  	_ =	shalt  }
0x51: {  	_ =	shalt  }
0x52: {  	_ =	shalt  }
0x53: {  	_ =	shalt  }
0x54: {  	_ =	shalt  }
0x55: {  	_ =	shalt  }
0x56: {  	_ =	shalt  }
0x57: {  	_ =	shalt  }
0x58: {  	_ =	shalt  }
0x59: {  	_ =	shalt  }
0x5a: {  	_ =	shalt  }
0x5b: {  	_ =	shalt  }
0x5c: {  	_ =	shalt  }
0x5d: {  	_ =	shalt  }
0x5e: {  	_ =	shalt  }
0x5f: {  	_ =	shalt  }
0x60: {  	_ =	shalt  }
0x61: {  	_ =	shalt  }
0x62: {  	_ =	shalt  }
0x63: {  	_ =	shalt  }
0x64: {  	_ =	shalt  }
0x65: {  	_ =	shalt  }
0x66: {  	_ =	shalt  }
0x67: {  	_ =	shalt  }
0x68: {  	_ =	shalt  }
0x69: {  	_ =	shalt  }
0x6a: {  	_ =	shalt  }
0x6b: {  	_ =	shalt  }
0x6c: {  	_ =	shalt  }
0x6d: {  	_ =	shalt  }
0x6e: {  	_ =	shalt  }
0x6f: {  	_ =	shalt  }
0x70: {  	_ =	shalt  }
0x71: {  	_ =	shalt  }
0x72: {  	_ =	shalt  }
0x73: {  	_ =	shalt  }
0x74: {  	_ =	shalt  }
0x75: {  	_ =	shalt  }
0x76: {  	_ =	shalt  }
0x77: {  	_ =	shalt  }
0x78: {  	_ =	shalt  }
0x79: {  	_ =	shalt  }
0x7a: {  	_ =	shalt  }
0x7b: {  	_ =	shalt  }
0x7c: {  	_ =	shalt  }
0x7d: {  	_ =	shalt  }
0x7e: {  	_ =	shalt  }
0x7f: {  	_ =	shalt  }
0x80: {  	_ =	shalt  }
0x81: {  	_ =	shalt  }
0x82: {  	_ =	shalt  }
0x83: {  	_ =	shalt  }
0x84: {  	_ =	shalt  }
0x85: {  	_ =	shalt  }
0x86: {  	_ =	shalt  }
0x87: {  	_ =	shalt  }
.Lfunc_end0:
.L_simem_size_0:
called_computation.1_lowered:
.L_overlay_start_0:
0x88: {  	s2 =	sld [smem:$0x3FD9]  }
0x89: {  	s3 =	sld [smem:$0x3FFE];
	_ =	sdelay $0x1  }
0x8a: {  	s1 =	srdreg.scid  }
0x8b: {  	s0 =	sand.u32 $0x1, s1  }
0x8c: {  	s17 =	sshll.u32 s0, $0xA;
	s2 =	sadd.s32 s3, s2  }
0x8d: {  	s2 =	sadd.s32 s2, s17  }
0x8e: {  	[smem:$0x3FC2] =	sst s2  }
0x8f: {  	_ = 	snop  }
0x90: {  	s2 =	sld [smem:$0x3FD0];
	(tm) =	ssettm $0x1  }
0x91: {  	s18 =	sld [smem:$0x3FFB];
	_ =	sdelay $0x3  }
0x92: {  	_ =	strace s18  }
0x93: {  	s3 =	sld [smem:$0x3FFC];
	_ =	sdelay $0x3  }
0x94: {  	_ =	strace s3  }
0x95: {  	s3 =	sld [smem:$0x3FFD];
	_ =	sdelay $0x3  }
0x96: {  	_ =	strace s3  }
0x97: {  	_ =	strace $0x8FFFFFFF  }
0x98: {  	s19 =	sld [smem:$0x3FDB];
	_ =	sdelay $0x1  }
0x99: {  	s4 =	simm.s32 $_scs_section_size  }
0x9a: {  	s5 =	simm.s32 $_size__tile_overlayer_lowered;
	s6 =	simm.s32 $_tile_overlayer_lowered  }
0x9b: {  	s22 =	simm.s32 $0x1BFF;
	s21 =	sshll.u32 s6, $0x1;
	s3 =	sadd.s32 s4, s19  }
0x9c: {  	s7 =	simm.s32 $0x0;
	s20 =	sshll.u32 s5, $0x1;
	s5 =	sadd.s32 s21, s3  }
0x9d: {  	[timem:s7], [sflag:s22] =	dma.local [hbm:s5], s20  }
0x9e: {  	_ =	swait.ge [sflag:s22], s20  }
0x9f: {  	s4 =	ssub.s32 $0x0, s20;
	[sflag:s22] =	ssyncset.done $0x0  }
0xa0: {  	[sflag:s22] =	ssyncadd.s32 s4;
	_ =	sdelay $0x1  }
0xa1: {  	s23 =	simm.s32 $0x1B8B  }
0xa2: {  	_ =	swait.ge [sflag:s23], $0x1  }
0xa3: {  	[sflag:s23] =	ssyncset.done $0x0  }
0xa4: {  	s25 =	simm.s32 $0x1B8E;
	s24 =	sld [smem:$0x3FFE];
	[sflag:s23] =	ssyncadd.s32 $0xFFFFFFFF  }
0xa5: {  	s26 =	simm.s32 $execute0_lowered;
	[smem:$0x3FD2] =	sst s25  }
0xa6: {  	s5 =	sshll.u32 s26, $0x1;
	_ =	strace $0x80000049;
	[dreg:$0x1] =	wrdreg $0xFFFFFFFF  }
0xa7: {  	s28 =	simm.s32 $_size_execute0_lowered;
	s3 =	sadd.s32 s3, s5;
	[dreg:$0x0] =	wrdreg $0x0  }
0xa8: {  	s5 =	sshll.u32 s28, $0x1;
	[dreg:$0x2] =	wrdreg s3  }
0xa9: {  	[dreg:$0x3] =	wrdreg s5  }
0xaa: {  	[dreg:$0x4] =	wrdreg $0xC0  }
0xab: {  	_ =	task [dreg:s7], $0x5FFFF  }
0xac: {  	[dreg:$0x1] =	wrdreg $0xFFFFFFFF  }
0xad: {  	[dreg:$0x0] =	wrdreg $0x60  }
0xae: {  	[dreg:$0x2] =	wrdreg s2  }
0xaf: {  	[dreg:$0x3] =	wrdreg s24  }
0xb0: {  	[dreg:$0x4] =	wrdreg $0x9  }
0xb1: {  	_ =	task.clear_ibuf [dreg:s7], $0x5FFFF;
	_ =	strace $0x90000049  }
0xb2: {  	s29 =	simm.s32 $0x9;
	_ =	strace $0x8000004B  }
0xb3: {  	_ =	swait.ge [sflag:s29], $0x1  }
0xb4: {  	[sflag:s29] =	ssyncadd.s32 $0xFFFFFFFF  }
0xb5: {  	_ =	strace $0x9000004B  }
0xb6: {  	_ =	sfence  }
0xb7: {  	s30 =	sld [smem:$0x0];
	_ =	sdelay $0x2  }
0xb8: {  	s31 =	sshll.u32 s1, $0xD;
	s1 =	sshrl.u32 s1, $0x2  }
0xb9: {  	s3 =	sand.u32 $0x4000, s31;
	s1 =	sadd.s32 s1, s30  }
0xba: {  	s0 =	sor.u32 s3, s0;
	s1 =	sshll.u32 s1, $0x11  }
0xbb: {  	s0 =	sor.u32 s1, s0  }
0xbc: {  	s0 =	sadd.s32 $0x8F2B, s0  }
0xbd: {  	[sflag:s0] =	ssyncadd.remote.s32 $0x1  }
0xbe: {  	_ =	sfence.sel $0xFFFF  }
0xbf: {  	[dreg:$0x0] =	wrdreg $0xFFFFFFFF;
	(pc) =	sbr.abs _section_cstart, $3  }
0xc0: {  	[dreg:$0x1] =	wrdreg $0xFFFFFFFF  }
0xc1: {  	_ =	task.clear_ibuf [dreg:s7], $0x2FFFF;
	_ =	strace $0x9FFFFFFF  }
0xc2: {  	(tm) =	ssettm $0x7FFFFFFF  }
0xc3: {  	_ =	shalt  }
tec
execute0_lowered:
.L_overlay_start_1:
0x0: {  	(tag) =	ssettag $0x1  }
0x1: {  	s3 =	rddreg [dreg:$0x0];
	s0 =	srdreg.scid  }
0x2: {  	s4 =	rddreg [dreg:$0x1];
	s1 =	stileid.u32  }
0x3: {  	s2 =	simm.s32 $0x0;
	s9 =	simm.s32 $0x500;
	s7 =	smul.u32 $0x2800, s1  }
0x4: {  	s10 =	simm.s32 $0x780;
	s5 =	sand.u32 $0x1, s0;
	s8 =	smul.u32 $0x280, s1  }
0x5: {  	s11 =	simm.s32 $0x0;
	[smem:$0x7FF] =	sst s2;
	s6 =	smul.u32 $0x28000, s5  }
0x6: {  	s0 =	rddreg [dreg:$0x2];
	_ =	strace $0x8000004A;
	s5 =	ssub.s32 $0x2, s5  }
0x7: {  	s29 =	sshrl.u32 s8, $0x3;
	s30 =	sshrl.u32 s5, $0x1;
	s6 =	sadd.s32 s7, s6  }
0x8: {  	s8 =	simm.s32 $0x280;
	s3 =	sadd.s32 s3, s29;
	s6 =	sshrl.u32 s6, $0x3  }
0x9: {  	s31 =	ssub.s32 s5, s30;
	s7 =	simm.s32 $0x1;
	s6 =	sadd.s32 s6, s4  }
0xa: {  	s4 =	sadd.s32 $0x500, s3;
	s5 =	sadd.s32 $0x16400, s6;
	s6 =	smax.u32 s31, $0x1  }
.LBB2_1:
0xb: {  	[tilespmem:s2], [sflag:$0x1] =	stream.linear.gather [hbm4b:s3+s2], $0x280, $0x38;
	[tilespmem:$0x2F80] =	vst v63  }
0xc: {  	_ =	swait.ge [sflag:s7], $0x280  }
0xd: {  	[sflag:s7] =	ssyncset.done $0x0  }
0xe: {  	[sflag:s7] =	ssyncadd.s32 $0xFFFFFD80  }
0xf: {  	[tilespmem:s8], [sflag:$0x1] =	stream.linear.gather [hbm4b:s4+s2], $0x280, $0x38;
	[tilespmem:$0x2F80] =	vst v63  }
0x10: {  	_ =	swait.ge [sflag:s7], $0x280  }
0x11: {  	[sflag:s7] =	ssyncset.done $0x0  }
0x12: {  	s14 =	simm.s32 $0x0;
	[sflag:s7] =	ssyncadd.s32 $0xFFFFFD80  }
0x13: {  	v0 =	vld [tilespmem:s14+$0x280]  }
0x14: {  	v1 =	vld [tilespmem:s14+$0x0];
	_ =	sdelay $0x2  }
0x15: {  	s12 =	simm.s32 $0x10  }
0x16: {  	v2 =	vld [tilespmem:s12+$0x280]  }
0x17: {  	v0 =	vadd.f32 v0, v1;
	v1 =	vld [tilespmem:s12+$0x0];
	_ =	sdelay $0x1  }
0x18: {  	v0 =	vadd.f32 $1.000000000e+00, v0;
	_ =	sdelay $0x1  }
0x19: {  	s13 =	simm.s32 $0x20;
	v3 =	vshrl.u32 v0, $0x1;
	v4 =	vmul.f32 $5.000000000e-01, v0  }
0x1a: {  	v5 =	vld [tilespmem:s13+$0x0];
	v0 =	vsub.s32 $0x5F3759DF, v3;
	v1 =	vadd.f32 v2, v1  }
0x1b: {  	v3 =	vld [tilespmem:s13+$0x280];
	v2 =	vmul.f32 v0, v4  }
0x1c: {  	v1 =	vadd.f32 $1.000000000e+00, v1  }
0x1d: {  	v2 =	vmul.f32 v0, v2  }
0x1e: {  	s15 =	simm.s32 $0x30;
	v6 =	vshrl.u32 v1, $0x1;
	v8 =	vmul.f32 $5.000000000e-01, v1  }
0x1f: {  	v7 =	vld [tilespmem:s15+$0x0];
	v1 =	vsub.f32 $1.500000000e+00, v2;
	v2 =	vsub.s32 $0x5F3759DF, v6  }
0x20: {  	v6 =	vld [tilespmem:s15+$0x280];
	v3 =	vadd.f32 v3, v5;
	v5 =	vmul.f32 v2, v8  }
0x21: {  	s16 =	simm.s32 $0x40;
	v1 =	vmul.f32 v0, v1  }
0x22: {  	v10 =	vld [tilespmem:s16+$0x280];
	v0 =	vadd.f32 $1.000000000e+00, v3;
	v3 =	vmul.f32 v2, v5  }
0x23: {  	v11 =	vld [tilespmem:s16+$0x0];
	v5 =	vmul.f32 v1, v4  }
0x24: {  	v9 =	vshrl.u32 v0, $0x1;
	v0 =	vmul.f32 $5.000000000e-01, v0;
	v3 =	vsub.f32 $1.500000000e+00, v3  }
0x25: {  	v9 =	vsub.s32 $0x5F3759DF, v9;
	v6 =	vadd.f32 v6, v7;
	v5 =	vmul.f32 v5, v1  }
0x26: {  	v7 =	vmul.f32 v9, v0;
	v2 =	vmul.f32 v2, v3  }
0x27: {  	v3 =	vsub.f32 $1.500000000e+00, v5;
	v5 =	vadd.f32 $1.000000000e+00, v6  }
0x28: {  	v10 =	vadd.f32 v10, v11;
	v6 =	vmul.f32 v9, v7;
	v7 =	vmul.f32 v2, v8  }
0x29: {  	v3 =	vmul.f32 v3, v1;
	v12 =	vshrl.u32 v5, $0x1;
	v1 =	vmul.f32 $5.000000000e-01, v5  }
0x2a: {  	s17 =	simm.s32 $0x50;
	v6 =	vsub.f32 $1.500000000e+00, v6;
	v5 =	vsub.s32 $0x5F3759DF, v12;
	v7 =	vmul.f32 v7, v2  }
0x2b: {  	v13 =	vld [tilespmem:s17+$0x0];
	v12 =	vmul.f32 v3, v4;
	v11 =	vmul.f32 v5, v1  }
0x2c: {  	v10 =	vadd.f32 $1.000000000e+00, v10;
	v4 =	vmul.f32 v9, v6;
	v9 =	vld [tilespmem:s17+$0x280];
	v6 =	vsub.f32 $1.500000000e+00, v7  }
0x2d: {  	v7 =	vmul.f32 v12, v3;
	v11 =	vmul.f32 v5, v11  }
0x2e: {  	v15 =	vshrl.u32 v10, $0x1;
	v14 =	vmul.f32 v4, v0;
	v2 =	vmul.f32 v6, v2  }
0x2f: {  	v6 =	vmul.f32 $5.000000000e-01, v10;
	v7 =	vsub.f32 $1.500000000e+00, v7;
	v12 =	vsub.f32 $1.500000000e+00, v11  }
0x30: {  	s18 =	simm.s32 $0x60;
	s19 =	simm.s32 $0x1C0;
	v11 =	vsub.s32 $0x5F3759DF, v15;
	v10 =	vmul.f32 v14, v4;
	v8 =	vmul.f32 v2, v8  }
.LBB2_2:
0x31: {  	s20 =	sshra.s32 s19, $0x2;
	p0 =	sne.s32 s19, $0x9C0;
	s19 =	sadd.s32 $0x40, s19;
	v14 =	vadd.f32 v9, v13;
	v9 =	vld [tilespmem:s18+$0x280];
	v15 =	vmul.f32 v11, v6;
	v12 =	vmul.f32 v5, v12;
	v16 =	vmovc v6  }
.Ltmp0:
0x32: {  	v5 =	vmovc v11;
	v13 =	vld [tilespmem:s18+$0x0];
	v6 =	vsub.f32 $1.500000000e+00, v10;
	v8 =	vmul.f32 v8, v2;
	v10 =	vmul.f32 v7, v3;
	v3 =	vmovc v2;
	(pc) =	sbr.rel @p0 .LBB2_2-.Ltmp0, $4  }
0x33: {  	v11 =	vadd.f32 $1.000000000e+00, v14;
	v14 =	vmul.f32 v5, v15;
	v15 =	vmul.f32 v12, v1  }
0x34: {  	v2 =	vmul.f32 v6, v4;
	v7 =	vsub.f32 $1.500000000e+00, v8;
	[tilespmem:s14+$0x500] =	vst v10;
	v4 =	vmov v12;
	s14 =	smov.u32 s12;
	s12 =	smov.u32 s13;
	s13 =	smov.u32 s15  }
0x35: {  	s15 =	smov.u32 s16;
	s16 =	smov.u32 s17;
	s17 =	smov.u32 s18;
	v8 =	vshrl.u32 v11, $0x1;
	v6 =	vmul.f32 $5.000000000e-01, v11;
	v12 =	vsub.f32 $1.500000000e+00, v14  }
0x36: {  	s18 =	smov.u32 s20;
	v10 =	vmul.f32 v15, v4;
	v11 =	vsub.s32 $0x5F3759DF, v8;
	v8 =	vmul.f32 v2, v0;
	v0 =	vmovc v1;
	v1 =	vmovc v16  }
0x37: {  	v14 =	vld [tilespmem:s18+$0x280]  }
0x38: {  	v15 =	vld [tilespmem:s18+$0x0];
	_ =	sdelay $0x3  }
0x39: {  	v9 =	vadd.f32 v9, v13  }
0x3a: {  	v48 =	vadd.f32 v14, v15  }
0x3b: {  	v9 =	vadd.f32 $1.000000000e+00, v9  }
0x3c: {  	v13 =	vadd.f32 $1.000000000e+00, v48  }
0x3d: {  	v49 =	vmul.f32 v11, v6;
	v50 =	vshrl.u32 v9, $0x1;
	v9 =	vmul.f32 $5.000000000e-01, v9  }
0x3e: {  	v15 =	vsub.s32 $0x5F3759DF, v50;
	v16 =	vshrl.u32 v13, $0x1;
	v13 =	vmul.f32 $5.000000000e-01, v13  }
0x3f: {  	v17 =	vmul.f32 v15, v9;
	v16 =	vsub.s32 $0x5F3759DF, v16  }
0x40: {  	v14 =	vmul.f32 v11, v49;
	v18 =	vmul.f32 v16, v13  }
0x41: {  	v17 =	vmul.f32 v15, v17  }
0x42: {  	v5 =	vmul.f32 v5, v12;
	v14 =	vsub.f32 $1.500000000e+00, v14;
	v51 =	vmul.f32 v16, v18  }
0x43: {  	v3 =	vmul.f32 v7, v3;
	v10 =	vsub.f32 $1.500000000e+00, v10;
	v53 =	vsub.f32 $1.500000000e+00, v17  }
0x44: {  	v54 =	vmul.f32 v5, v1;
	v52 =	vmul.f32 v11, v14;
	v12 =	vsub.f32 $1.500000000e+00, v51  }
0x45: {  	v4 =	vmul.f32 v10, v4;
	v14 =	vmul.f32 v15, v53  }
0x46: {  	v55 =	vmul.f32 v52, v6;
	v12 =	vmul.f32 v16, v12  }
0x47: {  	v7 =	vmul.f32 v54, v5;
	v56 =	vmul.f32 v14, v9  }
0x48: {  	v15 =	vmul.f32 v55, v52;
	v57 =	vmul.f32 v12, v13  }
0x49: {  	v7 =	vsub.f32 $1.500000000e+00, v7;
	v16 =	vmul.f32 v56, v14  }
0x4a: {  	v0 =	vmul.f32 v4, v0;
	v15 =	vsub.f32 $1.500000000e+00, v15;
	v10 =	vmul.f32 v57, v12  }
0x4b: {  	v8 =	vmul.f32 v8, v2;
	v5 =	vmul.f32 v7, v5;
	v59 =	vsub.f32 $1.500000000e+00, v16  }
0x4c: {  	v0 =	vmul.f32 v0, v4;
	v58 =	vmul.f32 v15, v52;
	v10 =	vsub.f32 $1.500000000e+00, v10  }
0x4d: {  	v1 =	vmul.f32 v5, v1;
	v11 =	vmul.f32 v59, v14  }
0x4e: {  	v60 =	vmul.f32 v58, v6;
	v10 =	vmul.f32 v10, v12  }
0x4f: {  	v8 =	vsub.f32 $1.500000000e+00, v8;
	v1 =	vmul.f32 v1, v5;
	v9 =	vmul.f32 v11, v9  }
0x50: {  	v0 =	vsub.f32 $1.500000000e+00, v0;
	v6 =	vmul.f32 v60, v58;
	v12 =	vmul.f32 v10, v13  }
0x51: {  	v2 =	vmul.f32 v8, v2;
	v1 =	vsub.f32 $1.500000000e+00, v1;
	v61 =	vmul.f32 v9, v11  }
0x52: {  	[tilespmem:s14+$0x500] =	vst v3;
	v0 =	vmul.f32 v0, v4;
	v3 =	vsub.f32 $1.500000000e+00, v6;
	v62 =	vmul.f32 v12, v10  }
0x53: {  	s29 =	simm.s32 $0x0;
	[tilespmem:s12+$0x500] =	vst v2;
	v1 =	vmul.f32 v1, v5;
	v2 =	vsub.f32 $1.500000000e+00, v61  }
0x54: {  	v63 =	vmov s29;
	[tilespmem:s13+$0x500] =	vst v0;
	v0 =	vmul.f32 v3, v58;
	v3 =	vsub.f32 $1.500000000e+00, v62  }
0x55: {  	[tilespmem:s15+$0x500] =	vst v1;
	v1 =	vmul.f32 v2, v11  }
0x56: {  	[tilespmem:s16+$0x500] =	vst v0;
	v0 =	vmul.f32 v3, v10  }
0x57: {  	[tilespmem:s17+$0x500] =	vst v1  }
0x58: {  	[tilespmem:s18+$0x500] =	vst v0  }
0x59: {  	s30 =	simm.s32 $0x1;
	v0 =	vld.idx.msk [tilespmem:v63+s9+$0x0], $0xffff  }
0x5a: {  	v1 =	vmov s30;
	_ =	sdelay $0x2  }
0x5b: {  	s12 =	simm.s32 $0x780  }
0x5c: {  	[tilespmem:s12+$0x0] =	vst v0  }
0x5d: {  	s31 =	simm.s32 $0x2;
	v0 =	vld.idx.msk [tilespmem:v1+s9+$0x0], $0xffff  }
0x5e: {  	s13 =	simm.s32 $0x3;
	v1 =	vmov s31  }
.LBB2_4:
0x5f: {  	p0 =	sne.s32 s13, $0x27F;
	_ =	sdelay $0x1  }
.Ltmp1:
0x60: {  	s12 =	sadd.s32 $0x10, s12;
	(pc) =	sbr.rel @p0 .LBB2_4-.Ltmp1, $3  }
0x61: {  	[tilespmem:s12+$0x0] =	vst v0  }
0x62: {  	v0 =	vld.idx.msk [tilespmem:v1+s9+$0x0], $0xffff;
	_ =	sdelay $0x1  }
0x63: {  	v1 =	vmov s13;
	s13 =	sadd.s32 $0x1, s13  }
0x64: {  	_ =	sdelay $0x1  }
0x65: {  	s12 =	sadd.s32 $0x10, s12  }
0x66: {  	[tilespmem:s12+$0x0] =	vst v0  }
0x67: {  	v0 =	vld.idx.msk [tilespmem:v1+s9+$0x0], $0xffff;
	_ =	sdelay $0x2  }
0x68: {  	s11 =	sadd.s32 $0x1, s11  }
0x69: {  	p0 =	sne.s32 s11, s6;
	s12 =	sadd.s32 $0x10, s12  }
.Ltmp2:
0x6a: {  	[tilespmem:s12+$0x0] =	vst v0;
	(pc) =	sbr.rel @p0 .LBB2_1-.Ltmp2, $4  }
0x6b: {  	[hbm4b:s5+s2] =	stream.linear.scatter [tilespmem:s10], [sflag:$0x1], $0x2800, $0x38;
	[tilespmem:$0x2F80] =	vst v63  }
0x6c: {  	_ =	swait.ge [sflag:s7], $0x2800  }
0x6d: {  	[sflag:s7] =	ssyncset.done $0x0  }
0x6e: {  	[sflag:s7] =	ssyncadd.s32 $0xFFFFD800  }
0x6f: {  	_ =	sfence.sel $0x180000  }
0x70: {  	[bflag:$0x0] =	sbarrier.arrive $0xFFFF  }
0x71: {  	p0 =	sne.s32 s1, $0x0;
	_ =	strace $0x9000004A  }
0x72: {  	s0 =	sadd.s32 @!p0 $0x100000, s0;
	[bflag:$0x2] =	sbarrier.arrive $0xFFFF  }
0x73: {  	[sflag:s0] =	ssyncadd.tile.s32 @!p0 $0x1;
	_ =	shalt  }
.Lfunc_end2:
_tile_overlayer_lowered:
.L_overlay_start_2:
0x74: {  	(tag) =	ssettag $0x2  }
0x75: {  	s0 =	rddreg [dreg:$0x0];
	s2 =	stileid.u32  }
0x76: {  	s1 =	rddreg [dreg:$0x1];
	p0 =	sne.s32 s2, $0x0  }
0x77: {  	s3 =	rddreg [dreg:$0x2];
	[bflag:$0x3] =	sbarrier.arrive $0xFFFF;
	s2 =	simm.s32 @!p0 $0x1C01  }
0x78: {  	[timem:s3], [sflag:s2] =	dma.local @!p0 [hbm:s0], s1  }
0x79: {  	s0 =	simm.s32 @!p0 $0x1  }
0x7a: {  	_ =	swait.ge @!p0 [sflag:s0], s1  }
0x7b: {  	s1 =	ssub.s32 @!p0 $0x0, s1;
	[sflag:s0] =	ssyncset.done @!p0 $0x0  }
0x7c: {  	[sflag:s0] =	ssyncadd.s32 @!p0 s1  }
0x7d: {  	[bflag:$0x3] =	sbarrier.arrive $0xFFFF  }
0x7e: {  	_ =	shalt  }

// kernel: kernel.14.cloned.1.call-start
scs
__scs_entry_jumppad:
0x0: {  	(pc) =	sbr.rel $0x88, $3  }
0x1: {  	(tag) =	ssettag $0x0;
	lr =	simm.s32 $0x1  }
0x2: {  	[smem:$0x3F9B] =	sst lr;
	_ =	strace $0xD0000000  }
0x3: {  	_ = 	snop  }
0x4: {  	_ = 	snop  }
0x5: {  	_ = 	snop  }
0x6: {  	_ = 	snop  }
0x7: {  	_ = 	snop  }
__scs_overlays_trampoline_lowered:
0x8: {  	[smem:$0x3FAA] =	sst s0  }
0x9: {  	[smem:$0x3FAB] =	sst s1  }
0xa: {  	[smem:$0x3FAC] =	sst s2  }
0xb: {  	[smem:$0x3FAD] =	sst s3  }
0xc: {  	[smem:$0x3FAE] =	sst s4  }
0xd: {  	[smem:$0x3FAF] =	sst s5  }
0xe: {  	[smem:$0x3FB0] =	sst s6  }
0xf: {  	[smem:$0x3FB1] =	sst s7  }
0x10: {  	[smem:$0x3FB2] =	sst s8  }
0x11: {  	[smem:$0x3FB3] =	sst s9;
	s0 =	simm.s32 @!p0 $0x0  }
0x12: {  	s1 =	sld [smem:$0x3F99];
	s0 =	simm.s32 @p0 $0x1  }
0x13: {  	[smem:$0x3FB4] =	sst s0;
	s0 =	simm.s32 @!p1 $0x0  }
0x14: {  	s2 =	sld [smem:$0x3F98];
	s0 =	simm.s32 @p1 $0x1  }
0x15: {  	[smem:$0x3FB5] =	sst s0;
	s0 =	simm.s32 @!p2 $0x0  }
0x16: {  	s3 =	sld [smem:$0x3FDB];
	s0 =	simm.s32 @p2 $0x1  }
0x17: {  	s4 =	simm.s32 $0x1BF5;
	[smem:$0x3FB7] =	sst s0  }
0x18: {  	s0 =	sld [smem:$0x3F9A];
	_ =	swait.ge [sflag:s4], $0x0  }
0x19: {  	s7 =	sld [smem:$0x3F9B]  }
0x1a: {  	s8 =	sadd.s32 $0xFFFFE003, lr  }
0x1b: {  	s9 =	sadd.s32 $0xFFFFFEF7, lr;
	s5 =	simm.s32 $0xFFFFFFFF;
	p2 =	slt.u32 s8, $0xFFFFF086  }
0x1c: {  	p1 =	slt.u32 s9, $0xF7A;
	s5 =	simm.s32 @!p2 $0x0  }
0x1d: {  	s5 =	simm.s32 @p1 $0x1;
	p0 =	seq.s32 s7, s2  }
0x1e: {  	s7 =	smul.u32 @!p0 $0xF7A, s2;
	p2 =	seq.s32 @!p0 s5, $0x0  }
0x1f: {  	s9 =	smul.u32 $0xF7A, s1;
	s8 =	simm.s32 @!p0 $0x1BF5;
	p2 =	por !p2, p0  }
0x20: {  	[sflag:s8] =	ssyncset.s32 @!p0 $0xFFFFF086;
	s6 =	sadd.s32 @!p0 s3, s7;
	s7 =	simm.s32 @!p0 $0x108  }
0x21: {  	s3 =	sadd.s32 s3, s9;
	s6 =	sadd.s32 @!p0 $0x88, s6;
	s7 =	simm.s32 @p2 $0x1082  }
0x22: {  	[simem:s7], [sflag:s8] =	dma.local @!p0 [hbm:s6], $0xF7A  }
0x23: {  	s9 =	sor.u32 $0xD0000000, s2;
	s6 =	simm.s32 $0x108;
	_ =	swait.ge @!p0 [sflag:s8], $0x0  }
0x24: {  	s3 =	sadd.s32 $0x88, s3;
	s6 =	simm.s32 @!p1 $0x1082;
	[sflag:s4] =	ssyncset.s32 $0xFFFFF086  }
0x25: {  	[simem:s6], [sflag:s4] =	dma.local [hbm:s3], $0xF7A  }
0x26: {  	[smem:$0x3F9B] =	sst s1;
	(tag) =	ssettag s2;
	_ =	strace s9  }
0x27: {  	s1 =	sld [smem:$0x3FAB]  }
0x28: {  	s2 =	sld [smem:$0x3FAC]  }
0x29: {  	s4 =	sld [smem:$0x3FAE]  }
0x2a: {  	p0 =	seq.s32 s5, $0x0;
	s5 =	sld [smem:$0x3FAF]  }
0x2b: {  	s6 =	sld [smem:$0x3FB0]  }
0x2c: {  	s7 =	sld [smem:$0x3FB1]  }
0x2d: {  	s3 =	simm.s32 $0x108;
	s8 =	sld [smem:$0x3FB2]  }
0x2e: {  	s3 =	simm.s32 @!p0 $0x1082;
	s9 =	sld [smem:$0x3FB3]  }
0x2f: {  	lr =	sadd.s32 s0, s3;
	s0 =	sld [smem:$0x3FAA]  }
0x30: {  	s3 =	sld [smem:$0x3FAD]  }
0x31: {  	[smem:$0x3FB6] =	sst s10  }
0x32: {  	s10 =	sld [smem:$0x3FB4];
	_ =	sdelay $0x3  }
0x33: {  	p0 =	seq.s32 s10, $0x1;
	s10 =	sld [smem:$0x3FB6];
	_ =	sdelay $0x3  }
0x34: {  	[smem:$0x3FB6] =	sst s10  }
0x35: {  	s10 =	sld [smem:$0x3FB5];
	_ =	sdelay $0x3  }
0x36: {  	p1 =	seq.s32 s10, $0x1;
	s10 =	sld [smem:$0x3FB6];
	_ =	sdelay $0x3  }
0x37: {  	[smem:$0x3FB6] =	sst s10  }
0x38: {  	s10 =	sld [smem:$0x3FB7]  }
0x39: {  	_ = 	snop;
	(pc) =	sbr.ind lr, $3  }
0x3a: {  	_ = 	snop  }
0x3b: {  	_ = 	snop  }
0x3c: {  	p2 =	seq.s32 s10, $0x1;
	s10 =	sld [smem:$0x3FB6]  }
0x3d: {  	_ =	shalt  }
0x3e: {  	_ =	shalt  }
0x3f: {  	_ =	shalt  }
0x40: {  	_ =	shalt  }
0x41: {  	_ =	shalt  }
0x42: {  	_ =	shalt  }
0x43: {  	_ =	shalt  }
0x44: {  	_ =	shalt  }
0x45: {  	_ =	shalt  }
0x46: {  	_ =	shalt  }
0x47: {  	_ =	shalt  }
0x48: {  	_ =	shalt  }
0x49: {  	_ =	shalt  }
0x4a: {  	_ =	shalt  }
0x4b: {  	_ =	shalt  }
0x4c: {  	_ =	shalt  }
0x4d: {  	_ =	shalt  }
0x4e: {  	_ =	shalt  }
0x4f: {  	_ =	shalt  }
0x50: {  	_ =	shalt  }
0x51: {  	_ =	shalt  }
0x52: {  	_ =	shalt  }
0x53: {  	_ =	shalt  }
0x54: {  	_ =	shalt  }
0x55: {  	_ =	shalt  }
0x56: {  	_ =	shalt  }
0x57: {  	_ =	shalt  }
0x58: {  	_ =	shalt  }
0x59: {  	_ =	shalt  }
0x5a: {  	_ =	shalt  }
0x5b: {  	_ =	shalt  }
0x5c: {  	_ =	shalt  }
0x5d: {  	_ =	shalt  }
0x5e: {  	_ =	shalt  }
0x5f: {  	_ =	shalt  }
0x60: {  	_ =	shalt  }
0x61: {  	_ =	shalt  }
0x62: {  	_ =	shalt  }
0x63: {  	_ =	shalt  }
0x64: {  	_ =	shalt  }
0x65: {  	_ =	shalt  }
0x66: {  	_ =	shalt  }
0x67: {  	_ =	shalt  }
0x68: {  	_ =	shalt  }
0x69: {  	_ =	shalt  }
0x6a: {  	_ =	shalt  }
0x6b: {  	_ =	shalt  }
0x6c: {  	_ =	shalt  }
0x6d: {  	_ =	shalt  }
0x6e: {  	_ =	shalt  }
0x6f: {  	_ =	shalt  }
0x70: {  	_ =	shalt  }
0x71: {  	_ =	shalt  }
0x72: {  	_ =	shalt  }
0x73: {  	_ =	shalt  }
0x74: {  	_ =	shalt  }
0x75: {  	_ =	shalt  }
0x76: {  	_ =	shalt  }
0x77: {  	_ =	shalt  }
0x78: {  	_ =	shalt  }
0x79: {  	_ =	shalt  }
0x7a: {  	_ =	shalt  }
0x7b: {  	_ =	shalt  }
0x7c: {  	_ =	shalt  }
0x7d: {  	_ =	shalt  }
0x7e: {  	_ =	shalt  }
0x7f: {  	_ =	shalt  }
0x80: {  	_ =	shalt  }
0x81: {  	_ =	shalt  }
0x82: {  	_ =	shalt  }
0x83: {  	_ =	shalt  }
0x84: {  	_ =	shalt  }
0x85: {  	_ =	shalt  }
0x86: {  	_ =	shalt  }
0x87: {  	_ =	shalt  }
.Lfunc_end0:
.L_simem_size_0:
called_computation.2_lowered:
.L_overlay_start_0:
0x88: {  	s2 =	sld [smem:$0x3FD9]  }
0x89: {  	s3 =	sld [smem:$0x3FFE];
	_ =	sdelay $0x1  }
0x8a: {  	s1 =	srdreg.scid  }
0x8b: {  	s0 =	sand.u32 $0x1, s1  }
0x8c: {  	s17 =	sshll.u32 s0, $0xA;
	s2 =	sadd.s32 s3, s2  }
0x8d: {  	s2 =	sadd.s32 s2, s17  }
0x8e: {  	[smem:$0x3FC2] =	sst s2  }
0x8f: {  	_ = 	snop  }
0x90: {  	s2 =	sld [smem:$0x3FD0];
	(tm) =	ssettm $0x1  }
0x91: {  	s18 =	sld [smem:$0x3FFB];
	_ =	sdelay $0x3  }
0x92: {  	_ =	strace s18  }
0x93: {  	s3 =	sld [smem:$0x3FFC];
	_ =	sdelay $0x3  }
0x94: {  	_ =	strace s3  }
0x95: {  	s3 =	sld [smem:$0x3FFD];
	_ =	sdelay $0x3  }
0x96: {  	_ =	strace s3  }
0x97: {  	_ =	strace $0x8FFFFFFF  }
0x98: {  	s19 =	sld [smem:$0x3FDB];
	_ =	sdelay $0x1  }
0x99: {  	s4 =	simm.s32 $_scs_section_size  }
0x9a: {  	s5 =	simm.s32 $_size__tile_overlayer_lowered;
	s6 =	simm.s32 $_tile_overlayer_lowered  }
0x9b: {  	s22 =	simm.s32 $0x1BFF;
	s21 =	sshll.u32 s6, $0x1;
	s3 =	sadd.s32 s4, s19  }
0x9c: {  	s7 =	simm.s32 $0x0;
	s20 =	sshll.u32 s5, $0x1;
	s5 =	sadd.s32 s21, s3  }
0x9d: {  	[timem:s7], [sflag:s22] =	dma.local [hbm:s5], s20  }
0x9e: {  	_ =	swait.ge [sflag:s22], s20  }
0x9f: {  	s4 =	ssub.s32 $0x0, s20;
	[sflag:s22] =	ssyncset.done $0x0  }
0xa0: {  	[sflag:s22] =	ssyncadd.s32 s4;
	_ =	sdelay $0x1  }
0xa1: {  	s23 =	simm.s32 $0x1B8B  }
0xa2: {  	_ =	swait.ge [sflag:s23], $0x1  }
0xa3: {  	[sflag:s23] =	ssyncset.done $0x0  }
0xa4: {  	s25 =	simm.s32 $0x1B8E;
	s24 =	sld [smem:$0x3FFE];
	[sflag:s23] =	ssyncadd.s32 $0xFFFFFFFF  }
0xa5: {  	s26 =	simm.s32 $execute0_lowered;
	[smem:$0x3FD2] =	sst s25  }
0xa6: {  	s5 =	sshll.u32 s26, $0x1;
	_ =	strace $0x8000004C;
	[dreg:$0x1] =	wrdreg $0xFFFFFFFF  }
0xa7: {  	s28 =	simm.s32 $_size_execute0_lowered;
	s3 =	sadd.s32 s3, s5;
	[dreg:$0x0] =	wrdreg $0x0  }
0xa8: {  	s5 =	sshll.u32 s28, $0x1;
	[dreg:$0x2] =	wrdreg s3  }
0xa9: {  	[dreg:$0x3] =	wrdreg s5  }
0xaa: {  	[dreg:$0x4] =	wrdreg $0xC0  }
0xab: {  	_ =	task [dreg:s7], $0x5FFFF  }
0xac: {  	[dreg:$0x1] =	wrdreg $0xFFFFFFFF  }
0xad: {  	[dreg:$0x0] =	wrdreg $0x60  }
0xae: {  	[dreg:$0x2] =	wrdreg s24  }
0xaf: {  	[dreg:$0x3] =	wrdreg s2  }
0xb0: {  	[dreg:$0x4] =	wrdreg $0x198200  }
0xb1: {  	[dreg:$0x5] =	wrdreg $0x9  }
0xb2: {  	_ =	task.clear_ibuf [dreg:s7], $0x6FFFF;
	_ =	strace $0x9000004C  }
0xb3: {  	s29 =	simm.s32 $0x9;
	_ =	strace $0x8000004E  }
0xb4: {  	_ =	swait.ge [sflag:s29], $0x1  }
0xb5: {  	[sflag:s29] =	ssyncadd.s32 $0xFFFFFFFF  }
0xb6: {  	_ =	strace $0x9000004E  }
0xb7: {  	_ =	sfence  }
0xb8: {  	s30 =	sld [smem:$0x0];
	_ =	sdelay $0x2  }
0xb9: {  	s31 =	sshll.u32 s1, $0xD;
	s1 =	sshrl.u32 s1, $0x2  }
0xba: {  	s3 =	sand.u32 $0x4000, s31;
	s1 =	sadd.s32 s1, s30  }
0xbb: {  	s0 =	sor.u32 s3, s0;
	s1 =	sshll.u32 s1, $0x11  }
0xbc: {  	s0 =	sor.u32 s1, s0  }
0xbd: {  	s0 =	sadd.s32 $0x8F2B, s0  }
0xbe: {  	[sflag:s0] =	ssyncadd.remote.s32 $0x1  }
0xbf: {  	_ =	sfence.sel $0xFFFF  }
0xc0: {  	[dreg:$0x0] =	wrdreg $0xFFFFFFFF;
	(pc) =	sbr.abs _section_cstart, $3  }
0xc1: {  	[dreg:$0x1] =	wrdreg $0xFFFFFFFF  }
0xc2: {  	_ =	task.clear_ibuf [dreg:s7], $0x2FFFF;
	_ =	strace $0x9FFFFFFF  }
0xc3: {  	(tm) =	ssettm $0x7FFFFFFF  }
tec
execute0_lowered:
.L_overlay_start_1:
0x0: {  	(tag) =	ssettag $0x1  }
0x1: {  	s4 =	rddreg [dreg:$0x0]  }
0x2: {  	s0 =	srdreg.scid;
	s10 =	rddreg [dreg:$0x1]  }
0x3: {  	s3 =	stileid.u32;
	s2 =	rddreg [dreg:$0x2]  }
0x4: {  	s15 =	simm.s32 $0x4E20;
	s16 =	simm.s32 $0x3;
	s17 =	simm.s32 $0x4  }
0x5: {  	s19 =	simm.s32 $0x5;
	s20 =	simm.s32 $0xCB20;
	s21 =	simm.s32 $0x1  }
0x6: {  	s22 =	simm.s32 $0x2;
	s23 =	simm.s32 $0x7D0;
	s28 =	simm.s32 $0x36B0  }
0x7: {  	s29 =	simm.s32 $0x1F40;
	s30 =	simm.s32 $0x3E80;
	s0 =	sand.u32 $0x1, s0  }
0x8: {  	s31 =	simm.s32 $0x4650;
	s9 =	smul.u32 $0x2800, s3;
	s1 =	sshll.u32 s0, $0x4  }
0x9: {  	s8 =	smul.u32 $0x28000, s0;
	s24 =	ssub.s32 $0x2, s0;
	p0 =	seq.s32 s0, $0x0  }
0xa: {  	s0 =	simm.f32 $1.000000000e+00;
	s1 =	sor.u32 s3, s1;
	s3 =	simm.s32 $0x0  }
0xb: {  	s6 =	sshrl.u32 s9, $0x3;
	s25 =	sshrl.u32 s24, $0x1;
	s0 =	simm.s32 @!p0 $0x0  }
0xc: {  	s1 =	smul.u32 $0x4E2, s1;
	[smem:$0x7FF] =	sst s3;
	s5 =	sadd.s32 s9, s8  }
0xd: {  	s7 =	sadd.s32 s6, s4;
	s13 =	ssub.s32 s24, s25;
	s26 =	sshrl.u32 s8, $0x3  }
0xe: {  	s9 =	sadd.s32 s9, s2;
	s24 =	simm.s32 $0xFA0;
	s25 =	simm.s32 $0x2EE0  }
0xf: {  	_ =	strace $0x8000004D;
	s11 =	sshrl.u32 s5, $0x3;
	s7 =	sadd.s32 $0x20400, s7  }
0x10: {  	s1 =	sadd.s32 s1, s4;
	s12 =	sadd.s32 s11, s4;
	s8 =	sadd.s32 s10, s11  }
0x11: {  	s10 =	sadd.s32 s10, s26;
	s26 =	simm.s32 $0x1770;
	s4 =	sadd.s32 $0xC600, s1  }
0x12: {  	s5 =	sadd.s32 $0x2800, s1;
	s6 =	sadd.s32 $0x16400, s12;
	s11 =	sadd.s32 $0x25400, s12  }
0x13: {  	v0 =	vmov s0;
	s12 =	smax.u32 s13, $0x1;
	s13 =	simm.s32 $0x2710;
	s1 =	simm.s32 $0x0  }
.LBB2_1:
0x14: {  	[tilespmem:s3], [sflag:$0x1] =	stream.linear.gather [hbm4b:s4+s3], $0x2710, $0x38;
	[tilespmem:$0x1C020] =	vst v63  }
0x15: {  	_ = 	snop  }
0x16: {  	[tilespmem:s13], [sflag:$0x2] =	stream.linear.gather [hbm4b:s5+s3], $0x2710, $0x38;
	[tilespmem:$0x1C020] =	vst v63  }
0x17: {  	s0 =	simm.s32 $0x14820  }
0x18: {  	[tilespmem:s0], [sflag:$0x3] =	stream.linear.gather [hbm4b:s6+s3], $0x2800, $0x38;
	[tilespmem:$0x1C020] =	vst v63  }
0x19: {  	_ = 	snop  }
0x1a: {  	[tilespmem:s15], [sflag:$0x4] =	stream.linear.gather [hbm4b:s7+s3], $0x2800, $0x38;
	[tilespmem:$0x1C020] =	vst v63  }
0x1b: {  	_ =	swait.ge [sflag:s16], $0x2800  }
0x1c: {  	[sflag:s16] =	ssyncset.done $0x0  }
0x1d: {  	[sflag:s16] =	ssyncadd.s32 $0xFFFFD800  }
0x1e: {  	_ =	swait.ge [sflag:s17], $0x2800  }
0x1f: {  	[sflag:s17] =	ssyncset.done $0x0  }
0x20: {  	s0 =	simm.s32 $0x0;
	[sflag:s17] =	ssyncadd.s32 $0xFFFFD800  }
0x21: {  	v1 =	vld [tilespmem:s0+$0x4E90]  }
0x22: {  	v2 =	vld [tilespmem:s0+$0x14890]  }
0x23: {  	v3 =	vld [tilespmem:s0+$0x4E20]  }
0x24: {  	v4 =	vld [tilespmem:s0+$0x14820]  }
0x25: {  	v5 =	vld [tilespmem:s0+$0x4E30]  }
0x26: {  	v6 =	vld [tilespmem:s0+$0x14830]  }
0x27: {  	v7 =	vld [tilespmem:s0+$0x4E40];
	v1 =	vmul.f32 v2, v1  }
0x28: {  	v8 =	vld [tilespmem:s0+$0x14840]  }
0x29: {  	v9 =	vld [tilespmem:s0+$0x4E50];
	v2 =	vmul.f32 v4, v3;
	[tilespmem:s0+$0x17090] =	vst v1;
	v1 =	vmul.f32 v1, v0  }
0x2a: {  	v10 =	vld [tilespmem:s0+$0x14850]  }
0x2b: {  	v11 =	vld [tilespmem:s0+$0x4E60];
	[tilespmem:s0+$0xCB90] =	vst v1;
	v1 =	vmul.f32 v2, v0  }
0x2c: {  	v12 =	vld [tilespmem:s0+$0x14860];
	[tilespmem:s0+$0x17020] =	vst v2;
	v2 =	vmul.f32 v6, v5  }
0x2d: {  	v4 =	vld [tilespmem:s0+$0x14870];
	v5 =	vmul.f32 v8, v7;
	[tilespmem:s0+$0xCB20] =	vst v1  }
0x2e: {  	v1 =	vld [tilespmem:s0+$0x4E70];
	v3 =	vmul.f32 v2, v0;
	[tilespmem:s0+$0x17030] =	vst v2  }
0x2f: {  	v6 =	vmul.f32 v10, v9;
	v2 =	vld [tilespmem:s0+$0x4E80];
	[tilespmem:s0+$0x17040] =	vst v5;
	v7 =	vmul.f32 v5, v0  }
0x30: {  	s14 =	simm.s32 $0x80;
	v5 =	vld [tilespmem:s0+$0x14880];
	[tilespmem:s0+$0xCB30] =	vst v3  }
0x31: {  	s18 =	simm.s32 $0x400;
	v8 =	vmul.f32 v6, v0;
	v3 =	vld [tilespmem:s14+$0x4E90];
	[tilespmem:s0+$0xCB40] =	vst v7;
	v7 =	vmul.f32 v12, v11  }
.LBB2_2:
0x32: {  	p0 =	sne.s32 s18, $0x9E00;
	v9 =	vld [tilespmem:s14+$0x14890];
	[tilespmem:s0+$0x17050] =	vst v6  }
0x33: {  	v6 =	vld [tilespmem:s14+$0x4E20];
	[tilespmem:s0+$0xCB50] =	vst v8;
	v8 =	vmul.f32 v7, v0;
	v1 =	vmul.f32 v4, v1  }
0x34: {  	v4 =	vld [tilespmem:s14+$0x14820];
	[tilespmem:s0+$0x17060] =	vst v7  }
0x35: {  	v7 =	vld [tilespmem:s14+$0x4E30];
	[tilespmem:s0+$0xCB60] =	vst v8;
	v8 =	vmul.f32 v1, v0;
	v2 =	vmul.f32 v5, v2  }
0x36: {  	v5 =	vld [tilespmem:s14+$0x14830];
	[tilespmem:s0+$0x17070] =	vst v1  }
0x37: {  	v1 =	vld [tilespmem:s14+$0x4E40];
	v3 =	vmul.f32 v9, v3;
	[tilespmem:s0+$0xCB70] =	vst v8;
	v8 =	vmul.f32 v2, v0  }
0x38: {  	v9 =	vld [tilespmem:s14+$0x14840];
	[tilespmem:s0+$0x17080] =	vst v2  }
0x39: {  	v2 =	vmul.f32 v4, v6;
	v6 =	vld [tilespmem:s14+$0x4E50];
	v4 =	vmul.f32 v3, v0;
	[tilespmem:s0+$0xCB80] =	vst v8;
	s0 =	smov.u32 s14  }
0x3a: {  	v8 =	vld [tilespmem:s0+$0x14850];
	[tilespmem:s0+$0x17090] =	vst v3  }
0x3b: {  	v3 =	vmul.f32 v2, v0;
	v5 =	vmul.f32 v5, v7;
	v7 =	vld [tilespmem:s0+$0x4E60];
	[tilespmem:s0+$0xCB90] =	vst v4  }
0x3c: {  	[tilespmem:s0+$0x17020] =	vst v2;
	v10 =	vld [tilespmem:s0+$0x14860]  }
.Ltmp0:
0x3d: {  	[tilespmem:s0+$0xCB20] =	vst v3;
	v2 =	vmul.f32 v5, v0;
	v3 =	vmul.f32 v9, v1;
	v1 =	vld [tilespmem:s0+$0x4E70];
	(pc) =	sbr.rel @p0 .LBB2_2-.Ltmp0, $4  }
0x3e: {  	[tilespmem:s0+$0x17030] =	vst v5;
	v4 =	vld [tilespmem:s0+$0x14870]  }
0x3f: {  	[tilespmem:s0+$0xCB30] =	vst v2;
	v9 =	vmul.f32 v3, v0;
	v6 =	vmul.f32 v8, v6;
	v2 =	vld [tilespmem:s0+$0x4E80]  }
0x40: {  	s14 =	sshra.s32 s18, $0x2;
	[tilespmem:s0+$0x17040] =	vst v3;
	v5 =	vld [tilespmem:s0+$0x14880]  }
0x41: {  	s18 =	sadd.s32 $0x200, s18;
	v3 =	vld [tilespmem:s14+$0x4E90];
	[tilespmem:s0+$0xCB40] =	vst v9;
	v8 =	vmul.f32 v6, v0;
	v7 =	vmul.f32 v10, v7  }
0x42: {  	v9 =	vld [tilespmem:s14+$0x14890];
	[tilespmem:s0+$0x17050] =	vst v6  }
0x43: {  	v6 =	vld [tilespmem:s14+$0x4E20];
	[tilespmem:s0+$0xCB50] =	vst v8;
	v10 =	vmul.f32 v7, v0;
	v1 =	vmul.f32 v4, v1  }
0x44: {  	v8 =	vld [tilespmem:s14+$0x14820];
	[tilespmem:s0+$0x17060] =	vst v7  }
0x45: {  	v7 =	vld [tilespmem:s14+$0x4E30];
	[tilespmem:s0+$0xCB60] =	vst v10;
	v54 =	vmul.f32 v1, v0;
	v2 =	vmul.f32 v5, v2  }
0x46: {  	v53 =	vld [tilespmem:s14+$0x14830];
	[tilespmem:s0+$0x17070] =	vst v1  }
0x47: {  	v1 =	vld [tilespmem:s14+$0x4E40];
	[tilespmem:s0+$0xCB70] =	vst v54;
	v56 =	vmul.f32 v2, v0  }
0x48: {  	v3 =	vmul.f32 v9, v3;
	v55 =	vld [tilespmem:s14+$0x14840];
	[tilespmem:s0+$0x17080] =	vst v2  }
0x49: {  	v2 =	vld [tilespmem:s14+$0x4E50];
	[tilespmem:s0+$0xCB80] =	vst v56;
	v6 =	vmul.f32 v8, v6  }
0x4a: {  	v57 =	vld [tilespmem:s14+$0x14850];
	[tilespmem:s14+$0x17090] =	vst v3;
	v3 =	vmul.f32 v3, v0  }
0x4b: {  	v58 =	vld [tilespmem:s14+$0x4E60];
	[tilespmem:s14+$0x17020] =	vst v6;
	v4 =	vmul.f32 v53, v7  }
0x4c: {  	v59 =	vld [tilespmem:s14+$0x14860];
	[tilespmem:s14+$0xCB90] =	vst v3;
	v3 =	vmul.f32 v6, v0  }
0x4d: {  	v60 =	vld [tilespmem:s14+$0x14870];
	v7 =	vmul.f32 v4, v0;
	[tilespmem:s14+$0x17030] =	vst v4;
	v1 =	vmul.f32 v55, v1  }
0x4e: {  	[tilespmem:s14+$0xCB20] =	vst v3;
	v3 =	vld [tilespmem:s14+$0x4E70]  }
0x4f: {  	v61 =	vld [tilespmem:s14+$0x4E80];
	[tilespmem:s14+$0xCB30] =	vst v7;
	v62 =	vmul.f32 v1, v0  }
0x50: {  	v2 =	vmul.f32 v57, v2;
	[tilespmem:s14+$0x17040] =	vst v1;
	v1 =	vld [tilespmem:s14+$0x14880]  }
0x51: {  	v6 =	vmul.f32 v59, v58;
	[tilespmem:s14+$0xCB40] =	vst v62  }
0x52: {  	v63 =	vmul.f32 v2, v0;
	[tilespmem:s14+$0x17050] =	vst v2  }
0x53: {  	v2 =	vmul.f32 v6, v0;
	[tilespmem:s14+$0x17060] =	vst v6;
	v3 =	vmul.f32 v60, v3  }
0x54: {  	[tilespmem:s14+$0xCB50] =	vst v63  }
0x55: {  	[tilespmem:s14+$0xCB60] =	vst v2;
	v1 =	vmul.f32 v1, v61;
	v2 =	vmul.f32 v3, v0  }
0x56: {  	[tilespmem:s14+$0x17070] =	vst v3  }
0x57: {  	[tilespmem:s14+$0xCB70] =	vst v2;
	v2 =	vmul.f32 v1, v0  }
0x58: {  	[tilespmem:s14+$0x17080] =	vst v1  }
0x59: {  	s18 =	simm.s32 $0x17020;
	[tilespmem:s14+$0xCB80] =	vst v2  }
0x5a: {  	[hbm4b:s8+s3] =	stream.linear.scatter [tilespmem:s18], [sflag:$0x5], $0x2800, $0x38;
	[tilespmem:$0x1C020] =	vst v63  }
0x5b: {  	_ =	swait.ge [sflag:s19], $0x2800  }
0x5c: {  	[sflag:s19] =	ssyncset.done $0x0  }
0x5d: {  	[sflag:s19] =	ssyncadd.s32 $0xFFFFD800  }
0x5e: {  	[spmem:s9] =	stream.linear.scatter [tilespmem:s20], [sflag:$0x5], $0x2800, $0x38;
	[tilespmem:$0x1C020] =	vst v63  }
0x5f: {  	_ =	swait.ge [sflag:s19], $0x2800  }
0x60: {  	[sflag:s19] =	ssyncset.done $0x0  }
0x61: {  	[sflag:s19] =	ssyncadd.s32 $0xFFFFD800  }
0x62: {  	_ =	swait.ge [sflag:s21], $0x2710  }
0x63: {  	[sflag:s21] =	ssyncset.done $0x0  }
0x64: {  	[sflag:s21] =	ssyncadd.s32 $0xFFFFD8F0  }
0x65: {  	_ =	swait.ge [sflag:s22], $0x2710  }
0x66: {  	[sflag:s22] =	ssyncset.done $0x0  }
0x67: {  	[sflag:s22] =	ssyncadd.s32 $0xFFFFD8F0  }
0x68: {  	[bflag:$0x0] =	sbarrier.arrive $0xFFFF  }
0x69: {  	[tilespmem:s15], [sflag:$0x1] =	stream.indirect.gather [hbm4b:s10+s23], $0x10, s3, s23, $0xb8;
	[tilespmem:$0x1C020] =	vst v63  }
0x6a: {  	_ =	swait.ge [sflag:s21], $0x7D00  }
0x6b: {  	[sflag:s21] =	ssyncset.done $0x0  }
0x6c: {  	[sflag:s21] =	ssyncadd.s32 $0xFFFF8300  }
0x6d: {  	[tilespmem:s20], [sflag:$0x2] =	stream.indirect.gather [hbm4b:s10+s23], $0x10, s23, s23, $0xb8;
	[tilespmem:$0x1C020] =	vst v63  }
0x6e: {  	_ = 	snop  }
0x6f: {  	[spmem:s2] =	stream.indirect.scatter.add.f32 [tilespmem:s15], [sflag:$0x3], $0x10, s13, s23, $0xb8;
	[tilespmem:$0x1C020] =	vst v63  }
0x70: {  	_ =	swait.ge [sflag:s22], $0x7D00  }
0x71: {  	[sflag:s22] =	ssyncset.done $0x0  }
0x72: {  	[sflag:s22] =	ssyncadd.s32 $0xFFFF8300  }
0x73: {  	_ =	swait.ge [sflag:s16], $0x7D00  }
0x74: {  	[sflag:s16] =	ssyncset.done $0x0  }
0x75: {  	[sflag:s16] =	ssyncadd.s32 $0xFFFF8300  }
0x76: {  	[tilespmem:s15], [sflag:$0x1] =	stream.indirect.gather [hbm4b:s10+s23], $0x10, s24, s23, $0xb8;
	[tilespmem:$0x1C020] =	vst v63  }
0x77: {  	_ = 	snop  }
0x78: {  	[spmem:s2] =	stream.indirect.scatter.add.f32 [tilespmem:s20], [sflag:$0x4], $0x10, s25, s23, $0xb8;
	[tilespmem:$0x1C020] =	vst v63  }
0x79: {  	_ =	swait.ge [sflag:s21], $0x7D00  }
0x7a: {  	[sflag:s21] =	ssyncset.done $0x0  }
0x7b: {  	[sflag:s21] =	ssyncadd.s32 $0xFFFF8300  }
0x7c: {  	_ =	swait.ge [sflag:s17], $0x7D00  }
0x7d: {  	[sflag:s17] =	ssyncset.done $0x0  }
0x7e: {  	[sflag:s17] =	ssyncadd.s32 $0xFFFF8300  }
0x7f: {  	[tilespmem:s20], [sflag:$0x2] =	stream.indirect.gather [hbm4b:s10+s23], $0x10, s26, s23, $0xb8;
	[tilespmem:$0x1C020] =	vst v63  }
0x80: {  	_ = 	snop  }
0x81: {  	[spmem:s2] =	stream.indirect.scatter.add.f32 [tilespmem:s15], [sflag:$0x3], $0x10, s28, s23, $0xb8;
	[tilespmem:$0x1C020] =	vst v63  }
0x82: {  	_ =	swait.ge [sflag:s22], $0x7D00  }
0x83: {  	[sflag:s22] =	ssyncset.done $0x0  }
0x84: {  	[sflag:s22] =	ssyncadd.s32 $0xFFFF8300  }
0x85: {  	_ =	swait.ge [sflag:s16], $0x7D00  }
0x86: {  	[sflag:s16] =	ssyncset.done $0x0  }
0x87: {  	[sflag:s16] =	ssyncadd.s32 $0xFFFF8300  }
0x88: {  	[tilespmem:s15], [sflag:$0x1] =	stream.indirect.gather [hbm4b:s10+s23], $0x10, s29, s23, $0xb8;
	[tilespmem:$0x1C020] =	vst v63  }
0x89: {  	_ = 	snop  }
0x8a: {  	[spmem:s2] =	stream.indirect.scatter.add.f32 [tilespmem:s20], [sflag:$0x4], $0x10, s30, s23, $0xb8;
	[tilespmem:$0x1C020] =	vst v63  }
0x8b: {  	_ =	swait.ge [sflag:s21], $0x7D00  }
0x8c: {  	[sflag:s21] =	ssyncset.done $0x0  }
0x8d: {  	[sflag:s21] =	ssyncadd.s32 $0xFFFF8300  }
0x8e: {  	[spmem:s2] =	stream.indirect.scatter.add.f32 [tilespmem:s15], [sflag:$0x3], $0x10, s31, s23, $0xb8;
	[tilespmem:$0x1C020] =	vst v63  }
0x8f: {  	_ =	swait.ge [sflag:s16], $0x7D00  }
0x90: {  	[sflag:s16] =	ssyncset.done $0x0  }
0x91: {  	[sflag:s16] =	ssyncadd.s32 $0xFFFF8300  }
0x92: {  	s1 =	sadd.s32 $0x1, s1;
	_ =	swait.ge [sflag:s17], $0x7D00  }
0x93: {  	p0 =	sne.s32 s1, s12;
	s14 =	stileid.u32;
	[sflag:s17] =	ssyncset.done $0x0  }
0x94: {  	s0 =	sshll.u32 s14, $0x6;
	s18 =	sshrl.u32 s9, $0x3;
	[sflag:s17] =	ssyncadd.s32 $0xFFFF8300  }
.Ltmp1:
0x95: {  	s0 =	sor.u32 $0x1C05, s0;
	[bflag:$0x0] =	sbarrier.arrive $0xFFFF;
	(pc) =	sbr.rel @p0 .LBB2_1-.Ltmp1, $4  }
0x96: {  	[hbm:s11], [sflag:s0] =	dma.local [spmem:s18], $0x500  }
0x97: {  	_ =	swait.ge [sflag:s19], $0x500  }
0x98: {  	[sflag:s19] =	ssyncset.done $0x0  }
0x99: {  	[sflag:s19] =	ssyncadd.s32 $0xFFFFFB00  }
0x9a: {  	_ =	sfence.sel $0x180000  }
0x9b: {  	[bflag:$0x0] =	sbarrier.arrive $0xFFFF  }
0x9c: {  	_ =	strace $0x9000004D  }
0x9d: {  	s0 =	stileid.u32;
	[bflag:$0x2] =	sbarrier.arrive $0xFFFF  }
0x9e: {  	p0 =	sne.s32 s0, $0x0;
	s0 =	rddreg [dreg:$0x3]  }
0x9f: {  	s0 =	sadd.s32 @!p0 $0x100000, s0  }
0xa0: {  	[sflag:s0] =	ssyncadd.tile.s32 @!p0 $0x1;
	_ =	shalt  }
.Lfunc_end2:
_tile_overlayer_lowered:
.L_overlay_start_2:
0xa1: {  	(tag) =	ssettag $0x2  }
0xa2: {  	s0 =	rddreg [dreg:$0x0];
	s2 =	stileid.u32  }
0xa3: {  	s1 =	rddreg [dreg:$0x1];
	p0 =	sne.s32 s2, $0x0  }
0xa4: {  	s3 =	rddreg [dreg:$0x2];
	[bflag:$0x3] =	sbarrier.arrive $0xFFFF;
	s2 =	simm.s32 @!p0 $0x1C05  }
0xa5: {  	[timem:s3], [sflag:s2] =	dma.local @!p0 [hbm:s0], s1  }
0xa6: {  	s0 =	simm.s32 @!p0 $0x5  }
0xa7: {  	_ =	swait.ge @!p0 [sflag:s0], s1  }
0xa8: {  	s1 =	ssub.s32 @!p0 $0x0, s1;
	[sflag:s0] =	ssyncset.done @!p0 $0x0  }
0xa9: {  	[sflag:s0] =	ssyncadd.s32 @!p0 s1  }
0xaa: {  	[bflag:$0x3] =	sbarrier.arrive $0xFFFF  }
0xab: {  	_ =	shalt  }

// kernel: kernel.17.cloned.1.call-start
scs
__scs_entry_jumppad:
0x0: {  	(pc) =	sbr.rel $0x88, $3  }
0x1: {  	(tag) =	ssettag $0x0;
	lr =	simm.s32 $0x1  }
0x2: {  	[smem:$0x3F9B] =	sst lr;
	_ =	strace $0xD0000000  }
0x3: {  	_ = 	snop  }
0x4: {  	_ = 	snop  }
0x5: {  	_ = 	snop  }
0x6: {  	_ = 	snop  }
0x7: {  	_ = 	snop  }
__scs_overlays_trampoline_lowered:
0x8: {  	[smem:$0x3FAA] =	sst s0  }
0x9: {  	[smem:$0x3FAB] =	sst s1  }
0xa: {  	[smem:$0x3FAC] =	sst s2  }
0xb: {  	[smem:$0x3FAD] =	sst s3  }
0xc: {  	[smem:$0x3FAE] =	sst s4  }
0xd: {  	[smem:$0x3FAF] =	sst s5  }
0xe: {  	[smem:$0x3FB0] =	sst s6  }
0xf: {  	[smem:$0x3FB1] =	sst s7  }
0x10: {  	[smem:$0x3FB2] =	sst s8  }
0x11: {  	[smem:$0x3FB3] =	sst s9;
	s0 =	simm.s32 @!p0 $0x0  }
0x12: {  	s1 =	sld [smem:$0x3F99];
	s0 =	simm.s32 @p0 $0x1  }
0x13: {  	[smem:$0x3FB4] =	sst s0;
	s0 =	simm.s32 @!p1 $0x0  }
0x14: {  	s2 =	sld [smem:$0x3F98];
	s0 =	simm.s32 @p1 $0x1  }
0x15: {  	[smem:$0x3FB5] =	sst s0;
	s0 =	simm.s32 @!p2 $0x0  }
0x16: {  	s3 =	sld [smem:$0x3FDB];
	s0 =	simm.s32 @p2 $0x1  }
0x17: {  	s4 =	simm.s32 $0x1BF5;
	[smem:$0x3FB7] =	sst s0  }
0x18: {  	s0 =	sld [smem:$0x3F9A];
	_ =	swait.ge [sflag:s4], $0x0  }
0x19: {  	s7 =	sld [smem:$0x3F9B]  }
0x1a: {  	s8 =	sadd.s32 $0xFFFFE003, lr  }
0x1b: {  	s9 =	sadd.s32 $0xFFFFFEF7, lr;
	s5 =	simm.s32 $0xFFFFFFFF;
	p2 =	slt.u32 s8, $0xFFFFF086  }
0x1c: {  	p1 =	slt.u32 s9, $0xF7A;
	s5 =	simm.s32 @!p2 $0x0  }
0x1d: {  	s5 =	simm.s32 @p1 $0x1;
	p0 =	seq.s32 s7, s2  }
0x1e: {  	s7 =	smul.u32 @!p0 $0xF7A, s2;
	p2 =	seq.s32 @!p0 s5, $0x0  }
0x1f: {  	s9 =	smul.u32 $0xF7A, s1;
	s8 =	simm.s32 @!p0 $0x1BF5;
	p2 =	por !p2, p0  }
0x20: {  	[sflag:s8] =	ssyncset.s32 @!p0 $0xFFFFF086;
	s6 =	sadd.s32 @!p0 s3, s7;
	s7 =	simm.s32 @!p0 $0x108  }
0x21: {  	s3 =	sadd.s32 s3, s9;
	s6 =	sadd.s32 @!p0 $0x88, s6;
	s7 =	simm.s32 @p2 $0x1082  }
0x22: {  	[simem:s7], [sflag:s8] =	dma.local @!p0 [hbm:s6], $0xF7A  }
0x23: {  	s9 =	sor.u32 $0xD0000000, s2;
	s6 =	simm.s32 $0x108;
	_ =	swait.ge @!p0 [sflag:s8], $0x0  }
0x24: {  	s3 =	sadd.s32 $0x88, s3;
	s6 =	simm.s32 @!p1 $0x1082;
	[sflag:s4] =	ssyncset.s32 $0xFFFFF086  }
0x25: {  	[simem:s6], [sflag:s4] =	dma.local [hbm:s3], $0xF7A  }
0x26: {  	[smem:$0x3F9B] =	sst s1;
	(tag) =	ssettag s2;
	_ =	strace s9  }
0x27: {  	s1 =	sld [smem:$0x3FAB]  }
0x28: {  	s2 =	sld [smem:$0x3FAC]  }
0x29: {  	s4 =	sld [smem:$0x3FAE]  }
0x2a: {  	p0 =	seq.s32 s5, $0x0;
	s5 =	sld [smem:$0x3FAF]  }
0x2b: {  	s6 =	sld [smem:$0x3FB0]  }
0x2c: {  	s7 =	sld [smem:$0x3FB1]  }
0x2d: {  	s3 =	simm.s32 $0x108;
	s8 =	sld [smem:$0x3FB2]  }
0x2e: {  	s3 =	simm.s32 @!p0 $0x1082;
	s9 =	sld [smem:$0x3FB3]  }
0x2f: {  	lr =	sadd.s32 s0, s3;
	s0 =	sld [smem:$0x3FAA]  }
0x30: {  	s3 =	sld [smem:$0x3FAD]  }
0x31: {  	[smem:$0x3FB6] =	sst s10  }
0x32: {  	s10 =	sld [smem:$0x3FB4];
	_ =	sdelay $0x3  }
0x33: {  	p0 =	seq.s32 s10, $0x1;
	s10 =	sld [smem:$0x3FB6];
	_ =	sdelay $0x3  }
0x34: {  	[smem:$0x3FB6] =	sst s10  }
0x35: {  	s10 =	sld [smem:$0x3FB5];
	_ =	sdelay $0x3  }
0x36: {  	p1 =	seq.s32 s10, $0x1;
	s10 =	sld [smem:$0x3FB6];
	_ =	sdelay $0x3  }
0x37: {  	[smem:$0x3FB6] =	sst s10  }
0x38: {  	s10 =	sld [smem:$0x3FB7]  }
0x39: {  	_ = 	snop;
	(pc) =	sbr.ind lr, $3  }
0x3a: {  	_ = 	snop  }
0x3b: {  	_ = 	snop  }
0x3c: {  	p2 =	seq.s32 s10, $0x1;
	s10 =	sld [smem:$0x3FB6]  }
0x3d: {  	_ =	shalt  }
0x3e: {  	_ =	shalt  }
0x3f: {  	_ =	shalt  }
0x40: {  	_ =	shalt  }
0x41: {  	_ =	shalt  }
0x42: {  	_ =	shalt  }
0x43: {  	_ =	shalt  }
0x44: {  	_ =	shalt  }
0x45: {  	_ =	shalt  }
0x46: {  	_ =	shalt  }
0x47: {  	_ =	shalt  }
0x48: {  	_ =	shalt  }
0x49: {  	_ =	shalt  }
0x4a: {  	_ =	shalt  }
0x4b: {  	_ =	shalt  }
0x4c: {  	_ =	shalt  }
0x4d: {  	_ =	shalt  }
0x4e: {  	_ =	shalt  }
0x4f: {  	_ =	shalt  }
0x50: {  	_ =	shalt  }
0x51: {  	_ =	shalt  }
0x52: {  	_ =	shalt  }
0x53: {  	_ =	shalt  }
0x54: {  	_ =	shalt  }
0x55: {  	_ =	shalt  }
0x56: {  	_ =	shalt  }
0x57: {  	_ =	shalt  }
0x58: {  	_ =	shalt  }
0x59: {  	_ =	shalt  }
0x5a: {  	_ =	shalt  }
0x5b: {  	_ =	shalt  }
0x5c: {  	_ =	shalt  }
0x5d: {  	_ =	shalt  }
0x5e: {  	_ =	shalt  }
0x5f: {  	_ =	shalt  }
0x60: {  	_ =	shalt  }
0x61: {  	_ =	shalt  }
0x62: {  	_ =	shalt  }
0x63: {  	_ =	shalt  }
0x64: {  	_ =	shalt  }
0x65: {  	_ =	shalt  }
0x66: {  	_ =	shalt  }
0x67: {  	_ =	shalt  }
0x68: {  	_ =	shalt  }
0x69: {  	_ =	shalt  }
0x6a: {  	_ =	shalt  }
0x6b: {  	_ =	shalt  }
0x6c: {  	_ =	shalt  }
0x6d: {  	_ =	shalt  }
0x6e: {  	_ =	shalt  }
0x6f: {  	_ =	shalt  }
0x70: {  	_ =	shalt  }
0x71: {  	_ =	shalt  }
0x72: {  	_ =	shalt  }
0x73: {  	_ =	shalt  }
0x74: {  	_ =	shalt  }
0x75: {  	_ =	shalt  }
0x76: {  	_ =	shalt  }
0x77: {  	_ =	shalt  }
0x78: {  	_ =	shalt  }
0x79: {  	_ =	shalt  }
0x7a: {  	_ =	shalt  }
0x7b: {  	_ =	shalt  }
0x7c: {  	_ =	shalt  }
0x7d: {  	_ =	shalt  }
0x7e: {  	_ =	shalt  }
0x7f: {  	_ =	shalt  }
0x80: {  	_ =	shalt  }
0x81: {  	_ =	shalt  }
0x82: {  	_ =	shalt  }
0x83: {  	_ =	shalt  }
0x84: {  	_ =	shalt  }
0x85: {  	_ =	shalt  }
0x86: {  	_ =	shalt  }
0x87: {  	_ =	shalt  }
.Lfunc_end0:
.L_simem_size_0:
called_computation.3_lowered:
.L_overlay_start_0:
0x88: {  	s2 =	sld [smem:$0x3FD9]  }
0x89: {  	s3 =	sld [smem:$0x3FFE];
	_ =	sdelay $0x1  }
0x8a: {  	s1 =	srdreg.scid  }
0x8b: {  	s0 =	sand.u32 $0x1, s1  }
0x8c: {  	s17 =	sshll.u32 s0, $0xA;
	s2 =	sadd.s32 s3, s2  }
0x8d: {  	s2 =	sadd.s32 s2, s17  }
0x8e: {  	[smem:$0x3FC2] =	sst s2  }
0x8f: {  	_ = 	snop  }
0x90: {  	s2 =	sld [smem:$0x3FC6]  }
0x91: {  	s18 =	sld [smem:$0x3FD0];
	(tm) =	ssettm $0x1  }
0x92: {  	s4 =	sld [smem:$0x3FFB];
	_ =	sdelay $0x3  }
0x93: {  	_ =	strace s4  }
0x94: {  	s4 =	sld [smem:$0x3FFC];
	_ =	sdelay $0x3  }
0x95: {  	_ =	strace s4  }
0x96: {  	s4 =	sld [smem:$0x3FFD];
	_ =	sdelay $0x3  }
0x97: {  	_ =	strace s4  }
0x98: {  	_ =	strace $0x8FFFFFFF  }
0x99: {  	s19 =	sld [smem:$0x3FDB];
	_ =	sdelay $0x1  }
0x9a: {  	s5 =	simm.s32 $_scs_section_size  }
0x9b: {  	s6 =	simm.s32 $_size__tile_overlayer_lowered;
	s7 =	simm.s32 $_tile_overlayer_lowered  }
0x9c: {  	s22 =	simm.s32 $0x1BFF;
	s21 =	sshll.u32 s7, $0x1;
	s4 =	sadd.s32 s5, s19  }
0x9d: {  	s8 =	simm.s32 $0x0;
	s20 =	sshll.u32 s6, $0x1;
	s6 =	sadd.s32 s21, s4  }
0x9e: {  	[timem:s8], [sflag:s22] =	dma.local [hbm:s6], s20  }
0x9f: {  	_ =	swait.ge [sflag:s22], s20  }
0xa0: {  	s5 =	ssub.s32 $0x0, s20;
	[sflag:s22] =	ssyncset.done $0x0  }
0xa1: {  	[sflag:s22] =	ssyncadd.s32 s5;
	_ =	sdelay $0x1  }
0xa2: {  	s23 =	simm.s32 $0x1B8B  }
0xa3: {  	_ =	swait.ge [sflag:s23], $0x1  }
0xa4: {  	[sflag:s23] =	ssyncset.done $0x0  }
0xa5: {  	s25 =	simm.s32 $0x1B8E;
	s24 =	sld [smem:$0x3FFE];
	[sflag:s23] =	ssyncadd.s32 $0xFFFFFFFF  }
0xa6: {  	s26 =	simm.s32 $execute0_lowered;
	[smem:$0x3FD2] =	sst s25  }
0xa7: {  	s6 =	sshll.u32 s26, $0x1;
	_ =	strace $0x8000004F;
	[dreg:$0x1] =	wrdreg $0xFFFFFFFF  }
0xa8: {  	s28 =	simm.s32 $_size_execute0_lowered;
	s4 =	sadd.s32 s4, s6;
	[dreg:$0x0] =	wrdreg $0x0  }
0xa9: {  	s6 =	sshll.u32 s28, $0x1;
	[dreg:$0x2] =	wrdreg s4  }
0xaa: {  	[dreg:$0x3] =	wrdreg s6  }
0xab: {  	[dreg:$0x4] =	wrdreg $0xC0  }
0xac: {  	_ =	task [dreg:s8], $0x5FFFF  }
0xad: {  	[dreg:$0x1] =	wrdreg $0xFFFFFFFF  }
0xae: {  	[dreg:$0x0] =	wrdreg $0x60  }
0xaf: {  	[dreg:$0x2] =	wrdreg s24  }
0xb0: {  	[dreg:$0x3] =	wrdreg s2  }
0xb1: {  	[dreg:$0x4] =	wrdreg s18  }
0xb2: {  	[dreg:$0x5] =	wrdreg $0x198300  }
0xb3: {  	[dreg:$0x6] =	wrdreg $0x9  }
0xb4: {  	_ =	task.clear_ibuf [dreg:s8], $0x7FFFF;
	_ =	strace $0x9000004F  }
0xb5: {  	s29 =	simm.s32 $0x9;
	_ =	strace $0x80000051  }
0xb6: {  	_ =	swait.ge [sflag:s29], $0x1  }
0xb7: {  	[sflag:s29] =	ssyncadd.s32 $0xFFFFFFFF  }
0xb8: {  	_ =	strace $0x90000051  }
0xb9: {  	_ =	sfence  }
0xba: {  	s30 =	sld [smem:$0x0];
	_ =	sdelay $0x2  }
0xbb: {  	s31 =	sshll.u32 s1, $0xD;
	s1 =	sshrl.u32 s1, $0x2  }
0xbc: {  	s3 =	sand.u32 $0x4000, s31;
	s1 =	sadd.s32 s1, s30  }
0xbd: {  	s0 =	sor.u32 s3, s0;
	s1 =	sshll.u32 s1, $0x11  }
0xbe: {  	s0 =	sor.u32 s1, s0  }
0xbf: {  	s0 =	sadd.s32 $0x8F2B, s0  }
0xc0: {  	[sflag:s0] =	ssyncadd.remote.s32 $0x1  }
0xc1: {  	_ =	sfence.sel $0xFFFF  }
0xc2: {  	[dreg:$0x0] =	wrdreg $0xFFFFFFFF;
	(pc) =	sbr.abs _section_cstart, $3  }
0xc3: {  	[dreg:$0x1] =	wrdreg $0xFFFFFFFF  }
0xc4: {  	_ =	task.clear_ibuf [dreg:s8], $0x2FFFF;
	_ =	strace $0x9FFFFFFF  }
0xc5: {  	(tm) =	ssettm $0x7FFFFFFF  }
tec
execute0_lowered:
.L_overlay_start_1:
0x0: {  	(tag) =	ssettag $0x1  }
0x1: {  	s1 =	rddreg [dreg:$0x0]  }
0x2: {  	s0 =	srdreg.scid;
	s12 =	rddreg [dreg:$0x2]  }
0x3: {  	s5 =	stileid.u32;
	s3 =	rddreg [dreg:$0x3]  }
0x4: {  	s4 =	simm.s32 $0x0;
	s15 =	simm.s32 $0x2710;
	s17 =	simm.s32 $0x4E20  }
0x5: {  	s18 =	simm.s32 $0xCB20;
	s19 =	simm.s32 $0x5;
	s21 =	simm.s32 $0x3  }
0x6: {  	s22 =	simm.s32 $0x4;
	s24 =	simm.s32 $0x1;
	s25 =	simm.s32 $0x2  }
0x7: {  	s29 =	simm.s32 $0x2EE0;
	s30 =	simm.s32 $0x1770;
	s31 =	simm.s32 $0x36B0  }
0x8: {  	s16 =	simm.s32 $0x0;
	s0 =	sand.u32 $0x1, s0;
	s11 =	smul.u32 $0x2800, s5  }
0x9: {  	[smem:$0x7FF] =	sst s4;
	s2 =	sshll.u32 s0, $0x4;
	s13 =	smul.u32 $0x28000, s0  }
0xa: {  	_ =	strace $0x80000050;
	s7 =	ssub.s32 $0x2, s0;
	p0 =	seq.s32 s0, $0x0  }
0xb: {  	s0 =	simm.f32 $1.000000000e+00;
	s2 =	sor.u32 s5, s2;
	s5 =	sshrl.u32 s11, $0x3  }
0xc: {  	s26 =	sshrl.u32 s7, $0x1;
	s0 =	simm.s32 @!p0 $0x0;
	s2 =	smul.u32 $0x4E2, s2  }
0xd: {  	s6 =	sadd.s32 s11, s13;
	s9 =	sadd.s32 s5, s1;
	s14 =	ssub.s32 s7, s26  }
0xe: {  	s28 =	sshrl.u32 s13, $0x3;
	s11 =	sadd.s32 s11, s3;
	s26 =	simm.s32 $0x7D0  }
0xf: {  	v0 =	vmov s0;
	s0 =	simm.s32 $0x3E80;
	s10 =	sshrl.u32 s6, $0x3;
	s8 =	sadd.s32 $0x25400, s9  }
0x10: {  	s9 =	sadd.s32 $0x2A400, s9;
	s14 =	smax.u32 s14, $0x1;
	s2 =	sadd.s32 s2, s1  }
0x11: {  	s1 =	sadd.s32 s10, s1;
	s10 =	sadd.s32 s12, s10;
	s12 =	sadd.s32 s12, s28  }
0x12: {  	s5 =	sadd.s32 $0xC600, s2;
	s6 =	sadd.s32 $0x2800, s2;
	s7 =	sadd.s32 $0x16400, s1  }
0x13: {  	s13 =	sadd.s32 $0x2F400, s1;
	s2 =	simm.s32 $0x1F40;
	s1 =	simm.s32 $0x4650  }
.LBB2_1:
0x14: {  	[tilespmem:s4], [sflag:$0x1] =	stream.linear.gather [hbm4b:s5+s4], $0x2710, $0x38;
	[tilespmem:$0x1C030] =	vst v63  }
0x15: {  	_ = 	snop  }
0x16: {  	[tilespmem:s15], [sflag:$0x2] =	stream.linear.gather [hbm4b:s6+s4], $0x2710, $0x38;
	[tilespmem:$0x1C030] =	vst v63  }
0x17: {  	s20 =	simm.s32 $0x14820  }
0x18: {  	[tilespmem:s20], [sflag:$0x3] =	stream.linear.gather [hbm4b:s7+s4], $0x2800, $0x38;
	[tilespmem:$0x1C030] =	vst v63  }
0x19: {  	_ = 	snop  }
0x1a: {  	[tilespmem:s17], [sflag:$0x4] =	stream.linear.gather [hbm4b:s8+s4], $0x2800, $0x38;
	[tilespmem:$0x1C030] =	vst v63  }
0x1b: {  	_ = 	snop  }
0x1c: {  	[tilespmem:s18], [sflag:$0x5] =	stream.linear.gather [hbm4b:s9+s4], $0x2800, $0x38;
	[tilespmem:$0x1C030] =	vst v63  }
0x1d: {  	_ =	swait.ge [sflag:s19], $0x2800  }
0x1e: {  	[sflag:s19] =	ssyncset.done $0x0  }
0x1f: {  	[sflag:s19] =	ssyncadd.s32 $0xFFFFD800  }
0x20: {  	s23 =	simm.s32 $0x19820;
	s28 =	rddreg [dreg:$0x1]  }
0x21: {  	[tilespmem:s23], [sflag:$0x5] =	stream.linear.gather [hbm4b:s28+s4], $0x10, $0x38;
	[tilespmem:$0x1C030] =	vst v63  }
0x22: {  	_ =	swait.ge [sflag:s19], $0x10  }
0x23: {  	[sflag:s19] =	ssyncset.done $0x0  }
0x24: {  	[sflag:s19] =	ssyncadd.s32 $0xFFFFFFF0  }
0x25: {  	v1 =	vld [tilespmem:$0x19820];
	_ =	swait.ge [sflag:s21], $0x2800  }
0x26: {  	[sflag:s21] =	ssyncset.done $0x0  }
0x27: {  	[sflag:s21] =	ssyncadd.s32 $0xFFFFD800  }
0x28: {  	_ =	swait.ge [sflag:s22], $0x2800  }
0x29: {  	[sflag:s22] =	ssyncset.done $0x0  }
0x2a: {  	s20 =	simm.s32 $0x0;
	[sflag:s22] =	ssyncadd.s32 $0xFFFFD800  }
0x2b: {  	v6 =	vld [tilespmem:s20+$0x14820]  }
0x2c: {  	v7 =	vld [tilespmem:s20+$0x14830]  }
0x2d: {  	v3 =	vld [tilespmem:s20+$0x14840]  }
0x2e: {  	v5 =	vld [tilespmem:s20+$0x14850]  }
0x2f: {  	v4 =	vld [tilespmem:s20+$0x14860]  }
0x30: {  	v2 =	vld [tilespmem:s20+$0x14870]  }
0x31: {  	v8 =	vld [tilespmem:s20+$0x4E20]  }
0x32: {  	v9 =	vld [tilespmem:s20+$0x4E30]  }
0x33: {  	v11 =	vld [tilespmem:s20+$0xCB20]  }
0x34: {  	v13 =	vld [tilespmem:s20+$0xCB30]  }
0x35: {  	v14 =	vld [tilespmem:s20+$0x4E40]  }
0x36: {  	v15 =	vld [tilespmem:s20+$0xCB40]  }
0x37: {  	v12 =	vld [tilespmem:s20+$0x4E50]  }
0x38: {  	v10 =	vld [tilespmem:s20+$0x4E60];
	v8 =	vadd.f32 v11, v8  }
0x39: {  	v13 =	vadd.f32 v13, v9;
	v11 =	vld [tilespmem:s20+$0x4E70]  }
0x3a: {  	v9 =	vld [tilespmem:s20+$0x4E80];
	v16 =	vmul.f32 v8, v6  }
0x3b: {  	v14 =	vadd.f32 v15, v14;
	v15 =	vld [tilespmem:s20+$0xCB60];
	v13 =	vmul.f32 v13, v7  }
0x3c: {  	v17 =	vadd.f32 v16, v1;
	v16 =	vld [tilespmem:s20+$0xCB50]  }
0x3d: {  	v8 =	vld [tilespmem:s20+$0x4E90];
	v18 =	vadd.f32 v13, v1  }
0x3e: {  	v13 =	vld [tilespmem:s20+$0xCB70]  }
0x3f: {  	s23 =	simm.s32 $0x200;
	v19 =	vmax.f32 v17, $0.0e+00;
	v18 =	vmax.f32 v18, $0.0e+00;
	v17 =	vmul.f32 v14, v3;
	v14 =	vld [tilespmem:s20+$0xCB80]  }
.LBB2_2:
0x40: {  	p0 =	sne.s32 s23, $0x9E00;
	v6 =	vmul.f32 v19, v6;
	v7 =	vmul.f32 v18, v7;
	v18 =	vld [tilespmem:s20+$0xCB90]  }
0x41: {  	v17 =	vadd.f32 v17, v1;
	v12 =	vadd.f32 v16, v12;
	v16 =	vld [tilespmem:s20+$0x14880]  }
0x42: {  	s28 =	sshra.s32 s23, $0x2;
	[tilespmem:s20+$0x17020] =	vst v6;
	v19 =	vmul.f32 v6, v0;
	v20 =	vmul.f32 v7, v0;
	v10 =	vadd.f32 v15, v10;
	v15 =	vld [tilespmem:s20+$0x14890]  }
0x43: {  	v6 =	vld [tilespmem:s28+$0x14820];
	[tilespmem:s20+$0x17030] =	vst v7;
	v17 =	vmax.f32 v17, $0.0e+00;
	v12 =	vmul.f32 v12, v5;
	v11 =	vadd.f32 v13, v11  }
0x44: {  	v7 =	vld [tilespmem:s28+$0x14830];
	v13 =	vmul.f32 v17, v3;
	v10 =	vmul.f32 v10, v4;
	v9 =	vadd.f32 v14, v9  }
0x45: {  	v3 =	vld [tilespmem:s28+$0x14840];
	v12 =	vadd.f32 v12, v1;
	v11 =	vmul.f32 v11, v2;
	v8 =	vadd.f32 v18, v8  }
0x46: {  	v14 =	vld [tilespmem:s28+$0x14850];
	[tilespmem:s20+$0x17040] =	vst v13;
	v13 =	vmul.f32 v13, v0;
	v10 =	vadd.f32 v10, v1;
	v9 =	vmul.f32 v9, v16  }
0x47: {  	v17 =	vld [tilespmem:s28+$0x14860];
	v12 =	vmax.f32 v12, $0.0e+00;
	v11 =	vadd.f32 v11, v1;
	v8 =	vmul.f32 v8, v15  }
0x48: {  	v18 =	vld [tilespmem:s28+$0x14870];
	v21 =	vmul.f32 v12, v5;
	v5 =	vmax.f32 v10, $0.0e+00;
	v9 =	vadd.f32 v9, v1  }
0x49: {  	v22 =	vld [tilespmem:s28+$0x4E20];
	[tilespmem:s20+$0xCB20] =	vst v19;
	v19 =	vmul.f32 v5, v4;
	v4 =	vmax.f32 v11, $0.0e+00;
	v12 =	vadd.f32 v8, v1  }
0x4a: {  	v8 =	vld [tilespmem:s28+$0x4E30];
	[tilespmem:s20+$0xCB30] =	vst v20;
	v10 =	vmul.f32 v21, v0;
	v20 =	vmul.f32 v4, v2;
	v2 =	vmax.f32 v9, $0.0e+00  }
0x4b: {  	v9 =	vld [tilespmem:s28+$0xCB20];
	[tilespmem:s20+$0xCB40] =	vst v13;
	v11 =	vmul.f32 v19, v0;
	v13 =	vmul.f32 v2, v16;
	v12 =	vmax.f32 v12, $0.0e+00;
	v5 =	vmovc v14  }
0x4c: {  	v14 =	vld [tilespmem:s28+$0xCB30];
	[tilespmem:s20+$0xCB50] =	vst v10;
	v10 =	vmul.f32 v20, v0;
	v23 =	vmul.f32 v12, v15;
	v4 =	vmov v17  }
0x4d: {  	v15 =	vld [tilespmem:s28+$0x4E40];
	[tilespmem:s20+$0xCB60] =	vst v11;
	v11 =	vmul.f32 v13, v0;
	v2 =	vmov v18  }
0x4e: {  	v12 =	vld [tilespmem:s28+$0x4E50];
	[tilespmem:s20+$0xCB70] =	vst v10;
	v16 =	vmul.f32 v23, v0  }
0x4f: {  	v10 =	vld [tilespmem:s28+$0x4E60];
	[tilespmem:s20+$0xCB80] =	vst v11  }
0x50: {  	v9 =	vadd.f32 v9, v22;
	v17 =	vld [tilespmem:s28+$0xCB40];
	[tilespmem:s20+$0xCB90] =	vst v16  }
0x51: {  	v8 =	vadd.f32 v14, v8;
	v11 =	vld [tilespmem:s28+$0x4E70];
	[tilespmem:s20+$0x17050] =	vst v21  }
0x52: {  	v14 =	vmul.f32 v9, v6;
	v9 =	vld [tilespmem:s28+$0x4E80];
	[tilespmem:s20+$0x17060] =	vst v19  }
.Ltmp0:
0x53: {  	v18 =	vmul.f32 v8, v7;
	v8 =	vld [tilespmem:s28+$0x4E90];
	[tilespmem:s20+$0x17070] =	vst v20;
	(pc) =	sbr.rel @p0 .LBB2_2-.Ltmp0, $4  }
0x54: {  	v14 =	vadd.f32 v14, v1;
	v16 =	vld [tilespmem:s28+$0xCB50];
	[tilespmem:s20+$0x17080] =	vst v13  }
0x55: {  	v18 =	vadd.f32 v18, v1;
	v17 =	vadd.f32 v17, v15;
	v15 =	vld [tilespmem:s28+$0xCB60];
	[tilespmem:s20+$0x17090] =	vst v23;
	s20 =	smov.u32 s28  }
0x56: {  	v13 =	vld [tilespmem:s20+$0xCB70]  }
0x57: {  	s23 =	sadd.s32 $0x200, s23;
	v19 =	vmax.f32 v14, $0.0e+00;
	v18 =	vmax.f32 v18, $0.0e+00;
	v17 =	vmul.f32 v17, v3;
	v14 =	vld [tilespmem:s20+$0xCB80]  }
0x58: {  	v6 =	vmul.f32 v19, v6  }
0x59: {  	v57 =	vld [tilespmem:s20+$0xCB90];
	v7 =	vmul.f32 v18, v7;
	v12 =	vadd.f32 v16, v12  }
0x5a: {  	v58 =	vld [tilespmem:s20+$0x14880];
	v17 =	vadd.f32 v17, v1;
	[tilespmem:s20+$0x17020] =	vst v6;
	v6 =	vmul.f32 v6, v0;
	v10 =	vadd.f32 v15, v10  }
0x5b: {  	v59 =	vmul.f32 v7, v0;
	v12 =	vmul.f32 v12, v5  }
0x5c: {  	v60 =	vld [tilespmem:s20+$0x14890];
	v17 =	vmax.f32 v17, $0.0e+00;
	v11 =	vadd.f32 v13, v11;
	v10 =	vmul.f32 v10, v4  }
0x5d: {  	[tilespmem:s20+$0x17030] =	vst v7;
	v3 =	vmul.f32 v17, v3;
	v9 =	vadd.f32 v14, v9;
	v12 =	vadd.f32 v12, v1  }
0x5e: {  	[tilespmem:s20+$0xCB20] =	vst v6;
	v11 =	vmul.f32 v11, v2;
	v8 =	vadd.f32 v57, v8;
	v10 =	vadd.f32 v10, v1  }
0x5f: {  	[tilespmem:s20+$0xCB30] =	vst v59;
	v61 =	vmul.f32 v3, v0;
	v9 =	vmul.f32 v9, v58;
	v7 =	vmax.f32 v12, $0.0e+00  }
0x60: {  	[tilespmem:s20+$0x17040] =	vst v3;
	v11 =	vadd.f32 v11, v1;
	v3 =	vmul.f32 v7, v5;
	v5 =	vmax.f32 v10, $0.0e+00  }
0x61: {  	v8 =	vmul.f32 v8, v60;
	[tilespmem:s20+$0xCB40] =	vst v61;
	v4 =	vmul.f32 v5, v4  }
0x62: {  	v7 =	vadd.f32 v9, v1;
	v5 =	vmax.f32 v11, $0.0e+00;
	v6 =	vmul.f32 v3, v0;
	[tilespmem:s20+$0x17050] =	vst v3  }
0x63: {  	v2 =	vmul.f32 v5, v2;
	[tilespmem:s20+$0x17060] =	vst v4  }
0x64: {  	v1 =	vadd.f32 v8, v1;
	v5 =	vmax.f32 v7, $0.0e+00;
	v7 =	vmul.f32 v4, v0;
	[tilespmem:s20+$0xCB50] =	vst v6  }
0x65: {  	v5 =	vmul.f32 v5, v58;
	[tilespmem:s20+$0x17070] =	vst v2  }
0x66: {  	v1 =	vmax.f32 v1, $0.0e+00;
	v6 =	vmul.f32 v2, v0;
	[tilespmem:s20+$0xCB60] =	vst v7  }
0x67: {  	v1 =	vmul.f32 v1, v60;
	[tilespmem:s20+$0x17080] =	vst v5  }
0x68: {  	v7 =	vmul.f32 v5, v0;
	[tilespmem:s20+$0xCB70] =	vst v6  }
0x69: {  	v6 =	vmul.f32 v1, v0;
	[tilespmem:s20+$0x17090] =	vst v1  }
0x6a: {  	[tilespmem:s20+$0xCB80] =	vst v7  }
0x6b: {  	s23 =	simm.s32 $0x17020;
	[tilespmem:s20+$0xCB90] =	vst v6;
	s20 =	simm.s32 $0x0  }
0x6c: {  	[hbm4b:s10+s20] =	stream.linear.scatter [tilespmem:s23], [sflag:$0x5], $0x2800, $0x38;
	[tilespmem:$0x1C030] =	vst v63  }
0x6d: {  	_ =	swait.ge [sflag:s19], $0x2800  }
0x6e: {  	[sflag:s19] =	ssyncset.done $0x0  }
0x6f: {  	[sflag:s19] =	ssyncadd.s32 $0xFFFFD800  }
0x70: {  	[spmem:s11] =	stream.linear.scatter [tilespmem:s18], [sflag:$0x5], $0x2800, $0x38;
	[tilespmem:$0x1C030] =	vst v63  }
0x71: {  	_ =	swait.ge [sflag:s19], $0x2800  }
0x72: {  	[sflag:s19] =	ssyncset.done $0x0  }
0x73: {  	[sflag:s19] =	ssyncadd.s32 $0xFFFFD800  }
0x74: {  	_ =	swait.ge [sflag:s24], $0x2710  }
0x75: {  	[sflag:s24] =	ssyncset.done $0x0  }
0x76: {  	[sflag:s24] =	ssyncadd.s32 $0xFFFFD8F0  }
0x77: {  	_ =	swait.ge [sflag:s25], $0x2710  }
0x78: {  	[sflag:s25] =	ssyncset.done $0x0  }
0x79: {  	[sflag:s25] =	ssyncadd.s32 $0xFFFFD8F0  }
0x7a: {  	[bflag:$0x0] =	sbarrier.arrive $0xFFFF  }
0x7b: {  	[tilespmem:s17], [sflag:$0x1] =	stream.indirect.gather [hbm4b:s12+s26], $0x10, s20, s26, $0xb8;
	[tilespmem:$0x1C030] =	vst v63  }
0x7c: {  	_ =	swait.ge [sflag:s24], $0x7D00  }
0x7d: {  	[sflag:s24] =	ssyncset.done $0x0  }
0x7e: {  	[sflag:s24] =	ssyncadd.s32 $0xFFFF8300  }
0x7f: {  	[tilespmem:s18], [sflag:$0x2] =	stream.indirect.gather [hbm4b:s12+s26], $0x10, s26, s26, $0xb8;
	[tilespmem:$0x1C030] =	vst v63  }
0x80: {  	_ = 	snop  }
0x81: {  	[spmem:s3] =	stream.indirect.scatter.add.f32 [tilespmem:s17], [sflag:$0x3], $0x10, s15, s26, $0xb8;
	[tilespmem:$0x1C030] =	vst v63  }
0x82: {  	_ =	swait.ge [sflag:s25], $0x7D00  }
0x83: {  	[sflag:s25] =	ssyncset.done $0x0  }
0x84: {  	[sflag:s25] =	ssyncadd.s32 $0xFFFF8300  }
0x85: {  	_ =	swait.ge [sflag:s21], $0x7D00  }
0x86: {  	[sflag:s21] =	ssyncset.done $0x0  }
0x87: {  	s23 =	simm.s32 $0xFA0;
	[sflag:s21] =	ssyncadd.s32 $0xFFFF8300  }
0x88: {  	[tilespmem:s17], [sflag:$0x1] =	stream.indirect.gather [hbm4b:s12+s26], $0x10, s23, s26, $0xb8;
	[tilespmem:$0x1C030] =	vst v63  }
0x89: {  	_ = 	snop  }
0x8a: {  	[spmem:s3] =	stream.indirect.scatter.add.f32 [tilespmem:s18], [sflag:$0x4], $0x10, s29, s26, $0xb8;
	[tilespmem:$0x1C030] =	vst v63  }
0x8b: {  	_ =	swait.ge [sflag:s24], $0x7D00  }
0x8c: {  	[sflag:s24] =	ssyncset.done $0x0  }
0x8d: {  	[sflag:s24] =	ssyncadd.s32 $0xFFFF8300  }
0x8e: {  	_ =	swait.ge [sflag:s22], $0x7D00  }
0x8f: {  	[sflag:s22] =	ssyncset.done $0x0  }
0x90: {  	[sflag:s22] =	ssyncadd.s32 $0xFFFF8300  }
0x91: {  	[tilespmem:s18], [sflag:$0x2] =	stream.indirect.gather [hbm4b:s12+s26], $0x10, s30, s26, $0xb8;
	[tilespmem:$0x1C030] =	vst v63  }
0x92: {  	_ = 	snop  }
0x93: {  	[spmem:s3] =	stream.indirect.scatter.add.f32 [tilespmem:s17], [sflag:$0x3], $0x10, s31, s26, $0xb8;
	[tilespmem:$0x1C030] =	vst v63  }
0x94: {  	_ =	swait.ge [sflag:s25], $0x7D00  }
0x95: {  	[sflag:s25] =	ssyncset.done $0x0  }
0x96: {  	[sflag:s25] =	ssyncadd.s32 $0xFFFF8300  }
0x97: {  	_ =	swait.ge [sflag:s21], $0x7D00  }
0x98: {  	[sflag:s21] =	ssyncset.done $0x0  }
0x99: {  	[sflag:s21] =	ssyncadd.s32 $0xFFFF8300  }
0x9a: {  	[tilespmem:s17], [sflag:$0x1] =	stream.indirect.gather [hbm4b:s12+s26], $0x10, s2, s26, $0xb8;
	[tilespmem:$0x1C030] =	vst v63  }
0x9b: {  	_ = 	snop  }
0x9c: {  	[spmem:s3] =	stream.indirect.scatter.add.f32 [tilespmem:s18], [sflag:$0x4], $0x10, s0, s26, $0xb8;
	[tilespmem:$0x1C030] =	vst v63  }
0x9d: {  	_ =	swait.ge [sflag:s24], $0x7D00  }
0x9e: {  	[sflag:s24] =	ssyncset.done $0x0  }
0x9f: {  	[sflag:s24] =	ssyncadd.s32 $0xFFFF8300  }
0xa0: {  	[spmem:s3] =	stream.indirect.scatter.add.f32 [tilespmem:s17], [sflag:$0x3], $0x10, s1, s26, $0xb8;
	[tilespmem:$0x1C030] =	vst v63  }
0xa1: {  	_ =	swait.ge [sflag:s21], $0x7D00  }
0xa2: {  	[sflag:s21] =	ssyncset.done $0x0  }
0xa3: {  	[sflag:s21] =	ssyncadd.s32 $0xFFFF8300  }
0xa4: {  	_ =	swait.ge [sflag:s22], $0x7D00  }
0xa5: {  	[sflag:s22] =	ssyncset.done $0x0  }
0xa6: {  	[sflag:s22] =	ssyncadd.s32 $0xFFFF8300  }
0xa7: {  	[bflag:$0x0] =	sbarrier.arrive $0xFFFF  }
0xa8: {  	[tilespmem:s17], [sflag:$0x5] =	stream.linear.gather [spmem:s11], $0x2800, $0x38;
	[tilespmem:$0x1C030] =	vst v63  }
0xa9: {  	_ =	swait.ge [sflag:s19], $0x2800  }
0xaa: {  	[sflag:s19] =	ssyncset.done $0x0  }
0xab: {  	s20 =	simm.s32 $0x0;
	[sflag:s19] =	ssyncadd.s32 $0xFFFFD800  }
0xac: {  	v1 =	vld [tilespmem:s20+$0x4E90]  }
0xad: {  	v2 =	vld [tilespmem:s20+$0x14890]  }
0xae: {  	v3 =	vld [tilespmem:s20+$0x4E20]  }
0xaf: {  	v4 =	vld [tilespmem:s20+$0x14820]  }
0xb0: {  	v5 =	vld [tilespmem:s20+$0x4E30]  }
0xb1: {  	v6 =	vld [tilespmem:s20+$0x14830]  }
0xb2: {  	v7 =	vld [tilespmem:s20+$0x4E40]  }
0xb3: {  	v8 =	vld [tilespmem:s20+$0x4E50]  }
0xb4: {  	v1 =	vmul.f32 v2, v1;
	v2 =	vld [tilespmem:s20+$0x14840]  }
0xb5: {  	v62 =	vld [tilespmem:s20+$0x14850]  }
0xb6: {  	v63 =	vld [tilespmem:s20+$0x14860];
	v3 =	vmul.f32 v4, v3  }
0xb7: {  	[tilespmem:s20+$0xCB90] =	vst v1;
	v1 =	vmul.f32 v6, v5;
	v6 =	vld [tilespmem:s20+$0x4E60]  }
0xb8: {  	v4 =	vld [tilespmem:s20+$0x14870];
	[tilespmem:s20+$0xCB20] =	vst v3  }
0xb9: {  	v3 =	vld [tilespmem:s20+$0x4E70];
	[tilespmem:s20+$0xCB30] =	vst v1;
	v1 =	vmul.f32 v2, v7  }
0xba: {  	v5 =	vld [tilespmem:s20+$0x14880];
	v7 =	vmul.f32 v62, v8  }
0xbb: {  	s23 =	simm.s32 $0x80;
	[tilespmem:s20+$0xCB40] =	vst v1;
	v1 =	vld [tilespmem:s20+$0x4E80]  }
0xbc: {  	s28 =	simm.s32 $0x400;
	v6 =	vmul.f32 v63, v6;
	v2 =	vld [tilespmem:s23+$0x4E90];
	[tilespmem:s20+$0xCB50] =	vst v7  }
.LBB2_4:
0xbd: {  	p0 =	sne.s32 s28, $0x9E00;
	v7 =	vld [tilespmem:s23+$0x14890]  }
0xbe: {  	v8 =	vld [tilespmem:s23+$0x4E20];
	[tilespmem:s20+$0xCB60] =	vst v6;
	v3 =	vmul.f32 v4, v3  }
0xbf: {  	v4 =	vld [tilespmem:s23+$0x14820]  }
0xc0: {  	v6 =	vld [tilespmem:s23+$0x4E30];
	[tilespmem:s20+$0xCB70] =	vst v3;
	v1 =	vmul.f32 v5, v1  }
0xc1: {  	v3 =	vld [tilespmem:s23+$0x14830]  }
0xc2: {  	v5 =	vld [tilespmem:s23+$0x4E40];
	v2 =	vmul.f32 v7, v2;
	[tilespmem:s20+$0xCB80] =	vst v1;
	s20 =	smov.u32 s23  }
0xc3: {  	v1 =	vld [tilespmem:s20+$0x14840]  }
0xc4: {  	v4 =	vmul.f32 v4, v8;
	v7 =	vld [tilespmem:s20+$0x4E50];
	[tilespmem:s20+$0xCB90] =	vst v2  }
0xc5: {  	v2 =	vld [tilespmem:s20+$0x14850]  }
0xc6: {  	[tilespmem:s20+$0xCB20] =	vst v4;
	v3 =	vmul.f32 v3, v6;
	v6 =	vld [tilespmem:s20+$0x4E60]  }
0xc7: {  	v8 =	vld [tilespmem:s20+$0x14860]  }
.Ltmp1:
0xc8: {  	[tilespmem:s20+$0xCB30] =	vst v3;
	v1 =	vmul.f32 v1, v5;
	v3 =	vld [tilespmem:s20+$0x4E70];
	(pc) =	sbr.rel @p0 .LBB2_4-.Ltmp1, $4  }
0xc9: {  	v4 =	vld [tilespmem:s20+$0x14870]  }
0xca: {  	[tilespmem:s20+$0xCB40] =	vst v1;
	v7 =	vmul.f32 v2, v7;
	v1 =	vld [tilespmem:s20+$0x4E80]  }
0xcb: {  	s23 =	sshra.s32 s28, $0x2;
	v5 =	vld [tilespmem:s20+$0x14880]  }
0xcc: {  	s28 =	sadd.s32 $0x200, s28;
	v2 =	vld [tilespmem:s23+$0x4E90];
	[tilespmem:s20+$0xCB50] =	vst v7;
	v6 =	vmul.f32 v8, v6  }
0xcd: {  	v7 =	vld [tilespmem:s23+$0x14890]  }
0xce: {  	v8 =	vld [tilespmem:s23+$0x4E20];
	[tilespmem:s20+$0xCB60] =	vst v6;
	v3 =	vmul.f32 v4, v3  }
0xcf: {  	v57 =	vld [tilespmem:s23+$0x14820]  }
0xd0: {  	v6 =	vld [tilespmem:s23+$0x4E30];
	[tilespmem:s20+$0xCB70] =	vst v3;
	v1 =	vmul.f32 v5, v1  }
0xd1: {  	v3 =	vld [tilespmem:s23+$0x14830]  }
0xd2: {  	v58 =	vld [tilespmem:s23+$0x4E40];
	[tilespmem:s20+$0xCB80] =	vst v1  }
0xd3: {  	v1 =	vmul.f32 v7, v2;
	v2 =	vld [tilespmem:s23+$0x14840]  }
0xd4: {  	v59 =	vld [tilespmem:s23+$0x4E50]  }
0xd5: {  	v60 =	vld [tilespmem:s23+$0x4E60]  }
0xd6: {  	v61 =	vld [tilespmem:s23+$0x14860]  }
0xd7: {  	v62 =	vld [tilespmem:s23+$0x14870]  }
0xd8: {  	[tilespmem:s23+$0xCB90] =	vst v1;
	v1 =	vld [tilespmem:s23+$0x14850];
	v3 =	vmul.f32 v3, v6  }
0xd9: {  	v63 =	vld [tilespmem:s23+$0x14880];
	v2 =	vmul.f32 v2, v58  }
0xda: {  	[tilespmem:s23+$0xCB30] =	vst v3;
	v3 =	vld [tilespmem:s23+$0x4E70]  }
0xdb: {  	[tilespmem:s23+$0xCB40] =	vst v2;
	v2 =	vld [tilespmem:s23+$0x4E80]  }
0xdc: {  	v4 =	vmul.f32 v57, v8  }
0xdd: {  	v1 =	vmul.f32 v1, v59  }
0xde: {  	[tilespmem:s23+$0xCB20] =	vst v4;
	v4 =	vmul.f32 v61, v60  }
0xdf: {  	[tilespmem:s23+$0xCB50] =	vst v1;
	v1 =	vmul.f32 v62, v3  }
0xe0: {  	s16 =	sadd.s32 $0x1, s16;
	[tilespmem:s23+$0xCB60] =	vst v4;
	v2 =	vmul.f32 v63, v2  }
0xe1: {  	p0 =	sne.s32 s16, s14;
	[tilespmem:s23+$0xCB70] =	vst v1  }
.Ltmp2:
0xe2: {  	[tilespmem:s23+$0xCB80] =	vst v2;
	(pc) =	sbr.rel @p0 .LBB2_1-.Ltmp2, $4  }
0xe3: {  	[hbm4b:s13+s4] =	stream.linear.scatter [tilespmem:s18], [sflag:$0x5], $0x2800, $0x38;
	[tilespmem:$0x1C030] =	vst v63  }
0xe4: {  	_ =	swait.ge [sflag:s19], $0x2800  }
0xe5: {  	[sflag:s19] =	ssyncset.done $0x0  }
0xe6: {  	[sflag:s19] =	ssyncadd.s32 $0xFFFFD800  }
0xe7: {  	_ =	sfence.sel $0x180000  }
0xe8: {  	[bflag:$0x0] =	sbarrier.arrive $0xFFFF  }
0xe9: {  	_ =	strace $0x90000050  }
0xea: {  	s0 =	stileid.u32;
	[bflag:$0x2] =	sbarrier.arrive $0xFFFF  }
0xeb: {  	p0 =	sne.s32 s0, $0x0;
	s0 =	rddreg [dreg:$0x4]  }
0xec: {  	s0 =	sadd.s32 @!p0 $0x100000, s0  }
0xed: {  	[sflag:s0] =	ssyncadd.tile.s32 @!p0 $0x1;
	_ =	shalt  }
.Lfunc_end2:
_tile_overlayer_lowered:
.L_overlay_start_2:
0xee: {  	(tag) =	ssettag $0x2  }
0xef: {  	s0 =	rddreg [dreg:$0x0];
	s2 =	stileid.u32  }
0xf0: {  	s1 =	rddreg [dreg:$0x1];
	p0 =	sne.s32 s2, $0x0  }
0xf1: {  	s3 =	rddreg [dreg:$0x2];
	[bflag:$0x3] =	sbarrier.arrive $0xFFFF;
	s2 =	simm.s32 @!p0 $0x1C05  }
0xf2: {  	[timem:s3], [sflag:s2] =	dma.local @!p0 [hbm:s0], s1  }
0xf3: {  	s0 =	simm.s32 @!p0 $0x5  }
0xf4: {  	_ =	swait.ge @!p0 [sflag:s0], s1  }
0xf5: {  	s1 =	ssub.s32 @!p0 $0x0, s1;
	[sflag:s0] =	ssyncset.done @!p0 $0x0  }
0xf6: {  	[sflag:s0] =	ssyncadd.s32 @!p0 s1  }
0xf7: {  	[bflag:$0x3] =	sbarrier.arrive $0xFFFF  }
0xf8: {  	_ =	shalt  }

// kernel: kernel.8.cloned.1.call-start
scs
__scs_entry_jumppad:
0x0: {  	(pc) =	sbr.rel $0x88, $3  }
0x1: {  	(tag) =	ssettag $0x0;
	lr =	simm.s32 $0x1  }
0x2: {  	[smem:$0x3F9B] =	sst lr;
	_ =	strace $0xD0000000  }
0x3: {  	_ = 	snop  }
0x4: {  	_ = 	snop  }
0x5: {  	_ = 	snop  }
0x6: {  	_ = 	snop  }
0x7: {  	_ = 	snop  }
__scs_overlays_trampoline_lowered:
0x8: {  	[smem:$0x3FAA] =	sst s0  }
0x9: {  	[smem:$0x3FAB] =	sst s1  }
0xa: {  	[smem:$0x3FAC] =	sst s2  }
0xb: {  	[smem:$0x3FAD] =	sst s3  }
0xc: {  	[smem:$0x3FAE] =	sst s4  }
0xd: {  	[smem:$0x3FAF] =	sst s5  }
0xe: {  	[smem:$0x3FB0] =	sst s6  }
0xf: {  	[smem:$0x3FB1] =	sst s7  }
0x10: {  	[smem:$0x3FB2] =	sst s8  }
0x11: {  	[smem:$0x3FB3] =	sst s9;
	s0 =	simm.s32 @!p0 $0x0  }
0x12: {  	s1 =	sld [smem:$0x3F99];
	s0 =	simm.s32 @p0 $0x1  }
0x13: {  	[smem:$0x3FB4] =	sst s0;
	s0 =	simm.s32 @!p1 $0x0  }
0x14: {  	s2 =	sld [smem:$0x3F98];
	s0 =	simm.s32 @p1 $0x1  }
0x15: {  	[smem:$0x3FB5] =	sst s0;
	s0 =	simm.s32 @!p2 $0x0  }
0x16: {  	s3 =	sld [smem:$0x3FDB];
	s0 =	simm.s32 @p2 $0x1  }
0x17: {  	s4 =	simm.s32 $0x1BF5;
	[smem:$0x3FB7] =	sst s0  }
0x18: {  	s0 =	sld [smem:$0x3F9A];
	_ =	swait.ge [sflag:s4], $0x0  }
0x19: {  	s7 =	sld [smem:$0x3F9B]  }
0x1a: {  	s8 =	sadd.s32 $0xFFFFE003, lr  }
0x1b: {  	s9 =	sadd.s32 $0xFFFFFEF7, lr;
	s5 =	simm.s32 $0xFFFFFFFF;
	p2 =	slt.u32 s8, $0xFFFFF086  }
0x1c: {  	p1 =	slt.u32 s9, $0xF7A;
	s5 =	simm.s32 @!p2 $0x0  }
0x1d: {  	s5 =	simm.s32 @p1 $0x1;
	p0 =	seq.s32 s7, s2  }
0x1e: {  	s7 =	smul.u32 @!p0 $0xF7A, s2;
	p2 =	seq.s32 @!p0 s5, $0x0  }
0x1f: {  	s9 =	smul.u32 $0xF7A, s1;
	s8 =	simm.s32 @!p0 $0x1BF5;
	p2 =	por !p2, p0  }
0x20: {  	[sflag:s8] =	ssyncset.s32 @!p0 $0xFFFFF086;
	s6 =	sadd.s32 @!p0 s3, s7;
	s7 =	simm.s32 @!p0 $0x108  }
0x21: {  	s3 =	sadd.s32 s3, s9;
	s6 =	sadd.s32 @!p0 $0x88, s6;
	s7 =	simm.s32 @p2 $0x1082  }
0x22: {  	[simem:s7], [sflag:s8] =	dma.local @!p0 [hbm:s6], $0xF7A  }
0x23: {  	s9 =	sor.u32 $0xD0000000, s2;
	s6 =	simm.s32 $0x108;
	_ =	swait.ge @!p0 [sflag:s8], $0x0  }
0x24: {  	s3 =	sadd.s32 $0x88, s3;
	s6 =	simm.s32 @!p1 $0x1082;
	[sflag:s4] =	ssyncset.s32 $0xFFFFF086  }
0x25: {  	[simem:s6], [sflag:s4] =	dma.local [hbm:s3], $0xF7A  }
0x26: {  	[smem:$0x3F9B] =	sst s1;
	(tag) =	ssettag s2;
	_ =	strace s9  }
0x27: {  	s1 =	sld [smem:$0x3FAB]  }
0x28: {  	s2 =	sld [smem:$0x3FAC]  }
0x29: {  	s4 =	sld [smem:$0x3FAE]  }
0x2a: {  	p0 =	seq.s32 s5, $0x0;
	s5 =	sld [smem:$0x3FAF]  }
0x2b: {  	s6 =	sld [smem:$0x3FB0]  }
0x2c: {  	s7 =	sld [smem:$0x3FB1]  }
0x2d: {  	s3 =	simm.s32 $0x108;
	s8 =	sld [smem:$0x3FB2]  }
0x2e: {  	s3 =	simm.s32 @!p0 $0x1082;
	s9 =	sld [smem:$0x3FB3]  }
0x2f: {  	lr =	sadd.s32 s0, s3;
	s0 =	sld [smem:$0x3FAA]  }
0x30: {  	s3 =	sld [smem:$0x3FAD]  }
0x31: {  	[smem:$0x3FB6] =	sst s10  }
0x32: {  	s10 =	sld [smem:$0x3FB4];
	_ =	sdelay $0x3  }
0x33: {  	p0 =	seq.s32 s10, $0x1;
	s10 =	sld [smem:$0x3FB6];
	_ =	sdelay $0x3  }
0x34: {  	[smem:$0x3FB6] =	sst s10  }
0x35: {  	s10 =	sld [smem:$0x3FB5];
	_ =	sdelay $0x3  }
0x36: {  	p1 =	seq.s32 s10, $0x1;
	s10 =	sld [smem:$0x3FB6];
	_ =	sdelay $0x3  }
0x37: {  	[smem:$0x3FB6] =	sst s10  }
0x38: {  	s10 =	sld [smem:$0x3FB7]  }
0x39: {  	_ = 	snop;
	(pc) =	sbr.ind lr, $3  }
0x3a: {  	_ = 	snop  }
0x3b: {  	_ = 	snop  }
0x3c: {  	p2 =	seq.s32 s10, $0x1;
	s10 =	sld [smem:$0x3FB6]  }
0x3d: {  	_ =	shalt  }
0x3e: {  	_ =	shalt  }
0x3f: {  	_ =	shalt  }
0x40: {  	_ =	shalt  }
0x41: {  	_ =	shalt  }
0x42: {  	_ =	shalt  }
0x43: {  	_ =	shalt  }
0x44: {  	_ =	shalt  }
0x45: {  	_ =	shalt  }
0x46: {  	_ =	shalt  }
0x47: {  	_ =	shalt  }
0x48: {  	_ =	shalt  }
0x49: {  	_ =	shalt  }
0x4a: {  	_ =	shalt  }
0x4b: {  	_ =	shalt  }
0x4c: {  	_ =	shalt  }
0x4d: {  	_ =	shalt  }
0x4e: {  	_ =	shalt  }
0x4f: {  	_ =	shalt  }
0x50: {  	_ =	shalt  }
0x51: {  	_ =	shalt  }
0x52: {  	_ =	shalt  }
0x53: {  	_ =	shalt  }
0x54: {  	_ =	shalt  }
0x55: {  	_ =	shalt  }
0x56: {  	_ =	shalt  }
0x57: {  	_ =	shalt  }
0x58: {  	_ =	shalt  }
0x59: {  	_ =	shalt  }
0x5a: {  	_ =	shalt  }
0x5b: {  	_ =	shalt  }
0x5c: {  	_ =	shalt  }
0x5d: {  	_ =	shalt  }
0x5e: {  	_ =	shalt  }
0x5f: {  	_ =	shalt  }
0x60: {  	_ =	shalt  }
0x61: {  	_ =	shalt  }
0x62: {  	_ =	shalt  }
0x63: {  	_ =	shalt  }
0x64: {  	_ =	shalt  }
0x65: {  	_ =	shalt  }
0x66: {  	_ =	shalt  }
0x67: {  	_ =	shalt  }
0x68: {  	_ =	shalt  }
0x69: {  	_ =	shalt  }
0x6a: {  	_ =	shalt  }
0x6b: {  	_ =	shalt  }
0x6c: {  	_ =	shalt  }
0x6d: {  	_ =	shalt  }
0x6e: {  	_ =	shalt  }
0x6f: {  	_ =	shalt  }
0x70: {  	_ =	shalt  }
0x71: {  	_ =	shalt  }
0x72: {  	_ =	shalt  }
0x73: {  	_ =	shalt  }
0x74: {  	_ =	shalt  }
0x75: {  	_ =	shalt  }
0x76: {  	_ =	shalt  }
0x77: {  	_ =	shalt  }
0x78: {  	_ =	shalt  }
0x79: {  	_ =	shalt  }
0x7a: {  	_ =	shalt  }
0x7b: {  	_ =	shalt  }
0x7c: {  	_ =	shalt  }
0x7d: {  	_ =	shalt  }
0x7e: {  	_ =	shalt  }
0x7f: {  	_ =	shalt  }
0x80: {  	_ =	shalt  }
0x81: {  	_ =	shalt  }
0x82: {  	_ =	shalt  }
0x83: {  	_ =	shalt  }
0x84: {  	_ =	shalt  }
0x85: {  	_ =	shalt  }
0x86: {  	_ =	shalt  }
0x87: {  	_ =	shalt  }
.Lfunc_end0:
.L_simem_size_0:
called_computation_lowered:
.L_overlay_start_0:
0x88: {  	s2 =	sld [smem:$0x3FD9]  }
0x89: {  	s3 =	sld [smem:$0x3FFE];
	_ =	sdelay $0x1  }
0x8a: {  	s1 =	srdreg.scid  }
0x8b: {  	s0 =	sand.u32 $0x1, s1  }
0x8c: {  	s17 =	sshll.u32 s0, $0xA;
	s2 =	sadd.s32 s3, s2  }
0x8d: {  	s2 =	sadd.s32 s2, s17  }
0x8e: {  	[smem:$0x3FC2] =	sst s2  }
0x8f: {  	_ = 	snop  }
0x90: {  	s2 =	sld [smem:$0x3FD0];
	(tm) =	ssettm $0x1  }
0x91: {  	s18 =	sld [smem:$0x3FFB];
	_ =	sdelay $0x3  }
0x92: {  	_ =	strace s18  }
0x93: {  	s3 =	sld [smem:$0x3FFC];
	_ =	sdelay $0x3  }
0x94: {  	_ =	strace s3  }
0x95: {  	s3 =	sld [smem:$0x3FFD];
	_ =	sdelay $0x3  }
0x96: {  	_ =	strace s3  }
0x97: {  	_ =	strace $0x8FFFFFFF  }
0x98: {  	s19 =	sld [smem:$0x3FDB];
	_ =	sdelay $0x1  }
0x99: {  	s4 =	simm.s32 $_scs_section_size  }
0x9a: {  	s5 =	simm.s32 $_size__tile_overlayer_lowered;
	s6 =	simm.s32 $_tile_overlayer_lowered  }
0x9b: {  	s22 =	simm.s32 $0x1BFF;
	s21 =	sshll.u32 s6, $0x1;
	s3 =	sadd.s32 s4, s19  }
0x9c: {  	s7 =	simm.s32 $0x0;
	s20 =	sshll.u32 s5, $0x1;
	s5 =	sadd.s32 s21, s3  }
0x9d: {  	[timem:s7], [sflag:s22] =	dma.local [hbm:s5], s20  }
0x9e: {  	_ =	swait.ge [sflag:s22], s20  }
0x9f: {  	s4 =	ssub.s32 $0x0, s20;
	[sflag:s22] =	ssyncset.done $0x0  }
0xa0: {  	[sflag:s22] =	ssyncadd.s32 s4;
	_ =	sdelay $0x1  }
0xa1: {  	s23 =	simm.s32 $0x1B8B  }
0xa2: {  	_ =	swait.ge [sflag:s23], $0x1  }
0xa3: {  	[sflag:s23] =	ssyncset.done $0x0  }
0xa4: {  	s25 =	simm.s32 $0x1B8E;
	s24 =	sld [smem:$0x3FFE];
	[sflag:s23] =	ssyncadd.s32 $0xFFFFFFFF  }
0xa5: {  	s26 =	simm.s32 $execute0_lowered;
	[smem:$0x3FD2] =	sst s25  }
0xa6: {  	s5 =	sshll.u32 s26, $0x1;
	_ =	strace $0x80000046;
	[dreg:$0x1] =	wrdreg $0xFFFFFFFF  }
0xa7: {  	s28 =	simm.s32 $_size_execute0_lowered;
	s3 =	sadd.s32 s3, s5;
	[dreg:$0x0] =	wrdreg $0x0  }
0xa8: {  	s5 =	sshll.u32 s28, $0x1;
	[dreg:$0x2] =	wrdreg s3  }
0xa9: {  	[dreg:$0x3] =	wrdreg s5  }
0xaa: {  	[dreg:$0x4] =	wrdreg $0xC0  }
0xab: {  	_ =	task [dreg:s7], $0x5FFFF  }
0xac: {  	[dreg:$0x1] =	wrdreg $0xFFFFFFFF  }
0xad: {  	[dreg:$0x0] =	wrdreg $0x60  }
0xae: {  	[dreg:$0x2] =	wrdreg s24  }
0xaf: {  	[dreg:$0x3] =	wrdreg s2  }
0xb0: {  	[dreg:$0x4] =	wrdreg $0x31600  }
0xb1: {  	[dreg:$0x5] =	wrdreg $0x9  }
0xb2: {  	_ =	task.clear_ibuf [dreg:s7], $0x6FFFF;
	_ =	strace $0x90000046  }
0xb3: {  	s29 =	simm.s32 $0x9;
	_ =	strace $0x80000048  }
0xb4: {  	_ =	swait.ge [sflag:s29], $0x1  }
0xb5: {  	[sflag:s29] =	ssyncadd.s32 $0xFFFFFFFF  }
0xb6: {  	_ =	strace $0x90000048  }
0xb7: {  	_ =	sfence  }
0xb8: {  	s30 =	sld [smem:$0x0];
	_ =	sdelay $0x2  }
0xb9: {  	s31 =	sshll.u32 s1, $0xD;
	s1 =	sshrl.u32 s1, $0x2  }
0xba: {  	s3 =	sand.u32 $0x4000, s31;
	s1 =	sadd.s32 s1, s30  }
0xbb: {  	s0 =	sor.u32 s3, s0;
	s1 =	sshll.u32 s1, $0x11  }
0xbc: {  	s0 =	sor.u32 s1, s0  }
0xbd: {  	s0 =	sadd.s32 $0x8F2B, s0  }
0xbe: {  	[sflag:s0] =	ssyncadd.remote.s32 $0x1  }
0xbf: {  	_ =	sfence.sel $0xFFFF  }
0xc0: {  	[dreg:$0x0] =	wrdreg $0xFFFFFFFF;
	(pc) =	sbr.abs _section_cstart, $3  }
0xc1: {  	[dreg:$0x1] =	wrdreg $0xFFFFFFFF  }
0xc2: {  	_ =	task.clear_ibuf [dreg:s7], $0x2FFFF;
	_ =	strace $0x9FFFFFFF  }
0xc3: {  	(tm) =	ssettm $0x7FFFFFFF  }
tec
execute0_lowered:
.L_overlay_start_1:
0x0: {  	(tag) =	ssettag $0x1  }
0x1: {  	s5 =	rddreg [dreg:$0x0]  }
0x2: {  	s6 =	rddreg [dreg:$0x1]  }
0x3: {  	s0 =	srdreg.scid;
	s2 =	rddreg [dreg:$0x2]  }
0x4: {  	s3 =	simm.s32 $0x0;
	s10 =	simm.s32 $0x1;
	s11 =	simm.s32 $0x7D0  }
0x5: {  	s12 =	simm.s32 $0x2710;
	s13 =	simm.s32 $0xFA0;
	s14 =	simm.s32 $0x1770  }
0x6: {  	s15 =	simm.s32 $0x1F40;
	s4 =	sand.u32 $0x1, s0;
	s0 =	stileid.u32  }
0x7: {  	s18 =	simm.s32 $0x0;
	[smem:$0x7FF] =	sst s3;
	s8 =	smul.u32 $0x280, s0  }
0x8: {  	s1 =	sshll.u32 s4, $0x4;
	s9 =	smul.u32 $0x2800, s4;
	s4 =	ssub.s32 $0x2, s4  }
0x9: {  	s16 =	sshll.u32 s0, $0x6;
	s1 =	sor.u32 s0, s1;
	s31 =	sshrl.u32 s4, $0x1  }
0xa: {  	s16 =	sor.u32 $0x1C02, s16;
	s7 =	smul.u32 $0x4E2, s1;
	s9 =	sadd.s32 s8, s9  }
0xb: {  	s1 =	rddreg [dreg:$0x3];
	_ =	strace $0x80000047;
	s9 =	sshrl.u32 s9, $0x3  }
0xc: {  	s5 =	sadd.s32 s7, s5;
	s7 =	ssub.s32 s4, s31;
	s6 =	sadd.s32 s6, s9  }
0xd: {  	s9 =	simm.s32 $0x2;
	s4 =	sadd.s32 $0x2800, s5;
	s5 =	sadd.s32 s8, s2  }
0xe: {  	v0 =	vimm.f32 $1.000000000e+00;
	v1 =	vimm.f32 $0.0e+00;
	s7 =	smax.u32 s7, $0x1;
	s8 =	simm.s32 $0x2EE0;
	s17 =	sshrl.u32 s5, $0x3  }
.LBB2_1:
0xf: {  	[tilespmem:s3], [sflag:$0x1] =	stream.linear.gather [hbm4b:s4+s3], $0x2710, $0x38;
	[tilespmem:$0x33E0] =	vst v63  }
0x10: {  	s19 =	simm.s32 $0x40;
	s20 =	simm.s32 $0x0  }
.LBB2_2:
0x11: {  	p0 =	sne.s32 s19, $0x1F00;
	[tilespmem:s20+$0x2710] =	vst v0;
	s20 =	smov.u32 s19;
	s19 =	sadd.s32 $0x40, s19  }
.Ltmp0:
0x12: {  	(pc) =	sbr.rel @p0 .LBB2_2-.Ltmp0, $2  }
0x13: {  	_ =	sdelay $0x2  }
0x14: {  	s20 =	sshra.s32 s20, $0x2  }
0x15: {  	[tilespmem:s20+$0x2710] =	vst v0  }
0x16: {  	[tilespmem:$0x2EE0] =	vst v1  }
0x17: {  	[tilespmem:$0x2EF0] =	vst v1  }
0x18: {  	[tilespmem:$0x2F00] =	vst v1  }
0x19: {  	[tilespmem:$0x2F10] =	vst v1  }
0x1a: {  	[tilespmem:$0x2F20] =	vst v1  }
0x1b: {  	[tilespmem:$0x2F30] =	vst v1  }
0x1c: {  	[tilespmem:$0x2F40] =	vst v1  }
0x1d: {  	[tilespmem:$0x2F50] =	vst v1  }
0x1e: {  	[tilespmem:$0x2F60] =	vst v1  }
0x1f: {  	[tilespmem:$0x2F70] =	vst v1  }
0x20: {  	[tilespmem:$0x2F80] =	vst v1  }
0x21: {  	[tilespmem:$0x2F90] =	vst v1  }
0x22: {  	[tilespmem:$0x2FA0] =	vst v1  }
0x23: {  	[tilespmem:$0x2FB0] =	vst v1  }
0x24: {  	[tilespmem:$0x2FC0] =	vst v1  }
0x25: {  	[tilespmem:$0x2FD0] =	vst v1  }
0x26: {  	[tilespmem:$0x2FE0] =	vst v1  }
0x27: {  	[tilespmem:$0x2FF0] =	vst v1  }
0x28: {  	[tilespmem:$0x3000] =	vst v1  }
0x29: {  	[tilespmem:$0x3010] =	vst v1  }
0x2a: {  	[tilespmem:$0x3020] =	vst v1  }
0x2b: {  	[tilespmem:$0x3030] =	vst v1  }
0x2c: {  	[tilespmem:$0x3040] =	vst v1  }
0x2d: {  	[tilespmem:$0x3050] =	vst v1  }
0x2e: {  	[tilespmem:$0x3060] =	vst v1  }
0x2f: {  	[tilespmem:$0x3070] =	vst v1  }
0x30: {  	[tilespmem:$0x3080] =	vst v1  }
0x31: {  	[tilespmem:$0x3090] =	vst v1  }
0x32: {  	[tilespmem:$0x30A0] =	vst v1  }
0x33: {  	[tilespmem:$0x30B0] =	vst v1  }
0x34: {  	[tilespmem:$0x30C0] =	vst v1  }
0x35: {  	[tilespmem:$0x30D0] =	vst v1  }
0x36: {  	[tilespmem:$0x30E0] =	vst v1  }
0x37: {  	[tilespmem:$0x30F0] =	vst v1  }
0x38: {  	[tilespmem:$0x3100] =	vst v1  }
0x39: {  	[tilespmem:$0x3110] =	vst v1  }
0x3a: {  	[tilespmem:$0x3120] =	vst v1  }
0x3b: {  	[tilespmem:$0x3130] =	vst v1  }
0x3c: {  	[tilespmem:$0x3140] =	vst v1  }
0x3d: {  	[tilespmem:$0x3150] =	vst v1  }
0x3e: {  	[spmem:s5] =	stream.linear.scatter [tilespmem:s8], [sflag:$0x2], $0x280, $0x38;
	[tilespmem:$0x33E0] =	vst v63  }
0x3f: {  	_ =	swait.ge [sflag:s9], $0x280  }
0x40: {  	[sflag:s9] =	ssyncset.done $0x0  }
0x41: {  	[sflag:s9] =	ssyncadd.s32 $0xFFFFFD80  }
0x42: {  	_ =	swait.ge [sflag:s10], $0x2710  }
0x43: {  	[sflag:s10] =	ssyncset.done $0x0  }
0x44: {  	[sflag:s10] =	ssyncadd.s32 $0xFFFFD8F0  }
0x45: {  	[bflag:$0x0] =	sbarrier.arrive $0xFFFF  }
0x46: {  	[spmem:s2] =	stream.indirect.scatter.add.f32 [tilespmem:s12], [sflag:$0x1], $0x1, s3, s11, $0xb8;
	[tilespmem:$0x33E0] =	vst v63  }
0x47: {  	_ = 	snop  }
0x48: {  	[spmem:s2] =	stream.indirect.scatter.add.f32 [tilespmem:s12], [sflag:$0x1], $0x1, s11, s11, $0xb8;
	[tilespmem:$0x33E0] =	vst v63  }
0x49: {  	_ = 	snop  }
0x4a: {  	[spmem:s2] =	stream.indirect.scatter.add.f32 [tilespmem:s12], [sflag:$0x1], $0x1, s13, s11, $0xb8;
	[tilespmem:$0x33E0] =	vst v63  }
0x4b: {  	_ = 	snop  }
0x4c: {  	[spmem:s2] =	stream.indirect.scatter.add.f32 [tilespmem:s12], [sflag:$0x1], $0x1, s14, s11, $0xb8;
	[tilespmem:$0x33E0] =	vst v63  }
0x4d: {  	_ = 	snop  }
0x4e: {  	[spmem:s2] =	stream.indirect.scatter.add.f32 [tilespmem:s12], [sflag:$0x1], $0x1, s15, s11, $0xb8;
	[tilespmem:$0x33E0] =	vst v63  }
0x4f: {  	_ =	swait.ge [sflag:s10], $0x7D0  }
0x50: {  	[sflag:s10] =	ssyncset.done $0x0  }
0x51: {  	[sflag:s10] =	ssyncadd.s32 $0xFFFFF830  }
0x52: {  	_ =	swait.ge [sflag:s10], $0x7D0  }
0x53: {  	[sflag:s10] =	ssyncset.done $0x0  }
0x54: {  	[sflag:s10] =	ssyncadd.s32 $0xFFFFF830  }
0x55: {  	_ =	swait.ge [sflag:s10], $0x7D0  }
0x56: {  	[sflag:s10] =	ssyncset.done $0x0  }
0x57: {  	[sflag:s10] =	ssyncadd.s32 $0xFFFFF830  }
0x58: {  	_ =	swait.ge [sflag:s10], $0x7D0  }
0x59: {  	[sflag:s10] =	ssyncset.done $0x0  }
0x5a: {  	[sflag:s10] =	ssyncadd.s32 $0xFFFFF830  }
0x5b: {  	_ =	swait.ge [sflag:s10], $0x7D0  }
0x5c: {  	s18 =	sadd.s32 $0x1, s18;
	[sflag:s10] =	ssyncset.done $0x0  }
0x5d: {  	p0 =	sne.s32 s18, s7;
	[sflag:s10] =	ssyncadd.s32 $0xFFFFF830  }
.Ltmp1:
0x5e: {  	[bflag:$0x0] =	sbarrier.arrive $0xFFFF;
	(pc) =	sbr.rel @p0 .LBB2_1-.Ltmp1, $4  }
0x5f: {  	[hbm:s6], [sflag:s16] =	dma.local [spmem:s17], $0x50  }
0x60: {  	_ =	swait.ge [sflag:s9], $0x50  }
0x61: {  	[sflag:s9] =	ssyncset.done $0x0  }
0x62: {  	[sflag:s9] =	ssyncadd.s32 $0xFFFFFFB0  }
0x63: {  	_ =	sfence.sel $0x180000  }
0x64: {  	[bflag:$0x0] =	sbarrier.arrive $0xFFFF  }
0x65: {  	p0 =	sne.s32 s0, $0x0;
	_ =	strace $0x90000047  }
0x66: {  	s0 =	sadd.s32 @!p0 $0x100000, s1;
	[bflag:$0x2] =	sbarrier.arrive $0xFFFF  }
0x67: {  	[sflag:s0] =	ssyncadd.tile.s32 @!p0 $0x1;
	_ =	shalt  }
.Lfunc_end2:
_tile_overlayer_lowered:
.L_overlay_start_2:
0x68: {  	(tag) =	ssettag $0x2  }
0x69: {  	s0 =	rddreg [dreg:$0x0];
	s2 =	stileid.u32  }
0x6a: {  	s1 =	rddreg [dreg:$0x1];
	p0 =	sne.s32 s2, $0x0  }
0x6b: {  	s3 =	rddreg [dreg:$0x2];
	[bflag:$0x3] =	sbarrier.arrive $0xFFFF;
	s2 =	simm.s32 @!p0 $0x1C02  }
0x6c: {  	[timem:s3], [sflag:s2] =	dma.local @!p0 [hbm:s0], s1  }
0x6d: {  	s0 =	simm.s32 @!p0 $0x2  }
0x6e: {  	_ =	swait.ge @!p0 [sflag:s0], s1  }
0x6f: {  	s1 =	ssub.s32 @!p0 $0x0, s1;
	[sflag:s0] =	ssyncset.done @!p0 $0x0  }
0x70: {  	[sflag:s0] =	ssyncadd.s32 @!p0 s1  }
0x71: {  	[bflag:$0x3] =	sbarrier.arrive $0xFFFF  }
0x72: {  	_ =	shalt  }

</sc_bundles>
